<compile_context>
chip_gen: v7x
topology: tpu7x:2x2x1
jax: 0.10.2.dev20260603
libtpu: 0.0.44.dev20260713+nightly
codegen_flags: <defaults>
</compile_context>

<pallas_src>
import functools

import jax
import jax.numpy as jnp
from jax import lax
from jax.experimental import pallas as pl
from jax.experimental.pallas import tpu as pltpu
from jax.experimental.pallas import tpu_sc as plsc

NUM_CORES = 2
NUM_SUBCORES = 16
NUM_WORKERS = NUM_CORES * NUM_SUBCORES

BATCH = 4096
SEQ = 200
EMB = 60
VOCAB = 1000000
PAIR = 2 * EMB
VOCAB_PAIRS = VOCAB // 2
TOTAL = BATCH * SEQ
PER_WORKER = TOTAL // NUM_WORKERS
CHUNK = 128
CHUNKS = PER_WORKER // CHUNK


def _gather_body(idx_hbm, pair_id_hbm, pairs_hbm, out_hbm,
                 idx_v, pid_v, pair_v, packed_v, sem_g, sem_o):
    wid = lax.axis_index("s") * NUM_CORES + lax.axis_index("c")
    base = wid * PER_WORKER

    pltpu.sync_copy(idx_hbm.at[pl.ds(base, PER_WORKER)], idx_v)
    pltpu.sync_copy(pair_id_hbm.at[pl.ds(base, PER_WORKER)], pid_v)

    def issue_gather(c, b):
        pltpu.async_copy(
            pairs_hbm.at[pid_v.at[pl.ds(c * CHUNK, CHUNK)]],
            pair_v.at[b], sem_g.at[b],
        )

    def wait_gather(b):
        pltpu.make_async_copy(
            pairs_hbm.at[pl.ds(0, CHUNK)], pair_v.at[b], sem_g.at[b]
        ).wait()

    def issue_out(c, b):
        pltpu.async_copy(
            packed_v.at[b],
            out_hbm.at[pl.ds(EMB * (base + c * CHUNK), EMB * CHUNK)],
            sem_o.at[b],
        )

    def wait_out(b):
        pltpu.make_async_copy(
            packed_v.at[b], out_hbm.at[pl.ds(0, EMB * CHUNK)], sem_o.at[b]
        ).wait()

    issue_gather(0, 0)
    issue_gather(1, 1)

    def super_step(cc, carry):
        for b in (0, 1):
            c = 2 * cc + b
            wait_gather(b)

            @pl.when(cc > 0)
            def _():
                wait_out(b)

            def group(g, carry2):
                par_vec = (idx_v[pl.ds(c * CHUNK + g * 16, 16)] & 1) * EMB
                for j in range(16):
                    s = par_vec[j]
                    k = g * 16 + j
                    src = pair_v.at[b, k]
                    d = EMB * k
                    for m in (0, 16, 32, 44):
                        packed_v[b, pl.ds(d + m, 16)] = src[pl.ds(s + m, 16)]
                return carry2

            lax.fori_loop(0, CHUNK // 16, group, 0)
            issue_out(c, b)

            @pl.when(cc < CHUNKS // 2 - 1)
            def _():
                issue_gather(c + 2, b)
        return carry

    lax.fori_loop(0, CHUNKS // 2, super_step, 0)
    wait_out(0)
    wait_out(1)


@jax.jit
def _embedding_gather(idx_flat, pair_id, pairs):
    mesh = plsc.VectorSubcoreMesh(
        core_axis_name="c", subcore_axis_name="s",
        num_cores=NUM_CORES, num_subcores=NUM_SUBCORES,
    )
    run = pl.kernel(
        _gather_body,
        out_type=jax.ShapeDtypeStruct((TOTAL * EMB,), jnp.float32),
        mesh=mesh,
        scratch_types=[
            pltpu.VMEM((PER_WORKER,), jnp.int32),
            pltpu.VMEM((PER_WORKER,), jnp.int32),
            pltpu.VMEM((2, CHUNK, PAIR), jnp.float32),
            pltpu.VMEM((2, CHUNK * EMB), jnp.float32),
            pltpu.SemaphoreType.DMA((2,)),
            pltpu.SemaphoreType.DMA((2,)),
        ],
        compiler_params=pltpu.CompilerParams(use_tc_tiling_on_sc=False),
    )
    return run(idx_flat, pair_id, pairs)


def kernel(unit_id_seqs, unit_embedding_table):
    idx_flat = unit_id_seqs.reshape(TOTAL).astype(jnp.int32)
    pair_id = idx_flat >> 1
    pairs = unit_embedding_table.reshape(VOCAB_PAIRS, PAIR)
    out = _embedding_gather(idx_flat, pair_id, pairs)
    return out.reshape(BATCH, SEQ, EMB)

# --- scband reference (transcript-rebuilt; emitter-appended) ---
"""Pipeline reference for scband-g2-player-67525475827888 (READ-ONLY COPY).

The authoritative reference and input builder live on the scoring server;
editing this copy changes nothing except your own understanding.
"""

import jax, jax.numpy as jnp
import numpy as np

VOCAB = 1000000
EMB_DIM = 60
BATCH = 4096
SEQ = 200

def setup_inputs(seed: int = 0) -> dict:
    key = jax.random.key(seed)
    k_idx, k_tab = jax.random.split(key)
    unit_id_seqs = jax.random.randint(k_idx, (BATCH, SEQ), 0, VOCAB, dtype=jnp.int64 if jax.config.jax_enable_x64 else jnp.int32)
    unit_embedding_table = jax.random.normal(k_tab, (VOCAB, EMB_DIM), dtype=jnp.float32) * 0.02
    return {"unit_id_seqs": unit_id_seqs, "unit_embedding_table": unit_embedding_table}

def reference(unit_id_seqs, unit_embedding_table):
    # Faithful translation of G2PLayer.forward: the module returns the
    # embedding lookup immediately (early `return unit_embeddings`),
    # so conv / predictors are dead code.
    unit_embeddings = jnp.take(unit_embedding_table, unit_id_seqs, axis=0)
    return unit_embeddings

if __name__ == "__main__":
    import jax
    _d = setup_inputs()
    print(jax.jit(kernel)(*tuple(_d.values())))

</pallas_src>

<mosaic_0001>
#map = affine_map<(d0, d1) -> (0)>
#map1 = affine_map<(d0, d1) -> (0, 0)>
module attributes {stable_mosaic.version = 14 : i64} {
  func.func @_gather_body(%arg0: i32, %arg1: i32, %arg2: memref<819200xi32, #tpu.memory_space<hbm>>, %arg3: memref<819200xi32, #tpu.memory_space<hbm>>, %arg4: memref<500000x120xf32, #tpu.memory_space<hbm>>, %arg5: memref<49152000xf32, #tpu.memory_space<hbm>>, %arg6: memref<25600xi32, #tpu.memory_space<vmem>>, %arg7: memref<25600xi32, #tpu.memory_space<vmem>>, %arg8: memref<2x128x120xf32, #tpu.memory_space<vmem>>, %arg9: memref<2x7680xf32, #tpu.memory_space<vmem>>, %arg10: memref<2x!tpu.dma_semaphore, #tpu.memory_space<semaphore_mem>>, %arg11: memref<2x!tpu.dma_semaphore, #tpu.memory_space<semaphore_mem>>) attributes {dimension_semantics = [#tpu.dimension_semantics<core_parallel>, #tpu.dimension_semantics<subcore_parallel>], iteration_bounds = array<i64: 2, 16>, scalar_prefetch = 0 : i64, scratch_operands = 6 : i64, tpu.core_type = #tpu.core_type<sc_vector_subcore>, window_params = [{transform_indices = #map}, {transform_indices = #map}, {transform_indices = #map1}, {transform_indices = #map}]} {
    %mul3A = arith.constant 2 : i32
    %mul3A_0 = arith.muli %arg1, %mul3A : i32
    %add3A = arith.addi %mul3A_0, %arg0 : i32
    %mul3A_1 = arith.constant 25600 : i32
    %mul3A_2 = arith.muli %add3A, %mul3A_1 : i32
    "tpu.region"() ({
      %run_scoped3A = tpu.sem_alloc : memref<!tpu.dma_semaphore, #tpu.memory_space<semaphore_mem>>
      %dma_start3A_60 = tpu.memref_slice %arg2[%mul3A_2] : memref<819200xi32, #tpu.memory_space<hbm>> -> memref<25600xi32, #tpu.memory_space<hbm>>
      %dma_start3A_61 = tpu.memref_slice %arg2[%mul3A_2] : memref<819200xi32, #tpu.memory_space<hbm>> -> memref<25600xi32, #tpu.memory_space<hbm>>
      tpu.enqueue_dma source(%dma_start3A_61 : memref<25600xi32, #tpu.memory_space<hbm>>) target(%arg6 : memref<25600xi32, #tpu.memory_space<vmem>>) target_semaphore(%run_scoped3A : memref<!tpu.dma_semaphore, #tpu.memory_space<semaphore_mem>>)
      %dma_wait3A_62 = tpu.memref_slice %arg2[%mul3A_2] : memref<819200xi32, #tpu.memory_space<hbm>> -> memref<25600xi32, #tpu.memory_space<hbm>>
      %dma_wait3A_63 = tpu.memref_slice %arg2[%mul3A_2] : memref<819200xi32, #tpu.memory_space<hbm>> -> memref<25600xi32, #tpu.memory_space<hbm>>
      tpu.wait_dma2 semaphore(%run_scoped3A : memref<!tpu.dma_semaphore, #tpu.memory_space<semaphore_mem>>) src(%dma_wait3A_63 : memref<25600xi32, #tpu.memory_space<hbm>>) dst(%arg6 : memref<25600xi32, #tpu.memory_space<vmem>>)
      tpu.yield
    }) : () -> ()
    "tpu.region"() ({
      %run_scoped3A = tpu.sem_alloc : memref<!tpu.dma_semaphore, #tpu.memory_space<semaphore_mem>>
      %dma_start3A_60 = tpu.memref_slice %arg3[%mul3A_2] : memref<819200xi32, #tpu.memory_space<hbm>> -> memref<25600xi32, #tpu.memory_space<hbm>>
      %dma_start3A_61 = tpu.memref_slice %arg3[%mul3A_2] : memref<819200xi32, #tpu.memory_space<hbm>> -> memref<25600xi32, #tpu.memory_space<hbm>>
      tpu.enqueue_dma source(%dma_start3A_61 : memref<25600xi32, #tpu.memory_space<hbm>>) target(%arg7 : memref<25600xi32, #tpu.memory_space<vmem>>) target_semaphore(%run_scoped3A : memref<!tpu.dma_semaphore, #tpu.memory_space<semaphore_mem>>)
      %dma_wait3A_62 = tpu.memref_slice %arg3[%mul3A_2] : memref<819200xi32, #tpu.memory_space<hbm>> -> memref<25600xi32, #tpu.memory_space<hbm>>
      %dma_wait3A_63 = tpu.memref_slice %arg3[%mul3A_2] : memref<819200xi32, #tpu.memory_space<hbm>> -> memref<25600xi32, #tpu.memory_space<hbm>>
      tpu.wait_dma2 semaphore(%run_scoped3A : memref<!tpu.dma_semaphore, #tpu.memory_space<semaphore_mem>>) src(%dma_wait3A_63 : memref<25600xi32, #tpu.memory_space<hbm>>) dst(%arg7 : memref<25600xi32, #tpu.memory_space<vmem>>)
      tpu.yield
    }) : () -> ()
    %dma_start3A = arith.constant 0 : i32
    %dma_start3A_3 = arith.constant 0 : i32
    %dma_start3A_4 = arith.constant 0 : i32
    %dma_start3A_5 = arith.constant 0 : i32
    %dma_start3A_6 = tpu.memref_slice %arg8[%dma_start3A, %dma_start3A_4, %dma_start3A_5] : memref<2x128x120xf32, #tpu.memory_space<vmem>> -> memref<1x128x120xf32, #tpu.memory_space<vmem>>
    %dma_start3A_7 = tpu.memref_squeeze %dma_start3A_6 : memref<1x128x120xf32, #tpu.memory_space<vmem>> -> memref<128x120xf32, #tpu.memory_space<vmem>>
    %dma_start3A_8 = arith.constant 0 : i32
    %dma_start3A_9 = tpu.memref_slice %arg7[%dma_start3A_8] : memref<25600xi32, #tpu.memory_space<vmem>> -> memref<128xi32, #tpu.memory_space<vmem>>
    %dma_start3A_10 = arith.constant 0 : i32
    %dma_start3A_11 = arith.constant 0 : i32
    %dma_start3A_12 = tpu.memref_slice %arg4[%dma_start3A_10, %dma_start3A_11] : memref<500000x120xf32, #tpu.memory_space<hbm>> -> memref<500000x120xf32, #tpu.memory_space<hbm>>
    %dma_start3A_13 = tpu.memref_slice %arg10[%dma_start3A_3] : memref<2x!tpu.dma_semaphore, #tpu.memory_space<semaphore_mem>> -> memref<1x!tpu.dma_semaphore, #tpu.memory_space<semaphore_mem>>
    %dma_start3A_14 = tpu.memref_squeeze %dma_start3A_13 : memref<1x!tpu.dma_semaphore, #tpu.memory_space<semaphore_mem>> -> memref<!tpu.dma_semaphore, #tpu.memory_space<semaphore_mem>>
    tpu.enqueue_indirect_dma source(%dma_start3A_12 : memref<500000x120xf32, #tpu.memory_space<hbm>>) target(%dma_start3A_7 : memref<128x120xf32, #tpu.memory_space<vmem>>) offsets(%dma_start3A_9 : memref<128xi32, #tpu.memory_space<vmem>>) semaphore(%dma_start3A_14 : memref<!tpu.dma_semaphore, #tpu.memory_space<semaphore_mem>>)
    %dma_start3A_15 = arith.constant 1 : i32
    %dma_start3A_16 = arith.constant 1 : i32
    %dma_start3A_17 = arith.constant 0 : i32
    %dma_start3A_18 = arith.constant 0 : i32
    %dma_start3A_19 = tpu.memref_slice %arg8[%dma_start3A_15, %dma_start3A_17, %dma_start3A_18] : memref<2x128x120xf32, #tpu.memory_space<vmem>> -> memref<1x128x120xf32, #tpu.memory_space<vmem>>
    %dma_start3A_20 = tpu.memref_squeeze %dma_start3A_19 : memref<1x128x120xf32, #tpu.memory_space<vmem>> -> memref<128x120xf32, #tpu.memory_space<vmem>>
    %dma_start3A_21 = arith.constant 128 : i32
    %dma_start3A_22 = tpu.memref_slice %arg7[%dma_start3A_21] : memref<25600xi32, #tpu.memory_space<vmem>> -> memref<128xi32, #tpu.memory_space<vmem>>
    %dma_start3A_23 = arith.constant 0 : i32
    %dma_start3A_24 = arith.constant 0 : i32
    %dma_start3A_25 = tpu.memref_slice %arg4[%dma_start3A_23, %dma_start3A_24] : memref<500000x120xf32, #tpu.memory_space<hbm>> -> memref<500000x120xf32, #tpu.memory_space<hbm>>
    %dma_start3A_26 = tpu.memref_slice %arg10[%dma_start3A_16] : memref<2x!tpu.dma_semaphore, #tpu.memory_space<semaphore_mem>> -> memref<1x!tpu.dma_semaphore, #tpu.memory_space<semaphore_mem>>
    %dma_start3A_27 = tpu.memref_squeeze %dma_start3A_26 : memref<1x!tpu.dma_semaphore, #tpu.memory_space<semaphore_mem>> -> memref<!tpu.dma_semaphore, #tpu.memory_space<semaphore_mem>>
    tpu.enqueue_indirect_dma source(%dma_start3A_25 : memref<500000x120xf32, #tpu.memory_space<hbm>>) target(%dma_start3A_20 : memref<128x120xf32, #tpu.memory_space<vmem>>) offsets(%dma_start3A_22 : memref<128xi32, #tpu.memory_space<vmem>>) semaphore(%dma_start3A_27 : memref<!tpu.dma_semaphore, #tpu.memory_space<semaphore_mem>>)
    %scan3A = arith.constant 0 : i32
    %scan3A_28 = arith.constant 0 : i32
    %scan3A_29 = arith.constant 100 : i32
    %scan3A_30 = arith.addi %scan3A_28, %scan3A_29 : i32
    %scan3A_31 = arith.constant 1 : i32
    scf.for %scan3A_60 = %scan3A_28 to %scan3A_30 step %scan3A_31  : i32 {
      %mul3A_61 = arith.constant 2 : i32
      %mul3A_62 = arith.muli %mul3A_61, %scan3A_60 : i32
      %add3A_63 = arith.constant 0 : i32
      %add3A_64 = arith.addi %mul3A_62, %add3A_63 : i32
      %dma_wait3A_65 = arith.constant 0 : i32
      %dma_wait3A_66 = arith.constant 0 : i32
      %dma_wait3A_67 = arith.constant 0 : i32
      %dma_wait3A_68 = arith.constant 0 : i32
      %dma_wait3A_69 = tpu.memref_slice %arg8[%dma_wait3A_65, %dma_wait3A_67, %dma_wait3A_68] : memref<2x128x120xf32, #tpu.memory_space<vmem>> -> memref<1x128x120xf32, #tpu.memory_space<vmem>>
      %dma_wait3A_70 = tpu.memref_squeeze %dma_wait3A_69 : memref<1x128x120xf32, #tpu.memory_space<vmem>> -> memref<128x120xf32, #tpu.memory_space<vmem>>
      %dma_wait3A_71 = arith.constant 0 : i32
      %dma_wait3A_72 = arith.constant 0 : i32
      %dma_wait3A_73 = tpu.memref_slice %arg4[%dma_wait3A_71, %dma_wait3A_72] : memref<500000x120xf32, #tpu.memory_space<hbm>> -> memref<128x120xf32, #tpu.memory_space<hbm>>
      %dma_wait3A_74 = tpu.memref_slice %arg10[%dma_wait3A_66] : memref<2x!tpu.dma_semaphore, #tpu.memory_space<semaphore_mem>> -> memref<1x!tpu.dma_semaphore, #tpu.memory_space<semaphore_mem>>
      %dma_wait3A_75 = tpu.memref_squeeze %dma_wait3A_74 : memref<1x!tpu.dma_semaphore, #tpu.memory_space<semaphore_mem>> -> memref<!tpu.dma_semaphore, #tpu.memory_space<semaphore_mem>>
      %dma_wait3A_76 = arith.constant 0 : i32
      %dma_wait3A_77 = arith.constant 0 : i32
      %dma_wait3A_78 = tpu.memref_slice %arg8[%dma_wait3A_65, %dma_wait3A_76, %dma_wait3A_77] : memref<2x128x120xf32, #tpu.memory_space<vmem>> -> memref<1x128x120xf32, #tpu.memory_space<vmem>>
      %dma_wait3A_79 = tpu.memref_squeeze %dma_wait3A_78 : memref<1x128x120xf32, #tpu.memory_space<vmem>> -> memref<128x120xf32, #tpu.memory_space<vmem>>
      %dma_wait3A_80 = arith.constant 0 : i32
      %dma_wait3A_81 = arith.constant 0 : i32
      %dma_wait3A_82 = tpu.memref_slice %arg4[%dma_wait3A_80, %dma_wait3A_81] : memref<500000x120xf32, #tpu.memory_space<hbm>> -> memref<128x120xf32, #tpu.memory_space<hbm>>
      tpu.wait_dma2 semaphore(%dma_wait3A_75 : memref<!tpu.dma_semaphore, #tpu.memory_space<semaphore_mem>>) src(%dma_wait3A_82 : memref<128x120xf32, #tpu.memory_space<hbm>>) dst(%dma_wait3A_79 : memref<128x120xf32, #tpu.memory_space<vmem>>)
      %gt3A = arith.constant 0 : i32
      %gt3A_83 = arith.cmpi sgt, %scan3A_60, %gt3A : i32
      %convert_element_type3A = arith.extui %gt3A_83 : i1 to i32
      %cond3A = arith.constant 0 : i32
      %cond3A_84 = arith.cmpi ne, %convert_element_type3A, %cond3A : i32
      scf.if %cond3A_84 {
        %dma_wait3A_167 = arith.constant 0 : i32
        %dma_wait3A_168 = arith.constant 0 : i32
        %dma_wait3A_169 = arith.constant 0 : i32
        %dma_wait3A_170 = tpu.memref_slice %arg9[%dma_wait3A_167, %dma_wait3A_169] : memref<2x7680xf32, #tpu.memory_space<vmem>> -> memref<1x7680xf32, #tpu.memory_space<vmem>>
        %dma_wait3A_171 = tpu.memref_squeeze %dma_wait3A_170 : memref<1x7680xf32, #tpu.memory_space<vmem>> -> memref<7680xf32, #tpu.memory_space<vmem>>
        %dma_wait3A_172 = arith.constant 0 : i32
        %dma_wait3A_173 = tpu.memref_slice %arg5[%dma_wait3A_172] : memref<49152000xf32, #tpu.memory_space<hbm>> -> memref<7680xf32, #tpu.memory_space<hbm>>
        %dma_wait3A_174 = tpu.memref_slice %arg11[%dma_wait3A_168] : memref<2x!tpu.dma_semaphore, #tpu.memory_space<semaphore_mem>> -> memref<1x!tpu.dma_semaphore, #tpu.memory_space<semaphore_mem>>
        %dma_wait3A_175 = tpu.memref_squeeze %dma_wait3A_174 : memref<1x!tpu.dma_semaphore, #tpu.memory_space<semaphore_mem>> -> memref<!tpu.dma_semaphore, #tpu.memory_space<semaphore_mem>>
        %dma_wait3A_176 = arith.constant 0 : i32
        %dma_wait3A_177 = tpu.memref_slice %arg5[%dma_wait3A_176] : memref<49152000xf32, #tpu.memory_space<hbm>> -> memref<7680xf32, #tpu.memory_space<hbm>>
        %dma_wait3A_178 = arith.constant 0 : i32
        %dma_wait3A_179 = tpu.memref_slice %arg9[%dma_wait3A_167, %dma_wait3A_178] : memref<2x7680xf32, #tpu.memory_space<vmem>> -> memref<1x7680xf32, #tpu.memory_space<vmem>>
        %dma_wait3A_180 = tpu.memref_squeeze %dma_wait3A_179 : memref<1x7680xf32, #tpu.memory_space<vmem>> -> memref<7680xf32, #tpu.memory_space<vmem>>
        tpu.wait_dma2 semaphore(%dma_wait3A_175 : memref<!tpu.dma_semaphore, #tpu.memory_space<semaphore_mem>>) src(%dma_wait3A_180 : memref<7680xf32, #tpu.memory_space<vmem>>) dst(%dma_wait3A_177 : memref<7680xf32, #tpu.memory_space<hbm>>)
      } else {
      }
      %scan3A_85 = arith.constant 0 : i32
      %scan3A_86 = arith.constant 0 : i32
      %scan3A_87 = arith.constant 8 : i32
      %scan3A_88 = arith.addi %scan3A_86, %scan3A_87 : i32
      %scan3A_89 = arith.constant 1 : i32
      scf.for %scan3A_167 = %scan3A_86 to %scan3A_88 step %scan3A_89  : i32 {
        %mul3A_168 = arith.constant 128 : i32
        %mul3A_169 = arith.muli %add3A_64, %mul3A_168 : i32
        %mul3A_170 = arith.constant 16 : i32
        %mul3A_171 = arith.muli %scan3A_167, %mul3A_170 : i32
        %add3A_172 = arith.addi %mul3A_169, %mul3A_171 : i32
        %get3A = arith.index_cast %add3A_172 : i32 to index
        %get3A_173 = tpu.vector_load %arg6[%get3A] {strides = array<i32>} : memref<25600xi32, #tpu.memory_space<vmem>>, vector<16xi32>,
        %get3A_174 = vector.shape_cast %get3A_173 : vector<16xi32> to vector<16xi32>
        %and3A = arith.constant 1 : i32
        %and3A_175 = vector.broadcast %and3A : i32 to vector<16xi32>
        %and3A_176 = arith.andi %get3A_174, %and3A_175 : vector<16xi32>
        %mul3A_177 = arith.constant 60 : i32
        %mul3A_178 = vector.broadcast %mul3A_177 : i32 to vector<16xi32>
        %mul3A_179 = arith.muli %and3A_176, %mul3A_178 : vector<16xi32>
        %slice3A = vector.extract_strided_slice %mul3A_179 {offsets = [0], sizes = [1], strides = [1]} : vector<16xi32> to vector<1xi32>
        %squeeze3A = vector.extract %slice3A[0] : i32 from vector<1xi32>
        %mul3A_180 = arith.constant 16 : i32
        %mul3A_181 = arith.muli %scan3A_167, %mul3A_180 : i32
        %add3A_182 = arith.constant 0 : i32
        %add3A_183 = arith.addi %mul3A_181, %add3A_182 : i32
        %mul3A_184 = arith.constant 60 : i32
        %mul3A_185 = arith.muli %mul3A_184, %add3A_183 : i32
        %add3A_186 = arith.constant 0 : i32
        %add3A_187 = arith.addi %squeeze3A, %add3A_186 : i32
        %get3A_188 = arith.constant 0 : i32
        %get3A_189 = arith.constant 0 : i32
        %get3A_190 = tpu.memref_slice %arg8[%get3A_188, %add3A_183, %get3A_189] : memref<2x128x120xf32, #tpu.memory_space<vmem>> -> memref<1x1x120xf32, #tpu.memory_space<vmem>>
        %get3A_191 = tpu.memref_squeeze %get3A_190 : memref<1x1x120xf32, #tpu.memory_space<vmem>> -> memref<120xf32, #tpu.memory_space<vmem>>
        %get3A_192 = arith.index_cast %add3A_187 : i32 to index
        %get3A_193 = tpu.vector_load %get3A_191[%get3A_192] {strides = array<i32>} : memref<120xf32, #tpu.memory_space<vmem>>, vector<16xf32>,
        %get3A_194 = vector.shape_cast %get3A_193 : vector<16xf32> to vector<16xf32>
        %add3A_195 = arith.constant 0 : i32
        %add3A_196 = arith.addi %mul3A_185, %add3A_195 : i32
        %swap3A = arith.constant 0 : i32
        %swap3A_197 = arith.index_cast %swap3A : i32 to index
        %swap3A_198 = arith.index_cast %add3A_196 : i32 to index
        %swap3A_199 = tpu.vector_load %arg9[%swap3A_197, %swap3A_198] {strides = array<i32>} : memref<2x7680xf32, #tpu.memory_space<vmem>>, vector<1x16xf32>,
        %swap3A_200 = vector.shape_cast %swap3A_199 : vector<1x16xf32> to vector<16xf32>
        %swap3A_201 = vector.shape_cast %get3A_194 : vector<16xf32> to vector<1x16xf32>
        tpu.vector_store %arg9[%swap3A_197, %swap3A_198], %swap3A_201 {strides = array<i32>} : memref<2x7680xf32, #tpu.memory_space<vmem>>, vector<1x16xf32>,
        %add3A_202 = arith.constant 16 : i32
        %add3A_203 = arith.addi %squeeze3A, %add3A_202 : i32
        %get3A_204 = arith.constant 0 : i32
        %get3A_205 = arith.constant 0 : i32
        %get3A_206 = tpu.memref_slice %arg8[%get3A_204, %add3A_183, %get3A_205] : memref<2x128x120xf32, #tpu.memory_space<vmem>> -> memref<1x1x120xf32, #tpu.memory_space<vmem>>
        %get3A_207 = tpu.memref_squeeze %get3A_206 : memref<1x1x120xf32, #tpu.memory_space<vmem>> -> memref<120xf32, #tpu.memory_space<vmem>>
        %get3A_208 = arith.index_cast %add3A_203 : i32 to index
        %get3A_209 = tpu.vector_load %get3A_207[%get3A_208] {strides = array<i32>} : memref<120xf32, #tpu.memory_space<vmem>>, vector<16xf32>,
        %get3A_210 = vector.shape_cast %get3A_209 : vector<16xf32> to vector<16xf32>
        %add3A_211 = arith.constant 16 : i32
        %add3A_212 = arith.addi %mul3A_185, %add3A_211 : i32
        %swap3A_213 = arith.constant 0 : i32
        %swap3A_214 = arith.index_cast %swap3A_213 : i32 to index
        %swap3A_215 = arith.index_cast %add3A_212 : i32 to index
        %swap3A_216 = tpu.vector_load %arg9[%swap3A_214, %swap3A_215] {strides = array<i32>} : memref<2x7680xf32, #tpu.memory_space<vmem>>, vector<1x16xf32>,
        %swap3A_217 = vector.shape_cast %swap3A_216 : vector<1x16xf32> to vector<16xf32>
        %swap3A_218 = vector.shape_cast %get3A_210 : vector<16xf32> to vector<1x16xf32>
        tpu.vector_store %arg9[%swap3A_214, %swap3A_215], %swap3A_218 {strides = array<i32>} : memref<2x7680xf32, #tpu.memory_space<vmem>>, vector<1x16xf32>,
        %add3A_219 = arith.constant 32 : i32
        %add3A_220 = arith.addi %squeeze3A, %add3A_219 : i32
        %get3A_221 = arith.constant 0 : i32
        %get3A_222 = arith.constant 0 : i32
        %get3A_223 = tpu.memref_slice %arg8[%get3A_221, %add3A_183, %get3A_222] : memref<2x128x120xf32, #tpu.memory_space<vmem>> -> memref<1x1x120xf32, #tpu.memory_space<vmem>>
        %get3A_224 = tpu.memref_squeeze %get3A_223 : memref<1x1x120xf32, #tpu.memory_space<vmem>> -> memref<120xf32, #tpu.memory_space<vmem>>
        %get3A_225 = arith.index_cast %add3A_220 : i32 to index
        %get3A_226 = tpu.vector_load %get3A_224[%get3A_225] {strides = array<i32>} : memref<120xf32, #tpu.memory_space<vmem>>, vector<16xf32>,
        %get3A_227 = vector.shape_cast %get3A_226 : vector<16xf32> to vector<16xf32>
        %add3A_228 = arith.constant 32 : i32
        %add3A_229 = arith.addi %mul3A_185, %add3A_228 : i32
        %swap3A_230 = arith.constant 0 : i32
        %swap3A_231 = arith.index_cast %swap3A_230 : i32 to index
        %swap3A_232 = arith.index_cast %add3A_229 : i32 to index
        %swap3A_233 = tpu.vector_load %arg9[%swap3A_231, %swap3A_232] {strides = array<i32>} : memref<2x7680xf32, #tpu.memory_space<vmem>>, vector<1x16xf32>,
        %swap3A_234 = vector.shape_cast %swap3A_233 : vector<1x16xf32> to vector<16xf32>
        %swap3A_235 = vector.shape_cast %get3A_227 : vector<16xf32> to vector<1x16xf32>
        tpu.vector_store %arg9[%swap3A_231, %swap3A_232], %swap3A_235 {strides = array<i32>} : memref<2x7680xf32, #tpu.memory_space<vmem>>, vector<1x16xf32>,
        %add3A_236 = arith.constant 44 : i32
        %add3A_237 = arith.addi %squeeze3A, %add3A_236 : i32
        %get3A_238 = arith.constant 0 : i32
        %get3A_239 = arith.constant 0 : i32
        %get3A_240 = tpu.memref_slice %arg8[%get3A_238, %add3A_183, %get3A_239] : memref<2x128x120xf32, #tpu.memory_space<vmem>> -> memref<1x1x120xf32, #tpu.memory_space<vmem>>
        %get3A_241 = tpu.memref_squeeze %get3A_240 : memref<1x1x120xf32, #tpu.memory_space<vmem>> -> memref<120xf32, #tpu.memory_space<vmem>>
        %get3A_242 = arith.index_cast %add3A_237 : i32 to index
        %get3A_243 = tpu.vector_load %get3A_241[%get3A_242] {strides = array<i32>} : memref<120xf32, #tpu.memory_space<vmem>>, vector<16xf32>,
        %get3A_244 = vector.shape_cast %get3A_243 : vector<16xf32> to vector<16xf32>
        %add3A_245 = arith.constant 44 : i32
        %add3A_246 = arith.addi %mul3A_185, %add3A_245 : i32
        %swap3A_247 = arith.constant 0 : i32
        %swap3A_248 = arith.index_cast %swap3A_247 : i32 to index
        %swap3A_249 = arith.index_cast %add3A_246 : i32 to index
        %swap3A_250 = tpu.vector_load %arg9[%swap3A_248, %swap3A_249] {strides = array<i32>} : memref<2x7680xf32, #tpu.memory_space<vmem>>, vector<1x16xf32>,
        %swap3A_251 = vector.shape_cast %swap3A_250 : vector<1x16xf32> to vector<16xf32>
        %swap3A_252 = vector.shape_cast %get3A_244 : vector<16xf32> to vector<1x16xf32>
        tpu.vector_store %arg9[%swap3A_248, %swap3A_249], %swap3A_252 {strides = array<i32>} : memref<2x7680xf32, #tpu.memory_space<vmem>>, vector<1x16xf32>,
        %slice3A_253 = vector.extract_strided_slice %mul3A_179 {offsets = [1], sizes = [1], strides = [1]} : vector<16xi32> to vector<1xi32>
        %squeeze3A_254 = vector.extract %slice3A_253[0] : i32 from vector<1xi32>
        %mul3A_255 = arith.constant 16 : i32
        %mul3A_256 = arith.muli %scan3A_167, %mul3A_255 : i32
        %add3A_257 = arith.constant 1 : i32
        %add3A_258 = arith.addi %mul3A_256, %add3A_257 : i32
        %mul3A_259 = arith.constant 60 : i32
        %mul3A_260 = arith.muli %mul3A_259, %add3A_258 : i32
        %add3A_261 = arith.constant 0 : i32
        %add3A_262 = arith.addi %squeeze3A_254, %add3A_261 : i32
        %get3A_263 = arith.constant 0 : i32
        %get3A_264 = arith.constant 0 : i32
        %get3A_265 = tpu.memref_slice %arg8[%get3A_263, %add3A_258, %get3A_264] : memref<2x128x120xf32, #tpu.memory_space<vmem>> -> memref<1x1x120xf32, #tpu.memory_space<vmem>>
        %get3A_266 = tpu.memref_squeeze %get3A_265 : memref<1x1x120xf32, #tpu.memory_space<vmem>> -> memref<120xf32, #tpu.memory_space<vmem>>
        %get3A_267 = arith.index_cast %add3A_262 : i32 to index
        %get3A_268 = tpu.vector_load %get3A_266[%get3A_267] {strides = array<i32>} : memref<120xf32, #tpu.memory_space<vmem>>, vector<16xf32>,
        %get3A_269 = vector.shape_cast %get3A_268 : vector<16xf32> to vector<16xf32>
        %add3A_270 = arith.constant 0 : i32
        %add3A_271 = arith.addi %mul3A_260, %add3A_270 : i32
        %swap3A_272 = arith.constant 0 : i32
        %swap3A_273 = arith.index_cast %swap3A_272 : i32 to index
        %swap3A_274 = arith.index_cast %add3A_271 : i32 to index
        %swap3A_275 = tpu.vector_load %arg9[%swap3A_273, %swap3A_274] {strides = array<i32>} : memref<2x7680xf32, #tpu.memory_space<vmem>>, vector<1x16xf32>,
        %swap3A_276 = vector.shape_cast %swap3A_275 : vector<1x16xf32> to vector<16xf32>
        %swap3A_277 = vector.shape_cast %get3A_269 : vector<16xf32> to vector<1x16xf32>
        tpu.vector_store %arg9[%swap3A_273, %swap3A_274], %swap3A_277 {strides = array<i32>} : memref<2x7680xf32, #tpu.memory_space<vmem>>, vector<1x16xf32>,
        %add3A_278 = arith.constant 16 : i32
        %add3A_279 = arith.addi %squeeze3A_254, %add3A_278 : i32
        %get3A_280 = arith.constant 0 : i32
        %get3A_281 = arith.constant 0 : i32
        %get3A_282 = tpu.memref_slice %arg8[%get3A_280, %add3A_258, %get3A_281] : memref<2x128x120xf32, #tpu.memory_space<vmem>> -> memref<1x1x120xf32, #tpu.memory_space<vmem>>
        %get3A_283 = tpu.memref_squeeze %get3A_282 : memref<1x1x120xf32, #tpu.memory_space<vmem>> -> memref<120xf32, #tpu.memory_space<vmem>>
        %get3A_284 = arith.index_cast %add3A_279 : i32 to index
        %get3A_285 = tpu.vector_load %get3A_283[%get3A_284] {strides = array<i32>} : memref<120xf32, #tpu.memory_space<vmem>>, vector<16xf32>,
        %get3A_286 = vector.shape_cast %get3A_285 : vector<16xf32> to vector<16xf32>
        %add3A_287 = arith.constant 16 : i32
        %add3A_288 = arith.addi %mul3A_260, %add3A_287 : i32
        %swap3A_289 = arith.constant 0 : i32
        %swap3A_290 = arith.index_cast %swap3A_289 : i32 to index
        %swap3A_291 = arith.index_cast %add3A_288 : i32 to index
        %swap3A_292 = tpu.vector_load %arg9[%swap3A_290, %swap3A_291] {strides = array<i32>} : memref<2x7680xf32, #tpu.memory_space<vmem>>, vector<1x16xf32>,
        %swap3A_293 = vector.shape_cast %swap3A_292 : vector<1x16xf32> to vector<16xf32>
        %swap3A_294 = vector.shape_cast %get3A_286 : vector<16xf32> to vector<1x16xf32>
        tpu.vector_store %arg9[%swap3A_290, %swap3A_291], %swap3A_294 {strides = array<i32>} : memref<2x7680xf32, #tpu.memory_space<vmem>>, vector<1x16xf32>,
        %add3A_295 = arith.constant 32 : i32
        %add3A_296 = arith.addi %squeeze3A_254, %add3A_295 : i32
        %get3A_297 = arith.constant 0 : i32
        %get3A_298 = arith.constant 0 : i32
        %get3A_299 = tpu.memref_slice %arg8[%get3A_297, %add3A_258, %get3A_298] : memref<2x128x120xf32, #tpu.memory_space<vmem>> -> memref<1x1x120xf32, #tpu.memory_space<vmem>>
        %get3A_300 = tpu.memref_squeeze %get3A_299 : memref<1x1x120xf32, #tpu.memory_space<vmem>> -> memref<120xf32, #tpu.memory_space<vmem>>
        %get3A_301 = arith.index_cast %add3A_296 : i32 to index
        %get3A_302 = tpu.vector_load %get3A_300[%get3A_301] {strides = array<i32>} : memref<120xf32, #tpu.memory_space<vmem>>, vector<16xf32>,
        %get3A_303 = vector.shape_cast %get3A_302 : vector<16xf32> to vector<16xf32>
        %add3A_304 = arith.constant 32 : i32
        %add3A_305 = arith.addi %mul3A_260, %add3A_304 : i32
        %swap3A_306 = arith.constant 0 : i32
        %swap3A_307 = arith.index_cast %swap3A_306 : i32 to index
        %swap3A_308 = arith.index_cast %add3A_305 : i32 to index
        %swap3A_309 = tpu.vector_load %arg9[%swap3A_307, %swap3A_308] {strides = array<i32>} : memref<2x7680xf32, #tpu.memory_space<vmem>>, vector<1x16xf32>,
        %swap3A_310 = vector.shape_cast %swap3A_309 : vector<1x16xf32> to vector<16xf32>
        %swap3A_311 = vector.shape_cast %get3A_303 : vector<16xf32> to vector<1x16xf32>
        tpu.vector_store %arg9[%swap3A_307, %swap3A_308], %swap3A_311 {strides = array<i32>} : memref<2x7680xf32, #tpu.memory_space<vmem>>, vector<1x16xf32>,
        %add3A_312 = arith.constant 44 : i32
        %add3A_313 = arith.addi %squeeze3A_254, %add3A_312 : i32
        %get3A_314 = arith.constant 0 : i32
        %get3A_315 = arith.constant 0 : i32
        %get3A_316 = tpu.memref_slice %arg8[%get3A_314, %add3A_258, %get3A_315] : memref<2x128x120xf32, #tpu.memory_space<vmem>> -> memref<1x1x120xf32, #tpu.memory_space<vmem>>
        %get3A_317 = tpu.memref_squeeze %get3A_316 : memref<1x1x120xf32, #tpu.memory_space<vmem>> -> memref<120xf32, #tpu.memory_space<vmem>>
        %get3A_318 = arith.index_cast %add3A_313 : i32 to index
        %get3A_319 = tpu.vector_load %get3A_317[%get3A_318] {strides = array<i32>} : memref<120xf32, #tpu.memory_space<vmem>>, vector<16xf32>,
        %get3A_320 = vector.shape_cast %get3A_319 : vector<16xf32> to vector<16xf32>
        %add3A_321 = arith.constant 44 : i32
        %add3A_322 = arith.addi %mul3A_260, %add3A_321 : i32
        %swap3A_323 = arith.constant 0 : i32
        %swap3A_324 = arith.index_cast %swap3A_323 : i32 to index
        %swap3A_325 = arith.index_cast %add3A_322 : i32 to index
        %swap3A_326 = tpu.vector_load %arg9[%swap3A_324, %swap3A_325] {strides = array<i32>} : memref<2x7680xf32, #tpu.memory_space<vmem>>, vector<1x16xf32>,
        %swap3A_327 = vector.shape_cast %swap3A_326 : vector<1x16xf32> to vector<16xf32>
        %swap3A_328 = vector.shape_cast %get3A_320 : vector<16xf32> to vector<1x16xf32>
        tpu.vector_store %arg9[%swap3A_324, %swap3A_325], %swap3A_328 {strides = array<i32>} : memref<2x7680xf32, #tpu.memory_space<vmem>>, vector<1x16xf32>,
        %slice3A_329 = vector.extract_strided_slice %mul3A_179 {offsets = [2], sizes = [1], strides = [1]} : vector<16xi32> to vector<1xi32>
        %squeeze3A_330 = vector.extract %slice3A_329[0] : i32 from vector<1xi32>
        %mul3A_331 = arith.constant 16 : i32
        %mul3A_332 = arith.muli %scan3A_167, %mul3A_331 : i32
        %add3A_333 = arith.constant 2 : i32
        %add3A_334 = arith.addi %mul3A_332, %add3A_333 : i32
        %mul3A_335 = arith.constant 60 : i32
        %mul3A_336 = arith.muli %mul3A_335, %add3A_334 : i32
        %add3A_337 = arith.constant 0 : i32
        %add3A_338 = arith.addi %squeeze3A_330, %add3A_337 : i32
        %get3A_339 = arith.constant 0 : i32
        %get3A_340 = arith.constant 0 : i32
        %get3A_341 = tpu.memref_slice %arg8[%get3A_339, %add3A_334, %get3A_340] : memref<2x128x120xf32, #tpu.memory_space<vmem>> -> memref<1x1x120xf32, #tpu.memory_space<vmem>>
        %get3A_342 = tpu.memref_squeeze %get3A_341 : memref<1x1x120xf32, #tpu.memory_space<vmem>> -> memref<120xf32, #tpu.memory_space<vmem>>
        %get3A_343 = arith.index_cast %add3A_338 : i32 to index
        %get3A_344 = tpu.vector_load %get3A_342[%get3A_343] {strides = array<i32>} : memref<120xf32, #tpu.memory_space<vmem>>, vector<16xf32>,
        %get3A_345 = vector.shape_cast %get3A_344 : vector<16xf32> to vector<16xf32>
        %add3A_346 = arith.constant 0 : i32
        %add3A_347 = arith.addi %mul3A_336, %add3A_346 : i32
        %swap3A_348 = arith.constant 0 : i32
        %swap3A_349 = arith.index_cast %swap3A_348 : i32 to index
        %swap3A_350 = arith.index_cast %add3A_347 : i32 to index
        %swap3A_351 = tpu.vector_load %arg9[%swap3A_349, %swap3A_350] {strides = array<i32>} : memref<2x7680xf32, #tpu.memory_space<vmem>>, vector<1x16xf32>,
        %swap3A_352 = vector.shape_cast %swap3A_351 : vector<1x16xf32> to vector<16xf32>
        %swap3A_353 = vector.shape_cast %get3A_345 : vector<16xf32> to vector<1x16xf32>
        tpu.vector_store %arg9[%swap3A_349, %swap3A_350], %swap3A_353 {strides = array<i32>} : memref<2x7680xf32, #tpu.memory_space<vmem>>, vector<1x16xf32>,
        %add3A_354 = arith.constant 16 : i32
        %add3A_355 = arith.addi %squeeze3A_330, %add3A_354 : i32
        %get3A_356 = arith.constant 0 : i32
        %get3A_357 = arith.constant 0 : i32
        %get3A_358 = tpu.memref_slice %arg8[%get3A_356, %add3A_334, %get3A_357] : memref<2x128x120xf32, #tpu.memory_space<vmem>> -> memref<1x1x120xf32, #tpu.memory_space<vmem>>
        %get3A_359 = tpu.memref_squeeze %get3A_358 : memref<1x1x120xf32, #tpu.memory_space<vmem>> -> memref<120xf32, #tpu.memory_space<vmem>>
        %get3A_360 = arith.index_cast %add3A_355 : i32 to index
        %get3A_361 = tpu.vector_load %get3A_359[%get3A_360] {strides = array<i32>} : memref<120xf32, #tpu.memory_space<vmem>>, vector<16xf32>,
        %get3A_362 = vector.shape_cast %get3A_361 : vector<16xf32> to vector<16xf32>
        %add3A_363 = arith.constant 16 : i32
        %add3A_364 = arith.addi %mul3A_336, %add3A_363 : i32
        %swap3A_365 = arith.constant 0 : i32
        %swap3A_366 = arith.index_cast %swap3A_365 : i32 to index
        %swap3A_367 = arith.index_cast %add3A_364 : i32 to index
        %swap3A_368 = tpu.vector_load %arg9[%swap3A_366, %swap3A_367] {strides = array<i32>} : memref<2x7680xf32, #tpu.memory_space<vmem>>, vector<1x16xf32>,
        %swap3A_369 = vector.shape_cast %swap3A_368 : vector<1x16xf32> to vector<16xf32>
        %swap3A_370 = vector.shape_cast %get3A_362 : vector<16xf32> to vector<1x16xf32>
        tpu.vector_store %arg9[%swap3A_366, %swap3A_367], %swap3A_370 {strides = array<i32>} : memref<2x7680xf32, #tpu.memory_space<vmem>>, vector<1x16xf32>,
        %add3A_371 = arith.constant 32 : i32
        %add3A_372 = arith.addi %squeeze3A_330, %add3A_371 : i32
        %get3A_373 = arith.constant 0 : i32
        %get3A_374 = arith.constant 0 : i32
        %get3A_375 = tpu.memref_slice %arg8[%get3A_373, %add3A_334, %get3A_374] : memref<2x128x120xf32, #tpu.memory_space<vmem>> -> memref<1x1x120xf32, #tpu.memory_space<vmem>>
        %get3A_376 = tpu.memref_squeeze %get3A_375 : memref<1x1x120xf32, #tpu.memory_space<vmem>> -> memref<120xf32, #tpu.memory_space<vmem>>
        %get3A_377 = arith.index_cast %add3A_372 : i32 to index
        %get3A_378 = tpu.vector_load %get3A_376[%get3A_377] {strides = array<i32>} : memref<120xf32, #tpu.memory_space<vmem>>, vector<16xf32>,
        %get3A_379 = vector.shape_cast %get3A_378 : vector<16xf32> to vector<16xf32>
        %add3A_380 = arith.constant 32 : i32
        %add3A_381 = arith.addi %mul3A_336, %add3A_380 : i32
        %swap3A_382 = arith.constant 0 : i32
        %swap3A_383 = arith.index_cast %swap3A_382 : i32 to index
        %swap3A_384 = arith.index_cast %add3A_381 : i32 to index
        %swap3A_385 = tpu.vector_load %arg9[%swap3A_383, %swap3A_384] {strides = array<i32>} : memref<2x7680xf32, #tpu.memory_space<vmem>>, vector<1x16xf32>,
        %swap3A_386 = vector.shape_cast %swap3A_385 : vector<1x16xf32> to vector<16xf32>
        %swap3A_387 = vector.shape_cast %get3A_379 : vector<16xf32> to vector<1x16xf32>
        tpu.vector_store %arg9[%swap3A_383, %swap3A_384], %swap3A_387 {strides = array<i32>} : memref<2x7680xf32, #tpu.memory_space<vmem>>, vector<1x16xf32>,
        %add3A_388 = arith.constant 44 : i32
        %add3A_389 = arith.addi %squeeze3A_330, %add3A_388 : i32
        %get3A_390 = arith.constant 0 : i32
        %get3A_391 = arith.constant 0 : i32
        %get3A_392 = tpu.memref_slice %arg8[%get3A_390, %add3A_334, %get3A_391] : memref<2x128x120xf32, #tpu.memory_space<vmem>> -> memref<1x1x120xf32, #tpu.memory_space<vmem>>
        %get3A_393 = tpu.memref_squeeze %get3A_392 : memref<1x1x120xf32, #tpu.memory_space<vmem>> -> memref<120xf32, #tpu.memory_space<vmem>>
        %get3A_394 = arith.index_cast %add3A_389 : i32 to index
        %get3A_395 = tpu.vector_load %get3A_393[%get3A_394] {strides = array<i32>} : memref<120xf32, #tpu.memory_space<vmem>>, vector<16xf32>,
        %get3A_396 = vector.shape_cast %get3A_395 : vector<16xf32> to vector<16xf32>
        %add3A_397 = arith.constant 44 : i32
        %add3A_398 = arith.addi %mul3A_336, %add3A_397 : i32
        %swap3A_399 = arith.constant 0 : i32
        %swap3A_400 = arith.index_cast %swap3A_399 : i32 to index
        %swap3A_401 = arith.index_cast %add3A_398 : i32 to index
        %swap3A_402 = tpu.vector_load %arg9[%swap3A_400, %swap3A_401] {strides = array<i32>} : memref<2x7680xf32, #tpu.memory_space<vmem>>, vector<1x16xf32>,
        %swap3A_403 = vector.shape_cast %swap3A_402 : vector<1x16xf32> to vector<16xf32>
        %swap3A_404 = vector.shape_cast %get3A_396 : vector<16xf32> to vector<1x16xf32>
        tpu.vector_store %arg9[%swap3A_400, %swap3A_401], %swap3A_404 {strides = array<i32>} : memref<2x7680xf32, #tpu.memory_space<vmem>>, vector<1x16xf32>,
        %slice3A_405 = vector.extract_strided_slice %mul3A_179 {offsets = [3], sizes = [1], strides = [1]} : vector<16xi32> to vector<1xi32>
        %squeeze3A_406 = vector.extract %slice3A_405[0] : i32 from vector<1xi32>
        %mul3A_407 = arith.constant 16 : i32
        %mul3A_408 = arith.muli %scan3A_167, %mul3A_407 : i32
        %add3A_409 = arith.constant 3 : i32
        %add3A_410 = arith.addi %mul3A_408, %add3A_409 : i32
        %mul3A_411 = arith.constant 60 : i32
        %mul3A_412 = arith.muli %mul3A_411, %add3A_410 : i32
        %add3A_413 = arith.constant 0 : i32
        %add3A_414 = arith.addi %squeeze3A_406, %add3A_413 : i32
        %get3A_415 = arith.constant 0 : i32
        %get3A_416 = arith.constant 0 : i32
        %get3A_417 = tpu.memref_slice %arg8[%get3A_415, %add3A_410, %get3A_416] : memref<2x128x120xf32, #tpu.memory_space<vmem>> -> memref<1x1x120xf32, #tpu.memory_space<vmem>>
        %get3A_418 = tpu.memref_squeeze %get3A_417 : memref<1x1x120xf32, #tpu.memory_space<vmem>> -> memref<120xf32, #tpu.memory_space<vmem>>
        %get3A_419 = arith.index_cast %add3A_414 : i32 to index
        %get3A_420 = tpu.vector_load %get3A_418[%get3A_419] {strides = array<i32>} : memref<120xf32, #tpu.memory_space<vmem>>, vector<16xf32>,
        %get3A_421 = vector.shape_cast %get3A_420 : vector<16xf32> to vector<16xf32>
        %add3A_422 = arith.constant 0 : i32
        %add3A_423 = arith.addi %mul3A_412, %add3A_422 : i32
        %swap3A_424 = arith.constant 0 : i32
        %swap3A_425 = arith.index_cast %swap3A_424 : i32 to index
        %swap3A_426 = arith.index_cast %add3A_423 : i32 to index
        %swap3A_427 = tpu.vector_load %arg9[%swap3A_425, %swap3A_426] {strides = array<i32>} : memref<2x7680xf32, #tpu.memory_space<vmem>>, vector<1x16xf32>,
        %swap3A_428 = vector.shape_cast %swap3A_427 : vector<1x16xf32> to vector<16xf32>
        %swap3A_429 = vector.shape_cast %get3A_421 : vector<16xf32> to vector<1x16xf32>
        tpu.vector_store %arg9[%swap3A_425, %swap3A_426], %swap3A_429 {strides = array<i32>} : memref<2x7680xf32, #tpu.memory_space<vmem>>, vector<1x16xf32>,
        %add3A_430 = arith.constant 16 : i32
        %add3A_431 = arith.addi %squeeze3A_406, %add3A_430 : i32
        %get3A_432 = arith.constant 0 : i32
        %get3A_433 = arith.constant 0 : i32
        %get3A_434 = tpu.memref_slice %arg8[%get3A_432, %add3A_410, %get3A_433] : memref<2x128x120xf32, #tpu.memory_space<vmem>> -> memref<1x1x120xf32, #tpu.memory_space<vmem>>
        %get3A_435 = tpu.memref_squeeze %get3A_434 : memref<1x1x120xf32, #tpu.memory_space<vmem>> -> memref<120xf32, #tpu.memory_space<vmem>>
        %get3A_436 = arith.index_cast %add3A_431 : i32 to index
        %get3A_437 = tpu.vector_load %get3A_435[%get3A_436] {strides = array<i32>} : memref<120xf32, #tpu.memory_space<vmem>>, vector<16xf32>,
        %get3A_438 = vector.shape_cast %get3A_437 : vector<16xf32> to vector<16xf32>
        %add3A_439 = arith.constant 16 : i32
        %add3A_440 = arith.addi %mul3A_412, %add3A_439 : i32
        %swap3A_441 = arith.constant 0 : i32
        %swap3A_442 = arith.index_cast %swap3A_441 : i32 to index
        %swap3A_443 = arith.index_cast %add3A_440 : i32 to index
        %swap3A_444 = tpu.vector_load %arg9[%swap3A_442, %swap3A_443] {strides = array<i32>} : memref<2x7680xf32, #tpu.memory_space<vmem>>, vector<1x16xf32>,
        %swap3A_445 = vector.shape_cast %swap3A_444 : vector<1x16xf32> to vector<16xf32>
        %swap3A_446 = vector.shape_cast %get3A_438 : vector<16xf32> to vector<1x16xf32>
        tpu.vector_store %arg9[%swap3A_442, %swap3A_443], %swap3A_446 {strides = array<i32>} : memref<2x7680xf32, #tpu.memory_space<vmem>>, vector<1x16xf32>,
        %add3A_447 = arith.constant 32 : i32
        %add3A_448 = arith.addi %squeeze3A_406, %add3A_447 : i32
        %get3A_449 = arith.constant 0 : i32
        %get3A_450 = arith.constant 0 : i32
        %get3A_451 = tpu.memref_slice %arg8[%get3A_449, %add3A_410, %get3A_450] : memref<2x128x120xf32, #tpu.memory_space<vmem>> -> memref<1x1x120xf32, #tpu.memory_space<vmem>>
        %get3A_452 = tpu.memref_squeeze %get3A_451 : memref<1x1x120xf32, #tpu.memory_space<vmem>> -> memref<120xf32, #tpu.memory_space<vmem>>
        %get3A_453 = arith.index_cast %add3A_448 : i32 to index
        %get3A_454 = tpu.vector_load %get3A_452[%get3A_453] {strides = array<i32>} : memref<120xf32, #tpu.memory_space<vmem>>, vector<16xf32>,
        %get3A_455 = vector.shape_cast %get3A_454 : vector<16xf32> to vector<16xf32>
        %add3A_456 = arith.constant 32 : i32
        %add3A_457 = arith.addi %mul3A_412, %add3A_456 : i32
        %swap3A_458 = arith.constant 0 : i32
        %swap3A_459 = arith.index_cast %swap3A_458 : i32 to index
        %swap3A_460 = arith.index_cast %add3A_457 : i32 to index
        %swap3A_461 = tpu.vector_load %arg9[%swap3A_459, %swap3A_460] {strides = array<i32>} : memref<2x7680xf32, #tpu.memory_space<vmem>>, vector<1x16xf32>,
        %swap3A_462 = vector.shape_cast %swap3A_461 : vector<1x16xf32> to vector<16xf32>
        %swap3A_463 = vector.shape_cast %get3A_455 : vector<16xf32> to vector<1x16xf32>
        tpu.vector_store %arg9[%swap3A_459, %swap3A_460], %swap3A_463 {strides = array<i32>} : memref<2x7680xf32, #tpu.memory_space<vmem>>, vector<1x16xf32>,
        %add3A_464 = arith.constant 44 : i32
        %add3A_465 = arith.addi %squeeze3A_406, %add3A_464 : i32
        %get3A_466 = arith.constant 0 : i32
        %get3A_467 = arith.constant 0 : i32
        %get3A_468 = tpu.memref_slice %arg8[%get3A_466, %add3A_410, %get3A_467] : memref<2x128x120xf32, #tpu.memory_space<vmem>> -> memref<1x1x120xf32, #tpu.memory_space<vmem>>
        %get3A_469 = tpu.memref_squeeze %get3A_468 : memref<1x1x120xf32, #tpu.memory_space<vmem>> -> memref<120xf32, #tpu.memory_space<vmem>>
        %get3A_470 = arith.index_cast %add3A_465 : i32 to index
        %get3A_471 = tpu.vector_load %get3A_469[%get3A_470] {strides = array<i32>} : memref<120xf32, #tpu.memory_space<vmem>>, vector<16xf32>,
        %get3A_472 = vector.shape_cast %get3A_471 : vector<16xf32> to vector<16xf32>
        %add3A_473 = arith.constant 44 : i32
        %add3A_474 = arith.addi %mul3A_412, %add3A_473 : i32
        %swap3A_475 = arith.constant 0 : i32
        %swap3A_476 = arith.index_cast %swap3A_475 : i32 to index
        %swap3A_477 = arith.index_cast %add3A_474 : i32 to index
        %swap3A_478 = tpu.vector_load %arg9[%swap3A_476, %swap3A_477] {strides = array<i32>} : memref<2x7680xf32, #tpu.memory_space<vmem>>, vector<1x16xf32>,
        %swap3A_479 = vector.shape_cast %swap3A_478 : vector<1x16xf32> to vector<16xf32>
        %swap3A_480 = vector.shape_cast %get3A_472 : vector<16xf32> to vector<1x16xf32>
        tpu.vector_store %arg9[%swap3A_476, %swap3A_477], %swap3A_480 {strides = array<i32>} : memref<2x7680xf32, #tpu.memory_space<vmem>>, vector<1x16xf32>,
        %slice3A_481 = vector.extract_strided_slice %mul3A_179 {offsets = [4], sizes = [1], strides = [1]} : vector<16xi32> to vector<1xi32>
        %squeeze3A_482 = vector.extract %slice3A_481[0] : i32 from vector<1xi32>
        %mul3A_483 = arith.constant 16 : i32
        %mul3A_484 = arith.muli %scan3A_167, %mul3A_483 : i32
        %add3A_485 = arith.constant 4 : i32
        %add3A_486 = arith.addi %mul3A_484, %add3A_485 : i32
        %mul3A_487 = arith.constant 60 : i32
        %mul3A_488 = arith.muli %mul3A_487, %add3A_486 : i32
        %add3A_489 = arith.constant 0 : i32
        %add3A_490 = arith.addi %squeeze3A_482, %add3A_489 : i32
        %get3A_491 = arith.constant 0 : i32
        %get3A_492 = arith.constant 0 : i32
        %get3A_493 = tpu.memref_slice %arg8[%get3A_491, %add3A_486, %get3A_492] : memref<2x128x120xf32, #tpu.memory_space<vmem>> -> memref<1x1x120xf32, #tpu.memory_space<vmem>>
        %get3A_494 = tpu.memref_squeeze %get3A_493 : memref<1x1x120xf32, #tpu.memory_space<vmem>> -> memref<120xf32, #tpu.memory_space<vmem>>
        %get3A_495 = arith.index_cast %add3A_490 : i32 to index
        %get3A_496 = tpu.vector_load %get3A_494[%get3A_495] {strides = array<i32>} : memref<120xf32, #tpu.memory_space<vmem>>, vector<16xf32>,
        %get3A_497 = vector.shape_cast %get3A_496 : vector<16xf32> to vector<16xf32>
        %add3A_498 = arith.constant 0 : i32
        %add3A_499 = arith.addi %mul3A_488, %add3A_498 : i32
        %swap3A_500 = arith.constant 0 : i32
        %swap3A_501 = arith.index_cast %swap3A_500 : i32 to index
        %swap3A_502 = arith.index_cast %add3A_499 : i32 to index
        %swap3A_503 = tpu.vector_load %arg9[%swap3A_501, %swap3A_502] {strides = array<i32>} : memref<2x7680xf32, #tpu.memory_space<vmem>>, vector<1x16xf32>,
        %swap3A_504 = vector.shape_cast %swap3A_503 : vector<1x16xf32> to vector<16xf32>
        %swap3A_505 = vector.shape_cast %get3A_497 : vector<16xf32> to vector<1x16xf32>
        tpu.vector_store %arg9[%swap3A_501, %swap3A_502], %swap3A_505 {strides = array<i32>} : memref<2x7680xf32, #tpu.memory_space<vmem>>, vector<1x16xf32>,
        %add3A_506 = arith.constant 16 : i32
        %add3A_507 = arith.addi %squeeze3A_482, %add3A_506 : i32
        %get3A_508 = arith.constant 0 : i32
        %get3A_509 = arith.constant 0 : i32
        %get3A_510 = tpu.memref_slice %arg8[%get3A_508, %add3A_486, %get3A_509] : memref<2x128x120xf32, #tpu.memory_space<vmem>> -> memref<1x1x120xf32, #tpu.memory_space<vmem>>
        %get3A_511 = tpu.memref_squeeze %get3A_510 : memref<1x1x120xf32, #tpu.memory_space<vmem>> -> memref<120xf32, #tpu.memory_space<vmem>>
        %get3A_512 = arith.index_cast %add3A_507 : i32 to index
        %get3A_513 = tpu.vector_load %get3A_511[%get3A_512] {strides = array<i32>} : memref<120xf32, #tpu.memory_space<vmem>>, vector<16xf32>,
        %get3A_514 = vector.shape_cast %get3A_513 : vector<16xf32> to vector<16xf32>
        %add3A_515 = arith.constant 16 : i32
        %add3A_516 = arith.addi %mul3A_488, %add3A_515 : i32
        %swap3A_517 = arith.constant 0 : i32
        %swap3A_518 = arith.index_cast %swap3A_517 : i32 to index
        %swap3A_519 = arith.index_cast %add3A_516 : i32 to index
        %swap3A_520 = tpu.vector_load %arg9[%swap3A_518, %swap3A_519] {strides = array<i32>} : memref<2x7680xf32, #tpu.memory_space<vmem>>, vector<1x16xf32>,
        %swap3A_521 = vector.shape_cast %swap3A_520 : vector<1x16xf32> to vector<16xf32>
        %swap3A_522 = vector.shape_cast %get3A_514 : vector<16xf32> to vector<1x16xf32>
        tpu.vector_store %arg9[%swap3A_518, %swap3A_519], %swap3A_522 {strides = array<i32>} : memref<2x7680xf32, #tpu.memory_space<vmem>>, vector<1x16xf32>,
        %add3A_523 = arith.constant 32 : i32
        %add3A_524 = arith.addi %squeeze3A_482, %add3A_523 : i32
        %get3A_525 = arith.constant 0 : i32
        %get3A_526 = arith.constant 0 : i32
        %get3A_527 = tpu.memref_slice %arg8[%get3A_525, %add3A_486, %get3A_526] : memref<2x128x120xf32, #tpu.memory_space<vmem>> -> memref<1x1x120xf32, #tpu.memory_space<vmem>>
        %get3A_528 = tpu.memref_squeeze %get3A_527 : memref<1x1x120xf32, #tpu.memory_space<vmem>> -> memref<120xf32, #tpu.memory_space<vmem>>
        %get3A_529 = arith.index_cast %add3A_524 : i32 to index
        %get3A_530 = tpu.vector_load %get3A_528[%get3A_529] {strides = array<i32>} : memref<120xf32, #tpu.memory_space<vmem>>, vector<16xf32>,
        %get3A_531 = vector.shape_cast %get3A_530 : vector<16xf32> to vector<16xf32>
        %add3A_532 = arith.constant 32 : i32
        %add3A_533 = arith.addi %mul3A_488, %add3A_532 : i32
        %swap3A_534 = arith.constant 0 : i32
        %swap3A_535 = arith.index_cast %swap3A_534 : i32 to index
        %swap3A_536 = arith.index_cast %add3A_533 : i32 to index
        %swap3A_537 = tpu.vector_load %arg9[%swap3A_535, %swap3A_536] {strides = array<i32>} : memref<2x7680xf32, #tpu.memory_space<vmem>>, vector<1x16xf32>,
        %swap3A_538 = vector.shape_cast %swap3A_537 : vector<1x16xf32> to vector<16xf32>
        %swap3A_539 = vector.shape_cast %get3A_531 : vector<16xf32> to vector<1x16xf32>
        tpu.vector_store %arg9[%swap3A_535, %swap3A_536], %swap3A_539 {strides = array<i32>} : memref<2x7680xf32, #tpu.memory_space<vmem>>, vector<1x16xf32>,
        %add3A_540 = arith.constant 44 : i32
        %add3A_541 = arith.addi %squeeze3A_482, %add3A_540 : i32
        %get3A_542 = arith.constant 0 : i32
        %get3A_543 = arith.constant 0 : i32
        %get3A_544 = tpu.memref_slice %arg8[%get3A_542, %add3A_486, %get3A_543] : memref<2x128x120xf32, #tpu.memory_space<vmem>> -> memref<1x1x120xf32, #tpu.memory_space<vmem>>
        %get3A_545 = tpu.memref_squeeze %get3A_544 : memref<1x1x120xf32, #tpu.memory_space<vmem>> -> memref<120xf32, #tpu.memory_space<vmem>>
        %get3A_546 = arith.index_cast %add3A_541 : i32 to index
        %get3A_547 = tpu.vector_load %get3A_545[%get3A_546] {strides = array<i32>} : memref<120xf32, #tpu.memory_space<vmem>>, vector<16xf32>,
        %get3A_548 = vector.shape_cast %get3A_547 : vector<16xf32> to vector<16xf32>
        %add3A_549 = arith.constant 44 : i32
        %add3A_550 = arith.addi %mul3A_488, %add3A_549 : i32
        %swap3A_551 = arith.constant 0 : i32
        %swap3A_552 = arith.index_cast %swap3A_551 : i32 to index
        %swap3A_553 = arith.index_cast %add3A_550 : i32 to index
        %swap3A_554 = tpu.vector_load %arg9[%swap3A_552, %swap3A_553] {strides = array<i32>} : memref<2x7680xf32, #tpu.memory_space<vmem>>, vector<1x16xf32>,
        %swap3A_555 = vector.shape_cast %swap3A_554 : vector<1x16xf32> to vector<16xf32>
        %swap3A_556 = vector.shape_cast %get3A_548 : vector<16xf32> to vector<1x16xf32>
        tpu.vector_store %arg9[%swap3A_552, %swap3A_553], %swap3A_556 {strides = array<i32>} : memref<2x7680xf32, #tpu.memory_space<vmem>>, vector<1x16xf32>,
        %slice3A_557 = vector.extract_strided_slice %mul3A_179 {offsets = [5], sizes = [1], strides = [1]} : vector<16xi32> to vector<1xi32>
        %squeeze3A_558 = vector.extract %slice3A_557[0] : i32 from vector<1xi32>
        %mul3A_559 = arith.constant 16 : i32
        %mul3A_560 = arith.muli %scan3A_167, %mul3A_559 : i32
        %add3A_561 = arith.constant 5 : i32
        %add3A_562 = arith.addi %mul3A_560, %add3A_561 : i32
        %mul3A_563 = arith.constant 60 : i32
        %mul3A_564 = arith.muli %mul3A_563, %add3A_562 : i32
        %add3A_565 = arith.constant 0 : i32
        %add3A_566 = arith.addi %squeeze3A_558, %add3A_565 : i32
        %get3A_567 = arith.constant 0 : i32
        %get3A_568 = arith.constant 0 : i32
        %get3A_569 = tpu.memref_slice %arg8[%get3A_567, %add3A_562, %get3A_568] : memref<2x128x120xf32, #tpu.memory_space<vmem>> -> memref<1x1x120xf32, #tpu.memory_space<vmem>>
        %get3A_570 = tpu.memref_squeeze %get3A_569 : memref<1x1x120xf32, #tpu.memory_space<vmem>> -> memref<120xf32, #tpu.memory_space<vmem>>
        %get3A_571 = arith.index_cast %add3A_566 : i32 to index
        %get3A_572 = tpu.vector_load %get3A_570[%get3A_571] {strides = array<i32>} : memref<120xf32, #tpu.memory_space<vmem>>, vector<16xf32>,
        %get3A_573 = vector.shape_cast %get3A_572 : vector<16xf32> to vector<16xf32>
        %add3A_574 = arith.constant 0 : i32
        %add3A_575 = arith.addi %mul3A_564, %add3A_574 : i32
        %swap3A_576 = arith.constant 0 : i32
        %swap3A_577 = arith.index_cast %swap3A_576 : i32 to index
        %swap3A_578 = arith.index_cast %add3A_575 : i32 to index
        %swap3A_579 = tpu.vector_load %arg9[%swap3A_577, %swap3A_578] {strides = array<i32>} : memref<2x7680xf32, #tpu.memory_space<vmem>>, vector<1x16xf32>,
        %swap3A_580 = vector.shape_cast %swap3A_579 : vector<1x16xf32> to vector<16xf32>
        %swap3A_581 = vector.shape_cast %get3A_573 : vector<16xf32> to vector<1x16xf32>
        tpu.vector_store %arg9[%swap3A_577, %swap3A_578], %swap3A_581 {strides = array<i32>} : memref<2x7680xf32, #tpu.memory_space<vmem>>, vector<1x16xf32>,
        %add3A_582 = arith.constant 16 : i32
        %add3A_583 = arith.addi %squeeze3A_558, %add3A_582 : i32
        %get3A_584 = arith.constant 0 : i32
        %get3A_585 = arith.constant 0 : i32
        %get3A_586 = tpu.memref_slice %arg8[%get3A_584, %add3A_562, %get3A_585] : memref<2x128x120xf32, #tpu.memory_space<vmem>> -> memref<1x1x120xf32, #tpu.memory_space<vmem>>
        %get3A_587 = tpu.memref_squeeze %get3A_586 : memref<1x1x120xf32, #tpu.memory_space<vmem>> -> memref<120xf32, #tpu.memory_space<vmem>>
        %get3A_588 = arith.index_cast %add3A_583 : i32 to index
        %get3A_589 = tpu.vector_load %get3A_587[%get3A_588] {strides = array<i32>} : memref<120xf32, #tpu.memory_space<vmem>>, vector<16xf32>,
        %get3A_590 = vector.shape_cast %get3A_589 : vector<16xf32> to vector<16xf32>
        %add3A_591 = arith.constant 16 : i32
        %add3A_592 = arith.addi %mul3A_564, %add3A_591 : i32
        %swap3A_593 = arith.constant 0 : i32
        %swap3A_594 = arith.index_cast %swap3A_593 : i32 to index
        %swap3A_595 = arith.index_cast %add3A_592 : i32 to index
        %swap3A_596 = tpu.vector_load %arg9[%swap3A_594, %swap3A_595] {strides = array<i32>} : memref<2x7680xf32, #tpu.memory_space<vmem>>, vector<1x16xf32>,
        %swap3A_597 = vector.shape_cast %swap3A_596 : vector<1x16xf32> to vector<16xf32>
        %swap3A_598 = vector.shape_cast %get3A_590 : vector<16xf32> to vector<1x16xf32>
        tpu.vector_store %arg9[%swap3A_594, %swap3A_595], %swap3A_598 {strides = array<i32>} : memref<2x7680xf32, #tpu.memory_space<vmem>>, vector<1x16xf32>,
        %add3A_599 = arith.constant 32 : i32
        %add3A_600 = arith.addi %squeeze3A_558, %add3A_599 : i32
        %get3A_601 = arith.constant 0 : i32
        %get3A_602 = arith.constant 0 : i32
        %get3A_603 = tpu.memref_slice %arg8[%get3A_601, %add3A_562, %get3A_602] : memref<2x128x120xf32, #tpu.memory_space<vmem>> -> memref<1x1x120xf32, #tpu.memory_space<vmem>>
        %get3A_604 = tpu.memref_squeeze %get3A_603 : memref<1x1x120xf32, #tpu.memory_space<vmem>> -> memref<120xf32, #tpu.memory_space<vmem>>
        %get3A_605 = arith.index_cast %add3A_600 : i32 to index
        %get3A_606 = tpu.vector_load %get3A_604[%get3A_605] {strides = array<i32>} : memref<120xf32, #tpu.memory_space<vmem>>, vector<16xf32>,
        %get3A_607 = vector.shape_cast %get3A_606 : vector<16xf32> to vector<16xf32>
        %add3A_608 = arith.constant 32 : i32
        %add3A_609 = arith.addi %mul3A_564, %add3A_608 : i32
        %swap3A_610 = arith.constant 0 : i32
        %swap3A_611 = arith.index_cast %swap3A_610 : i32 to index
        %swap3A_612 = arith.index_cast %add3A_609 : i32 to index
        %swap3A_613 = tpu.vector_load %arg9[%swap3A_611, %swap3A_612] {strides = array<i32>} : memref<2x7680xf32, #tpu.memory_space<vmem>>, vector<1x16xf32>,
        %swap3A_614 = vector.shape_cast %swap3A_613 : vector<1x16xf32> to vector<16xf32>
        %swap3A_615 = vector.shape_cast %get3A_607 : vector<16xf32> to vector<1x16xf32>
        tpu.vector_store %arg9[%swap3A_611, %swap3A_612], %swap3A_615 {strides = array<i32>} : memref<2x7680xf32, #tpu.memory_space<vmem>>, vector<1x16xf32>,
        %add3A_616 = arith.constant 44 : i32
        %add3A_617 = arith.addi %squeeze3A_558, %add3A_616 : i32
        %get3A_618 = arith.constant 0 : i32
        %get3A_619 = arith.constant 0 : i32
        %get3A_620 = tpu.memref_slice %arg8[%get3A_618, %add3A_562, %get3A_619] : memref<2x128x120xf32, #tpu.memory_space<vmem>> -> memref<1x1x120xf32, #tpu.memory_space<vmem>>
        %get3A_621 = tpu.memref_squeeze %get3A_620 : memref<1x1x120xf32, #tpu.memory_space<vmem>> -> memref<120xf32, #tpu.memory_space<vmem>>
        %get3A_622 = arith.index_cast %add3A_617 : i32 to index
        %get3A_623 = tpu.vector_load %get3A_621[%get3A_622] {strides = array<i32>} : memref<120xf32, #tpu.memory_space<vmem>>, vector<16xf32>,
        %get3A_624 = vector.shape_cast %get3A_623 : vector<16xf32> to vector<16xf32>
        %add3A_625 = arith.constant 44 : i32
        %add3A_626 = arith.addi %mul3A_564, %add3A_625 : i32
        %swap3A_627 = arith.constant 0 : i32
        %swap3A_628 = arith.index_cast %swap3A_627 : i32 to index
        %swap3A_629 = arith.index_cast %add3A_626 : i32 to index
        %swap3A_630 = tpu.vector_load %arg9[%swap3A_628, %swap3A_629] {strides = array<i32>} : memref<2x7680xf32, #tpu.memory_space<vmem>>, vector<1x16xf32>,
        %swap3A_631 = vector.shape_cast %swap3A_630 : vector<1x16xf32> to vector<16xf32>
        %swap3A_632 = vector.shape_cast %get3A_624 : vector<16xf32> to vector<1x16xf32>
        tpu.vector_store %arg9[%swap3A_628, %swap3A_629], %swap3A_632 {strides = array<i32>} : memref<2x7680xf32, #tpu.memory_space<vmem>>, vector<1x16xf32>,
        %slice3A_633 = vector.extract_strided_slice %mul3A_179 {offsets = [6], sizes = [1], strides = [1]} : vector<16xi32> to vector<1xi32>
        %squeeze3A_634 = vector.extract %slice3A_633[0] : i32 from vector<1xi32>
        %mul3A_635 = arith.constant 16 : i32
        %mul3A_636 = arith.muli %scan3A_167, %mul3A_635 : i32
        %add3A_637 = arith.constant 6 : i32
        %add3A_638 = arith.addi %mul3A_636, %add3A_637 : i32
        %mul3A_639 = arith.constant 60 : i32
        %mul3A_640 = arith.muli %mul3A_639, %add3A_638 : i32
        %add3A_641 = arith.constant 0 : i32
        %add3A_642 = arith.addi %squeeze3A_634, %add3A_641 : i32
        %get3A_643 = arith.constant 0 : i32
        %get3A_644 = arith.constant 0 : i32
        %get3A_645 = tpu.memref_slice %arg8[%get3A_643, %add3A_638, %get3A_644] : memref<2x128x120xf32, #tpu.memory_space<vmem>> -> memref<1x1x120xf32, #tpu.memory_space<vmem>>
        %get3A_646 = tpu.memref_squeeze %get3A_645 : memref<1x1x120xf32, #tpu.memory_space<vmem>> -> memref<120xf32, #tpu.memory_space<vmem>>
        %get3A_647 = arith.index_cast %add3A_642 : i32 to index
        %get3A_648 = tpu.vector_load %get3A_646[%get3A_647] {strides = array<i32>} : memref<120xf32, #tpu.memory_space<vmem>>, vector<16xf32>,
        %get3A_649 = vector.shape_cast %get3A_648 : vector<16xf32> to vector<16xf32>
        %add3A_650 = arith.constant 0 : i32
        %add3A_651 = arith.addi %mul3A_640, %add3A_650 : i32
        %swap3A_652 = arith.constant 0 : i32
        %swap3A_653 = arith.index_cast %swap3A_652 : i32 to index
        %swap3A_654 = arith.index_cast %add3A_651 : i32 to index
        %swap3A_655 = tpu.vector_load %arg9[%swap3A_653, %swap3A_654] {strides = array<i32>} : memref<2x7680xf32, #tpu.memory_space<vmem>>, vector<1x16xf32>,
        %swap3A_656 = vector.shape_cast %swap3A_655 : vector<1x16xf32> to vector<16xf32>
        %swap3A_657 = vector.shape_cast %get3A_649 : vector<16xf32> to vector<1x16xf32>
        tpu.vector_store %arg9[%swap3A_653, %swap3A_654], %swap3A_657 {strides = array<i32>} : memref<2x7680xf32, #tpu.memory_space<vmem>>, vector<1x16xf32>,
        %add3A_658 = arith.constant 16 : i32
        %add3A_659 = arith.addi %squeeze3A_634, %add3A_658 : i32
        %get3A_660 = arith.constant 0 : i32
        %get3A_661 = arith.constant 0 : i32
        %get3A_662 = tpu.memref_slice %arg8[%get3A_660, %add3A_638, %get3A_661] : memref<2x128x120xf32, #tpu.memory_space<vmem>> -> memref<1x1x120xf32, #tpu.memory_space<vmem>>
        %get3A_663 = tpu.memref_squeeze %get3A_662 : memref<1x1x120xf32, #tpu.memory_space<vmem>> -> memref<120xf32, #tpu.memory_space<vmem>>
        %get3A_664 = arith.index_cast %add3A_659 : i32 to index
        %get3A_665 = tpu.vector_load %get3A_663[%get3A_664] {strides = array<i32>} : memref<120xf32, #tpu.memory_space<vmem>>, vector<16xf32>,
        %get3A_666 = vector.shape_cast %get3A_665 : vector<16xf32> to vector<16xf32>
        %add3A_667 = arith.constant 16 : i32
        %add3A_668 = arith.addi %mul3A_640, %add3A_667 : i32
        %swap3A_669 = arith.constant 0 : i32
        %swap3A_670 = arith.index_cast %swap3A_669 : i32 to index
        %swap3A_671 = arith.index_cast %add3A_668 : i32 to index
        %swap3A_672 = tpu.vector_load %arg9[%swap3A_670, %swap3A_671] {strides = array<i32>} : memref<2x7680xf32, #tpu.memory_space<vmem>>, vector<1x16xf32>,
        %swap3A_673 = vector.shape_cast %swap3A_672 : vector<1x16xf32> to vector<16xf32>
        %swap3A_674 = vector.shape_cast %get3A_666 : vector<16xf32> to vector<1x16xf32>
        tpu.vector_store %arg9[%swap3A_670, %swap3A_671], %swap3A_674 {strides = array<i32>} : memref<2x7680xf32, #tpu.memory_space<vmem>>, vector<1x16xf32>,
        %add3A_675 = arith.constant 32 : i32
        %add3A_676 = arith.addi %squeeze3A_634, %add3A_675 : i32
        %get3A_677 = arith.constant 0 : i32
        %get3A_678 = arith.constant 0 : i32
        %get3A_679 = tpu.memref_slice %arg8[%get3A_677, %add3A_638, %get3A_678] : memref<2x128x120xf32, #tpu.memory_space<vmem>> -> memref<1x1x120xf32, #tpu.memory_space<vmem>>
        %get3A_680 = tpu.memref_squeeze %get3A_679 : memref<1x1x120xf32, #tpu.memory_space<vmem>> -> memref<120xf32, #tpu.memory_space<vmem>>
        %get3A_681 = arith.index_cast %add3A_676 : i32 to index
        %get3A_682 = tpu.vector_load %get3A_680[%get3A_681] {strides = array<i32>} : memref<120xf32, #tpu.memory_space<vmem>>, vector<16xf32>,
        %get3A_683 = vector.shape_cast %get3A_682 : vector<16xf32> to vector<16xf32>
        %add3A_684 = arith.constant 32 : i32
        %add3A_685 = arith.addi %mul3A_640, %add3A_684 : i32
        %swap3A_686 = arith.constant 0 : i32
        %swap3A_687 = arith.index_cast %swap3A_686 : i32 to index
        %swap3A_688 = arith.index_cast %add3A_685 : i32 to index
        %swap3A_689 = tpu.vector_load %arg9[%swap3A_687, %swap3A_688] {strides = array<i32>} : memref<2x7680xf32, #tpu.memory_space<vmem>>, vector<1x16xf32>,
        %swap3A_690 = vector.shape_cast %swap3A_689 : vector<1x16xf32> to vector<16xf32>
        %swap3A_691 = vector.shape_cast %get3A_683 : vector<16xf32> to vector<1x16xf32>
        tpu.vector_store %arg9[%swap3A_687, %swap3A_688], %swap3A_691 {strides = array<i32>} : memref<2x7680xf32, #tpu.memory_space<vmem>>, vector<1x16xf32>,
        %add3A_692 = arith.constant 44 : i32
        %add3A_693 = arith.addi %squeeze3A_634, %add3A_692 : i32
        %get3A_694 = arith.constant 0 : i32
        %get3A_695 = arith.constant 0 : i32
        %get3A_696 = tpu.memref_slice %arg8[%get3A_694, %add3A_638, %get3A_695] : memref<2x128x120xf32, #tpu.memory_space<vmem>> -> memref<1x1x120xf32, #tpu.memory_space<vmem>>
        %get3A_697 = tpu.memref_squeeze %get3A_696 : memref<1x1x120xf32, #tpu.memory_space<vmem>> -> memref<120xf32, #tpu.memory_space<vmem>>
        %get3A_698 = arith.index_cast %add3A_693 : i32 to index
        %get3A_699 = tpu.vector_load %get3A_697[%get3A_698] {strides = array<i32>} : memref<120xf32, #tpu.memory_space<vmem>>, vector<16xf32>,
        %get3A_700 = vector.shape_cast %get3A_699 : vector<16xf32> to vector<16xf32>
        %add3A_701 = arith.constant 44 : i32
        %add3A_702 = arith.addi %mul3A_640, %add3A_701 : i32
        %swap3A_703 = arith.constant 0 : i32
        %swap3A_704 = arith.index_cast %swap3A_703 : i32 to index
        %swap3A_705 = arith.index_cast %add3A_702 : i32 to index
        %swap3A_706 = tpu.vector_load %arg9[%swap3A_704, %swap3A_705] {strides = array<i32>} : memref<2x7680xf32, #tpu.memory_space<vmem>>, vector<1x16xf32>,
        %swap3A_707 = vector.shape_cast %swap3A_706 : vector<1x16xf32> to vector<16xf32>
        %swap3A_708 = vector.shape_cast %get3A_700 : vector<16xf32> to vector<1x16xf32>
        tpu.vector_store %arg9[%swap3A_704, %swap3A_705], %swap3A_708 {strides = array<i32>} : memref<2x7680xf32, #tpu.memory_space<vmem>>, vector<1x16xf32>,
        %slice3A_709 = vector.extract_strided_slice %mul3A_179 {offsets = [7], sizes = [1], strides = [1]} : vector<16xi32> to vector<1xi32>
        %squeeze3A_710 = vector.extract %slice3A_709[0] : i32 from vector<1xi32>
        %mul3A_711 = arith.constant 16 : i32
        %mul3A_712 = arith.muli %scan3A_167, %mul3A_711 : i32
        %add3A_713 = arith.constant 7 : i32
        %add3A_714 = arith.addi %mul3A_712, %add3A_713 : i32
        %mul3A_715 = arith.constant 60 : i32
        %mul3A_716 = arith.muli %mul3A_715, %add3A_714 : i32
        %add3A_717 = arith.constant 0 : i32
        %add3A_718 = arith.addi %squeeze3A_710, %add3A_717 : i32
        %get3A_719 = arith.constant 0 : i32
        %get3A_720 = arith.constant 0 : i32
        %get3A_721 = tpu.memref_slice %arg8[%get3A_719, %add3A_714, %get3A_720] : memref<2x128x120xf32, #tpu.memory_space<vmem>> -> memref<1x1x120xf32, #tpu.memory_space<vmem>>
        %get3A_722 = tpu.memref_squeeze %get3A_721 : memref<1x1x120xf32, #tpu.memory_space<vmem>> -> memref<120xf32, #tpu.memory_space<vmem>>
        %get3A_723 = arith.index_cast %add3A_718 : i32 to index
        %get3A_724 = tpu.vector_load %get3A_722[%get3A_723] {strides = array<i32>} : memref<120xf32, #tpu.memory_space<vmem>>, vector<16xf32>,
        %get3A_725 = vector.shape_cast %get3A_724 : vector<16xf32> to vector<16xf32>
        %add3A_726 = arith.constant 0 : i32
        %add3A_727 = arith.addi %mul3A_716, %add3A_726 : i32
        %swap3A_728 = arith.constant 0 : i32
        %swap3A_729 = arith.index_cast %swap3A_728 : i32 to index
        %swap3A_730 = arith.index_cast %add3A_727 : i32 to index
        %swap3A_731 = tpu.vector_load %arg9[%swap3A_729, %swap3A_730] {strides = array<i32>} : memref<2x7680xf32, #tpu.memory_space<vmem>>, vector<1x16xf32>,
        %swap3A_732 = vector.shape_cast %swap3A_731 : vector<1x16xf32> to vector<16xf32>
        %swap3A_733 = vector.shape_cast %get3A_725 : vector<16xf32> to vector<1x16xf32>
        tpu.vector_store %arg9[%swap3A_729, %swap3A_730], %swap3A_733 {strides = array<i32>} : memref<2x7680xf32, #tpu.memory_space<vmem>>, vector<1x16xf32>,
        %add3A_734 = arith.constant 16 : i32
        %add3A_735 = arith.addi %squeeze3A_710, %add3A_734 : i32
        %get3A_736 = arith.constant 0 : i32
        %get3A_737 = arith.constant 0 : i32
        %get3A_738 = tpu.memref_slice %arg8[%get3A_736, %add3A_714, %get3A_737] : memref<2x128x120xf32, #tpu.memory_space<vmem>> -> memref<1x1x120xf32, #tpu.memory_space<vmem>>
        %get3A_739 = tpu.memref_squeeze %get3A_738 : memref<1x1x120xf32, #tpu.memory_space<vmem>> -> memref<120xf32, #tpu.memory_space<vmem>>
        %get3A_740 = arith.index_cast %add3A_735 : i32 to index
        %get3A_741 = tpu.vector_load %get3A_739[%get3A_740] {strides = array<i32>} : memref<120xf32, #tpu.memory_space<vmem>>, vector<16xf32>,
        %get3A_742 = vector.shape_cast %get3A_741 : vector<16xf32> to vector<16xf32>
        %add3A_743 = arith.constant 16 : i32
        %add3A_744 = arith.addi %mul3A_716, %add3A_743 : i32
        %swap3A_745 = arith.constant 0 : i32
        %swap3A_746 = arith.index_cast %swap3A_745 : i32 to index
        %swap3A_747 = arith.index_cast %add3A_744 : i32 to index
        %swap3A_748 = tpu.vector_load %arg9[%swap3A_746, %swap3A_747] {strides = array<i32>} : memref<2x7680xf32, #tpu.memory_space<vmem>>, vector<1x16xf32>,
        %swap3A_749 = vector.shape_cast %swap3A_748 : vector<1x16xf32> to vector<16xf32>
        %swap3A_750 = vector.shape_cast %get3A_742 : vector<16xf32> to vector<1x16xf32>
        tpu.vector_store %arg9[%swap3A_746, %swap3A_747], %swap3A_750 {strides = array<i32>} : memref<2x7680xf32, #tpu.memory_space<vmem>>, vector<1x16xf32>,
        %add3A_751 = arith.constant 32 : i32
        %add3A_752 = arith.addi %squeeze3A_710, %add3A_751 : i32
        %get3A_753 = arith.constant 0 : i32
        %get3A_754 = arith.constant 0 : i32
        %get3A_755 = tpu.memref_slice %arg8[%get3A_753, %add3A_714, %get3A_754] : memref<2x128x120xf32, #tpu.memory_space<vmem>> -> memref<1x1x120xf32, #tpu.memory_space<vmem>>
        %get3A_756 = tpu.memref_squeeze %get3A_755 : memref<1x1x120xf32, #tpu.memory_space<vmem>> -> memref<120xf32, #tpu.memory_space<vmem>>
        %get3A_757 = arith.index_cast %add3A_752 : i32 to index
        %get3A_758 = tpu.vector_load %get3A_756[%get3A_757] {strides = array<i32>} : memref<120xf32, #tpu.memory_space<vmem>>, vector<16xf32>,
        %get3A_759 = vector.shape_cast %get3A_758 : vector<16xf32> to vector<16xf32>
        %add3A_760 = arith.constant 32 : i32
        %add3A_761 = arith.addi %mul3A_716, %add3A_760 : i32
        %swap3A_762 = arith.constant 0 : i32
        %swap3A_763 = arith.index_cast %swap3A_762 : i32 to index
        %swap3A_764 = arith.index_cast %add3A_761 : i32 to index
        %swap3A_765 = tpu.vector_load %arg9[%swap3A_763, %swap3A_764] {strides = array<i32>} : memref<2x7680xf32, #tpu.memory_space<vmem>>, vector<1x16xf32>,
        %swap3A_766 = vector.shape_cast %swap3A_765 : vector<1x16xf32> to vector<16xf32>
        %swap3A_767 = vector.shape_cast %get3A_759 : vector<16xf32> to vector<1x16xf32>
        tpu.vector_store %arg9[%swap3A_763, %swap3A_764], %swap3A_767 {strides = array<i32>} : memref<2x7680xf32, #tpu.memory_space<vmem>>, vector<1x16xf32>,
        %add3A_768 = arith.constant 44 : i32
        %add3A_769 = arith.addi %squeeze3A_710, %add3A_768 : i32
        %get3A_770 = arith.constant 0 : i32
        %get3A_771 = arith.constant 0 : i32
        %get3A_772 = tpu.memref_slice %arg8[%get3A_770, %add3A_714, %get3A_771] : memref<2x128x120xf32, #tpu.memory_space<vmem>> -> memref<1x1x120xf32, #tpu.memory_space<vmem>>
        %get3A_773 = tpu.memref_squeeze %get3A_772 : memref<1x1x120xf32, #tpu.memory_space<vmem>> -> memref<120xf32, #tpu.memory_space<vmem>>
        %get3A_774 = arith.index_cast %add3A_769 : i32 to index
        %get3A_775 = tpu.vector_load %get3A_773[%get3A_774] {strides = array<i32>} : memref<120xf32, #tpu.memory_space<vmem>>, vector<16xf32>,
        %get3A_776 = vector.shape_cast %get3A_775 : vector<16xf32> to vector<16xf32>
        %add3A_777 = arith.constant 44 : i32
        %add3A_778 = arith.addi %mul3A_716, %add3A_777 : i32
        %swap3A_779 = arith.constant 0 : i32
        %swap3A_780 = arith.index_cast %swap3A_779 : i32 to index
        %swap3A_781 = arith.index_cast %add3A_778 : i32 to index
        %swap3A_782 = tpu.vector_load %arg9[%swap3A_780, %swap3A_781] {strides = array<i32>} : memref<2x7680xf32, #tpu.memory_space<vmem>>, vector<1x16xf32>,
        %swap3A_783 = vector.shape_cast %swap3A_782 : vector<1x16xf32> to vector<16xf32>
        %swap3A_784 = vector.shape_cast %get3A_776 : vector<16xf32> to vector<1x16xf32>
        tpu.vector_store %arg9[%swap3A_780, %swap3A_781], %swap3A_784 {strides = array<i32>} : memref<2x7680xf32, #tpu.memory_space<vmem>>, vector<1x16xf32>,
        %slice3A_785 = vector.extract_strided_slice %mul3A_179 {offsets = [8], sizes = [1], strides = [1]} : vector<16xi32> to vector<1xi32>
        %squeeze3A_786 = vector.extract %slice3A_785[0] : i32 from vector<1xi32>
        %mul3A_787 = arith.constant 16 : i32
        %mul3A_788 = arith.muli %scan3A_167, %mul3A_787 : i32
        %add3A_789 = arith.constant 8 : i32
        %add3A_790 = arith.addi %mul3A_788, %add3A_789 : i32
        %mul3A_791 = arith.constant 60 : i32
        %mul3A_792 = arith.muli %mul3A_791, %add3A_790 : i32
        %add3A_793 = arith.constant 0 : i32
        %add3A_794 = arith.addi %squeeze3A_786, %add3A_793 : i32
        %get3A_795 = arith.constant 0 : i32
        %get3A_796 = arith.constant 0 : i32
        %get3A_797 = tpu.memref_slice %arg8[%get3A_795, %add3A_790, %get3A_796] : memref<2x128x120xf32, #tpu.memory_space<vmem>> -> memref<1x1x120xf32, #tpu.memory_space<vmem>>
        %get3A_798 = tpu.memref_squeeze %get3A_797 : memref<1x1x120xf32, #tpu.memory_space<vmem>> -> memref<120xf32, #tpu.memory_space<vmem>>
        %get3A_799 = arith.index_cast %add3A_794 : i32 to index
        %get3A_800 = tpu.vector_load %get3A_798[%get3A_799] {strides = array<i32>} : memref<120xf32, #tpu.memory_space<vmem>>, vector<16xf32>,
        %get3A_801 = vector.shape_cast %get3A_800 : vector<16xf32> to vector<16xf32>
        %add3A_802 = arith.constant 0 : i32
        %add3A_803 = arith.addi %mul3A_792, %add3A_802 : i32
        %swap3A_804 = arith.constant 0 : i32
        %swap3A_805 = arith.index_cast %swap3A_804 : i32 to index
        %swap3A_806 = arith.index_cast %add3A_803 : i32 to index
        %swap3A_807 = tpu.vector_load %arg9[%swap3A_805, %swap3A_806] {strides = array<i32>} : memref<2x7680xf32, #tpu.memory_space<vmem>>, vector<1x16xf32>,
        %swap3A_808 = vector.shape_cast %swap3A_807 : vector<1x16xf32> to vector<16xf32>
        %swap3A_809 = vector.shape_cast %get3A_801 : vector<16xf32> to vector<1x16xf32>
        tpu.vector_store %arg9[%swap3A_805, %swap3A_806], %swap3A_809 {strides = array<i32>} : memref<2x7680xf32, #tpu.memory_space<vmem>>, vector<1x16xf32>,
        %add3A_810 = arith.constant 16 : i32
        %add3A_811 = arith.addi %squeeze3A_786, %add3A_810 : i32
        %get3A_812 = arith.constant 0 : i32
        %get3A_813 = arith.constant 0 : i32
        %get3A_814 = tpu.memref_slice %arg8[%get3A_812, %add3A_790, %get3A_813] : memref<2x128x120xf32, #tpu.memory_space<vmem>> -> memref<1x1x120xf32, #tpu.memory_space<vmem>>
        %get3A_815 = tpu.memref_squeeze %get3A_814 : memref<1x1x120xf32, #tpu.memory_space<vmem>> -> memref<120xf32, #tpu.memory_space<vmem>>
        %get3A_816 = arith.index_cast %add3A_811 : i32 to index
        %get3A_817 = tpu.vector_load %get3A_815[%get3A_816] {strides = array<i32>} : memref<120xf32, #tpu.memory_space<vmem>>, vector<16xf32>,
        %get3A_818 = vector.shape_cast %get3A_817 : vector<16xf32> to vector<16xf32>
        %add3A_819 = arith.constant 16 : i32
        %add3A_820 = arith.addi %mul3A_792, %add3A_819 : i32
        %swap3A_821 = arith.constant 0 : i32
        %swap3A_822 = arith.index_cast %swap3A_821 : i32 to index
        %swap3A_823 = arith.index_cast %add3A_820 : i32 to index
        %swap3A_824 = tpu.vector_load %arg9[%swap3A_822, %swap3A_823] {strides = array<i32>} : memref<2x7680xf32, #tpu.memory_space<vmem>>, vector<1x16xf32>,
        %swap3A_825 = vector.shape_cast %swap3A_824 : vector<1x16xf32> to vector<16xf32>
        %swap3A_826 = vector.shape_cast %get3A_818 : vector<16xf32> to vector<1x16xf32>
        tpu.vector_store %arg9[%swap3A_822, %swap3A_823], %swap3A_826 {strides = array<i32>} : memref<2x7680xf32, #tpu.memory_space<vmem>>, vector<1x16xf32>,
        %add3A_827 = arith.constant 32 : i32
        %add3A_828 = arith.addi %squeeze3A_786, %add3A_827 : i32
        %get3A_829 = arith.constant 0 : i32
        %get3A_830 = arith.constant 0 : i32
        %get3A_831 = tpu.memref_slice %arg8[%get3A_829, %add3A_790, %get3A_830] : memref<2x128x120xf32, #tpu.memory_space<vmem>> -> memref<1x1x120xf32, #tpu.memory_space<vmem>>
        %get3A_832 = tpu.memref_squeeze %get3A_831 : memref<1x1x120xf32, #tpu.memory_space<vmem>> -> memref<120xf32, #tpu.memory_space<vmem>>
        %get3A_833 = arith.index_cast %add3A_828 : i32 to index
        %get3A_834 = tpu.vector_load %get3A_832[%get3A_833] {strides = array<i32>} : memref<120xf32, #tpu.memory_space<vmem>>, vector<16xf32>,
        %get3A_835 = vector.shape_cast %get3A_834 : vector<16xf32> to vector<16xf32>
        %add3A_836 = arith.constant 32 : i32
        %add3A_837 = arith.addi %mul3A_792, %add3A_836 : i32
        %swap3A_838 = arith.constant 0 : i32
        %swap3A_839 = arith.index_cast %swap3A_838 : i32 to index
        %swap3A_840 = arith.index_cast %add3A_837 : i32 to index
        %swap3A_841 = tpu.vector_load %arg9[%swap3A_839, %swap3A_840] {strides = array<i32>} : memref<2x7680xf32, #tpu.memory_space<vmem>>, vector<1x16xf32>,
        %swap3A_842 = vector.shape_cast %swap3A_841 : vector<1x16xf32> to vector<16xf32>
        %swap3A_843 = vector.shape_cast %get3A_835 : vector<16xf32> to vector<1x16xf32>
        tpu.vector_store %arg9[%swap3A_839, %swap3A_840], %swap3A_843 {strides = array<i32>} : memref<2x7680xf32, #tpu.memory_space<vmem>>, vector<1x16xf32>,
        %add3A_844 = arith.constant 44 : i32
        %add3A_845 = arith.addi %squeeze3A_786, %add3A_844 : i32
        %get3A_846 = arith.constant 0 : i32
        %get3A_847 = arith.constant 0 : i32
        %get3A_848 = tpu.memref_slice %arg8[%get3A_846, %add3A_790, %get3A_847] : memref<2x128x120xf32, #tpu.memory_space<vmem>> -> memref<1x1x120xf32, #tpu.memory_space<vmem>>
        %get3A_849 = tpu.memref_squeeze %get3A_848 : memref<1x1x120xf32, #tpu.memory_space<vmem>> -> memref<120xf32, #tpu.memory_space<vmem>>
        %get3A_850 = arith.index_cast %add3A_845 : i32 to index
        %get3A_851 = tpu.vector_load %get3A_849[%get3A_850] {strides = array<i32>} : memref<120xf32, #tpu.memory_space<vmem>>, vector<16xf32>,
        %get3A_852 = vector.shape_cast %get3A_851 : vector<16xf32> to vector<16xf32>
        %add3A_853 = arith.constant 44 : i32
        %add3A_854 = arith.addi %mul3A_792, %add3A_853 : i32
        %swap3A_855 = arith.constant 0 : i32
        %swap3A_856 = arith.index_cast %swap3A_855 : i32 to index
        %swap3A_857 = arith.index_cast %add3A_854 : i32 to index
        %swap3A_858 = tpu.vector_load %arg9[%swap3A_856, %swap3A_857] {strides = array<i32>} : memref<2x7680xf32, #tpu.memory_space<vmem>>, vector<1x16xf32>,
        %swap3A_859 = vector.shape_cast %swap3A_858 : vector<1x16xf32> to vector<16xf32>
        %swap3A_860 = vector.shape_cast %get3A_852 : vector<16xf32> to vector<1x16xf32>
        tpu.vector_store %arg9[%swap3A_856, %swap3A_857], %swap3A_860 {strides = array<i32>} : memref<2x7680xf32, #tpu.memory_space<vmem>>, vector<1x16xf32>,
        %slice3A_861 = vector.extract_strided_slice %mul3A_179 {offsets = [9], sizes = [1], strides = [1]} : vector<16xi32> to vector<1xi32>
        %squeeze3A_862 = vector.extract %slice3A_861[0] : i32 from vector<1xi32>
        %mul3A_863 = arith.constant 16 : i32
        %mul3A_864 = arith.muli %scan3A_167, %mul3A_863 : i32
        %add3A_865 = arith.constant 9 : i32
        %add3A_866 = arith.addi %mul3A_864, %add3A_865 : i32
        %mul3A_867 = arith.constant 60 : i32
        %mul3A_868 = arith.muli %mul3A_867, %add3A_866 : i32
        %add3A_869 = arith.constant 0 : i32
        %add3A_870 = arith.addi %squeeze3A_862, %add3A_869 : i32
        %get3A_871 = arith.constant 0 : i32
        %get3A_872 = arith.constant 0 : i32
        %get3A_873 = tpu.memref_slice %arg8[%get3A_871, %add3A_866, %get3A_872] : memref<2x128x120xf32, #tpu.memory_space<vmem>> -> memref<1x1x120xf32, #tpu.memory_space<vmem>>
        %get3A_874 = tpu.memref_squeeze %get3A_873 : memref<1x1x120xf32, #tpu.memory_space<vmem>> -> memref<120xf32, #tpu.memory_space<vmem>>
        %get3A_875 = arith.index_cast %add3A_870 : i32 to index
        %get3A_876 = tpu.vector_load %get3A_874[%get3A_875] {strides = array<i32>} : memref<120xf32, #tpu.memory_space<vmem>>, vector<16xf32>,
        %get3A_877 = vector.shape_cast %get3A_876 : vector<16xf32> to vector<16xf32>
        %add3A_878 = arith.constant 0 : i32
        %add3A_879 = arith.addi %mul3A_868, %add3A_878 : i32
        %swap3A_880 = arith.constant 0 : i32
        %swap3A_881 = arith.index_cast %swap3A_880 : i32 to index
        %swap3A_882 = arith.index_cast %add3A_879 : i32 to index
        %swap3A_883 = tpu.vector_load %arg9[%swap3A_881, %swap3A_882] {strides = array<i32>} : memref<2x7680xf32, #tpu.memory_space<vmem>>, vector<1x16xf32>,
        %swap3A_884 = vector.shape_cast %swap3A_883 : vector<1x16xf32> to vector<16xf32>
        %swap3A_885 = vector.shape_cast %get3A_877 : vector<16xf32> to vector<1x16xf32>
        tpu.vector_store %arg9[%swap3A_881, %swap3A_882], %swap3A_885 {strides = array<i32>} : memref<2x7680xf32, #tpu.memory_space<vmem>>, vector<1x16xf32>,
        %add3A_886 = arith.constant 16 : i32
        %add3A_887 = arith.addi %squeeze3A_862, %add3A_886 : i32
        %get3A_888 = arith.constant 0 : i32
        %get3A_889 = arith.constant 0 : i32
        %get3A_890 = tpu.memref_slice %arg8[%get3A_888, %add3A_866, %get3A_889] : memref<2x128x120xf32, #tpu.memory_space<vmem>> -> memref<1x1x120xf32, #tpu.memory_space<vmem>>
        %get3A_891 = tpu.memref_squeeze %get3A_890 : memref<1x1x120xf32, #tpu.memory_space<vmem>> -> memref<120xf32, #tpu.memory_space<vmem>>
        %get3A_892 = arith.index_cast %add3A_887 : i32 to index
        %get3A_893 = tpu.vector_load %get3A_891[%get3A_892] {strides = array<i32>} : memref<120xf32, #tpu.memory_space<vmem>>, vector<16xf32>,
        %get3A_894 = vector.shape_cast %get3A_893 : vector<16xf32> to vector<16xf32>
        %add3A_895 = arith.constant 16 : i32
        %add3A_896 = arith.addi %mul3A_868, %add3A_895 : i32
        %swap3A_897 = arith.constant 0 : i32
        %swap3A_898 = arith.index_cast %swap3A_897 : i32 to index
        %swap3A_899 = arith.index_cast %add3A_896 : i32 to index
        %swap3A_900 = tpu.vector_load %arg9[%swap3A_898, %swap3A_899] {strides = array<i32>} : memref<2x7680xf32, #tpu.memory_space<vmem>>, vector<1x16xf32>,
        %swap3A_901 = vector.shape_cast %swap3A_900 : vector<1x16xf32> to vector<16xf32>
        %swap3A_902 = vector.shape_cast %get3A_894 : vector<16xf32> to vector<1x16xf32>
        tpu.vector_store %arg9[%swap3A_898, %swap3A_899], %swap3A_902 {strides = array<i32>} : memref<2x7680xf32, #tpu.memory_space<vmem>>, vector<1x16xf32>,
        %add3A_903 = arith.constant 32 : i32
        %add3A_904 = arith.addi %squeeze3A_862, %add3A_903 : i32
        %get3A_905 = arith.constant 0 : i32
        %get3A_906 = arith.constant 0 : i32
        %get3A_907 = tpu.memref_slice %arg8[%get3A_905, %add3A_866, %get3A_906] : memref<2x128x120xf32, #tpu.memory_space<vmem>> -> memref<1x1x120xf32, #tpu.memory_space<vmem>>
        %get3A_908 = tpu.memref_squeeze %get3A_907 : memref<1x1x120xf32, #tpu.memory_space<vmem>> -> memref<120xf32, #tpu.memory_space<vmem>>
        %get3A_909 = arith.index_cast %add3A_904 : i32 to index
        %get3A_910 = tpu.vector_load %get3A_908[%get3A_909] {strides = array<i32>} : memref<120xf32, #tpu.memory_space<vmem>>, vector<16xf32>,
        %get3A_911 = vector.shape_cast %get3A_910 : vector<16xf32> to vector<16xf32>
        %add3A_912 = arith.constant 32 : i32
        %add3A_913 = arith.addi %mul3A_868, %add3A_912 : i32
        %swap3A_914 = arith.constant 0 : i32
        %swap3A_915 = arith.index_cast %swap3A_914 : i32 to index
        %swap3A_916 = arith.index_cast %add3A_913 : i32 to index
        %swap3A_917 = tpu.vector_load %arg9[%swap3A_915, %swap3A_916] {strides = array<i32>} : memref<2x7680xf32, #tpu.memory_space<vmem>>, vector<1x16xf32>,
        %swap3A_918 = vector.shape_cast %swap3A_917 : vector<1x16xf32> to vector<16xf32>
        %swap3A_919 = vector.shape_cast %get3A_911 : vector<16xf32> to vector<1x16xf32>
        tpu.vector_store %arg9[%swap3A_915, %swap3A_916], %swap3A_919 {strides = array<i32>} : memref<2x7680xf32, #tpu.memory_space<vmem>>, vector<1x16xf32>,
        %add3A_920 = arith.constant 44 : i32
        %add3A_921 = arith.addi %squeeze3A_862, %add3A_920 : i32
        %get3A_922 = arith.constant 0 : i32
        %get3A_923 = arith.constant 0 : i32
        %get3A_924 = tpu.memref_slice %arg8[%get3A_922, %add3A_866, %get3A_923] : memref<2x128x120xf32, #tpu.memory_space<vmem>> -> memref<1x1x120xf32, #tpu.memory_space<vmem>>
        %get3A_925 = tpu.memref_squeeze %get3A_924 : memref<1x1x120xf32, #tpu.memory_space<vmem>> -> memref<120xf32, #tpu.memory_space<vmem>>
        %get3A_926 = arith.index_cast %add3A_921 : i32 to index
        %get3A_927 = tpu.vector_load %get3A_925[%get3A_926] {strides = array<i32>} : memref<120xf32, #tpu.memory_space<vmem>>, vector<16xf32>,
        %get3A_928 = vector.shape_cast %get3A_927 : vector<16xf32> to vector<16xf32>
        %add3A_929 = arith.constant 44 : i32
        %add3A_930 = arith.addi %mul3A_868, %add3A_929 : i32
        %swap3A_931 = arith.constant 0 : i32
        %swap3A_932 = arith.index_cast %swap3A_931 : i32 to index
        %swap3A_933 = arith.index_cast %add3A_930 : i32 to index
        %swap3A_934 = tpu.vector_load %arg9[%swap3A_932, %swap3A_933] {strides = array<i32>} : memref<2x7680xf32, #tpu.memory_space<vmem>>, vector<1x16xf32>,
        %swap3A_935 = vector.shape_cast %swap3A_934 : vector<1x16xf32> to vector<16xf32>
        %swap3A_936 = vector.shape_cast %get3A_928 : vector<16xf32> to vector<1x16xf32>
        tpu.vector_store %arg9[%swap3A_932, %swap3A_933], %swap3A_936 {strides = array<i32>} : memref<2x7680xf32, #tpu.memory_space<vmem>>, vector<1x16xf32>,
        %slice3A_937 = vector.extract_strided_slice %mul3A_179 {offsets = [10], sizes = [1], strides = [1]} : vector<16xi32> to vector<1xi32>
        %squeeze3A_938 = vector.extract %slice3A_937[0] : i32 from vector<1xi32>
        %mul3A_939 = arith.constant 16 : i32
        %mul3A_940 = arith.muli %scan3A_167, %mul3A_939 : i32
        %add3A_941 = arith.constant 10 : i32
        %add3A_942 = arith.addi %mul3A_940, %add3A_941 : i32
        %mul3A_943 = arith.constant 60 : i32
        %mul3A_944 = arith.muli %mul3A_943, %add3A_942 : i32
        %add3A_945 = arith.constant 0 : i32
        %add3A_946 = arith.addi %squeeze3A_938, %add3A_945 : i32
        %get3A_947 = arith.constant 0 : i32
        %get3A_948 = arith.constant 0 : i32
        %get3A_949 = tpu.memref_slice %arg8[%get3A_947, %add3A_942, %get3A_948] : memref<2x128x120xf32, #tpu.memory_space<vmem>> -> memref<1x1x120xf32, #tpu.memory_space<vmem>>
        %get3A_950 = tpu.memref_squeeze %get3A_949 : memref<1x1x120xf32, #tpu.memory_space<vmem>> -> memref<120xf32, #tpu.memory_space<vmem>>
        %get3A_951 = arith.index_cast %add3A_946 : i32 to index
        %get3A_952 = tpu.vector_load %get3A_950[%get3A_951] {strides = array<i32>} : memref<120xf32, #tpu.memory_space<vmem>>, vector<16xf32>,
        %get3A_953 = vector.shape_cast %get3A_952 : vector<16xf32> to vector<16xf32>
        %add3A_954 = arith.constant 0 : i32
        %add3A_955 = arith.addi %mul3A_944, %add3A_954 : i32
        %swap3A_956 = arith.constant 0 : i32
        %swap3A_957 = arith.index_cast %swap3A_956 : i32 to index
        %swap3A_958 = arith.index_cast %add3A_955 : i32 to index
        %swap3A_959 = tpu.vector_load %arg9[%swap3A_957, %swap3A_958] {strides = array<i32>} : memref<2x7680xf32, #tpu.memory_space<vmem>>, vector<1x16xf32>,
        %swap3A_960 = vector.shape_cast %swap3A_959 : vector<1x16xf32> to vector<16xf32>
        %swap3A_961 = vector.shape_cast %get3A_953 : vector<16xf32> to vector<1x16xf32>
        tpu.vector_store %arg9[%swap3A_957, %swap3A_958], %swap3A_961 {strides = array<i32>} : memref<2x7680xf32, #tpu.memory_space<vmem>>, vector<1x16xf32>,
        %add3A_962 = arith.constant 16 : i32
        %add3A_963 = arith.addi %squeeze3A_938, %add3A_962 : i32
        %get3A_964 = arith.constant 0 : i32
        %get3A_965 = arith.constant 0 : i32
        %get3A_966 = tpu.memref_slice %arg8[%get3A_964, %add3A_942, %get3A_965] : memref<2x128x120xf32, #tpu.memory_space<vmem>> -> memref<1x1x120xf32, #tpu.memory_space<vmem>>
        %get3A_967 = tpu.memref_squeeze %get3A_966 : memref<1x1x120xf32, #tpu.memory_space<vmem>> -> memref<120xf32, #tpu.memory_space<vmem>>
        %get3A_968 = arith.index_cast %add3A_963 : i32 to index
        %get3A_969 = tpu.vector_load %get3A_967[%get3A_968] {strides = array<i32>} : memref<120xf32, #tpu.memory_space<vmem>>, vector<16xf32>,
        %get3A_970 = vector.shape_cast %get3A_969 : vector<16xf32> to vector<16xf32>
        %add3A_971 = arith.constant 16 : i32
        %add3A_972 = arith.addi %mul3A_944, %add3A_971 : i32
        %swap3A_973 = arith.constant 0 : i32
        %swap3A_974 = arith.index_cast %swap3A_973 : i32 to index
        %swap3A_975 = arith.index_cast %add3A_972 : i32 to index
        %swap3A_976 = tpu.vector_load %arg9[%swap3A_974, %swap3A_975] {strides = array<i32>} : memref<2x7680xf32, #tpu.memory_space<vmem>>, vector<1x16xf32>,
        %swap3A_977 = vector.shape_cast %swap3A_976 : vector<1x16xf32> to vector<16xf32>
        %swap3A_978 = vector.shape_cast %get3A_970 : vector<16xf32> to vector<1x16xf32>
        tpu.vector_store %arg9[%swap3A_974, %swap3A_975], %swap3A_978 {strides = array<i32>} : memref<2x7680xf32, #tpu.memory_space<vmem>>, vector<1x16xf32>,
        %add3A_979 = arith.constant 32 : i32
        %add3A_980 = arith.addi %squeeze3A_938, %add3A_979 : i32
        %get3A_981 = arith.constant 0 : i32
        %get3A_982 = arith.constant 0 : i32
        %get3A_983 = tpu.memref_slice %arg8[%get3A_981, %add3A_942, %get3A_982] : memref<2x128x120xf32, #tpu.memory_space<vmem>> -> memref<1x1x120xf32, #tpu.memory_space<vmem>>
        %get3A_984 = tpu.memref_squeeze %get3A_983 : memref<1x1x120xf32, #tpu.memory_space<vmem>> -> memref<120xf32, #tpu.memory_space<vmem>>
        %get3A_985 = arith.index_cast %add3A_980 : i32 to index
        %get3A_986 = tpu.vector_load %get3A_984[%get3A_985] {strides = array<i32>} : memref<120xf32, #tpu.memory_space<vmem>>, vector<16xf32>,
        %get3A_987 = vector.shape_cast %get3A_986 : vector<16xf32> to vector<16xf32>
        %add3A_988 = arith.constant 32 : i32
        %add3A_989 = arith.addi %mul3A_944, %add3A_988 : i32
        %swap3A_990 = arith.constant 0 : i32
        %swap3A_991 = arith.index_cast %swap3A_990 : i32 to index
        %swap3A_992 = arith.index_cast %add3A_989 : i32 to index
        %swap3A_993 = tpu.vector_load %arg9[%swap3A_991, %swap3A_992] {strides = array<i32>} : memref<2x7680xf32, #tpu.memory_space<vmem>>, vector<1x16xf32>,
        %swap3A_994 = vector.shape_cast %swap3A_993 : vector<1x16xf32> to vector<16xf32>
        %swap3A_995 = vector.shape_cast %get3A_987 : vector<16xf32> to vector<1x16xf32>
        tpu.vector_store %arg9[%swap3A_991, %swap3A_992], %swap3A_995 {strides = array<i32>} : memref<2x7680xf32, #tpu.memory_space<vmem>>, vector<1x16xf32>,
        %add3A_996 = arith.constant 44 : i32
        %add3A_997 = arith.addi %squeeze3A_938, %add3A_996 : i32
        %get3A_998 = arith.constant 0 : i32
        %get3A_999 = arith.constant 0 : i32
        %get3A_1000 = tpu.memref_slice %arg8[%get3A_998, %add3A_942, %get3A_999] : memref<2x128x120xf32, #tpu.memory_space<vmem>> -> memref<1x1x120xf32, #tpu.memory_space<vmem>>
        %get3A_1001 = tpu.memref_squeeze %get3A_1000 : memref<1x1x120xf32, #tpu.memory_space<vmem>> -> memref<120xf32, #tpu.memory_space<vmem>>
        %get3A_1002 = arith.index_cast %add3A_997 : i32 to index
        %get3A_1003 = tpu.vector_load %get3A_1001[%get3A_1002] {strides = array<i32>} : memref<120xf32, #tpu.memory_space<vmem>>, vector<16xf32>,
        %get3A_1004 = vector.shape_cast %get3A_1003 : vector<16xf32> to vector<16xf32>
        %add3A_1005 = arith.constant 44 : i32
        %add3A_1006 = arith.addi %mul3A_944, %add3A_1005 : i32
        %swap3A_1007 = arith.constant 0 : i32
        %swap3A_1008 = arith.index_cast %swap3A_1007 : i32 to index
        %swap3A_1009 = arith.index_cast %add3A_1006 : i32 to index
        %swap3A_1010 = tpu.vector_load %arg9[%swap3A_1008, %swap3A_1009] {strides = array<i32>} : memref<2x7680xf32, #tpu.memory_space<vmem>>, vector<1x16xf32>,
        %swap3A_1011 = vector.shape_cast %swap3A_1010 : vector<1x16xf32> to vector<16xf32>
        %swap3A_1012 = vector.shape_cast %get3A_1004 : vector<16xf32> to vector<1x16xf32>
        tpu.vector_store %arg9[%swap3A_1008, %swap3A_1009], %swap3A_1012 {strides = array<i32>} : memref<2x7680xf32, #tpu.memory_space<vmem>>, vector<1x16xf32>,
        %slice3A_1013 = vector.extract_strided_slice %mul3A_179 {offsets = [11], sizes = [1], strides = [1]} : vector<16xi32> to vector<1xi32>
        %squeeze3A_1014 = vector.extract %slice3A_1013[0] : i32 from vector<1xi32>
        %mul3A_1015 = arith.constant 16 : i32
        %mul3A_1016 = arith.muli %scan3A_167, %mul3A_1015 : i32
        %add3A_1017 = arith.constant 11 : i32
        %add3A_1018 = arith.addi %mul3A_1016, %add3A_1017 : i32
        %mul3A_1019 = arith.constant 60 : i32
        %mul3A_1020 = arith.muli %mul3A_1019, %add3A_1018 : i32
        %add3A_1021 = arith.constant 0 : i32
        %add3A_1022 = arith.addi %squeeze3A_1014, %add3A_1021 : i32
        %get3A_1023 = arith.constant 0 : i32
        %get3A_1024 = arith.constant 0 : i32
        %get3A_1025 = tpu.memref_slice %arg8[%get3A_1023, %add3A_1018, %get3A_1024] : memref<2x128x120xf32, #tpu.memory_space<vmem>> -> memref<1x1x120xf32, #tpu.memory_space<vmem>>
        %get3A_1026 = tpu.memref_squeeze %get3A_1025 : memref<1x1x120xf32, #tpu.memory_space<vmem>> -> memref<120xf32, #tpu.memory_space<vmem>>
        %get3A_1027 = arith.index_cast %add3A_1022 : i32 to index
        %get3A_1028 = tpu.vector_load %get3A_1026[%get3A_1027] {strides = array<i32>} : memref<120xf32, #tpu.memory_space<vmem>>, vector<16xf32>,
        %get3A_1029 = vector.shape_cast %get3A_1028 : vector<16xf32> to vector<16xf32>
        %add3A_1030 = arith.constant 0 : i32
        %add3A_1031 = arith.addi %mul3A_1020, %add3A_1030 : i32
        %swap3A_1032 = arith.constant 0 : i32
        %swap3A_1033 = arith.index_cast %swap3A_1032 : i32 to index
        %swap3A_1034 = arith.index_cast %add3A_1031 : i32 to index
        %swap3A_1035 = tpu.vector_load %arg9[%swap3A_1033, %swap3A_1034] {strides = array<i32>} : memref<2x7680xf32, #tpu.memory_space<vmem>>, vector<1x16xf32>,
        %swap3A_1036 = vector.shape_cast %swap3A_1035 : vector<1x16xf32> to vector<16xf32>
        %swap3A_1037 = vector.shape_cast %get3A_1029 : vector<16xf32> to vector<1x16xf32>
        tpu.vector_store %arg9[%swap3A_1033, %swap3A_1034], %swap3A_1037 {strides = array<i32>} : memref<2x7680xf32, #tpu.memory_space<vmem>>, vector<1x16xf32>,
        %add3A_1038 = arith.constant 16 : i32
        %add3A_1039 = arith.addi %squeeze3A_1014, %add3A_1038 : i32
        %get3A_1040 = arith.constant 0 : i32
        %get3A_1041 = arith.constant 0 : i32
        %get3A_1042 = tpu.memref_slice %arg8[%get3A_1040, %add3A_1018, %get3A_1041] : memref<2x128x120xf32, #tpu.memory_space<vmem>> -> memref<1x1x120xf32, #tpu.memory_space<vmem>>
        %get3A_1043 = tpu.memref_squeeze %get3A_1042 : memref<1x1x120xf32, #tpu.memory_space<vmem>> -> memref<120xf32, #tpu.memory_space<vmem>>
        %get3A_1044 = arith.index_cast %add3A_1039 : i32 to index
        %get3A_1045 = tpu.vector_load %get3A_1043[%get3A_1044] {strides = array<i32>} : memref<120xf32, #tpu.memory_space<vmem>>, vector<16xf32>,
        %get3A_1046 = vector.shape_cast %get3A_1045 : vector<16xf32> to vector<16xf32>
        %add3A_1047 = arith.constant 16 : i32
        %add3A_1048 = arith.addi %mul3A_1020, %add3A_1047 : i32
        %swap3A_1049 = arith.constant 0 : i32
        %swap3A_1050 = arith.index_cast %swap3A_1049 : i32 to index
        %swap3A_1051 = arith.index_cast %add3A_1048 : i32 to index
        %swap3A_1052 = tpu.vector_load %arg9[%swap3A_1050, %swap3A_1051] {strides = array<i32>} : memref<2x7680xf32, #tpu.memory_space<vmem>>, vector<1x16xf32>,
        %swap3A_1053 = vector.shape_cast %swap3A_1052 : vector<1x16xf32> to vector<16xf32>
        %swap3A_1054 = vector.shape_cast %get3A_1046 : vector<16xf32> to vector<1x16xf32>
        tpu.vector_store %arg9[%swap3A_1050, %swap3A_1051], %swap3A_1054 {strides = array<i32>} : memref<2x7680xf32, #tpu.memory_space<vmem>>, vector<1x16xf32>,
        %add3A_1055 = arith.constant 32 : i32
        %add3A_1056 = arith.addi %squeeze3A_1014, %add3A_1055 : i32
        %get3A_1057 = arith.constant 0 : i32
        %get3A_1058 = arith.constant 0 : i32
        %get3A_1059 = tpu.memref_slice %arg8[%get3A_1057, %add3A_1018, %get3A_1058] : memref<2x128x120xf32, #tpu.memory_space<vmem>> -> memref<1x1x120xf32, #tpu.memory_space<vmem>>
        %get3A_1060 = tpu.memref_squeeze %get3A_1059 : memref<1x1x120xf32, #tpu.memory_space<vmem>> -> memref<120xf32, #tpu.memory_space<vmem>>
        %get3A_1061 = arith.index_cast %add3A_1056 : i32 to index
        %get3A_1062 = tpu.vector_load %get3A_1060[%get3A_1061] {strides = array<i32>} : memref<120xf32, #tpu.memory_space<vmem>>, vector<16xf32>,
        %get3A_1063 = vector.shape_cast %get3A_1062 : vector<16xf32> to vector<16xf32>
        %add3A_1064 = arith.constant 32 : i32
        %add3A_1065 = arith.addi %mul3A_1020, %add3A_1064 : i32
        %swap3A_1066 = arith.constant 0 : i32
        %swap3A_1067 = arith.index_cast %swap3A_1066 : i32 to index
        %swap3A_1068 = arith.index_cast %add3A_1065 : i32 to index
        %swap3A_1069 = tpu.vector_load %arg9[%swap3A_1067, %swap3A_1068] {strides = array<i32>} : memref<2x7680xf32, #tpu.memory_space<vmem>>, vector<1x16xf32>,
        %swap3A_1070 = vector.shape_cast %swap3A_1069 : vector<1x16xf32> to vector<16xf32>
        %swap3A_1071 = vector.shape_cast %get3A_1063 : vector<16xf32> to vector<1x16xf32>
        tpu.vector_store %arg9[%swap3A_1067, %swap3A_1068], %swap3A_1071 {strides = array<i32>} : memref<2x7680xf32, #tpu.memory_space<vmem>>, vector<1x16xf32>,
        %add3A_1072 = arith.constant 44 : i32
        %add3A_1073 = arith.addi %squeeze3A_1014, %add3A_1072 : i32
        %get3A_1074 = arith.constant 0 : i32
        %get3A_1075 = arith.constant 0 : i32
        %get3A_1076 = tpu.memref_slice %arg8[%get3A_1074, %add3A_1018, %get3A_1075] : memref<2x128x120xf32, #tpu.memory_space<vmem>> -> memref<1x1x120xf32, #tpu.memory_space<vmem>>
        %get3A_1077 = tpu.memref_squeeze %get3A_1076 : memref<1x1x120xf32, #tpu.memory_space<vmem>> -> memref<120xf32, #tpu.memory_space<vmem>>
        %get3A_1078 = arith.index_cast %add3A_1073 : i32 to index
        %get3A_1079 = tpu.vector_load %get3A_1077[%get3A_1078] {strides = array<i32>} : memref<120xf32, #tpu.memory_space<vmem>>, vector<16xf32>,
        %get3A_1080 = vector.shape_cast %get3A_1079 : vector<16xf32> to vector<16xf32>
        %add3A_1081 = arith.constant 44 : i32
        %add3A_1082 = arith.addi %mul3A_1020, %add3A_1081 : i32
        %swap3A_1083 = arith.constant 0 : i32
        %swap3A_1084 = arith.index_cast %swap3A_1083 : i32 to index
        %swap3A_1085 = arith.index_cast %add3A_1082 : i32 to index
        %swap3A_1086 = tpu.vector_load %arg9[%swap3A_1084, %swap3A_1085] {strides = array<i32>} : memref<2x7680xf32, #tpu.memory_space<vmem>>, vector<1x16xf32>,
        %swap3A_1087 = vector.shape_cast %swap3A_1086 : vector<1x16xf32> to vector<16xf32>
        %swap3A_1088 = vector.shape_cast %get3A_1080 : vector<16xf32> to vector<1x16xf32>
        tpu.vector_store %arg9[%swap3A_1084, %swap3A_1085], %swap3A_1088 {strides = array<i32>} : memref<2x7680xf32, #tpu.memory_space<vmem>>, vector<1x16xf32>,
        %slice3A_1089 = vector.extract_strided_slice %mul3A_179 {offsets = [12], sizes = [1], strides = [1]} : vector<16xi32> to vector<1xi32>
        %squeeze3A_1090 = vector.extract %slice3A_1089[0] : i32 from vector<1xi32>
        %mul3A_1091 = arith.constant 16 : i32
        %mul3A_1092 = arith.muli %scan3A_167, %mul3A_1091 : i32
        %add3A_1093 = arith.constant 12 : i32
        %add3A_1094 = arith.addi %mul3A_1092, %add3A_1093 : i32
        %mul3A_1095 = arith.constant 60 : i32
        %mul3A_1096 = arith.muli %mul3A_1095, %add3A_1094 : i32
        %add3A_1097 = arith.constant 0 : i32
        %add3A_1098 = arith.addi %squeeze3A_1090, %add3A_1097 : i32
        %get3A_1099 = arith.constant 0 : i32
        %get3A_1100 = arith.constant 0 : i32
        %get3A_1101 = tpu.memref_slice %arg8[%get3A_1099, %add3A_1094, %get3A_1100] : memref<2x128x120xf32, #tpu.memory_space<vmem>> -> memref<1x1x120xf32, #tpu.memory_space<vmem>>
        %get3A_1102 = tpu.memref_squeeze %get3A_1101 : memref<1x1x120xf32, #tpu.memory_space<vmem>> -> memref<120xf32, #tpu.memory_space<vmem>>
        %get3A_1103 = arith.index_cast %add3A_1098 : i32 to index
        %get3A_1104 = tpu.vector_load %get3A_1102[%get3A_1103] {strides = array<i32>} : memref<120xf32, #tpu.memory_space<vmem>>, vector<16xf32>,
        %get3A_1105 = vector.shape_cast %get3A_1104 : vector<16xf32> to vector<16xf32>
        %add3A_1106 = arith.constant 0 : i32
        %add3A_1107 = arith.addi %mul3A_1096, %add3A_1106 : i32
        %swap3A_1108 = arith.constant 0 : i32
        %swap3A_1109 = arith.index_cast %swap3A_1108 : i32 to index
        %swap3A_1110 = arith.index_cast %add3A_1107 : i32 to index
        %swap3A_1111 = tpu.vector_load %arg9[%swap3A_1109, %swap3A_1110] {strides = array<i32>} : memref<2x7680xf32, #tpu.memory_space<vmem>>, vector<1x16xf32>,
        %swap3A_1112 = vector.shape_cast %swap3A_1111 : vector<1x16xf32> to vector<16xf32>
        %swap3A_1113 = vector.shape_cast %get3A_1105 : vector<16xf32> to vector<1x16xf32>
        tpu.vector_store %arg9[%swap3A_1109, %swap3A_1110], %swap3A_1113 {strides = array<i32>} : memref<2x7680xf32, #tpu.memory_space<vmem>>, vector<1x16xf32>,
        %add3A_1114 = arith.constant 16 : i32
        %add3A_1115 = arith.addi %squeeze3A_1090, %add3A_1114 : i32
        %get3A_1116 = arith.constant 0 : i32
        %get3A_1117 = arith.constant 0 : i32
        %get3A_1118 = tpu.memref_slice %arg8[%get3A_1116, %add3A_1094, %get3A_1117] : memref<2x128x120xf32, #tpu.memory_space<vmem>> -> memref<1x1x120xf32, #tpu.memory_space<vmem>>
        %get3A_1119 = tpu.memref_squeeze %get3A_1118 : memref<1x1x120xf32, #tpu.memory_space<vmem>> -> memref<120xf32, #tpu.memory_space<vmem>>
        %get3A_1120 = arith.index_cast %add3A_1115 : i32 to index
        %get3A_1121 = tpu.vector_load %get3A_1119[%get3A_1120] {strides = array<i32>} : memref<120xf32, #tpu.memory_space<vmem>>, vector<16xf32>,
        %get3A_1122 = vector.shape_cast %get3A_1121 : vector<16xf32> to vector<16xf32>
        %add3A_1123 = arith.constant 16 : i32
        %add3A_1124 = arith.addi %mul3A_1096, %add3A_1123 : i32
        %swap3A_1125 = arith.constant 0 : i32
        %swap3A_1126 = arith.index_cast %swap3A_1125 : i32 to index
        %swap3A_1127 = arith.index_cast %add3A_1124 : i32 to index
        %swap3A_1128 = tpu.vector_load %arg9[%swap3A_1126, %swap3A_1127] {strides = array<i32>} : memref<2x7680xf32, #tpu.memory_space<vmem>>, vector<1x16xf32>,
        %swap3A_1129 = vector.shape_cast %swap3A_1128 : vector<1x16xf32> to vector<16xf32>
        %swap3A_1130 = vector.shape_cast %get3A_1122 : vector<16xf32> to vector<1x16xf32>
        tpu.vector_store %arg9[%swap3A_1126, %swap3A_1127], %swap3A_1130 {strides = array<i32>} : memref<2x7680xf32, #tpu.memory_space<vmem>>, vector<1x16xf32>,
        %add3A_1131 = arith.constant 32 : i32
        %add3A_1132 = arith.addi %squeeze3A_1090, %add3A_1131 : i32
        %get3A_1133 = arith.constant 0 : i32
        %get3A_1134 = arith.constant 0 : i32
        %get3A_1135 = tpu.memref_slice %arg8[%get3A_1133, %add3A_1094, %get3A_1134] : memref<2x128x120xf32, #tpu.memory_space<vmem>> -> memref<1x1x120xf32, #tpu.memory_space<vmem>>
        %get3A_1136 = tpu.memref_squeeze %get3A_1135 : memref<1x1x120xf32, #tpu.memory_space<vmem>> -> memref<120xf32, #tpu.memory_space<vmem>>
        %get3A_1137 = arith.index_cast %add3A_1132 : i32 to index
        %get3A_1138 = tpu.vector_load %get3A_1136[%get3A_1137] {strides = array<i32>} : memref<120xf32, #tpu.memory_space<vmem>>, vector<16xf32>,
        %get3A_1139 = vector.shape_cast %get3A_1138 : vector<16xf32> to vector<16xf32>
        %add3A_1140 = arith.constant 32 : i32
        %add3A_1141 = arith.addi %mul3A_1096, %add3A_1140 : i32
        %swap3A_1142 = arith.constant 0 : i32
        %swap3A_1143 = arith.index_cast %swap3A_1142 : i32 to index
        %swap3A_1144 = arith.index_cast %add3A_1141 : i32 to index
        %swap3A_1145 = tpu.vector_load %arg9[%swap3A_1143, %swap3A_1144] {strides = array<i32>} : memref<2x7680xf32, #tpu.memory_space<vmem>>, vector<1x16xf32>,
        %swap3A_1146 = vector.shape_cast %swap3A_1145 : vector<1x16xf32> to vector<16xf32>
        %swap3A_1147 = vector.shape_cast %get3A_1139 : vector<16xf32> to vector<1x16xf32>
        tpu.vector_store %arg9[%swap3A_1143, %swap3A_1144], %swap3A_1147 {strides = array<i32>} : memref<2x7680xf32, #tpu.memory_space<vmem>>, vector<1x16xf32>,
        %add3A_1148 = arith.constant 44 : i32
        %add3A_1149 = arith.addi %squeeze3A_1090, %add3A_1148 : i32
        %get3A_1150 = arith.constant 0 : i32
        %get3A_1151 = arith.constant 0 : i32
        %get3A_1152 = tpu.memref_slice %arg8[%get3A_1150, %add3A_1094, %get3A_1151] : memref<2x128x120xf32, #tpu.memory_space<vmem>> -> memref<1x1x120xf32, #tpu.memory_space<vmem>>
        %get3A_1153 = tpu.memref_squeeze %get3A_1152 : memref<1x1x120xf32, #tpu.memory_space<vmem>> -> memref<120xf32, #tpu.memory_space<vmem>>
        %get3A_1154 = arith.index_cast %add3A_1149 : i32 to index
        %get3A_1155 = tpu.vector_load %get3A_1153[%get3A_1154] {strides = array<i32>} : memref<120xf32, #tpu.memory_space<vmem>>, vector<16xf32>,
        %get3A_1156 = vector.shape_cast %get3A_1155 : vector<16xf32> to vector<16xf32>
        %add3A_1157 = arith.constant 44 : i32
        %add3A_1158 = arith.addi %mul3A_1096, %add3A_1157 : i32
        %swap3A_1159 = arith.constant 0 : i32
        %swap3A_1160 = arith.index_cast %swap3A_1159 : i32 to index
        %swap3A_1161 = arith.index_cast %add3A_1158 : i32 to index
        %swap3A_1162 = tpu.vector_load %arg9[%swap3A_1160, %swap3A_1161] {strides = array<i32>} : memref<2x7680xf32, #tpu.memory_space<vmem>>, vector<1x16xf32>,
        %swap3A_1163 = vector.shape_cast %swap3A_1162 : vector<1x16xf32> to vector<16xf32>
        %swap3A_1164 = vector.shape_cast %get3A_1156 : vector<16xf32> to vector<1x16xf32>
        tpu.vector_store %arg9[%swap3A_1160, %swap3A_1161], %swap3A_1164 {strides = array<i32>} : memref<2x7680xf32, #tpu.memory_space<vmem>>, vector<1x16xf32>,
        %slice3A_1165 = vector.extract_strided_slice %mul3A_179 {offsets = [13], sizes = [1], strides = [1]} : vector<16xi32> to vector<1xi32>
        %squeeze3A_1166 = vector.extract %slice3A_1165[0] : i32 from vector<1xi32>
        %mul3A_1167 = arith.constant 16 : i32
        %mul3A_1168 = arith.muli %scan3A_167, %mul3A_1167 : i32
        %add3A_1169 = arith.constant 13 : i32
        %add3A_1170 = arith.addi %mul3A_1168, %add3A_1169 : i32
        %mul3A_1171 = arith.constant 60 : i32
        %mul3A_1172 = arith.muli %mul3A_1171, %add3A_1170 : i32
        %add3A_1173 = arith.constant 0 : i32
        %add3A_1174 = arith.addi %squeeze3A_1166, %add3A_1173 : i32
        %get3A_1175 = arith.constant 0 : i32
        %get3A_1176 = arith.constant 0 : i32
        %get3A_1177 = tpu.memref_slice %arg8[%get3A_1175, %add3A_1170, %get3A_1176] : memref<2x128x120xf32, #tpu.memory_space<vmem>> -> memref<1x1x120xf32, #tpu.memory_space<vmem>>
        %get3A_1178 = tpu.memref_squeeze %get3A_1177 : memref<1x1x120xf32, #tpu.memory_space<vmem>> -> memref<120xf32, #tpu.memory_space<vmem>>
        %get3A_1179 = arith.index_cast %add3A_1174 : i32 to index
        %get3A_1180 = tpu.vector_load %get3A_1178[%get3A_1179] {strides = array<i32>} : memref<120xf32, #tpu.memory_space<vmem>>, vector<16xf32>,
        %get3A_1181 = vector.shape_cast %get3A_1180 : vector<16xf32> to vector<16xf32>
        %add3A_1182 = arith.constant 0 : i32
        %add3A_1183 = arith.addi %mul3A_1172, %add3A_1182 : i32
        %swap3A_1184 = arith.constant 0 : i32
        %swap3A_1185 = arith.index_cast %swap3A_1184 : i32 to index
        %swap3A_1186 = arith.index_cast %add3A_1183 : i32 to index
        %swap3A_1187 = tpu.vector_load %arg9[%swap3A_1185, %swap3A_1186] {strides = array<i32>} : memref<2x7680xf32, #tpu.memory_space<vmem>>, vector<1x16xf32>,
        %swap3A_1188 = vector.shape_cast %swap3A_1187 : vector<1x16xf32> to vector<16xf32>
        %swap3A_1189 = vector.shape_cast %get3A_1181 : vector<16xf32> to vector<1x16xf32>
        tpu.vector_store %arg9[%swap3A_1185, %swap3A_1186], %swap3A_1189 {strides = array<i32>} : memref<2x7680xf32, #tpu.memory_space<vmem>>, vector<1x16xf32>,
        %add3A_1190 = arith.constant 16 : i32
        %add3A_1191 = arith.addi %squeeze3A_1166, %add3A_1190 : i32
        %get3A_1192 = arith.constant 0 : i32
        %get3A_1193 = arith.constant 0 : i32
        %get3A_1194 = tpu.memref_slice %arg8[%get3A_1192, %add3A_1170, %get3A_1193] : memref<2x128x120xf32, #tpu.memory_space<vmem>> -> memref<1x1x120xf32, #tpu.memory_space<vmem>>
        %get3A_1195 = tpu.memref_squeeze %get3A_1194 : memref<1x1x120xf32, #tpu.memory_space<vmem>> -> memref<120xf32, #tpu.memory_space<vmem>>
        %get3A_1196 = arith.index_cast %add3A_1191 : i32 to index
        %get3A_1197 = tpu.vector_load %get3A_1195[%get3A_1196] {strides = array<i32>} : memref<120xf32, #tpu.memory_space<vmem>>, vector<16xf32>,
        %get3A_1198 = vector.shape_cast %get3A_1197 : vector<16xf32> to vector<16xf32>
        %add3A_1199 = arith.constant 16 : i32
        %add3A_1200 = arith.addi %mul3A_1172, %add3A_1199 : i32
        %swap3A_1201 = arith.constant 0 : i32
        %swap3A_1202 = arith.index_cast %swap3A_1201 : i32 to index
        %swap3A_1203 = arith.index_cast %add3A_1200 : i32 to index
        %swap3A_1204 = tpu.vector_load %arg9[%swap3A_1202, %swap3A_1203] {strides = array<i32>} : memref<2x7680xf32, #tpu.memory_space<vmem>>, vector<1x16xf32>,
        %swap3A_1205 = vector.shape_cast %swap3A_1204 : vector<1x16xf32> to vector<16xf32>
        %swap3A_1206 = vector.shape_cast %get3A_1198 : vector<16xf32> to vector<1x16xf32>
        tpu.vector_store %arg9[%swap3A_1202, %swap3A_1203], %swap3A_1206 {strides = array<i32>} : memref<2x7680xf32, #tpu.memory_space<vmem>>, vector<1x16xf32>,
        %add3A_1207 = arith.constant 32 : i32
        %add3A_1208 = arith.addi %squeeze3A_1166, %add3A_1207 : i32
        %get3A_1209 = arith.constant 0 : i32
        %get3A_1210 = arith.constant 0 : i32
        %get3A_1211 = tpu.memref_slice %arg8[%get3A_1209, %add3A_1170, %get3A_1210] : memref<2x128x120xf32, #tpu.memory_space<vmem>> -> memref<1x1x120xf32, #tpu.memory_space<vmem>>
        %get3A_1212 = tpu.memref_squeeze %get3A_1211 : memref<1x1x120xf32, #tpu.memory_space<vmem>> -> memref<120xf32, #tpu.memory_space<vmem>>
        %get3A_1213 = arith.index_cast %add3A_1208 : i32 to index
        %get3A_1214 = tpu.vector_load %get3A_1212[%get3A_1213] {strides = array<i32>} : memref<120xf32, #tpu.memory_space<vmem>>, vector<16xf32>,
        %get3A_1215 = vector.shape_cast %get3A_1214 : vector<16xf32> to vector<16xf32>
        %add3A_1216 = arith.constant 32 : i32
        %add3A_1217 = arith.addi %mul3A_1172, %add3A_1216 : i32
        %swap3A_1218 = arith.constant 0 : i32
        %swap3A_1219 = arith.index_cast %swap3A_1218 : i32 to index
        %swap3A_1220 = arith.index_cast %add3A_1217 : i32 to index
        %swap3A_1221 = tpu.vector_load %arg9[%swap3A_1219, %swap3A_1220] {strides = array<i32>} : memref<2x7680xf32, #tpu.memory_space<vmem>>, vector<1x16xf32>,
        %swap3A_1222 = vector.shape_cast %swap3A_1221 : vector<1x16xf32> to vector<16xf32>
        %swap3A_1223 = vector.shape_cast %get3A_1215 : vector<16xf32> to vector<1x16xf32>
        tpu.vector_store %arg9[%swap3A_1219, %swap3A_1220], %swap3A_1223 {strides = array<i32>} : memref<2x7680xf32, #tpu.memory_space<vmem>>, vector<1x16xf32>,
        %add3A_1224 = arith.constant 44 : i32
        %add3A_1225 = arith.addi %squeeze3A_1166, %add3A_1224 : i32
        %get3A_1226 = arith.constant 0 : i32
        %get3A_1227 = arith.constant 0 : i32
        %get3A_1228 = tpu.memref_slice %arg8[%get3A_1226, %add3A_1170, %get3A_1227] : memref<2x128x120xf32, #tpu.memory_space<vmem>> -> memref<1x1x120xf32, #tpu.memory_space<vmem>>
        %get3A_1229 = tpu.memref_squeeze %get3A_1228 : memref<1x1x120xf32, #tpu.memory_space<vmem>> -> memref<120xf32, #tpu.memory_space<vmem>>
        %get3A_1230 = arith.index_cast %add3A_1225 : i32 to index
        %get3A_1231 = tpu.vector_load %get3A_1229[%get3A_1230] {strides = array<i32>} : memref<120xf32, #tpu.memory_space<vmem>>, vector<16xf32>,
        %get3A_1232 = vector.shape_cast %get3A_1231 : vector<16xf32> to vector<16xf32>
        %add3A_1233 = arith.constant 44 : i32
        %add3A_1234 = arith.addi %mul3A_1172, %add3A_1233 : i32
        %swap3A_1235 = arith.constant 0 : i32
        %swap3A_1236 = arith.index_cast %swap3A_1235 : i32 to index
        %swap3A_1237 = arith.index_cast %add3A_1234 : i32 to index
        %swap3A_1238 = tpu.vector_load %arg9[%swap3A_1236, %swap3A_1237] {strides = array<i32>} : memref<2x7680xf32, #tpu.memory_space<vmem>>, vector<1x16xf32>,
        %swap3A_1239 = vector.shape_cast %swap3A_1238 : vector<1x16xf32> to vector<16xf32>
        %swap3A_1240 = vector.shape_cast %get3A_1232 : vector<16xf32> to vector<1x16xf32>
        tpu.vector_store %arg9[%swap3A_1236, %swap3A_1237], %swap3A_1240 {strides = array<i32>} : memref<2x7680xf32, #tpu.memory_space<vmem>>, vector<1x16xf32>,
        %slice3A_1241 = vector.extract_strided_slice %mul3A_179 {offsets = [14], sizes = [1], strides = [1]} : vector<16xi32> to vector<1xi32>
        %squeeze3A_1242 = vector.extract %slice3A_1241[0] : i32 from vector<1xi32>
        %mul3A_1243 = arith.constant 16 : i32
        %mul3A_1244 = arith.muli %scan3A_167, %mul3A_1243 : i32
        %add3A_1245 = arith.constant 14 : i32
        %add3A_1246 = arith.addi %mul3A_1244, %add3A_1245 : i32
        %mul3A_1247 = arith.constant 60 : i32
        %mul3A_1248 = arith.muli %mul3A_1247, %add3A_1246 : i32
        %add3A_1249 = arith.constant 0 : i32
        %add3A_1250 = arith.addi %squeeze3A_1242, %add3A_1249 : i32
        %get3A_1251 = arith.constant 0 : i32
        %get3A_1252 = arith.constant 0 : i32
        %get3A_1253 = tpu.memref_slice %arg8[%get3A_1251, %add3A_1246, %get3A_1252] : memref<2x128x120xf32, #tpu.memory_space<vmem>> -> memref<1x1x120xf32, #tpu.memory_space<vmem>>
        %get3A_1254 = tpu.memref_squeeze %get3A_1253 : memref<1x1x120xf32, #tpu.memory_space<vmem>> -> memref<120xf32, #tpu.memory_space<vmem>>
        %get3A_1255 = arith.index_cast %add3A_1250 : i32 to index
        %get3A_1256 = tpu.vector_load %get3A_1254[%get3A_1255] {strides = array<i32>} : memref<120xf32, #tpu.memory_space<vmem>>, vector<16xf32>,
        %get3A_1257 = vector.shape_cast %get3A_1256 : vector<16xf32> to vector<16xf32>
        %add3A_1258 = arith.constant 0 : i32
        %add3A_1259 = arith.addi %mul3A_1248, %add3A_1258 : i32
        %swap3A_1260 = arith.constant 0 : i32
        %swap3A_1261 = arith.index_cast %swap3A_1260 : i32 to index
        %swap3A_1262 = arith.index_cast %add3A_1259 : i32 to index
        %swap3A_1263 = tpu.vector_load %arg9[%swap3A_1261, %swap3A_1262] {strides = array<i32>} : memref<2x7680xf32, #tpu.memory_space<vmem>>, vector<1x16xf32>,
        %swap3A_1264 = vector.shape_cast %swap3A_1263 : vector<1x16xf32> to vector<16xf32>
        %swap3A_1265 = vector.shape_cast %get3A_1257 : vector<16xf32> to vector<1x16xf32>
        tpu.vector_store %arg9[%swap3A_1261, %swap3A_1262], %swap3A_1265 {strides = array<i32>} : memref<2x7680xf32, #tpu.memory_space<vmem>>, vector<1x16xf32>,
        %add3A_1266 = arith.constant 16 : i32
        %add3A_1267 = arith.addi %squeeze3A_1242, %add3A_1266 : i32
        %get3A_1268 = arith.constant 0 : i32
        %get3A_1269 = arith.constant 0 : i32
        %get3A_1270 = tpu.memref_slice %arg8[%get3A_1268, %add3A_1246, %get3A_1269] : memref<2x128x120xf32, #tpu.memory_space<vmem>> -> memref<1x1x120xf32, #tpu.memory_space<vmem>>
        %get3A_1271 = tpu.memref_squeeze %get3A_1270 : memref<1x1x120xf32, #tpu.memory_space<vmem>> -> memref<120xf32, #tpu.memory_space<vmem>>
        %get3A_1272 = arith.index_cast %add3A_1267 : i32 to index
        %get3A_1273 = tpu.vector_load %get3A_1271[%get3A_1272] {strides = array<i32>} : memref<120xf32, #tpu.memory_space<vmem>>, vector<16xf32>,
        %get3A_1274 = vector.shape_cast %get3A_1273 : vector<16xf32> to vector<16xf32>
        %add3A_1275 = arith.constant 16 : i32
        %add3A_1276 = arith.addi %mul3A_1248, %add3A_1275 : i32
        %swap3A_1277 = arith.constant 0 : i32
        %swap3A_1278 = arith.index_cast %swap3A_1277 : i32 to index
        %swap3A_1279 = arith.index_cast %add3A_1276 : i32 to index
        %swap3A_1280 = tpu.vector_load %arg9[%swap3A_1278, %swap3A_1279] {strides = array<i32>} : memref<2x7680xf32, #tpu.memory_space<vmem>>, vector<1x16xf32>,
        %swap3A_1281 = vector.shape_cast %swap3A_1280 : vector<1x16xf32> to vector<16xf32>
        %swap3A_1282 = vector.shape_cast %get3A_1274 : vector<16xf32> to vector<1x16xf32>
        tpu.vector_store %arg9[%swap3A_1278, %swap3A_1279], %swap3A_1282 {strides = array<i32>} : memref<2x7680xf32, #tpu.memory_space<vmem>>, vector<1x16xf32>,
        %add3A_1283 = arith.constant 32 : i32
        %add3A_1284 = arith.addi %squeeze3A_1242, %add3A_1283 : i32
        %get3A_1285 = arith.constant 0 : i32
        %get3A_1286 = arith.constant 0 : i32
        %get3A_1287 = tpu.memref_slice %arg8[%get3A_1285, %add3A_1246, %get3A_1286] : memref<2x128x120xf32, #tpu.memory_space<vmem>> -> memref<1x1x120xf32, #tpu.memory_space<vmem>>
        %get3A_1288 = tpu.memref_squeeze %get3A_1287 : memref<1x1x120xf32, #tpu.memory_space<vmem>> -> memref<120xf32, #tpu.memory_space<vmem>>
        %get3A_1289 = arith.index_cast %add3A_1284 : i32 to index
        %get3A_1290 = tpu.vector_load %get3A_1288[%get3A_1289] {strides = array<i32>} : memref<120xf32, #tpu.memory_space<vmem>>, vector<16xf32>,
        %get3A_1291 = vector.shape_cast %get3A_1290 : vector<16xf32> to vector<16xf32>
        %add3A_1292 = arith.constant 32 : i32
        %add3A_1293 = arith.addi %mul3A_1248, %add3A_1292 : i32
        %swap3A_1294 = arith.constant 0 : i32
        %swap3A_1295 = arith.index_cast %swap3A_1294 : i32 to index
        %swap3A_1296 = arith.index_cast %add3A_1293 : i32 to index
        %swap3A_1297 = tpu.vector_load %arg9[%swap3A_1295, %swap3A_1296] {strides = array<i32>} : memref<2x7680xf32, #tpu.memory_space<vmem>>, vector<1x16xf32>,
        %swap3A_1298 = vector.shape_cast %swap3A_1297 : vector<1x16xf32> to vector<16xf32>
        %swap3A_1299 = vector.shape_cast %get3A_1291 : vector<16xf32> to vector<1x16xf32>
        tpu.vector_store %arg9[%swap3A_1295, %swap3A_1296], %swap3A_1299 {strides = array<i32>} : memref<2x7680xf32, #tpu.memory_space<vmem>>, vector<1x16xf32>,
        %add3A_1300 = arith.constant 44 : i32
        %add3A_1301 = arith.addi %squeeze3A_1242, %add3A_1300 : i32
        %get3A_1302 = arith.constant 0 : i32
        %get3A_1303 = arith.constant 0 : i32
        %get3A_1304 = tpu.memref_slice %arg8[%get3A_1302, %add3A_1246, %get3A_1303] : memref<2x128x120xf32, #tpu.memory_space<vmem>> -> memref<1x1x120xf32, #tpu.memory_space<vmem>>
        %get3A_1305 = tpu.memref_squeeze %get3A_1304 : memref<1x1x120xf32, #tpu.memory_space<vmem>> -> memref<120xf32, #tpu.memory_space<vmem>>
        %get3A_1306 = arith.index_cast %add3A_1301 : i32 to index
        %get3A_1307 = tpu.vector_load %get3A_1305[%get3A_1306] {strides = array<i32>} : memref<120xf32, #tpu.memory_space<vmem>>, vector<16xf32>,
        %get3A_1308 = vector.shape_cast %get3A_1307 : vector<16xf32> to vector<16xf32>
        %add3A_1309 = arith.constant 44 : i32
        %add3A_1310 = arith.addi %mul3A_1248, %add3A_1309 : i32
        %swap3A_1311 = arith.constant 0 : i32
        %swap3A_1312 = arith.index_cast %swap3A_1311 : i32 to index
        %swap3A_1313 = arith.index_cast %add3A_1310 : i32 to index
        %swap3A_1314 = tpu.vector_load %arg9[%swap3A_1312, %swap3A_1313] {strides = array<i32>} : memref<2x7680xf32, #tpu.memory_space<vmem>>, vector<1x16xf32>,
        %swap3A_1315 = vector.shape_cast %swap3A_1314 : vector<1x16xf32> to vector<16xf32>
        %swap3A_1316 = vector.shape_cast %get3A_1308 : vector<16xf32> to vector<1x16xf32>
        tpu.vector_store %arg9[%swap3A_1312, %swap3A_1313], %swap3A_1316 {strides = array<i32>} : memref<2x7680xf32, #tpu.memory_space<vmem>>, vector<1x16xf32>,
        %slice3A_1317 = vector.extract_strided_slice %mul3A_179 {offsets = [15], sizes = [1], strides = [1]} : vector<16xi32> to vector<1xi32>
        %squeeze3A_1318 = vector.extract %slice3A_1317[0] : i32 from vector<1xi32>
        %mul3A_1319 = arith.constant 16 : i32
        %mul3A_1320 = arith.muli %scan3A_167, %mul3A_1319 : i32
        %add3A_1321 = arith.constant 15 : i32
        %add3A_1322 = arith.addi %mul3A_1320, %add3A_1321 : i32
        %mul3A_1323 = arith.constant 60 : i32
        %mul3A_1324 = arith.muli %mul3A_1323, %add3A_1322 : i32
        %add3A_1325 = arith.constant 0 : i32
        %add3A_1326 = arith.addi %squeeze3A_1318, %add3A_1325 : i32
        %get3A_1327 = arith.constant 0 : i32
        %get3A_1328 = arith.constant 0 : i32
        %get3A_1329 = tpu.memref_slice %arg8[%get3A_1327, %add3A_1322, %get3A_1328] : memref<2x128x120xf32, #tpu.memory_space<vmem>> -> memref<1x1x120xf32, #tpu.memory_space<vmem>>
        %get3A_1330 = tpu.memref_squeeze %get3A_1329 : memref<1x1x120xf32, #tpu.memory_space<vmem>> -> memref<120xf32, #tpu.memory_space<vmem>>
        %get3A_1331 = arith.index_cast %add3A_1326 : i32 to index
        %get3A_1332 = tpu.vector_load %get3A_1330[%get3A_1331] {strides = array<i32>} : memref<120xf32, #tpu.memory_space<vmem>>, vector<16xf32>,
        %get3A_1333 = vector.shape_cast %get3A_1332 : vector<16xf32> to vector<16xf32>
        %add3A_1334 = arith.constant 0 : i32
        %add3A_1335 = arith.addi %mul3A_1324, %add3A_1334 : i32
        %swap3A_1336 = arith.constant 0 : i32
        %swap3A_1337 = arith.index_cast %swap3A_1336 : i32 to index
        %swap3A_1338 = arith.index_cast %add3A_1335 : i32 to index
        %swap3A_1339 = tpu.vector_load %arg9[%swap3A_1337, %swap3A_1338] {strides = array<i32>} : memref<2x7680xf32, #tpu.memory_space<vmem>>, vector<1x16xf32>,
        %swap3A_1340 = vector.shape_cast %swap3A_1339 : vector<1x16xf32> to vector<16xf32>
        %swap3A_1341 = vector.shape_cast %get3A_1333 : vector<16xf32> to vector<1x16xf32>
        tpu.vector_store %arg9[%swap3A_1337, %swap3A_1338], %swap3A_1341 {strides = array<i32>} : memref<2x7680xf32, #tpu.memory_space<vmem>>, vector<1x16xf32>,
        %add3A_1342 = arith.constant 16 : i32
        %add3A_1343 = arith.addi %squeeze3A_1318, %add3A_1342 : i32
        %get3A_1344 = arith.constant 0 : i32
        %get3A_1345 = arith.constant 0 : i32
        %get3A_1346 = tpu.memref_slice %arg8[%get3A_1344, %add3A_1322, %get3A_1345] : memref<2x128x120xf32, #tpu.memory_space<vmem>> -> memref<1x1x120xf32, #tpu.memory_space<vmem>>
        %get3A_1347 = tpu.memref_squeeze %get3A_1346 : memref<1x1x120xf32, #tpu.memory_space<vmem>> -> memref<120xf32, #tpu.memory_space<vmem>>
        %get3A_1348 = arith.index_cast %add3A_1343 : i32 to index
        %get3A_1349 = tpu.vector_load %get3A_1347[%get3A_1348] {strides = array<i32>} : memref<120xf32, #tpu.memory_space<vmem>>, vector<16xf32>,
        %get3A_1350 = vector.shape_cast %get3A_1349 : vector<16xf32> to vector<16xf32>
        %add3A_1351 = arith.constant 16 : i32
        %add3A_1352 = arith.addi %mul3A_1324, %add3A_1351 : i32
        %swap3A_1353 = arith.constant 0 : i32
        %swap3A_1354 = arith.index_cast %swap3A_1353 : i32 to index
        %swap3A_1355 = arith.index_cast %add3A_1352 : i32 to index
        %swap3A_1356 = tpu.vector_load %arg9[%swap3A_1354, %swap3A_1355] {strides = array<i32>} : memref<2x7680xf32, #tpu.memory_space<vmem>>, vector<1x16xf32>,
        %swap3A_1357 = vector.shape_cast %swap3A_1356 : vector<1x16xf32> to vector<16xf32>
        %swap3A_1358 = vector.shape_cast %get3A_1350 : vector<16xf32> to vector<1x16xf32>
        tpu.vector_store %arg9[%swap3A_1354, %swap3A_1355], %swap3A_1358 {strides = array<i32>} : memref<2x7680xf32, #tpu.memory_space<vmem>>, vector<1x16xf32>,
        %add3A_1359 = arith.constant 32 : i32
        %add3A_1360 = arith.addi %squeeze3A_1318, %add3A_1359 : i32
        %get3A_1361 = arith.constant 0 : i32
        %get3A_1362 = arith.constant 0 : i32
        %get3A_1363 = tpu.memref_slice %arg8[%get3A_1361, %add3A_1322, %get3A_1362] : memref<2x128x120xf32, #tpu.memory_space<vmem>> -> memref<1x1x120xf32, #tpu.memory_space<vmem>>
        %get3A_1364 = tpu.memref_squeeze %get3A_1363 : memref<1x1x120xf32, #tpu.memory_space<vmem>> -> memref<120xf32, #tpu.memory_space<vmem>>
        %get3A_1365 = arith.index_cast %add3A_1360 : i32 to index
        %get3A_1366 = tpu.vector_load %get3A_1364[%get3A_1365] {strides = array<i32>} : memref<120xf32, #tpu.memory_space<vmem>>, vector<16xf32>,
        %get3A_1367 = vector.shape_cast %get3A_1366 : vector<16xf32> to vector<16xf32>
        %add3A_1368 = arith.constant 32 : i32
        %add3A_1369 = arith.addi %mul3A_1324, %add3A_1368 : i32
        %swap3A_1370 = arith.constant 0 : i32
        %swap3A_1371 = arith.index_cast %swap3A_1370 : i32 to index
        %swap3A_1372 = arith.index_cast %add3A_1369 : i32 to index
        %swap3A_1373 = tpu.vector_load %arg9[%swap3A_1371, %swap3A_1372] {strides = array<i32>} : memref<2x7680xf32, #tpu.memory_space<vmem>>, vector<1x16xf32>,
        %swap3A_1374 = vector.shape_cast %swap3A_1373 : vector<1x16xf32> to vector<16xf32>
        %swap3A_1375 = vector.shape_cast %get3A_1367 : vector<16xf32> to vector<1x16xf32>
        tpu.vector_store %arg9[%swap3A_1371, %swap3A_1372], %swap3A_1375 {strides = array<i32>} : memref<2x7680xf32, #tpu.memory_space<vmem>>, vector<1x16xf32>,
        %add3A_1376 = arith.constant 44 : i32
        %add3A_1377 = arith.addi %squeeze3A_1318, %add3A_1376 : i32
        %get3A_1378 = arith.constant 0 : i32
        %get3A_1379 = arith.constant 0 : i32
        %get3A_1380 = tpu.memref_slice %arg8[%get3A_1378, %add3A_1322, %get3A_1379] : memref<2x128x120xf32, #tpu.memory_space<vmem>> -> memref<1x1x120xf32, #tpu.memory_space<vmem>>
        %get3A_1381 = tpu.memref_squeeze %get3A_1380 : memref<1x1x120xf32, #tpu.memory_space<vmem>> -> memref<120xf32, #tpu.memory_space<vmem>>
        %get3A_1382 = arith.index_cast %add3A_1377 : i32 to index
        %get3A_1383 = tpu.vector_load %get3A_1381[%get3A_1382] {strides = array<i32>} : memref<120xf32, #tpu.memory_space<vmem>>, vector<16xf32>,
        %get3A_1384 = vector.shape_cast %get3A_1383 : vector<16xf32> to vector<16xf32>
        %add3A_1385 = arith.constant 44 : i32
        %add3A_1386 = arith.addi %mul3A_1324, %add3A_1385 : i32
        %swap3A_1387 = arith.constant 0 : i32
        %swap3A_1388 = arith.index_cast %swap3A_1387 : i32 to index
        %swap3A_1389 = arith.index_cast %add3A_1386 : i32 to index
        %swap3A_1390 = tpu.vector_load %arg9[%swap3A_1388, %swap3A_1389] {strides = array<i32>} : memref<2x7680xf32, #tpu.memory_space<vmem>>, vector<1x16xf32>,
        %swap3A_1391 = vector.shape_cast %swap3A_1390 : vector<1x16xf32> to vector<16xf32>
        %swap3A_1392 = vector.shape_cast %get3A_1384 : vector<16xf32> to vector<1x16xf32>
        tpu.vector_store %arg9[%swap3A_1388, %swap3A_1389], %swap3A_1392 {strides = array<i32>} : memref<2x7680xf32, #tpu.memory_space<vmem>>, vector<1x16xf32>,
      }
      %scan3A_90 = arith.constant 8 : i32
      %mul3A_91 = arith.constant 128 : i32
      %mul3A_92 = arith.muli %add3A_64, %mul3A_91 : i32
      %add3A_93 = arith.addi %mul3A_2, %mul3A_92 : i32
      %mul3A_94 = arith.constant 60 : i32
      %mul3A_95 = arith.muli %mul3A_94, %add3A_93 : i32
      %dma_start3A_96 = arith.constant 0 : i32
      %dma_start3A_97 = arith.constant 0 : i32
      %dma_start3A_98 = arith.constant 0 : i32
      %dma_start3A_99 = tpu.memref_slice %arg9[%dma_start3A_96, %dma_start3A_98] : memref<2x7680xf32, #tpu.memory_space<vmem>> -> memref<1x7680xf32, #tpu.memory_space<vmem>>
      %dma_start3A_100 = tpu.memref_squeeze %dma_start3A_99 : memref<1x7680xf32, #tpu.memory_space<vmem>> -> memref<7680xf32, #tpu.memory_space<vmem>>
      %dma_start3A_101 = tpu.memref_slice %arg5[%mul3A_95] : memref<49152000xf32, #tpu.memory_space<hbm>> -> memref<7680xf32, #tpu.memory_space<hbm>>
      %dma_start3A_102 = tpu.memref_slice %arg11[%dma_start3A_97] : memref<2x!tpu.dma_semaphore, #tpu.memory_space<semaphore_mem>> -> memref<1x!tpu.dma_semaphore, #tpu.memory_space<semaphore_mem>>
      %dma_start3A_103 = tpu.memref_squeeze %dma_start3A_102 : memref<1x!tpu.dma_semaphore, #tpu.memory_space<semaphore_mem>> -> memref<!tpu.dma_semaphore, #tpu.memory_space<semaphore_mem>>
      %dma_start3A_104 = tpu.memref_slice %arg5[%mul3A_95] : memref<49152000xf32, #tpu.memory_space<hbm>> -> memref<7680xf32, #tpu.memory_space<hbm>>
      %dma_start3A_105 = arith.constant 0 : i32
      %dma_start3A_106 = tpu.memref_slice %arg9[%dma_start3A_96, %dma_start3A_105] : memref<2x7680xf32, #tpu.memory_space<vmem>> -> memref<1x7680xf32, #tpu.memory_space<vmem>>
      %dma_start3A_107 = tpu.memref_squeeze %dma_start3A_106 : memref<1x7680xf32, #tpu.memory_space<vmem>> -> memref<7680xf32, #tpu.memory_space<vmem>>
      tpu.enqueue_dma source(%dma_start3A_107 : memref<7680xf32, #tpu.memory_space<vmem>>) target(%dma_start3A_104 : memref<7680xf32, #tpu.memory_space<hbm>>) target_semaphore(%dma_start3A_103 : memref<!tpu.dma_semaphore, #tpu.memory_space<semaphore_mem>>)
      %lt3A = arith.constant 99 : i32
      %lt3A_108 = arith.cmpi slt, %scan3A_60, %lt3A : i32
      %convert_element_type3A_109 = arith.extui %lt3A_108 : i1 to i32
      %cond3A_110 = arith.constant 0 : i32
      %cond3A_111 = arith.cmpi ne, %convert_element_type3A_109, %cond3A_110 : i32
      scf.if %cond3A_111 {
        %add3A_167 = arith.constant 2 : i32
        %add3A_168 = arith.addi %add3A_64, %add3A_167 : i32
        %mul3A_169 = arith.constant 128 : i32
        %mul3A_170 = arith.muli %add3A_168, %mul3A_169 : i32
        %dma_start3A_171 = arith.constant 0 : i32
        %dma_start3A_172 = arith.constant 0 : i32
        %dma_start3A_173 = arith.constant 0 : i32
        %dma_start3A_174 = arith.constant 0 : i32
        %dma_start3A_175 = tpu.memref_slice %arg8[%dma_start3A_171, %dma_start3A_173, %dma_start3A_174] : memref<2x128x120xf32, #tpu.memory_space<vmem>> -> memref<1x128x120xf32, #tpu.memory_space<vmem>>
        %dma_start3A_176 = tpu.memref_squeeze %dma_start3A_175 : memref<1x128x120xf32, #tpu.memory_space<vmem>> -> memref<128x120xf32, #tpu.memory_space<vmem>>
        %dma_start3A_177 = tpu.memref_slice %arg7[%mul3A_170] : memref<25600xi32, #tpu.memory_space<vmem>> -> memref<128xi32, #tpu.memory_space<vmem>>
        %dma_start3A_178 = arith.constant 0 : i32
        %dma_start3A_179 = arith.constant 0 : i32
        %dma_start3A_180 = tpu.memref_slice %arg4[%dma_start3A_178, %dma_start3A_179] : memref<500000x120xf32, #tpu.memory_space<hbm>> -> memref<500000x120xf32, #tpu.memory_space<hbm>>
        %dma_start3A_181 = tpu.memref_slice %arg10[%dma_start3A_172] : memref<2x!tpu.dma_semaphore, #tpu.memory_space<semaphore_mem>> -> memref<1x!tpu.dma_semaphore, #tpu.memory_space<semaphore_mem>>
        %dma_start3A_182 = tpu.memref_squeeze %dma_start3A_181 : memref<1x!tpu.dma_semaphore, #tpu.memory_space<semaphore_mem>> -> memref<!tpu.dma_semaphore, #tpu.memory_space<semaphore_mem>>
        tpu.enqueue_indirect_dma source(%dma_start3A_180 : memref<500000x120xf32, #tpu.memory_space<hbm>>) target(%dma_start3A_176 : memref<128x120xf32, #tpu.memory_space<vmem>>) offsets(%dma_start3A_177 : memref<128xi32, #tpu.memory_space<vmem>>) semaphore(%dma_start3A_182 : memref<!tpu.dma_semaphore, #tpu.memory_space<semaphore_mem>>)
      } else {
      }
      %mul3A_112 = arith.constant 2 : i32
      %mul3A_113 = arith.muli %mul3A_112, %scan3A_60 : i32
      %add3A_114 = arith.constant 1 : i32
      %add3A_115 = arith.addi %mul3A_113, %add3A_114 : i32
      %dma_wait3A_116 = arith.constant 1 : i32
      %dma_wait3A_117 = arith.constant 1 : i32
      %dma_wait3A_118 = arith.constant 0 : i32
      %dma_wait3A_119 = arith.constant 0 : i32
      %dma_wait3A_120 = tpu.memref_slice %arg8[%dma_wait3A_116, %dma_wait3A_118, %dma_wait3A_119] : memref<2x128x120xf32, #tpu.memory_space<vmem>> -> memref<1x128x120xf32, #tpu.memory_space<vmem>>
      %dma_wait3A_121 = tpu.memref_squeeze %dma_wait3A_120 : memref<1x128x120xf32, #tpu.memory_space<vmem>> -> memref<128x120xf32, #tpu.memory_space<vmem>>
      %dma_wait3A_122 = arith.constant 0 : i32
      %dma_wait3A_123 = arith.constant 0 : i32
      %dma_wait3A_124 = tpu.memref_slice %arg4[%dma_wait3A_122, %dma_wait3A_123] : memref<500000x120xf32, #tpu.memory_space<hbm>> -> memref<128x120xf32, #tpu.memory_space<hbm>>
      %dma_wait3A_125 = tpu.memref_slice %arg10[%dma_wait3A_117] : memref<2x!tpu.dma_semaphore, #tpu.memory_space<semaphore_mem>> -> memref<1x!tpu.dma_semaphore, #tpu.memory_space<semaphore_mem>>
      %dma_wait3A_126 = tpu.memref_squeeze %dma_wait3A_125 : memref<1x!tpu.dma_semaphore, #tpu.memory_space<semaphore_mem>> -> memref<!tpu.dma_semaphore, #tpu.memory_space<semaphore_mem>>
      %dma_wait3A_127 = arith.constant 0 : i32
      %dma_wait3A_128 = arith.constant 0 : i32
      %dma_wait3A_129 = tpu.memref_slice %arg8[%dma_wait3A_116, %dma_wait3A_127, %dma_wait3A_128] : memref<2x128x120xf32, #tpu.memory_space<vmem>> -> memref<1x128x120xf32, #tpu.memory_space<vmem>>
      %dma_wait3A_130 = tpu.memref_squeeze %dma_wait3A_129 : memref<1x128x120xf32, #tpu.memory_space<vmem>> -> memref<128x120xf32, #tpu.memory_space<vmem>>
      %dma_wait3A_131 = arith.constant 0 : i32
      %dma_wait3A_132 = arith.constant 0 : i32
      %dma_wait3A_133 = tpu.memref_slice %arg4[%dma_wait3A_131, %dma_wait3A_132] : memref<500000x120xf32, #tpu.memory_space<hbm>> -> memref<128x120xf32, #tpu.memory_space<hbm>>
      tpu.wait_dma2 semaphore(%dma_wait3A_126 : memref<!tpu.dma_semaphore, #tpu.memory_space<semaphore_mem>>) src(%dma_wait3A_133 : memref<128x120xf32, #tpu.memory_space<hbm>>) dst(%dma_wait3A_130 : memref<128x120xf32, #tpu.memory_space<vmem>>)
      %gt3A_134 = arith.constant 0 : i32
      %gt3A_135 = arith.cmpi sgt, %scan3A_60, %gt3A_134 : i32
      %convert_element_type3A_136 = arith.extui %gt3A_135 : i1 to i32
      %cond3A_137 = arith.constant 0 : i32
      %cond3A_138 = arith.cmpi ne, %convert_element_type3A_136, %cond3A_137 : i32
      scf.if %cond3A_138 {
        %dma_wait3A_167 = arith.constant 1 : i32
        %dma_wait3A_168 = arith.constant 1 : i32
        %dma_wait3A_169 = arith.constant 0 : i32
        %dma_wait3A_170 = tpu.memref_slice %arg9[%dma_wait3A_167, %dma_wait3A_169] : memref<2x7680xf32, #tpu.memory_space<vmem>> -> memref<1x7680xf32, #tpu.memory_space<vmem>>
        %dma_wait3A_171 = tpu.memref_squeeze %dma_wait3A_170 : memref<1x7680xf32, #tpu.memory_space<vmem>> -> memref<7680xf32, #tpu.memory_space<vmem>>
        %dma_wait3A_172 = arith.constant 0 : i32
        %dma_wait3A_173 = tpu.memref_slice %arg5[%dma_wait3A_172] : memref<49152000xf32, #tpu.memory_space<hbm>> -> memref<7680xf32, #tpu.memory_space<hbm>>
        %dma_wait3A_174 = tpu.memref_slice %arg11[%dma_wait3A_168] : memref<2x!tpu.dma_semaphore, #tpu.memory_space<semaphore_mem>> -> memref<1x!tpu.dma_semaphore, #tpu.memory_space<semaphore_mem>>
        %dma_wait3A_175 = tpu.memref_squeeze %dma_wait3A_174 : memref<1x!tpu.dma_semaphore, #tpu.memory_space<semaphore_mem>> -> memref<!tpu.dma_semaphore, #tpu.memory_space<semaphore_mem>>
        %dma_wait3A_176 = arith.constant 0 : i32
        %dma_wait3A_177 = tpu.memref_slice %arg5[%dma_wait3A_176] : memref<49152000xf32, #tpu.memory_space<hbm>> -> memref<7680xf32, #tpu.memory_space<hbm>>
        %dma_wait3A_178 = arith.constant 0 : i32
        %dma_wait3A_179 = tpu.memref_slice %arg9[%dma_wait3A_167, %dma_wait3A_178] : memref<2x7680xf32, #tpu.memory_space<vmem>> -> memref<1x7680xf32, #tpu.memory_space<vmem>>
        %dma_wait3A_180 = tpu.memref_squeeze %dma_wait3A_179 : memref<1x7680xf32, #tpu.memory_space<vmem>> -> memref<7680xf32, #tpu.memory_space<vmem>>
        tpu.wait_dma2 semaphore(%dma_wait3A_175 : memref<!tpu.dma_semaphore, #tpu.memory_space<semaphore_mem>>) src(%dma_wait3A_180 : memref<7680xf32, #tpu.memory_space<vmem>>) dst(%dma_wait3A_177 : memref<7680xf32, #tpu.memory_space<hbm>>)
      } else {
      }
      %scan3A_139 = arith.constant 0 : i32
      %scan3A_140 = arith.constant 0 : i32
      %scan3A_141 = arith.constant 8 : i32
      %scan3A_142 = arith.addi %scan3A_140, %scan3A_141 : i32
      %scan3A_143 = arith.constant 1 : i32
      scf.for %scan3A_167 = %scan3A_140 to %scan3A_142 step %scan3A_143  : i32 {
        %mul3A_168 = arith.constant 128 : i32
        %mul3A_169 = arith.muli %add3A_115, %mul3A_168 : i32
        %mul3A_170 = arith.constant 16 : i32
        %mul3A_171 = arith.muli %scan3A_167, %mul3A_170 : i32
        %add3A_172 = arith.addi %mul3A_169, %mul3A_171 : i32
        %get3A = arith.index_cast %add3A_172 : i32 to index
        %get3A_173 = tpu.vector_load %arg6[%get3A] {strides = array<i32>} : memref<25600xi32, #tpu.memory_space<vmem>>, vector<16xi32>,
        %get3A_174 = vector.shape_cast %get3A_173 : vector<16xi32> to vector<16xi32>
        %and3A = arith.constant 1 : i32
        %and3A_175 = vector.broadcast %and3A : i32 to vector<16xi32>
        %and3A_176 = arith.andi %get3A_174, %and3A_175 : vector<16xi32>
        %mul3A_177 = arith.constant 60 : i32
        %mul3A_178 = vector.broadcast %mul3A_177 : i32 to vector<16xi32>
        %mul3A_179 = arith.muli %and3A_176, %mul3A_178 : vector<16xi32>
        %slice3A = vector.extract_strided_slice %mul3A_179 {offsets = [0], sizes = [1], strides = [1]} : vector<16xi32> to vector<1xi32>
        %squeeze3A = vector.extract %slice3A[0] : i32 from vector<1xi32>
        %mul3A_180 = arith.constant 16 : i32
        %mul3A_181 = arith.muli %scan3A_167, %mul3A_180 : i32
        %add3A_182 = arith.constant 0 : i32
        %add3A_183 = arith.addi %mul3A_181, %add3A_182 : i32
        %mul3A_184 = arith.constant 60 : i32
        %mul3A_185 = arith.muli %mul3A_184, %add3A_183 : i32
        %add3A_186 = arith.constant 0 : i32
        %add3A_187 = arith.addi %squeeze3A, %add3A_186 : i32
        %get3A_188 = arith.constant 1 : i32
        %get3A_189 = arith.constant 0 : i32
        %get3A_190 = tpu.memref_slice %arg8[%get3A_188, %add3A_183, %get3A_189] : memref<2x128x120xf32, #tpu.memory_space<vmem>> -> memref<1x1x120xf32, #tpu.memory_space<vmem>>
        %get3A_191 = tpu.memref_squeeze %get3A_190 : memref<1x1x120xf32, #tpu.memory_space<vmem>> -> memref<120xf32, #tpu.memory_space<vmem>>
        %get3A_192 = arith.index_cast %add3A_187 : i32 to index
        %get3A_193 = tpu.vector_load %get3A_191[%get3A_192] {strides = array<i32>} : memref<120xf32, #tpu.memory_space<vmem>>, vector<16xf32>,
        %get3A_194 = vector.shape_cast %get3A_193 : vector<16xf32> to vector<16xf32>
        %add3A_195 = arith.constant 0 : i32
        %add3A_196 = arith.addi %mul3A_185, %add3A_195 : i32
        %swap3A = arith.constant 1 : i32
        %swap3A_197 = arith.index_cast %swap3A : i32 to index
        %swap3A_198 = arith.index_cast %add3A_196 : i32 to index
        %swap3A_199 = tpu.vector_load %arg9[%swap3A_197, %swap3A_198] {strides = array<i32>} : memref<2x7680xf32, #tpu.memory_space<vmem>>, vector<1x16xf32>,
        %swap3A_200 = vector.shape_cast %swap3A_199 : vector<1x16xf32> to vector<16xf32>
        %swap3A_201 = vector.shape_cast %get3A_194 : vector<16xf32> to vector<1x16xf32>
        tpu.vector_store %arg9[%swap3A_197, %swap3A_198], %swap3A_201 {strides = array<i32>} : memref<2x7680xf32, #tpu.memory_space<vmem>>, vector<1x16xf32>,
        %add3A_202 = arith.constant 16 : i32
        %add3A_203 = arith.addi %squeeze3A, %add3A_202 : i32
        %get3A_204 = arith.constant 1 : i32
        %get3A_205 = arith.constant 0 : i32
        %get3A_206 = tpu.memref_slice %arg8[%get3A_204, %add3A_183, %get3A_205] : memref<2x128x120xf32, #tpu.memory_space<vmem>> -> memref<1x1x120xf32, #tpu.memory_space<vmem>>
        %get3A_207 = tpu.memref_squeeze %get3A_206 : memref<1x1x120xf32, #tpu.memory_space<vmem>> -> memref<120xf32, #tpu.memory_space<vmem>>
        %get3A_208 = arith.index_cast %add3A_203 : i32 to index
        %get3A_209 = tpu.vector_load %get3A_207[%get3A_208] {strides = array<i32>} : memref<120xf32, #tpu.memory_space<vmem>>, vector<16xf32>,
        %get3A_210 = vector.shape_cast %get3A_209 : vector<16xf32> to vector<16xf32>
        %add3A_211 = arith.constant 16 : i32
        %add3A_212 = arith.addi %mul3A_185, %add3A_211 : i32
        %swap3A_213 = arith.constant 1 : i32
        %swap3A_214 = arith.index_cast %swap3A_213 : i32 to index
        %swap3A_215 = arith.index_cast %add3A_212 : i32 to index
        %swap3A_216 = tpu.vector_load %arg9[%swap3A_214, %swap3A_215] {strides = array<i32>} : memref<2x7680xf32, #tpu.memory_space<vmem>>, vector<1x16xf32>,
        %swap3A_217 = vector.shape_cast %swap3A_216 : vector<1x16xf32> to vector<16xf32>
        %swap3A_218 = vector.shape_cast %get3A_210 : vector<16xf32> to vector<1x16xf32>
        tpu.vector_store %arg9[%swap3A_214, %swap3A_215], %swap3A_218 {strides = array<i32>} : memref<2x7680xf32, #tpu.memory_space<vmem>>, vector<1x16xf32>,
        %add3A_219 = arith.constant 32 : i32
        %add3A_220 = arith.addi %squeeze3A, %add3A_219 : i32
        %get3A_221 = arith.constant 1 : i32
        %get3A_222 = arith.constant 0 : i32
        %get3A_223 = tpu.memref_slice %arg8[%get3A_221, %add3A_183, %get3A_222] : memref<2x128x120xf32, #tpu.memory_space<vmem>> -> memref<1x1x120xf32, #tpu.memory_space<vmem>>
        %get3A_224 = tpu.memref_squeeze %get3A_223 : memref<1x1x120xf32, #tpu.memory_space<vmem>> -> memref<120xf32, #tpu.memory_space<vmem>>
        %get3A_225 = arith.index_cast %add3A_220 : i32 to index
        %get3A_226 = tpu.vector_load %get3A_224[%get3A_225] {strides = array<i32>} : memref<120xf32, #tpu.memory_space<vmem>>, vector<16xf32>,
        %get3A_227 = vector.shape_cast %get3A_226 : vector<16xf32> to vector<16xf32>
        %add3A_228 = arith.constant 32 : i32
        %add3A_229 = arith.addi %mul3A_185, %add3A_228 : i32
        %swap3A_230 = arith.constant 1 : i32
        %swap3A_231 = arith.index_cast %swap3A_230 : i32 to index
        %swap3A_232 = arith.index_cast %add3A_229 : i32 to index
        %swap3A_233 = tpu.vector_load %arg9[%swap3A_231, %swap3A_232] {strides = array<i32>} : memref<2x7680xf32, #tpu.memory_space<vmem>>, vector<1x16xf32>,
        %swap3A_234 = vector.shape_cast %swap3A_233 : vector<1x16xf32> to vector<16xf32>
        %swap3A_235 = vector.shape_cast %get3A_227 : vector<16xf32> to vector<1x16xf32>
        tpu.vector_store %arg9[%swap3A_231, %swap3A_232], %swap3A_235 {strides = array<i32>} : memref<2x7680xf32, #tpu.memory_space<vmem>>, vector<1x16xf32>,
        %add3A_236 = arith.constant 44 : i32
        %add3A_237 = arith.addi %squeeze3A, %add3A_236 : i32
        %get3A_238 = arith.constant 1 : i32
        %get3A_239 = arith.constant 0 : i32
        %get3A_240 = tpu.memref_slice %arg8[%get3A_238, %add3A_183, %get3A_239] : memref<2x128x120xf32, #tpu.memory_space<vmem>> -> memref<1x1x120xf32, #tpu.memory_space<vmem>>
        %get3A_241 = tpu.memref_squeeze %get3A_240 : memref<1x1x120xf32, #tpu.memory_space<vmem>> -> memref<120xf32, #tpu.memory_space<vmem>>
        %get3A_242 = arith.index_cast %add3A_237 : i32 to index
        %get3A_243 = tpu.vector_load %get3A_241[%get3A_242] {strides = array<i32>} : memref<120xf32, #tpu.memory_space<vmem>>, vector<16xf32>,
        %get3A_244 = vector.shape_cast %get3A_243 : vector<16xf32> to vector<16xf32>
        %add3A_245 = arith.constant 44 : i32
        %add3A_246 = arith.addi %mul3A_185, %add3A_245 : i32
        %swap3A_247 = arith.constant 1 : i32
        %swap3A_248 = arith.index_cast %swap3A_247 : i32 to index
        %swap3A_249 = arith.index_cast %add3A_246 : i32 to index
        %swap3A_250 = tpu.vector_load %arg9[%swap3A_248, %swap3A_249] {strides = array<i32>} : memref<2x7680xf32, #tpu.memory_space<vmem>>, vector<1x16xf32>,
        %swap3A_251 = vector.shape_cast %swap3A_250 : vector<1x16xf32> to vector<16xf32>
        %swap3A_252 = vector.shape_cast %get3A_244 : vector<16xf32> to vector<1x16xf32>
        tpu.vector_store %arg9[%swap3A_248, %swap3A_249], %swap3A_252 {strides = array<i32>} : memref<2x7680xf32, #tpu.memory_space<vmem>>, vector<1x16xf32>,
        %slice3A_253 = vector.extract_strided_slice %mul3A_179 {offsets = [1], sizes = [1], strides = [1]} : vector<16xi32> to vector<1xi32>
        %squeeze3A_254 = vector.extract %slice3A_253[0] : i32 from vector<1xi32>
        %mul3A_255 = arith.constant 16 : i32
        %mul3A_256 = arith.muli %scan3A_167, %mul3A_255 : i32
        %add3A_257 = arith.constant 1 : i32
        %add3A_258 = arith.addi %mul3A_256, %add3A_257 : i32
        %mul3A_259 = arith.constant 60 : i32
        %mul3A_260 = arith.muli %mul3A_259, %add3A_258 : i32
        %add3A_261 = arith.constant 0 : i32
        %add3A_262 = arith.addi %squeeze3A_254, %add3A_261 : i32
        %get3A_263 = arith.constant 1 : i32
        %get3A_264 = arith.constant 0 : i32
        %get3A_265 = tpu.memref_slice %arg8[%get3A_263, %add3A_258, %get3A_264] : memref<2x128x120xf32, #tpu.memory_space<vmem>> -> memref<1x1x120xf32, #tpu.memory_space<vmem>>
        %get3A_266 = tpu.memref_squeeze %get3A_265 : memref<1x1x120xf32, #tpu.memory_space<vmem>> -> memref<120xf32, #tpu.memory_space<vmem>>
        %get3A_267 = arith.index_cast %add3A_262 : i32 to index
        %get3A_268 = tpu.vector_load %get3A_266[%get3A_267] {strides = array<i32>} : memref<120xf32, #tpu.memory_space<vmem>>, vector<16xf32>,
        %get3A_269 = vector.shape_cast %get3A_268 : vector<16xf32> to vector<16xf32>
        %add3A_270 = arith.constant 0 : i32
        %add3A_271 = arith.addi %mul3A_260, %add3A_270 : i32
        %swap3A_272 = arith.constant 1 : i32
        %swap3A_273 = arith.index_cast %swap3A_272 : i32 to index
        %swap3A_274 = arith.index_cast %add3A_271 : i32 to index
        %swap3A_275 = tpu.vector_load %arg9[%swap3A_273, %swap3A_274] {strides = array<i32>} : memref<2x7680xf32, #tpu.memory_space<vmem>>, vector<1x16xf32>,
        %swap3A_276 = vector.shape_cast %swap3A_275 : vector<1x16xf32> to vector<16xf32>
        %swap3A_277 = vector.shape_cast %get3A_269 : vector<16xf32> to vector<1x16xf32>
        tpu.vector_store %arg9[%swap3A_273, %swap3A_274], %swap3A_277 {strides = array<i32>} : memref<2x7680xf32, #tpu.memory_space<vmem>>, vector<1x16xf32>,
        %add3A_278 = arith.constant 16 : i32
        %add3A_279 = arith.addi %squeeze3A_254, %add3A_278 : i32
        %get3A_280 = arith.constant 1 : i32
        %get3A_281 = arith.constant 0 : i32
        %get3A_282 = tpu.memref_slice %arg8[%get3A_280, %add3A_258, %get3A_281] : memref<2x128x120xf32, #tpu.memory_space<vmem>> -> memref<1x1x120xf32, #tpu.memory_space<vmem>>
        %get3A_283 = tpu.memref_squeeze %get3A_282 : memref<1x1x120xf32, #tpu.memory_space<vmem>> -> memref<120xf32, #tpu.memory_space<vmem>>
        %get3A_284 = arith.index_cast %add3A_279 : i32 to index
        %get3A_285 = tpu.vector_load %get3A_283[%get3A_284] {strides = array<i32>} : memref<120xf32, #tpu.memory_space<vmem>>, vector<16xf32>,
        %get3A_286 = vector.shape_cast %get3A_285 : vector<16xf32> to vector<16xf32>
        %add3A_287 = arith.constant 16 : i32
        %add3A_288 = arith.addi %mul3A_260, %add3A_287 : i32
        %swap3A_289 = arith.constant 1 : i32
        %swap3A_290 = arith.index_cast %swap3A_289 : i32 to index
        %swap3A_291 = arith.index_cast %add3A_288 : i32 to index
        %swap3A_292 = tpu.vector_load %arg9[%swap3A_290, %swap3A_291] {strides = array<i32>} : memref<2x7680xf32, #tpu.memory_space<vmem>>, vector<1x16xf32>,
        %swap3A_293 = vector.shape_cast %swap3A_292 : vector<1x16xf32> to vector<16xf32>
        %swap3A_294 = vector.shape_cast %get3A_286 : vector<16xf32> to vector<1x16xf32>
        tpu.vector_store %arg9[%swap3A_290, %swap3A_291], %swap3A_294 {strides = array<i32>} : memref<2x7680xf32, #tpu.memory_space<vmem>>, vector<1x16xf32>,
        %add3A_295 = arith.constant 32 : i32
        %add3A_296 = arith.addi %squeeze3A_254, %add3A_295 : i32
        %get3A_297 = arith.constant 1 : i32
        %get3A_298 = arith.constant 0 : i32
        %get3A_299 = tpu.memref_slice %arg8[%get3A_297, %add3A_258, %get3A_298] : memref<2x128x120xf32, #tpu.memory_space<vmem>> -> memref<1x1x120xf32, #tpu.memory_space<vmem>>
        %get3A_300 = tpu.memref_squeeze %get3A_299 : memref<1x1x120xf32, #tpu.memory_space<vmem>> -> memref<120xf32, #tpu.memory_space<vmem>>
        %get3A_301 = arith.index_cast %add3A_296 : i32 to index
        %get3A_302 = tpu.vector_load %get3A_300[%get3A_301] {strides = array<i32>} : memref<120xf32, #tpu.memory_space<vmem>>, vector<16xf32>,
        %get3A_303 = vector.shape_cast %get3A_302 : vector<16xf32> to vector<16xf32>
        %add3A_304 = arith.constant 32 : i32
        %add3A_305 = arith.addi %mul3A_260, %add3A_304 : i32
        %swap3A_306 = arith.constant 1 : i32
        %swap3A_307 = arith.index_cast %swap3A_306 : i32 to index
        %swap3A_308 = arith.index_cast %add3A_305 : i32 to index
        %swap3A_309 = tpu.vector_load %arg9[%swap3A_307, %swap3A_308] {strides = array<i32>} : memref<2x7680xf32, #tpu.memory_space<vmem>>, vector<1x16xf32>,
        %swap3A_310 = vector.shape_cast %swap3A_309 : vector<1x16xf32> to vector<16xf32>
        %swap3A_311 = vector.shape_cast %get3A_303 : vector<16xf32> to vector<1x16xf32>
        tpu.vector_store %arg9[%swap3A_307, %swap3A_308], %swap3A_311 {strides = array<i32>} : memref<2x7680xf32, #tpu.memory_space<vmem>>, vector<1x16xf32>,
        %add3A_312 = arith.constant 44 : i32
        %add3A_313 = arith.addi %squeeze3A_254, %add3A_312 : i32
        %get3A_314 = arith.constant 1 : i32
        %get3A_315 = arith.constant 0 : i32
        %get3A_316 = tpu.memref_slice %arg8[%get3A_314, %add3A_258, %get3A_315] : memref<2x128x120xf32, #tpu.memory_space<vmem>> -> memref<1x1x120xf32, #tpu.memory_space<vmem>>
        %get3A_317 = tpu.memref_squeeze %get3A_316 : memref<1x1x120xf32, #tpu.memory_space<vmem>> -> memref<120xf32, #tpu.memory_space<vmem>>
        %get3A_318 = arith.index_cast %add3A_313 : i32 to index
        %get3A_319 = tpu.vector_load %get3A_317[%get3A_318] {strides = array<i32>} : memref<120xf32, #tpu.memory_space<vmem>>, vector<16xf32>,
        %get3A_320 = vector.shape_cast %get3A_319 : vector<16xf32> to vector<16xf32>
        %add3A_321 = arith.constant 44 : i32
        %add3A_322 = arith.addi %mul3A_260, %add3A_321 : i32
        %swap3A_323 = arith.constant 1 : i32
        %swap3A_324 = arith.index_cast %swap3A_323 : i32 to index
        %swap3A_325 = arith.index_cast %add3A_322 : i32 to index
        %swap3A_326 = tpu.vector_load %arg9[%swap3A_324, %swap3A_325] {strides = array<i32>} : memref<2x7680xf32, #tpu.memory_space<vmem>>, vector<1x16xf32>,
        %swap3A_327 = vector.shape_cast %swap3A_326 : vector<1x16xf32> to vector<16xf32>
        %swap3A_328 = vector.shape_cast %get3A_320 : vector<16xf32> to vector<1x16xf32>
        tpu.vector_store %arg9[%swap3A_324, %swap3A_325], %swap3A_328 {strides = array<i32>} : memref<2x7680xf32, #tpu.memory_space<vmem>>, vector<1x16xf32>,
        %slice3A_329 = vector.extract_strided_slice %mul3A_179 {offsets = [2], sizes = [1], strides = [1]} : vector<16xi32> to vector<1xi32>
        %squeeze3A_330 = vector.extract %slice3A_329[0] : i32 from vector<1xi32>
        %mul3A_331 = arith.constant 16 : i32
        %mul3A_332 = arith.muli %scan3A_167, %mul3A_331 : i32
        %add3A_333 = arith.constant 2 : i32
        %add3A_334 = arith.addi %mul3A_332, %add3A_333 : i32
        %mul3A_335 = arith.constant 60 : i32
        %mul3A_336 = arith.muli %mul3A_335, %add3A_334 : i32
        %add3A_337 = arith.constant 0 : i32
        %add3A_338 = arith.addi %squeeze3A_330, %add3A_337 : i32
        %get3A_339 = arith.constant 1 : i32
        %get3A_340 = arith.constant 0 : i32
        %get3A_341 = tpu.memref_slice %arg8[%get3A_339, %add3A_334, %get3A_340] : memref<2x128x120xf32, #tpu.memory_space<vmem>> -> memref<1x1x120xf32, #tpu.memory_space<vmem>>
        %get3A_342 = tpu.memref_squeeze %get3A_341 : memref<1x1x120xf32, #tpu.memory_space<vmem>> -> memref<120xf32, #tpu.memory_space<vmem>>
        %get3A_343 = arith.index_cast %add3A_338 : i32 to index
        %get3A_344 = tpu.vector_load %get3A_342[%get3A_343] {strides = array<i32>} : memref<120xf32, #tpu.memory_space<vmem>>, vector<16xf32>,
        %get3A_345 = vector.shape_cast %get3A_344 : vector<16xf32> to vector<16xf32>
        %add3A_346 = arith.constant 0 : i32
        %add3A_347 = arith.addi %mul3A_336, %add3A_346 : i32
        %swap3A_348 = arith.constant 1 : i32
        %swap3A_349 = arith.index_cast %swap3A_348 : i32 to index
        %swap3A_350 = arith.index_cast %add3A_347 : i32 to index
        %swap3A_351 = tpu.vector_load %arg9[%swap3A_349, %swap3A_350] {strides = array<i32>} : memref<2x7680xf32, #tpu.memory_space<vmem>>, vector<1x16xf32>,
        %swap3A_352 = vector.shape_cast %swap3A_351 : vector<1x16xf32> to vector<16xf32>
        %swap3A_353 = vector.shape_cast %get3A_345 : vector<16xf32> to vector<1x16xf32>
        tpu.vector_store %arg9[%swap3A_349, %swap3A_350], %swap3A_353 {strides = array<i32>} : memref<2x7680xf32, #tpu.memory_space<vmem>>, vector<1x16xf32>,
        %add3A_354 = arith.constant 16 : i32
        %add3A_355 = arith.addi %squeeze3A_330, %add3A_354 : i32
        %get3A_356 = arith.constant 1 : i32
        %get3A_357 = arith.constant 0 : i32
        %get3A_358 = tpu.memref_slice %arg8[%get3A_356, %add3A_334, %get3A_357] : memref<2x128x120xf32, #tpu.memory_space<vmem>> -> memref<1x1x120xf32, #tpu.memory_space<vmem>>
        %get3A_359 = tpu.memref_squeeze %get3A_358 : memref<1x1x120xf32, #tpu.memory_space<vmem>> -> memref<120xf32, #tpu.memory_space<vmem>>
        %get3A_360 = arith.index_cast %add3A_355 : i32 to index
        %get3A_361 = tpu.vector_load %get3A_359[%get3A_360] {strides = array<i32>} : memref<120xf32, #tpu.memory_space<vmem>>, vector<16xf32>,
        %get3A_362 = vector.shape_cast %get3A_361 : vector<16xf32> to vector<16xf32>
        %add3A_363 = arith.constant 16 : i32
        %add3A_364 = arith.addi %mul3A_336, %add3A_363 : i32
        %swap3A_365 = arith.constant 1 : i32
        %swap3A_366 = arith.index_cast %swap3A_365 : i32 to index
        %swap3A_367 = arith.index_cast %add3A_364 : i32 to index
        %swap3A_368 = tpu.vector_load %arg9[%swap3A_366, %swap3A_367] {strides = array<i32>} : memref<2x7680xf32, #tpu.memory_space<vmem>>, vector<1x16xf32>,
        %swap3A_369 = vector.shape_cast %swap3A_368 : vector<1x16xf32> to vector<16xf32>
        %swap3A_370 = vector.shape_cast %get3A_362 : vector<16xf32> to vector<1x16xf32>
        tpu.vector_store %arg9[%swap3A_366, %swap3A_367], %swap3A_370 {strides = array<i32>} : memref<2x7680xf32, #tpu.memory_space<vmem>>, vector<1x16xf32>,
        %add3A_371 = arith.constant 32 : i32
        %add3A_372 = arith.addi %squeeze3A_330, %add3A_371 : i32
        %get3A_373 = arith.constant 1 : i32
        %get3A_374 = arith.constant 0 : i32
        %get3A_375 = tpu.memref_slice %arg8[%get3A_373, %add3A_334, %get3A_374] : memref<2x128x120xf32, #tpu.memory_space<vmem>> -> memref<1x1x120xf32, #tpu.memory_space<vmem>>
        %get3A_376 = tpu.memref_squeeze %get3A_375 : memref<1x1x120xf32, #tpu.memory_space<vmem>> -> memref<120xf32, #tpu.memory_space<vmem>>
        %get3A_377 = arith.index_cast %add3A_372 : i32 to index
        %get3A_378 = tpu.vector_load %get3A_376[%get3A_377] {strides = array<i32>} : memref<120xf32, #tpu.memory_space<vmem>>, vector<16xf32>,
        %get3A_379 = vector.shape_cast %get3A_378 : vector<16xf32> to vector<16xf32>
        %add3A_380 = arith.constant 32 : i32
        %add3A_381 = arith.addi %mul3A_336, %add3A_380 : i32
        %swap3A_382 = arith.constant 1 : i32
        %swap3A_383 = arith.index_cast %swap3A_382 : i32 to index
        %swap3A_384 = arith.index_cast %add3A_381 : i32 to index
        %swap3A_385 = tpu.vector_load %arg9[%swap3A_383, %swap3A_384] {strides = array<i32>} : memref<2x7680xf32, #tpu.memory_space<vmem>>, vector<1x16xf32>,
        %swap3A_386 = vector.shape_cast %swap3A_385 : vector<1x16xf32> to vector<16xf32>
        %swap3A_387 = vector.shape_cast %get3A_379 : vector<16xf32> to vector<1x16xf32>
        tpu.vector_store %arg9[%swap3A_383, %swap3A_384], %swap3A_387 {strides = array<i32>} : memref<2x7680xf32, #tpu.memory_space<vmem>>, vector<1x16xf32>,
        %add3A_388 = arith.constant 44 : i32
        %add3A_389 = arith.addi %squeeze3A_330, %add3A_388 : i32
        %get3A_390 = arith.constant 1 : i32
        %get3A_391 = arith.constant 0 : i32
        %get3A_392 = tpu.memref_slice %arg8[%get3A_390, %add3A_334, %get3A_391] : memref<2x128x120xf32, #tpu.memory_space<vmem>> -> memref<1x1x120xf32, #tpu.memory_space<vmem>>
        %get3A_393 = tpu.memref_squeeze %get3A_392 : memref<1x1x120xf32, #tpu.memory_space<vmem>> -> memref<120xf32, #tpu.memory_space<vmem>>
        %get3A_394 = arith.index_cast %add3A_389 : i32 to index
        %get3A_395 = tpu.vector_load %get3A_393[%get3A_394] {strides = array<i32>} : memref<120xf32, #tpu.memory_space<vmem>>, vector<16xf32>,
        %get3A_396 = vector.shape_cast %get3A_395 : vector<16xf32> to vector<16xf32>
        %add3A_397 = arith.constant 44 : i32
        %add3A_398 = arith.addi %mul3A_336, %add3A_397 : i32
        %swap3A_399 = arith.constant 1 : i32
        %swap3A_400 = arith.index_cast %swap3A_399 : i32 to index
        %swap3A_401 = arith.index_cast %add3A_398 : i32 to index
        %swap3A_402 = tpu.vector_load %arg9[%swap3A_400, %swap3A_401] {strides = array<i32>} : memref<2x7680xf32, #tpu.memory_space<vmem>>, vector<1x16xf32>,
        %swap3A_403 = vector.shape_cast %swap3A_402 : vector<1x16xf32> to vector<16xf32>
        %swap3A_404 = vector.shape_cast %get3A_396 : vector<16xf32> to vector<1x16xf32>
        tpu.vector_store %arg9[%swap3A_400, %swap3A_401], %swap3A_404 {strides = array<i32>} : memref<2x7680xf32, #tpu.memory_space<vmem>>, vector<1x16xf32>,
        %slice3A_405 = vector.extract_strided_slice %mul3A_179 {offsets = [3], sizes = [1], strides = [1]} : vector<16xi32> to vector<1xi32>
        %squeeze3A_406 = vector.extract %slice3A_405[0] : i32 from vector<1xi32>
        %mul3A_407 = arith.constant 16 : i32
        %mul3A_408 = arith.muli %scan3A_167, %mul3A_407 : i32
        %add3A_409 = arith.constant 3 : i32
        %add3A_410 = arith.addi %mul3A_408, %add3A_409 : i32
        %mul3A_411 = arith.constant 60 : i32
        %mul3A_412 = arith.muli %mul3A_411, %add3A_410 : i32
        %add3A_413 = arith.constant 0 : i32
        %add3A_414 = arith.addi %squeeze3A_406, %add3A_413 : i32
        %get3A_415 = arith.constant 1 : i32
        %get3A_416 = arith.constant 0 : i32
        %get3A_417 = tpu.memref_slice %arg8[%get3A_415, %add3A_410, %get3A_416] : memref<2x128x120xf32, #tpu.memory_space<vmem>> -> memref<1x1x120xf32, #tpu.memory_space<vmem>>
        %get3A_418 = tpu.memref_squeeze %get3A_417 : memref<1x1x120xf32, #tpu.memory_space<vmem>> -> memref<120xf32, #tpu.memory_space<vmem>>
        %get3A_419 = arith.index_cast %add3A_414 : i32 to index
        %get3A_420 = tpu.vector_load %get3A_418[%get3A_419] {strides = array<i32>} : memref<120xf32, #tpu.memory_space<vmem>>, vector<16xf32>,
        %get3A_421 = vector.shape_cast %get3A_420 : vector<16xf32> to vector<16xf32>
        %add3A_422 = arith.constant 0 : i32
        %add3A_423 = arith.addi %mul3A_412, %add3A_422 : i32
        %swap3A_424 = arith.constant 1 : i32
        %swap3A_425 = arith.index_cast %swap3A_424 : i32 to index
        %swap3A_426 = arith.index_cast %add3A_423 : i32 to index
        %swap3A_427 = tpu.vector_load %arg9[%swap3A_425, %swap3A_426] {strides = array<i32>} : memref<2x7680xf32, #tpu.memory_space<vmem>>, vector<1x16xf32>,
        %swap3A_428 = vector.shape_cast %swap3A_427 : vector<1x16xf32> to vector<16xf32>
        %swap3A_429 = vector.shape_cast %get3A_421 : vector<16xf32> to vector<1x16xf32>
        tpu.vector_store %arg9[%swap3A_425, %swap3A_426], %swap3A_429 {strides = array<i32>} : memref<2x7680xf32, #tpu.memory_space<vmem>>, vector<1x16xf32>,
        %add3A_430 = arith.constant 16 : i32
        %add3A_431 = arith.addi %squeeze3A_406, %add3A_430 : i32
        %get3A_432 = arith.constant 1 : i32
        %get3A_433 = arith.constant 0 : i32
        %get3A_434 = tpu.memref_slice %arg8[%get3A_432, %add3A_410, %get3A_433] : memref<2x128x120xf32, #tpu.memory_space<vmem>> -> memref<1x1x120xf32, #tpu.memory_space<vmem>>
        %get3A_435 = tpu.memref_squeeze %get3A_434 : memref<1x1x120xf32, #tpu.memory_space<vmem>> -> memref<120xf32, #tpu.memory_space<vmem>>
        %get3A_436 = arith.index_cast %add3A_431 : i32 to index
        %get3A_437 = tpu.vector_load %get3A_435[%get3A_436] {strides = array<i32>} : memref<120xf32, #tpu.memory_space<vmem>>, vector<16xf32>,
        %get3A_438 = vector.shape_cast %get3A_437 : vector<16xf32> to vector<16xf32>
        %add3A_439 = arith.constant 16 : i32
        %add3A_440 = arith.addi %mul3A_412, %add3A_439 : i32
        %swap3A_441 = arith.constant 1 : i32
        %swap3A_442 = arith.index_cast %swap3A_441 : i32 to index
        %swap3A_443 = arith.index_cast %add3A_440 : i32 to index
        %swap3A_444 = tpu.vector_load %arg9[%swap3A_442, %swap3A_443] {strides = array<i32>} : memref<2x7680xf32, #tpu.memory_space<vmem>>, vector<1x16xf32>,
        %swap3A_445 = vector.shape_cast %swap3A_444 : vector<1x16xf32> to vector<16xf32>
        %swap3A_446 = vector.shape_cast %get3A_438 : vector<16xf32> to vector<1x16xf32>
        tpu.vector_store %arg9[%swap3A_442, %swap3A_443], %swap3A_446 {strides = array<i32>} : memref<2x7680xf32, #tpu.memory_space<vmem>>, vector<1x16xf32>,
        %add3A_447 = arith.constant 32 : i32
        %add3A_448 = arith.addi %squeeze3A_406, %add3A_447 : i32
        %get3A_449 = arith.constant 1 : i32
        %get3A_450 = arith.constant 0 : i32
        %get3A_451 = tpu.memref_slice %arg8[%get3A_449, %add3A_410, %get3A_450] : memref<2x128x120xf32, #tpu.memory_space<vmem>> -> memref<1x1x120xf32, #tpu.memory_space<vmem>>
        %get3A_452 = tpu.memref_squeeze %get3A_451 : memref<1x1x120xf32, #tpu.memory_space<vmem>> -> memref<120xf32, #tpu.memory_space<vmem>>
        %get3A_453 = arith.index_cast %add3A_448 : i32 to index
        %get3A_454 = tpu.vector_load %get3A_452[%get3A_453] {strides = array<i32>} : memref<120xf32, #tpu.memory_space<vmem>>, vector<16xf32>,
        %get3A_455 = vector.shape_cast %get3A_454 : vector<16xf32> to vector<16xf32>
        %add3A_456 = arith.constant 32 : i32
        %add3A_457 = arith.addi %mul3A_412, %add3A_456 : i32
        %swap3A_458 = arith.constant 1 : i32
        %swap3A_459 = arith.index_cast %swap3A_458 : i32 to index
        %swap3A_460 = arith.index_cast %add3A_457 : i32 to index
        %swap3A_461 = tpu.vector_load %arg9[%swap3A_459, %swap3A_460] {strides = array<i32>} : memref<2x7680xf32, #tpu.memory_space<vmem>>, vector<1x16xf32>,
        %swap3A_462 = vector.shape_cast %swap3A_461 : vector<1x16xf32> to vector<16xf32>
        %swap3A_463 = vector.shape_cast %get3A_455 : vector<16xf32> to vector<1x16xf32>
        tpu.vector_store %arg9[%swap3A_459, %swap3A_460], %swap3A_463 {strides = array<i32>} : memref<2x7680xf32, #tpu.memory_space<vmem>>, vector<1x16xf32>,
        %add3A_464 = arith.constant 44 : i32
        %add3A_465 = arith.addi %squeeze3A_406, %add3A_464 : i32
        %get3A_466 = arith.constant 1 : i32
        %get3A_467 = arith.constant 0 : i32
        %get3A_468 = tpu.memref_slice %arg8[%get3A_466, %add3A_410, %get3A_467] : memref<2x128x120xf32, #tpu.memory_space<vmem>> -> memref<1x1x120xf32, #tpu.memory_space<vmem>>
        %get3A_469 = tpu.memref_squeeze %get3A_468 : memref<1x1x120xf32, #tpu.memory_space<vmem>> -> memref<120xf32, #tpu.memory_space<vmem>>
        %get3A_470 = arith.index_cast %add3A_465 : i32 to index
        %get3A_471 = tpu.vector_load %get3A_469[%get3A_470] {strides = array<i32>} : memref<120xf32, #tpu.memory_space<vmem>>, vector<16xf32>,
        %get3A_472 = vector.shape_cast %get3A_471 : vector<16xf32> to vector<16xf32>
        %add3A_473 = arith.constant 44 : i32
        %add3A_474 = arith.addi %mul3A_412, %add3A_473 : i32
        %swap3A_475 = arith.constant 1 : i32
        %swap3A_476 = arith.index_cast %swap3A_475 : i32 to index
        %swap3A_477 = arith.index_cast %add3A_474 : i32 to index
        %swap3A_478 = tpu.vector_load %arg9[%swap3A_476, %swap3A_477] {strides = array<i32>} : memref<2x7680xf32, #tpu.memory_space<vmem>>, vector<1x16xf32>,
        %swap3A_479 = vector.shape_cast %swap3A_478 : vector<1x16xf32> to vector<16xf32>
        %swap3A_480 = vector.shape_cast %get3A_472 : vector<16xf32> to vector<1x16xf32>
        tpu.vector_store %arg9[%swap3A_476, %swap3A_477], %swap3A_480 {strides = array<i32>} : memref<2x7680xf32, #tpu.memory_space<vmem>>, vector<1x16xf32>,
        %slice3A_481 = vector.extract_strided_slice %mul3A_179 {offsets = [4], sizes = [1], strides = [1]} : vector<16xi32> to vector<1xi32>
        %squeeze3A_482 = vector.extract %slice3A_481[0] : i32 from vector<1xi32>
        %mul3A_483 = arith.constant 16 : i32
        %mul3A_484 = arith.muli %scan3A_167, %mul3A_483 : i32
        %add3A_485 = arith.constant 4 : i32
        %add3A_486 = arith.addi %mul3A_484, %add3A_485 : i32
        %mul3A_487 = arith.constant 60 : i32
        %mul3A_488 = arith.muli %mul3A_487, %add3A_486 : i32
        %add3A_489 = arith.constant 0 : i32
        %add3A_490 = arith.addi %squeeze3A_482, %add3A_489 : i32
        %get3A_491 = arith.constant 1 : i32
        %get3A_492 = arith.constant 0 : i32
        %get3A_493 = tpu.memref_slice %arg8[%get3A_491, %add3A_486, %get3A_492] : memref<2x128x120xf32, #tpu.memory_space<vmem>> -> memref<1x1x120xf32, #tpu.memory_space<vmem>>
        %get3A_494 = tpu.memref_squeeze %get3A_493 : memref<1x1x120xf32, #tpu.memory_space<vmem>> -> memref<120xf32, #tpu.memory_space<vmem>>
        %get3A_495 = arith.index_cast %add3A_490 : i32 to index
        %get3A_496 = tpu.vector_load %get3A_494[%get3A_495] {strides = array<i32>} : memref<120xf32, #tpu.memory_space<vmem>>, vector<16xf32>,
        %get3A_497 = vector.shape_cast %get3A_496 : vector<16xf32> to vector<16xf32>
        %add3A_498 = arith.constant 0 : i32
        %add3A_499 = arith.addi %mul3A_488, %add3A_498 : i32
        %swap3A_500 = arith.constant 1 : i32
        %swap3A_501 = arith.index_cast %swap3A_500 : i32 to index
        %swap3A_502 = arith.index_cast %add3A_499 : i32 to index
        %swap3A_503 = tpu.vector_load %arg9[%swap3A_501, %swap3A_502] {strides = array<i32>} : memref<2x7680xf32, #tpu.memory_space<vmem>>, vector<1x16xf32>,
        %swap3A_504 = vector.shape_cast %swap3A_503 : vector<1x16xf32> to vector<16xf32>
        %swap3A_505 = vector.shape_cast %get3A_497 : vector<16xf32> to vector<1x16xf32>
        tpu.vector_store %arg9[%swap3A_501, %swap3A_502], %swap3A_505 {strides = array<i32>} : memref<2x7680xf32, #tpu.memory_space<vmem>>, vector<1x16xf32>,
        %add3A_506 = arith.constant 16 : i32
        %add3A_507 = arith.addi %squeeze3A_482, %add3A_506 : i32
        %get3A_508 = arith.constant 1 : i32
        %get3A_509 = arith.constant 0 : i32
        %get3A_510 = tpu.memref_slice %arg8[%get3A_508, %add3A_486, %get3A_509] : memref<2x128x120xf32, #tpu.memory_space<vmem>> -> memref<1x1x120xf32, #tpu.memory_space<vmem>>
        %get3A_511 = tpu.memref_squeeze %get3A_510 : memref<1x1x120xf32, #tpu.memory_space<vmem>> -> memref<120xf32, #tpu.memory_space<vmem>>
        %get3A_512 = arith.index_cast %add3A_507 : i32 to index
        %get3A_513 = tpu.vector_load %get3A_511[%get3A_512] {strides = array<i32>} : memref<120xf32, #tpu.memory_space<vmem>>, vector<16xf32>,
        %get3A_514 = vector.shape_cast %get3A_513 : vector<16xf32> to vector<16xf32>
        %add3A_515 = arith.constant 16 : i32
        %add3A_516 = arith.addi %mul3A_488, %add3A_515 : i32
        %swap3A_517 = arith.constant 1 : i32
        %swap3A_518 = arith.index_cast %swap3A_517 : i32 to index
        %swap3A_519 = arith.index_cast %add3A_516 : i32 to index
        %swap3A_520 = tpu.vector_load %arg9[%swap3A_518, %swap3A_519] {strides = array<i32>} : memref<2x7680xf32, #tpu.memory_space<vmem>>, vector<1x16xf32>,
        %swap3A_521 = vector.shape_cast %swap3A_520 : vector<1x16xf32> to vector<16xf32>
        %swap3A_522 = vector.shape_cast %get3A_514 : vector<16xf32> to vector<1x16xf32>
        tpu.vector_store %arg9[%swap3A_518, %swap3A_519], %swap3A_522 {strides = array<i32>} : memref<2x7680xf32, #tpu.memory_space<vmem>>, vector<1x16xf32>,
        %add3A_523 = arith.constant 32 : i32
        %add3A_524 = arith.addi %squeeze3A_482, %add3A_523 : i32
        %get3A_525 = arith.constant 1 : i32
        %get3A_526 = arith.constant 0 : i32
        %get3A_527 = tpu.memref_slice %arg8[%get3A_525, %add3A_486, %get3A_526] : memref<2x128x120xf32, #tpu.memory_space<vmem>> -> memref<1x1x120xf32, #tpu.memory_space<vmem>>
        %get3A_528 = tpu.memref_squeeze %get3A_527 : memref<1x1x120xf32, #tpu.memory_space<vmem>> -> memref<120xf32, #tpu.memory_space<vmem>>
        %get3A_529 = arith.index_cast %add3A_524 : i32 to index
        %get3A_530 = tpu.vector_load %get3A_528[%get3A_529] {strides = array<i32>} : memref<120xf32, #tpu.memory_space<vmem>>, vector<16xf32>,
        %get3A_531 = vector.shape_cast %get3A_530 : vector<16xf32> to vector<16xf32>
        %add3A_532 = arith.constant 32 : i32
        %add3A_533 = arith.addi %mul3A_488, %add3A_532 : i32
        %swap3A_534 = arith.constant 1 : i32
        %swap3A_535 = arith.index_cast %swap3A_534 : i32 to index
        %swap3A_536 = arith.index_cast %add3A_533 : i32 to index
        %swap3A_537 = tpu.vector_load %arg9[%swap3A_535, %swap3A_536] {strides = array<i32>} : memref<2x7680xf32, #tpu.memory_space<vmem>>, vector<1x16xf32>,
        %swap3A_538 = vector.shape_cast %swap3A_537 : vector<1x16xf32> to vector<16xf32>
        %swap3A_539 = vector.shape_cast %get3A_531 : vector<16xf32> to vector<1x16xf32>
        tpu.vector_store %arg9[%swap3A_535, %swap3A_536], %swap3A_539 {strides = array<i32>} : memref<2x7680xf32, #tpu.memory_space<vmem>>, vector<1x16xf32>,
        %add3A_540 = arith.constant 44 : i32
        %add3A_541 = arith.addi %squeeze3A_482, %add3A_540 : i32
        %get3A_542 = arith.constant 1 : i32
        %get3A_543 = arith.constant 0 : i32
        %get3A_544 = tpu.memref_slice %arg8[%get3A_542, %add3A_486, %get3A_543] : memref<2x128x120xf32, #tpu.memory_space<vmem>> -> memref<1x1x120xf32, #tpu.memory_space<vmem>>
        %get3A_545 = tpu.memref_squeeze %get3A_544 : memref<1x1x120xf32, #tpu.memory_space<vmem>> -> memref<120xf32, #tpu.memory_space<vmem>>
        %get3A_546 = arith.index_cast %add3A_541 : i32 to index
        %get3A_547 = tpu.vector_load %get3A_545[%get3A_546] {strides = array<i32>} : memref<120xf32, #tpu.memory_space<vmem>>, vector<16xf32>,
        %get3A_548 = vector.shape_cast %get3A_547 : vector<16xf32> to vector<16xf32>
        %add3A_549 = arith.constant 44 : i32
        %add3A_550 = arith.addi %mul3A_488, %add3A_549 : i32
        %swap3A_551 = arith.constant 1 : i32
        %swap3A_552 = arith.index_cast %swap3A_551 : i32 to index
        %swap3A_553 = arith.index_cast %add3A_550 : i32 to index
        %swap3A_554 = tpu.vector_load %arg9[%swap3A_552, %swap3A_553] {strides = array<i32>} : memref<2x7680xf32, #tpu.memory_space<vmem>>, vector<1x16xf32>,
        %swap3A_555 = vector.shape_cast %swap3A_554 : vector<1x16xf32> to vector<16xf32>
        %swap3A_556 = vector.shape_cast %get3A_548 : vector<16xf32> to vector<1x16xf32>
        tpu.vector_store %arg9[%swap3A_552, %swap3A_553], %swap3A_556 {strides = array<i32>} : memref<2x7680xf32, #tpu.memory_space<vmem>>, vector<1x16xf32>,
        %slice3A_557 = vector.extract_strided_slice %mul3A_179 {offsets = [5], sizes = [1], strides = [1]} : vector<16xi32> to vector<1xi32>
        %squeeze3A_558 = vector.extract %slice3A_557[0] : i32 from vector<1xi32>
        %mul3A_559 = arith.constant 16 : i32
        %mul3A_560 = arith.muli %scan3A_167, %mul3A_559 : i32
        %add3A_561 = arith.constant 5 : i32
        %add3A_562 = arith.addi %mul3A_560, %add3A_561 : i32
        %mul3A_563 = arith.constant 60 : i32
        %mul3A_564 = arith.muli %mul3A_563, %add3A_562 : i32
        %add3A_565 = arith.constant 0 : i32
        %add3A_566 = arith.addi %squeeze3A_558, %add3A_565 : i32
        %get3A_567 = arith.constant 1 : i32
        %get3A_568 = arith.constant 0 : i32
        %get3A_569 = tpu.memref_slice %arg8[%get3A_567, %add3A_562, %get3A_568] : memref<2x128x120xf32, #tpu.memory_space<vmem>> -> memref<1x1x120xf32, #tpu.memory_space<vmem>>
        %get3A_570 = tpu.memref_squeeze %get3A_569 : memref<1x1x120xf32, #tpu.memory_space<vmem>> -> memref<120xf32, #tpu.memory_space<vmem>>
        %get3A_571 = arith.index_cast %add3A_566 : i32 to index
        %get3A_572 = tpu.vector_load %get3A_570[%get3A_571] {strides = array<i32>} : memref<120xf32, #tpu.memory_space<vmem>>, vector<16xf32>,
        %get3A_573 = vector.shape_cast %get3A_572 : vector<16xf32> to vector<16xf32>
        %add3A_574 = arith.constant 0 : i32
        %add3A_575 = arith.addi %mul3A_564, %add3A_574 : i32
        %swap3A_576 = arith.constant 1 : i32
        %swap3A_577 = arith.index_cast %swap3A_576 : i32 to index
        %swap3A_578 = arith.index_cast %add3A_575 : i32 to index
        %swap3A_579 = tpu.vector_load %arg9[%swap3A_577, %swap3A_578] {strides = array<i32>} : memref<2x7680xf32, #tpu.memory_space<vmem>>, vector<1x16xf32>,
        %swap3A_580 = vector.shape_cast %swap3A_579 : vector<1x16xf32> to vector<16xf32>
        %swap3A_581 = vector.shape_cast %get3A_573 : vector<16xf32> to vector<1x16xf32>
        tpu.vector_store %arg9[%swap3A_577, %swap3A_578], %swap3A_581 {strides = array<i32>} : memref<2x7680xf32, #tpu.memory_space<vmem>>, vector<1x16xf32>,
        %add3A_582 = arith.constant 16 : i32
        %add3A_583 = arith.addi %squeeze3A_558, %add3A_582 : i32
        %get3A_584 = arith.constant 1 : i32
        %get3A_585 = arith.constant 0 : i32
        %get3A_586 = tpu.memref_slice %arg8[%get3A_584, %add3A_562, %get3A_585] : memref<2x128x120xf32, #tpu.memory_space<vmem>> -> memref<1x1x120xf32, #tpu.memory_space<vmem>>
        %get3A_587 = tpu.memref_squeeze %get3A_586 : memref<1x1x120xf32, #tpu.memory_space<vmem>> -> memref<120xf32, #tpu.memory_space<vmem>>
        %get3A_588 = arith.index_cast %add3A_583 : i32 to index
        %get3A_589 = tpu.vector_load %get3A_587[%get3A_588] {strides = array<i32>} : memref<120xf32, #tpu.memory_space<vmem>>, vector<16xf32>,
        %get3A_590 = vector.shape_cast %get3A_589 : vector<16xf32> to vector<16xf32>
        %add3A_591 = arith.constant 16 : i32
        %add3A_592 = arith.addi %mul3A_564, %add3A_591 : i32
        %swap3A_593 = arith.constant 1 : i32
        %swap3A_594 = arith.index_cast %swap3A_593 : i32 to index
        %swap3A_595 = arith.index_cast %add3A_592 : i32 to index
        %swap3A_596 = tpu.vector_load %arg9[%swap3A_594, %swap3A_595] {strides = array<i32>} : memref<2x7680xf32, #tpu.memory_space<vmem>>, vector<1x16xf32>,
        %swap3A_597 = vector.shape_cast %swap3A_596 : vector<1x16xf32> to vector<16xf32>
        %swap3A_598 = vector.shape_cast %get3A_590 : vector<16xf32> to vector<1x16xf32>
        tpu.vector_store %arg9[%swap3A_594, %swap3A_595], %swap3A_598 {strides = array<i32>} : memref<2x7680xf32, #tpu.memory_space<vmem>>, vector<1x16xf32>,
        %add3A_599 = arith.constant 32 : i32
        %add3A_600 = arith.addi %squeeze3A_558, %add3A_599 : i32
        %get3A_601 = arith.constant 1 : i32
        %get3A_602 = arith.constant 0 : i32
        %get3A_603 = tpu.memref_slice %arg8[%get3A_601, %add3A_562, %get3A_602] : memref<2x128x120xf32, #tpu.memory_space<vmem>> -> memref<1x1x120xf32, #tpu.memory_space<vmem>>
        %get3A_604 = tpu.memref_squeeze %get3A_603 : memref<1x1x120xf32, #tpu.memory_space<vmem>> -> memref<120xf32, #tpu.memory_space<vmem>>
        %get3A_605 = arith.index_cast %add3A_600 : i32 to index
        %get3A_606 = tpu.vector_load %get3A_604[%get3A_605] {strides = array<i32>} : memref<120xf32, #tpu.memory_space<vmem>>, vector<16xf32>,
        %get3A_607 = vector.shape_cast %get3A_606 : vector<16xf32> to vector<16xf32>
        %add3A_608 = arith.constant 32 : i32
        %add3A_609 = arith.addi %mul3A_564, %add3A_608 : i32
        %swap3A_610 = arith.constant 1 : i32
        %swap3A_611 = arith.index_cast %swap3A_610 : i32 to index
        %swap3A_612 = arith.index_cast %add3A_609 : i32 to index
        %swap3A_613 = tpu.vector_load %arg9[%swap3A_611, %swap3A_612] {strides = array<i32>} : memref<2x7680xf32, #tpu.memory_space<vmem>>, vector<1x16xf32>,
        %swap3A_614 = vector.shape_cast %swap3A_613 : vector<1x16xf32> to vector<16xf32>
        %swap3A_615 = vector.shape_cast %get3A_607 : vector<16xf32> to vector<1x16xf32>
        tpu.vector_store %arg9[%swap3A_611, %swap3A_612], %swap3A_615 {strides = array<i32>} : memref<2x7680xf32, #tpu.memory_space<vmem>>, vector<1x16xf32>,
        %add3A_616 = arith.constant 44 : i32
        %add3A_617 = arith.addi %squeeze3A_558, %add3A_616 : i32
        %get3A_618 = arith.constant 1 : i32
        %get3A_619 = arith.constant 0 : i32
        %get3A_620 = tpu.memref_slice %arg8[%get3A_618, %add3A_562, %get3A_619] : memref<2x128x120xf32, #tpu.memory_space<vmem>> -> memref<1x1x120xf32, #tpu.memory_space<vmem>>
        %get3A_621 = tpu.memref_squeeze %get3A_620 : memref<1x1x120xf32, #tpu.memory_space<vmem>> -> memref<120xf32, #tpu.memory_space<vmem>>
        %get3A_622 = arith.index_cast %add3A_617 : i32 to index
        %get3A_623 = tpu.vector_load %get3A_621[%get3A_622] {strides = array<i32>} : memref<120xf32, #tpu.memory_space<vmem>>, vector<16xf32>,
        %get3A_624 = vector.shape_cast %get3A_623 : vector<16xf32> to vector<16xf32>
        %add3A_625 = arith.constant 44 : i32
        %add3A_626 = arith.addi %mul3A_564, %add3A_625 : i32
        %swap3A_627 = arith.constant 1 : i32
        %swap3A_628 = arith.index_cast %swap3A_627 : i32 to index
        %swap3A_629 = arith.index_cast %add3A_626 : i32 to index
        %swap3A_630 = tpu.vector_load %arg9[%swap3A_628, %swap3A_629] {strides = array<i32>} : memref<2x7680xf32, #tpu.memory_space<vmem>>, vector<1x16xf32>,
        %swap3A_631 = vector.shape_cast %swap3A_630 : vector<1x16xf32> to vector<16xf32>
        %swap3A_632 = vector.shape_cast %get3A_624 : vector<16xf32> to vector<1x16xf32>
        tpu.vector_store %arg9[%swap3A_628, %swap3A_629], %swap3A_632 {strides = array<i32>} : memref<2x7680xf32, #tpu.memory_space<vmem>>, vector<1x16xf32>,
        %slice3A_633 = vector.extract_strided_slice %mul3A_179 {offsets = [6], sizes = [1], strides = [1]} : vector<16xi32> to vector<1xi32>
        %squeeze3A_634 = vector.extract %slice3A_633[0] : i32 from vector<1xi32>
        %mul3A_635 = arith.constant 16 : i32
        %mul3A_636 = arith.muli %scan3A_167, %mul3A_635 : i32
        %add3A_637 = arith.constant 6 : i32
        %add3A_638 = arith.addi %mul3A_636, %add3A_637 : i32
        %mul3A_639 = arith.constant 60 : i32
        %mul3A_640 = arith.muli %mul3A_639, %add3A_638 : i32
        %add3A_641 = arith.constant 0 : i32
        %add3A_642 = arith.addi %squeeze3A_634, %add3A_641 : i32
        %get3A_643 = arith.constant 1 : i32
        %get3A_644 = arith.constant 0 : i32
        %get3A_645 = tpu.memref_slice %arg8[%get3A_643, %add3A_638, %get3A_644] : memref<2x128x120xf32, #tpu.memory_space<vmem>> -> memref<1x1x120xf32, #tpu.memory_space<vmem>>
        %get3A_646 = tpu.memref_squeeze %get3A_645 : memref<1x1x120xf32, #tpu.memory_space<vmem>> -> memref<120xf32, #tpu.memory_space<vmem>>
        %get3A_647 = arith.index_cast %add3A_642 : i32 to index
        %get3A_648 = tpu.vector_load %get3A_646[%get3A_647] {strides = array<i32>} : memref<120xf32, #tpu.memory_space<vmem>>, vector<16xf32>,
        %get3A_649 = vector.shape_cast %get3A_648 : vector<16xf32> to vector<16xf32>
        %add3A_650 = arith.constant 0 : i32
        %add3A_651 = arith.addi %mul3A_640, %add3A_650 : i32
        %swap3A_652 = arith.constant 1 : i32
        %swap3A_653 = arith.index_cast %swap3A_652 : i32 to index
        %swap3A_654 = arith.index_cast %add3A_651 : i32 to index
        %swap3A_655 = tpu.vector_load %arg9[%swap3A_653, %swap3A_654] {strides = array<i32>} : memref<2x7680xf32, #tpu.memory_space<vmem>>, vector<1x16xf32>,
        %swap3A_656 = vector.shape_cast %swap3A_655 : vector<1x16xf32> to vector<16xf32>
        %swap3A_657 = vector.shape_cast %get3A_649 : vector<16xf32> to vector<1x16xf32>
        tpu.vector_store %arg9[%swap3A_653, %swap3A_654], %swap3A_657 {strides = array<i32>} : memref<2x7680xf32, #tpu.memory_space<vmem>>, vector<1x16xf32>,
        %add3A_658 = arith.constant 16 : i32
        %add3A_659 = arith.addi %squeeze3A_634, %add3A_658 : i32
        %get3A_660 = arith.constant 1 : i32
        %get3A_661 = arith.constant 0 : i32
        %get3A_662 = tpu.memref_slice %arg8[%get3A_660, %add3A_638, %get3A_661] : memref<2x128x120xf32, #tpu.memory_space<vmem>> -> memref<1x1x120xf32, #tpu.memory_space<vmem>>
        %get3A_663 = tpu.memref_squeeze %get3A_662 : memref<1x1x120xf32, #tpu.memory_space<vmem>> -> memref<120xf32, #tpu.memory_space<vmem>>
        %get3A_664 = arith.index_cast %add3A_659 : i32 to index
        %get3A_665 = tpu.vector_load %get3A_663[%get3A_664] {strides = array<i32>} : memref<120xf32, #tpu.memory_space<vmem>>, vector<16xf32>,
        %get3A_666 = vector.shape_cast %get3A_665 : vector<16xf32> to vector<16xf32>
        %add3A_667 = arith.constant 16 : i32
        %add3A_668 = arith.addi %mul3A_640, %add3A_667 : i32
        %swap3A_669 = arith.constant 1 : i32
        %swap3A_670 = arith.index_cast %swap3A_669 : i32 to index
        %swap3A_671 = arith.index_cast %add3A_668 : i32 to index
        %swap3A_672 = tpu.vector_load %arg9[%swap3A_670, %swap3A_671] {strides = array<i32>} : memref<2x7680xf32, #tpu.memory_space<vmem>>, vector<1x16xf32>,
        %swap3A_673 = vector.shape_cast %swap3A_672 : vector<1x16xf32> to vector<16xf32>
        %swap3A_674 = vector.shape_cast %get3A_666 : vector<16xf32> to vector<1x16xf32>
        tpu.vector_store %arg9[%swap3A_670, %swap3A_671], %swap3A_674 {strides = array<i32>} : memref<2x7680xf32, #tpu.memory_space<vmem>>, vector<1x16xf32>,
        %add3A_675 = arith.constant 32 : i32
        %add3A_676 = arith.addi %squeeze3A_634, %add3A_675 : i32
        %get3A_677 = arith.constant 1 : i32
        %get3A_678 = arith.constant 0 : i32
        %get3A_679 = tpu.memref_slice %arg8[%get3A_677, %add3A_638, %get3A_678] : memref<2x128x120xf32, #tpu.memory_space<vmem>> -> memref<1x1x120xf32, #tpu.memory_space<vmem>>
        %get3A_680 = tpu.memref_squeeze %get3A_679 : memref<1x1x120xf32, #tpu.memory_space<vmem>> -> memref<120xf32, #tpu.memory_space<vmem>>
        %get3A_681 = arith.index_cast %add3A_676 : i32 to index
        %get3A_682 = tpu.vector_load %get3A_680[%get3A_681] {strides = array<i32>} : memref<120xf32, #tpu.memory_space<vmem>>, vector<16xf32>,
        %get3A_683 = vector.shape_cast %get3A_682 : vector<16xf32> to vector<16xf32>
        %add3A_684 = arith.constant 32 : i32
        %add3A_685 = arith.addi %mul3A_640, %add3A_684 : i32
        %swap3A_686 = arith.constant 1 : i32
        %swap3A_687 = arith.index_cast %swap3A_686 : i32 to index
        %swap3A_688 = arith.index_cast %add3A_685 : i32 to index
        %swap3A_689 = tpu.vector_load %arg9[%swap3A_687, %swap3A_688] {strides = array<i32>} : memref<2x7680xf32, #tpu.memory_space<vmem>>, vector<1x16xf32>,
        %swap3A_690 = vector.shape_cast %swap3A_689 : vector<1x16xf32> to vector<16xf32>
        %swap3A_691 = vector.shape_cast %get3A_683 : vector<16xf32> to vector<1x16xf32>
        tpu.vector_store %arg9[%swap3A_687, %swap3A_688], %swap3A_691 {strides = array<i32>} : memref<2x7680xf32, #tpu.memory_space<vmem>>, vector<1x16xf32>,
        %add3A_692 = arith.constant 44 : i32
        %add3A_693 = arith.addi %squeeze3A_634, %add3A_692 : i32
        %get3A_694 = arith.constant 1 : i32
        %get3A_695 = arith.constant 0 : i32
        %get3A_696 = tpu.memref_slice %arg8[%get3A_694, %add3A_638, %get3A_695] : memref<2x128x120xf32, #tpu.memory_space<vmem>> -> memref<1x1x120xf32, #tpu.memory_space<vmem>>
        %get3A_697 = tpu.memref_squeeze %get3A_696 : memref<1x1x120xf32, #tpu.memory_space<vmem>> -> memref<120xf32, #tpu.memory_space<vmem>>
        %get3A_698 = arith.index_cast %add3A_693 : i32 to index
        %get3A_699 = tpu.vector_load %get3A_697[%get3A_698] {strides = array<i32>} : memref<120xf32, #tpu.memory_space<vmem>>, vector<16xf32>,
        %get3A_700 = vector.shape_cast %get3A_699 : vector<16xf32> to vector<16xf32>
        %add3A_701 = arith.constant 44 : i32
        %add3A_702 = arith.addi %mul3A_640, %add3A_701 : i32
        %swap3A_703 = arith.constant 1 : i32
        %swap3A_704 = arith.index_cast %swap3A_703 : i32 to index
        %swap3A_705 = arith.index_cast %add3A_702 : i32 to index
        %swap3A_706 = tpu.vector_load %arg9[%swap3A_704, %swap3A_705] {strides = array<i32>} : memref<2x7680xf32, #tpu.memory_space<vmem>>, vector<1x16xf32>,
        %swap3A_707 = vector.shape_cast %swap3A_706 : vector<1x16xf32> to vector<16xf32>
        %swap3A_708 = vector.shape_cast %get3A_700 : vector<16xf32> to vector<1x16xf32>
        tpu.vector_store %arg9[%swap3A_704, %swap3A_705], %swap3A_708 {strides = array<i32>} : memref<2x7680xf32, #tpu.memory_space<vmem>>, vector<1x16xf32>,
        %slice3A_709 = vector.extract_strided_slice %mul3A_179 {offsets = [7], sizes = [1], strides = [1]} : vector<16xi32> to vector<1xi32>
        %squeeze3A_710 = vector.extract %slice3A_709[0] : i32 from vector<1xi32>
        %mul3A_711 = arith.constant 16 : i32
        %mul3A_712 = arith.muli %scan3A_167, %mul3A_711 : i32
        %add3A_713 = arith.constant 7 : i32
        %add3A_714 = arith.addi %mul3A_712, %add3A_713 : i32
        %mul3A_715 = arith.constant 60 : i32
        %mul3A_716 = arith.muli %mul3A_715, %add3A_714 : i32
        %add3A_717 = arith.constant 0 : i32
        %add3A_718 = arith.addi %squeeze3A_710, %add3A_717 : i32
        %get3A_719 = arith.constant 1 : i32
        %get3A_720 = arith.constant 0 : i32
        %get3A_721 = tpu.memref_slice %arg8[%get3A_719, %add3A_714, %get3A_720] : memref<2x128x120xf32, #tpu.memory_space<vmem>> -> memref<1x1x120xf32, #tpu.memory_space<vmem>>
        %get3A_722 = tpu.memref_squeeze %get3A_721 : memref<1x1x120xf32, #tpu.memory_space<vmem>> -> memref<120xf32, #tpu.memory_space<vmem>>
        %get3A_723 = arith.index_cast %add3A_718 : i32 to index
        %get3A_724 = tpu.vector_load %get3A_722[%get3A_723] {strides = array<i32>} : memref<120xf32, #tpu.memory_space<vmem>>, vector<16xf32>,
        %get3A_725 = vector.shape_cast %get3A_724 : vector<16xf32> to vector<16xf32>
        %add3A_726 = arith.constant 0 : i32
        %add3A_727 = arith.addi %mul3A_716, %add3A_726 : i32
        %swap3A_728 = arith.constant 1 : i32
        %swap3A_729 = arith.index_cast %swap3A_728 : i32 to index
        %swap3A_730 = arith.index_cast %add3A_727 : i32 to index
        %swap3A_731 = tpu.vector_load %arg9[%swap3A_729, %swap3A_730] {strides = array<i32>} : memref<2x7680xf32, #tpu.memory_space<vmem>>, vector<1x16xf32>,
        %swap3A_732 = vector.shape_cast %swap3A_731 : vector<1x16xf32> to vector<16xf32>
        %swap3A_733 = vector.shape_cast %get3A_725 : vector<16xf32> to vector<1x16xf32>
        tpu.vector_store %arg9[%swap3A_729, %swap3A_730], %swap3A_733 {strides = array<i32>} : memref<2x7680xf32, #tpu.memory_space<vmem>>, vector<1x16xf32>,
        %add3A_734 = arith.constant 16 : i32
        %add3A_735 = arith.addi %squeeze3A_710, %add3A_734 : i32
        %get3A_736 = arith.constant 1 : i32
        %get3A_737 = arith.constant 0 : i32
        %get3A_738 = tpu.memref_slice %arg8[%get3A_736, %add3A_714, %get3A_737] : memref<2x128x120xf32, #tpu.memory_space<vmem>> -> memref<1x1x120xf32, #tpu.memory_space<vmem>>
        %get3A_739 = tpu.memref_squeeze %get3A_738 : memref<1x1x120xf32, #tpu.memory_space<vmem>> -> memref<120xf32, #tpu.memory_space<vmem>>
        %get3A_740 = arith.index_cast %add3A_735 : i32 to index
        %get3A_741 = tpu.vector_load %get3A_739[%get3A_740] {strides = array<i32>} : memref<120xf32, #tpu.memory_space<vmem>>, vector<16xf32>,
        %get3A_742 = vector.shape_cast %get3A_741 : vector<16xf32> to vector<16xf32>
        %add3A_743 = arith.constant 16 : i32
        %add3A_744 = arith.addi %mul3A_716, %add3A_743 : i32
        %swap3A_745 = arith.constant 1 : i32
        %swap3A_746 = arith.index_cast %swap3A_745 : i32 to index
        %swap3A_747 = arith.index_cast %add3A_744 : i32 to index
        %swap3A_748 = tpu.vector_load %arg9[%swap3A_746, %swap3A_747] {strides = array<i32>} : memref<2x7680xf32, #tpu.memory_space<vmem>>, vector<1x16xf32>,
        %swap3A_749 = vector.shape_cast %swap3A_748 : vector<1x16xf32> to vector<16xf32>
        %swap3A_750 = vector.shape_cast %get3A_742 : vector<16xf32> to vector<1x16xf32>
        tpu.vector_store %arg9[%swap3A_746, %swap3A_747], %swap3A_750 {strides = array<i32>} : memref<2x7680xf32, #tpu.memory_space<vmem>>, vector<1x16xf32>,
        %add3A_751 = arith.constant 32 : i32
        %add3A_752 = arith.addi %squeeze3A_710, %add3A_751 : i32
        %get3A_753 = arith.constant 1 : i32
        %get3A_754 = arith.constant 0 : i32
        %get3A_755 = tpu.memref_slice %arg8[%get3A_753, %add3A_714, %get3A_754] : memref<2x128x120xf32, #tpu.memory_space<vmem>> -> memref<1x1x120xf32, #tpu.memory_space<vmem>>
        %get3A_756 = tpu.memref_squeeze %get3A_755 : memref<1x1x120xf32, #tpu.memory_space<vmem>> -> memref<120xf32, #tpu.memory_space<vmem>>
        %get3A_757 = arith.index_cast %add3A_752 : i32 to index
        %get3A_758 = tpu.vector_load %get3A_756[%get3A_757] {strides = array<i32>} : memref<120xf32, #tpu.memory_space<vmem>>, vector<16xf32>,
        %get3A_759 = vector.shape_cast %get3A_758 : vector<16xf32> to vector<16xf32>
        %add3A_760 = arith.constant 32 : i32
        %add3A_761 = arith.addi %mul3A_716, %add3A_760 : i32
        %swap3A_762 = arith.constant 1 : i32
        %swap3A_763 = arith.index_cast %swap3A_762 : i32 to index
        %swap3A_764 = arith.index_cast %add3A_761 : i32 to index
        %swap3A_765 = tpu.vector_load %arg9[%swap3A_763, %swap3A_764] {strides = array<i32>} : memref<2x7680xf32, #tpu.memory_space<vmem>>, vector<1x16xf32>,
        %swap3A_766 = vector.shape_cast %swap3A_765 : vector<1x16xf32> to vector<16xf32>
        %swap3A_767 = vector.shape_cast %get3A_759 : vector<16xf32> to vector<1x16xf32>
        tpu.vector_store %arg9[%swap3A_763, %swap3A_764], %swap3A_767 {strides = array<i32>} : memref<2x7680xf32, #tpu.memory_space<vmem>>, vector<1x16xf32>,
        %add3A_768 = arith.constant 44 : i32
        %add3A_769 = arith.addi %squeeze3A_710, %add3A_768 : i32
        %get3A_770 = arith.constant 1 : i32
        %get3A_771 = arith.constant 0 : i32
        %get3A_772 = tpu.memref_slice %arg8[%get3A_770, %add3A_714, %get3A_771] : memref<2x128x120xf32, #tpu.memory_space<vmem>> -> memref<1x1x120xf32, #tpu.memory_space<vmem>>
        %get3A_773 = tpu.memref_squeeze %get3A_772 : memref<1x1x120xf32, #tpu.memory_space<vmem>> -> memref<120xf32, #tpu.memory_space<vmem>>
        %get3A_774 = arith.index_cast %add3A_769 : i32 to index
        %get3A_775 = tpu.vector_load %get3A_773[%get3A_774] {strides = array<i32>} : memref<120xf32, #tpu.memory_space<vmem>>, vector<16xf32>,
        %get3A_776 = vector.shape_cast %get3A_775 : vector<16xf32> to vector<16xf32>
        %add3A_777 = arith.constant 44 : i32
        %add3A_778 = arith.addi %mul3A_716, %add3A_777 : i32
        %swap3A_779 = arith.constant 1 : i32
        %swap3A_780 = arith.index_cast %swap3A_779 : i32 to index
        %swap3A_781 = arith.index_cast %add3A_778 : i32 to index
        %swap3A_782 = tpu.vector_load %arg9[%swap3A_780, %swap3A_781] {strides = array<i32>} : memref<2x7680xf32, #tpu.memory_space<vmem>>, vector<1x16xf32>,
        %swap3A_783 = vector.shape_cast %swap3A_782 : vector<1x16xf32> to vector<16xf32>
        %swap3A_784 = vector.shape_cast %get3A_776 : vector<16xf32> to vector<1x16xf32>
        tpu.vector_store %arg9[%swap3A_780, %swap3A_781], %swap3A_784 {strides = array<i32>} : memref<2x7680xf32, #tpu.memory_space<vmem>>, vector<1x16xf32>,
        %slice3A_785 = vector.extract_strided_slice %mul3A_179 {offsets = [8], sizes = [1], strides = [1]} : vector<16xi32> to vector<1xi32>
        %squeeze3A_786 = vector.extract %slice3A_785[0] : i32 from vector<1xi32>
        %mul3A_787 = arith.constant 16 : i32
        %mul3A_788 = arith.muli %scan3A_167, %mul3A_787 : i32
        %add3A_789 = arith.constant 8 : i32
        %add3A_790 = arith.addi %mul3A_788, %add3A_789 : i32
        %mul3A_791 = arith.constant 60 : i32
        %mul3A_792 = arith.muli %mul3A_791, %add3A_790 : i32
        %add3A_793 = arith.constant 0 : i32
        %add3A_794 = arith.addi %squeeze3A_786, %add3A_793 : i32
        %get3A_795 = arith.constant 1 : i32
        %get3A_796 = arith.constant 0 : i32
        %get3A_797 = tpu.memref_slice %arg8[%get3A_795, %add3A_790, %get3A_796] : memref<2x128x120xf32, #tpu.memory_space<vmem>> -> memref<1x1x120xf32, #tpu.memory_space<vmem>>
        %get3A_798 = tpu.memref_squeeze %get3A_797 : memref<1x1x120xf32, #tpu.memory_space<vmem>> -> memref<120xf32, #tpu.memory_space<vmem>>
        %get3A_799 = arith.index_cast %add3A_794 : i32 to index
        %get3A_800 = tpu.vector_load %get3A_798[%get3A_799] {strides = array<i32>} : memref<120xf32, #tpu.memory_space<vmem>>, vector<16xf32>,
        %get3A_801 = vector.shape_cast %get3A_800 : vector<16xf32> to vector<16xf32>
        %add3A_802 = arith.constant 0 : i32
        %add3A_803 = arith.addi %mul3A_792, %add3A_802 : i32
        %swap3A_804 = arith.constant 1 : i32
        %swap3A_805 = arith.index_cast %swap3A_804 : i32 to index
        %swap3A_806 = arith.index_cast %add3A_803 : i32 to index
        %swap3A_807 = tpu.vector_load %arg9[%swap3A_805, %swap3A_806] {strides = array<i32>} : memref<2x7680xf32, #tpu.memory_space<vmem>>, vector<1x16xf32>,
        %swap3A_808 = vector.shape_cast %swap3A_807 : vector<1x16xf32> to vector<16xf32>
        %swap3A_809 = vector.shape_cast %get3A_801 : vector<16xf32> to vector<1x16xf32>
        tpu.vector_store %arg9[%swap3A_805, %swap3A_806], %swap3A_809 {strides = array<i32>} : memref<2x7680xf32, #tpu.memory_space<vmem>>, vector<1x16xf32>,
        %add3A_810 = arith.constant 16 : i32
        %add3A_811 = arith.addi %squeeze3A_786, %add3A_810 : i32
        %get3A_812 = arith.constant 1 : i32
        %get3A_813 = arith.constant 0 : i32
        %get3A_814 = tpu.memref_slice %arg8[%get3A_812, %add3A_790, %get3A_813] : memref<2x128x120xf32, #tpu.memory_space<vmem>> -> memref<1x1x120xf32, #tpu.memory_space<vmem>>
        %get3A_815 = tpu.memref_squeeze %get3A_814 : memref<1x1x120xf32, #tpu.memory_space<vmem>> -> memref<120xf32, #tpu.memory_space<vmem>>
        %get3A_816 = arith.index_cast %add3A_811 : i32 to index
        %get3A_817 = tpu.vector_load %get3A_815[%get3A_816] {strides = array<i32>} : memref<120xf32, #tpu.memory_space<vmem>>, vector<16xf32>,
        %get3A_818 = vector.shape_cast %get3A_817 : vector<16xf32> to vector<16xf32>
        %add3A_819 = arith.constant 16 : i32
        %add3A_820 = arith.addi %mul3A_792, %add3A_819 : i32
        %swap3A_821 = arith.constant 1 : i32
        %swap3A_822 = arith.index_cast %swap3A_821 : i32 to index
        %swap3A_823 = arith.index_cast %add3A_820 : i32 to index
        %swap3A_824 = tpu.vector_load %arg9[%swap3A_822, %swap3A_823] {strides = array<i32>} : memref<2x7680xf32, #tpu.memory_space<vmem>>, vector<1x16xf32>,
        %swap3A_825 = vector.shape_cast %swap3A_824 : vector<1x16xf32> to vector<16xf32>
        %swap3A_826 = vector.shape_cast %get3A_818 : vector<16xf32> to vector<1x16xf32>
        tpu.vector_store %arg9[%swap3A_822, %swap3A_823], %swap3A_826 {strides = array<i32>} : memref<2x7680xf32, #tpu.memory_space<vmem>>, vector<1x16xf32>,
        %add3A_827 = arith.constant 32 : i32
        %add3A_828 = arith.addi %squeeze3A_786, %add3A_827 : i32
        %get3A_829 = arith.constant 1 : i32
        %get3A_830 = arith.constant 0 : i32
        %get3A_831 = tpu.memref_slice %arg8[%get3A_829, %add3A_790, %get3A_830] : memref<2x128x120xf32, #tpu.memory_space<vmem>> -> memref<1x1x120xf32, #tpu.memory_space<vmem>>
        %get3A_832 = tpu.memref_squeeze %get3A_831 : memref<1x1x120xf32, #tpu.memory_space<vmem>> -> memref<120xf32, #tpu.memory_space<vmem>>
        %get3A_833 = arith.index_cast %add3A_828 : i32 to index
        %get3A_834 = tpu.vector_load %get3A_832[%get3A_833] {strides = array<i32>} : memref<120xf32, #tpu.memory_space<vmem>>, vector<16xf32>,
        %get3A_835 = vector.shape_cast %get3A_834 : vector<16xf32> to vector<16xf32>
        %add3A_836 = arith.constant 32 : i32
        %add3A_837 = arith.addi %mul3A_792, %add3A_836 : i32
        %swap3A_838 = arith.constant 1 : i32
        %swap3A_839 = arith.index_cast %swap3A_838 : i32 to index
        %swap3A_840 = arith.index_cast %add3A_837 : i32 to index
        %swap3A_841 = tpu.vector_load %arg9[%swap3A_839, %swap3A_840] {strides = array<i32>} : memref<2x7680xf32, #tpu.memory_space<vmem>>, vector<1x16xf32>,
        %swap3A_842 = vector.shape_cast %swap3A_841 : vector<1x16xf32> to vector<16xf32>
        %swap3A_843 = vector.shape_cast %get3A_835 : vector<16xf32> to vector<1x16xf32>
        tpu.vector_store %arg9[%swap3A_839, %swap3A_840], %swap3A_843 {strides = array<i32>} : memref<2x7680xf32, #tpu.memory_space<vmem>>, vector<1x16xf32>,
        %add3A_844 = arith.constant 44 : i32
        %add3A_845 = arith.addi %squeeze3A_786, %add3A_844 : i32
        %get3A_846 = arith.constant 1 : i32
        %get3A_847 = arith.constant 0 : i32
        %get3A_848 = tpu.memref_slice %arg8[%get3A_846, %add3A_790, %get3A_847] : memref<2x128x120xf32, #tpu.memory_space<vmem>> -> memref<1x1x120xf32, #tpu.memory_space<vmem>>
        %get3A_849 = tpu.memref_squeeze %get3A_848 : memref<1x1x120xf32, #tpu.memory_space<vmem>> -> memref<120xf32, #tpu.memory_space<vmem>>
        %get3A_850 = arith.index_cast %add3A_845 : i32 to index
        %get3A_851 = tpu.vector_load %get3A_849[%get3A_850] {strides = array<i32>} : memref<120xf32, #tpu.memory_space<vmem>>, vector<16xf32>,
        %get3A_852 = vector.shape_cast %get3A_851 : vector<16xf32> to vector<16xf32>
        %add3A_853 = arith.constant 44 : i32
        %add3A_854 = arith.addi %mul3A_792, %add3A_853 : i32
        %swap3A_855 = arith.constant 1 : i32
        %swap3A_856 = arith.index_cast %swap3A_855 : i32 to index
        %swap3A_857 = arith.index_cast %add3A_854 : i32 to index
        %swap3A_858 = tpu.vector_load %arg9[%swap3A_856, %swap3A_857] {strides = array<i32>} : memref<2x7680xf32, #tpu.memory_space<vmem>>, vector<1x16xf32>,
        %swap3A_859 = vector.shape_cast %swap3A_858 : vector<1x16xf32> to vector<16xf32>
        %swap3A_860 = vector.shape_cast %get3A_852 : vector<16xf32> to vector<1x16xf32>
        tpu.vector_store %arg9[%swap3A_856, %swap3A_857], %swap3A_860 {strides = array<i32>} : memref<2x7680xf32, #tpu.memory_space<vmem>>, vector<1x16xf32>,
        %slice3A_861 = vector.extract_strided_slice %mul3A_179 {offsets = [9], sizes = [1], strides = [1]} : vector<16xi32> to vector<1xi32>
        %squeeze3A_862 = vector.extract %slice3A_861[0] : i32 from vector<1xi32>
        %mul3A_863 = arith.constant 16 : i32
        %mul3A_864 = arith.muli %scan3A_167, %mul3A_863 : i32
        %add3A_865 = arith.constant 9 : i32
        %add3A_866 = arith.addi %mul3A_864, %add3A_865 : i32
        %mul3A_867 = arith.constant 60 : i32
        %mul3A_868 = arith.muli %mul3A_867, %add3A_866 : i32
        %add3A_869 = arith.constant 0 : i32
        %add3A_870 = arith.addi %squeeze3A_862, %add3A_869 : i32
        %get3A_871 = arith.constant 1 : i32
        %get3A_872 = arith.constant 0 : i32
        %get3A_873 = tpu.memref_slice %arg8[%get3A_871, %add3A_866, %get3A_872] : memref<2x128x120xf32, #tpu.memory_space<vmem>> -> memref<1x1x120xf32, #tpu.memory_space<vmem>>
        %get3A_874 = tpu.memref_squeeze %get3A_873 : memref<1x1x120xf32, #tpu.memory_space<vmem>> -> memref<120xf32, #tpu.memory_space<vmem>>
        %get3A_875 = arith.index_cast %add3A_870 : i32 to index
        %get3A_876 = tpu.vector_load %get3A_874[%get3A_875] {strides = array<i32>} : memref<120xf32, #tpu.memory_space<vmem>>, vector<16xf32>,
        %get3A_877 = vector.shape_cast %get3A_876 : vector<16xf32> to vector<16xf32>
        %add3A_878 = arith.constant 0 : i32
        %add3A_879 = arith.addi %mul3A_868, %add3A_878 : i32
        %swap3A_880 = arith.constant 1 : i32
        %swap3A_881 = arith.index_cast %swap3A_880 : i32 to index
        %swap3A_882 = arith.index_cast %add3A_879 : i32 to index
        %swap3A_883 = tpu.vector_load %arg9[%swap3A_881, %swap3A_882] {strides = array<i32>} : memref<2x7680xf32, #tpu.memory_space<vmem>>, vector<1x16xf32>,
        %swap3A_884 = vector.shape_cast %swap3A_883 : vector<1x16xf32> to vector<16xf32>
        %swap3A_885 = vector.shape_cast %get3A_877 : vector<16xf32> to vector<1x16xf32>
        tpu.vector_store %arg9[%swap3A_881, %swap3A_882], %swap3A_885 {strides = array<i32>} : memref<2x7680xf32, #tpu.memory_space<vmem>>, vector<1x16xf32>,
        %add3A_886 = arith.constant 16 : i32
        %add3A_887 = arith.addi %squeeze3A_862, %add3A_886 : i32
        %get3A_888 = arith.constant 1 : i32
        %get3A_889 = arith.constant 0 : i32
        %get3A_890 = tpu.memref_slice %arg8[%get3A_888, %add3A_866, %get3A_889] : memref<2x128x120xf32, #tpu.memory_space<vmem>> -> memref<1x1x120xf32, #tpu.memory_space<vmem>>
        %get3A_891 = tpu.memref_squeeze %get3A_890 : memref<1x1x120xf32, #tpu.memory_space<vmem>> -> memref<120xf32, #tpu.memory_space<vmem>>
        %get3A_892 = arith.index_cast %add3A_887 : i32 to index
        %get3A_893 = tpu.vector_load %get3A_891[%get3A_892] {strides = array<i32>} : memref<120xf32, #tpu.memory_space<vmem>>, vector<16xf32>,
        %get3A_894 = vector.shape_cast %get3A_893 : vector<16xf32> to vector<16xf32>
        %add3A_895 = arith.constant 16 : i32
        %add3A_896 = arith.addi %mul3A_868, %add3A_895 : i32
        %swap3A_897 = arith.constant 1 : i32
        %swap3A_898 = arith.index_cast %swap3A_897 : i32 to index
        %swap3A_899 = arith.index_cast %add3A_896 : i32 to index
        %swap3A_900 = tpu.vector_load %arg9[%swap3A_898, %swap3A_899] {strides = array<i32>} : memref<2x7680xf32, #tpu.memory_space<vmem>>, vector<1x16xf32>,
        %swap3A_901 = vector.shape_cast %swap3A_900 : vector<1x16xf32> to vector<16xf32>
        %swap3A_902 = vector.shape_cast %get3A_894 : vector<16xf32> to vector<1x16xf32>
        tpu.vector_store %arg9[%swap3A_898, %swap3A_899], %swap3A_902 {strides = array<i32>} : memref<2x7680xf32, #tpu.memory_space<vmem>>, vector<1x16xf32>,
        %add3A_903 = arith.constant 32 : i32
        %add3A_904 = arith.addi %squeeze3A_862, %add3A_903 : i32
        %get3A_905 = arith.constant 1 : i32
        %get3A_906 = arith.constant 0 : i32
        %get3A_907 = tpu.memref_slice %arg8[%get3A_905, %add3A_866, %get3A_906] : memref<2x128x120xf32, #tpu.memory_space<vmem>> -> memref<1x1x120xf32, #tpu.memory_space<vmem>>
        %get3A_908 = tpu.memref_squeeze %get3A_907 : memref<1x1x120xf32, #tpu.memory_space<vmem>> -> memref<120xf32, #tpu.memory_space<vmem>>
        %get3A_909 = arith.index_cast %add3A_904 : i32 to index
        %get3A_910 = tpu.vector_load %get3A_908[%get3A_909] {strides = array<i32>} : memref<120xf32, #tpu.memory_space<vmem>>, vector<16xf32>,
        %get3A_911 = vector.shape_cast %get3A_910 : vector<16xf32> to vector<16xf32>
        %add3A_912 = arith.constant 32 : i32
        %add3A_913 = arith.addi %mul3A_868, %add3A_912 : i32
        %swap3A_914 = arith.constant 1 : i32
        %swap3A_915 = arith.index_cast %swap3A_914 : i32 to index
        %swap3A_916 = arith.index_cast %add3A_913 : i32 to index
        %swap3A_917 = tpu.vector_load %arg9[%swap3A_915, %swap3A_916] {strides = array<i32>} : memref<2x7680xf32, #tpu.memory_space<vmem>>, vector<1x16xf32>,
        %swap3A_918 = vector.shape_cast %swap3A_917 : vector<1x16xf32> to vector<16xf32>
        %swap3A_919 = vector.shape_cast %get3A_911 : vector<16xf32> to vector<1x16xf32>
        tpu.vector_store %arg9[%swap3A_915, %swap3A_916], %swap3A_919 {strides = array<i32>} : memref<2x7680xf32, #tpu.memory_space<vmem>>, vector<1x16xf32>,
        %add3A_920 = arith.constant 44 : i32
        %add3A_921 = arith.addi %squeeze3A_862, %add3A_920 : i32
        %get3A_922 = arith.constant 1 : i32
        %get3A_923 = arith.constant 0 : i32
        %get3A_924 = tpu.memref_slice %arg8[%get3A_922, %add3A_866, %get3A_923] : memref<2x128x120xf32, #tpu.memory_space<vmem>> -> memref<1x1x120xf32, #tpu.memory_space<vmem>>
        %get3A_925 = tpu.memref_squeeze %get3A_924 : memref<1x1x120xf32, #tpu.memory_space<vmem>> -> memref<120xf32, #tpu.memory_space<vmem>>
        %get3A_926 = arith.index_cast %add3A_921 : i32 to index
        %get3A_927 = tpu.vector_load %get3A_925[%get3A_926] {strides = array<i32>} : memref<120xf32, #tpu.memory_space<vmem>>, vector<16xf32>,
        %get3A_928 = vector.shape_cast %get3A_927 : vector<16xf32> to vector<16xf32>
        %add3A_929 = arith.constant 44 : i32
        %add3A_930 = arith.addi %mul3A_868, %add3A_929 : i32
        %swap3A_931 = arith.constant 1 : i32
        %swap3A_932 = arith.index_cast %swap3A_931 : i32 to index
        %swap3A_933 = arith.index_cast %add3A_930 : i32 to index
        %swap3A_934 = tpu.vector_load %arg9[%swap3A_932, %swap3A_933] {strides = array<i32>} : memref<2x7680xf32, #tpu.memory_space<vmem>>, vector<1x16xf32>,
        %swap3A_935 = vector.shape_cast %swap3A_934 : vector<1x16xf32> to vector<16xf32>
        %swap3A_936 = vector.shape_cast %get3A_928 : vector<16xf32> to vector<1x16xf32>
        tpu.vector_store %arg9[%swap3A_932, %swap3A_933], %swap3A_936 {strides = array<i32>} : memref<2x7680xf32, #tpu.memory_space<vmem>>, vector<1x16xf32>,
        %slice3A_937 = vector.extract_strided_slice %mul3A_179 {offsets = [10], sizes = [1], strides = [1]} : vector<16xi32> to vector<1xi32>
        %squeeze3A_938 = vector.extract %slice3A_937[0] : i32 from vector<1xi32>
        %mul3A_939 = arith.constant 16 : i32
        %mul3A_940 = arith.muli %scan3A_167, %mul3A_939 : i32
        %add3A_941 = arith.constant 10 : i32
        %add3A_942 = arith.addi %mul3A_940, %add3A_941 : i32
        %mul3A_943 = arith.constant 60 : i32
        %mul3A_944 = arith.muli %mul3A_943, %add3A_942 : i32
        %add3A_945 = arith.constant 0 : i32
        %add3A_946 = arith.addi %squeeze3A_938, %add3A_945 : i32
        %get3A_947 = arith.constant 1 : i32
        %get3A_948 = arith.constant 0 : i32
        %get3A_949 = tpu.memref_slice %arg8[%get3A_947, %add3A_942, %get3A_948] : memref<2x128x120xf32, #tpu.memory_space<vmem>> -> memref<1x1x120xf32, #tpu.memory_space<vmem>>
        %get3A_950 = tpu.memref_squeeze %get3A_949 : memref<1x1x120xf32, #tpu.memory_space<vmem>> -> memref<120xf32, #tpu.memory_space<vmem>>
        %get3A_951 = arith.index_cast %add3A_946 : i32 to index
        %get3A_952 = tpu.vector_load %get3A_950[%get3A_951] {strides = array<i32>} : memref<120xf32, #tpu.memory_space<vmem>>, vector<16xf32>,
        %get3A_953 = vector.shape_cast %get3A_952 : vector<16xf32> to vector<16xf32>
        %add3A_954 = arith.constant 0 : i32
        %add3A_955 = arith.addi %mul3A_944, %add3A_954 : i32
        %swap3A_956 = arith.constant 1 : i32
        %swap3A_957 = arith.index_cast %swap3A_956 : i32 to index
        %swap3A_958 = arith.index_cast %add3A_955 : i32 to index
        %swap3A_959 = tpu.vector_load %arg9[%swap3A_957, %swap3A_958] {strides = array<i32>} : memref<2x7680xf32, #tpu.memory_space<vmem>>, vector<1x16xf32>,
        %swap3A_960 = vector.shape_cast %swap3A_959 : vector<1x16xf32> to vector<16xf32>
        %swap3A_961 = vector.shape_cast %get3A_953 : vector<16xf32> to vector<1x16xf32>
        tpu.vector_store %arg9[%swap3A_957, %swap3A_958], %swap3A_961 {strides = array<i32>} : memref<2x7680xf32, #tpu.memory_space<vmem>>, vector<1x16xf32>,
        %add3A_962 = arith.constant 16 : i32
        %add3A_963 = arith.addi %squeeze3A_938, %add3A_962 : i32
        %get3A_964 = arith.constant 1 : i32
        %get3A_965 = arith.constant 0 : i32
        %get3A_966 = tpu.memref_slice %arg8[%get3A_964, %add3A_942, %get3A_965] : memref<2x128x120xf32, #tpu.memory_space<vmem>> -> memref<1x1x120xf32, #tpu.memory_space<vmem>>
        %get3A_967 = tpu.memref_squeeze %get3A_966 : memref<1x1x120xf32, #tpu.memory_space<vmem>> -> memref<120xf32, #tpu.memory_space<vmem>>
        %get3A_968 = arith.index_cast %add3A_963 : i32 to index
        %get3A_969 = tpu.vector_load %get3A_967[%get3A_968] {strides = array<i32>} : memref<120xf32, #tpu.memory_space<vmem>>, vector<16xf32>,
        %get3A_970 = vector.shape_cast %get3A_969 : vector<16xf32> to vector<16xf32>
        %add3A_971 = arith.constant 16 : i32
        %add3A_972 = arith.addi %mul3A_944, %add3A_971 : i32
        %swap3A_973 = arith.constant 1 : i32
        %swap3A_974 = arith.index_cast %swap3A_973 : i32 to index
        %swap3A_975 = arith.index_cast %add3A_972 : i32 to index
        %swap3A_976 = tpu.vector_load %arg9[%swap3A_974, %swap3A_975] {strides = array<i32>} : memref<2x7680xf32, #tpu.memory_space<vmem>>, vector<1x16xf32>,
        %swap3A_977 = vector.shape_cast %swap3A_976 : vector<1x16xf32> to vector<16xf32>
        %swap3A_978 = vector.shape_cast %get3A_970 : vector<16xf32> to vector<1x16xf32>
        tpu.vector_store %arg9[%swap3A_974, %swap3A_975], %swap3A_978 {strides = array<i32>} : memref<2x7680xf32, #tpu.memory_space<vmem>>, vector<1x16xf32>,
        %add3A_979 = arith.constant 32 : i32
        %add3A_980 = arith.addi %squeeze3A_938, %add3A_979 : i32
        %get3A_981 = arith.constant 1 : i32
        %get3A_982 = arith.constant 0 : i32
        %get3A_983 = tpu.memref_slice %arg8[%get3A_981, %add3A_942, %get3A_982] : memref<2x128x120xf32, #tpu.memory_space<vmem>> -> memref<1x1x120xf32, #tpu.memory_space<vmem>>
        %get3A_984 = tpu.memref_squeeze %get3A_983 : memref<1x1x120xf32, #tpu.memory_space<vmem>> -> memref<120xf32, #tpu.memory_space<vmem>>
        %get3A_985 = arith.index_cast %add3A_980 : i32 to index
        %get3A_986 = tpu.vector_load %get3A_984[%get3A_985] {strides = array<i32>} : memref<120xf32, #tpu.memory_space<vmem>>, vector<16xf32>,
        %get3A_987 = vector.shape_cast %get3A_986 : vector<16xf32> to vector<16xf32>
        %add3A_988 = arith.constant 32 : i32
        %add3A_989 = arith.addi %mul3A_944, %add3A_988 : i32
        %swap3A_990 = arith.constant 1 : i32
        %swap3A_991 = arith.index_cast %swap3A_990 : i32 to index
        %swap3A_992 = arith.index_cast %add3A_989 : i32 to index
        %swap3A_993 = tpu.vector_load %arg9[%swap3A_991, %swap3A_992] {strides = array<i32>} : memref<2x7680xf32, #tpu.memory_space<vmem>>, vector<1x16xf32>,
        %swap3A_994 = vector.shape_cast %swap3A_993 : vector<1x16xf32> to vector<16xf32>
        %swap3A_995 = vector.shape_cast %get3A_987 : vector<16xf32> to vector<1x16xf32>
        tpu.vector_store %arg9[%swap3A_991, %swap3A_992], %swap3A_995 {strides = array<i32>} : memref<2x7680xf32, #tpu.memory_space<vmem>>, vector<1x16xf32>,
        %add3A_996 = arith.constant 44 : i32
        %add3A_997 = arith.addi %squeeze3A_938, %add3A_996 : i32
        %get3A_998 = arith.constant 1 : i32
        %get3A_999 = arith.constant 0 : i32
        %get3A_1000 = tpu.memref_slice %arg8[%get3A_998, %add3A_942, %get3A_999] : memref<2x128x120xf32, #tpu.memory_space<vmem>> -> memref<1x1x120xf32, #tpu.memory_space<vmem>>
        %get3A_1001 = tpu.memref_squeeze %get3A_1000 : memref<1x1x120xf32, #tpu.memory_space<vmem>> -> memref<120xf32, #tpu.memory_space<vmem>>
        %get3A_1002 = arith.index_cast %add3A_997 : i32 to index
        %get3A_1003 = tpu.vector_load %get3A_1001[%get3A_1002] {strides = array<i32>} : memref<120xf32, #tpu.memory_space<vmem>>, vector<16xf32>,
        %get3A_1004 = vector.shape_cast %get3A_1003 : vector<16xf32> to vector<16xf32>
        %add3A_1005 = arith.constant 44 : i32
        %add3A_1006 = arith.addi %mul3A_944, %add3A_1005 : i32
        %swap3A_1007 = arith.constant 1 : i32
        %swap3A_1008 = arith.index_cast %swap3A_1007 : i32 to index
        %swap3A_1009 = arith.index_cast %add3A_1006 : i32 to index
        %swap3A_1010 = tpu.vector_load %arg9[%swap3A_1008, %swap3A_1009] {strides = array<i32>} : memref<2x7680xf32, #tpu.memory_space<vmem>>, vector<1x16xf32>,
        %swap3A_1011 = vector.shape_cast %swap3A_1010 : vector<1x16xf32> to vector<16xf32>
        %swap3A_1012 = vector.shape_cast %get3A_1004 : vector<16xf32> to vector<1x16xf32>
        tpu.vector_store %arg9[%swap3A_1008, %swap3A_1009], %swap3A_1012 {strides = array<i32>} : memref<2x7680xf32, #tpu.memory_space<vmem>>, vector<1x16xf32>,
        %slice3A_1013 = vector.extract_strided_slice %mul3A_179 {offsets = [11], sizes = [1], strides = [1]} : vector<16xi32> to vector<1xi32>
        %squeeze3A_1014 = vector.extract %slice3A_1013[0] : i32 from vector<1xi32>
        %mul3A_1015 = arith.constant 16 : i32
        %mul3A_1016 = arith.muli %scan3A_167, %mul3A_1015 : i32
        %add3A_1017 = arith.constant 11 : i32
        %add3A_1018 = arith.addi %mul3A_1016, %add3A_1017 : i32
        %mul3A_1019 = arith.constant 60 : i32
        %mul3A_1020 = arith.muli %mul3A_1019, %add3A_1018 : i32
        %add3A_1021 = arith.constant 0 : i32
        %add3A_1022 = arith.addi %squeeze3A_1014, %add3A_1021 : i32
        %get3A_1023 = arith.constant 1 : i32
        %get3A_1024 = arith.constant 0 : i32
        %get3A_1025 = tpu.memref_slice %arg8[%get3A_1023, %add3A_1018, %get3A_1024] : memref<2x128x120xf32, #tpu.memory_space<vmem>> -> memref<1x1x120xf32, #tpu.memory_space<vmem>>
        %get3A_1026 = tpu.memref_squeeze %get3A_1025 : memref<1x1x120xf32, #tpu.memory_space<vmem>> -> memref<120xf32, #tpu.memory_space<vmem>>
        %get3A_1027 = arith.index_cast %add3A_1022 : i32 to index
        %get3A_1028 = tpu.vector_load %get3A_1026[%get3A_1027] {strides = array<i32>} : memref<120xf32, #tpu.memory_space<vmem>>, vector<16xf32>,
        %get3A_1029 = vector.shape_cast %get3A_1028 : vector<16xf32> to vector<16xf32>
        %add3A_1030 = arith.constant 0 : i32
        %add3A_1031 = arith.addi %mul3A_1020, %add3A_1030 : i32
        %swap3A_1032 = arith.constant 1 : i32
        %swap3A_1033 = arith.index_cast %swap3A_1032 : i32 to index
        %swap3A_1034 = arith.index_cast %add3A_1031 : i32 to index
        %swap3A_1035 = tpu.vector_load %arg9[%swap3A_1033, %swap3A_1034] {strides = array<i32>} : memref<2x7680xf32, #tpu.memory_space<vmem>>, vector<1x16xf32>,
        %swap3A_1036 = vector.shape_cast %swap3A_1035 : vector<1x16xf32> to vector<16xf32>
        %swap3A_1037 = vector.shape_cast %get3A_1029 : vector<16xf32> to vector<1x16xf32>
        tpu.vector_store %arg9[%swap3A_1033, %swap3A_1034], %swap3A_1037 {strides = array<i32>} : memref<2x7680xf32, #tpu.memory_space<vmem>>, vector<1x16xf32>,
        %add3A_1038 = arith.constant 16 : i32
        %add3A_1039 = arith.addi %squeeze3A_1014, %add3A_1038 : i32
        %get3A_1040 = arith.constant 1 : i32
        %get3A_1041 = arith.constant 0 : i32
        %get3A_1042 = tpu.memref_slice %arg8[%get3A_1040, %add3A_1018, %get3A_1041] : memref<2x128x120xf32, #tpu.memory_space<vmem>> -> memref<1x1x120xf32, #tpu.memory_space<vmem>>
        %get3A_1043 = tpu.memref_squeeze %get3A_1042 : memref<1x1x120xf32, #tpu.memory_space<vmem>> -> memref<120xf32, #tpu.memory_space<vmem>>
        %get3A_1044 = arith.index_cast %add3A_1039 : i32 to index
        %get3A_1045 = tpu.vector_load %get3A_1043[%get3A_1044] {strides = array<i32>} : memref<120xf32, #tpu.memory_space<vmem>>, vector<16xf32>,
        %get3A_1046 = vector.shape_cast %get3A_1045 : vector<16xf32> to vector<16xf32>
        %add3A_1047 = arith.constant 16 : i32
        %add3A_1048 = arith.addi %mul3A_1020, %add3A_1047 : i32
        %swap3A_1049 = arith.constant 1 : i32
        %swap3A_1050 = arith.index_cast %swap3A_1049 : i32 to index
        %swap3A_1051 = arith.index_cast %add3A_1048 : i32 to index
        %swap3A_1052 = tpu.vector_load %arg9[%swap3A_1050, %swap3A_1051] {strides = array<i32>} : memref<2x7680xf32, #tpu.memory_space<vmem>>, vector<1x16xf32>,
        %swap3A_1053 = vector.shape_cast %swap3A_1052 : vector<1x16xf32> to vector<16xf32>
        %swap3A_1054 = vector.shape_cast %get3A_1046 : vector<16xf32> to vector<1x16xf32>
        tpu.vector_store %arg9[%swap3A_1050, %swap3A_1051], %swap3A_1054 {strides = array<i32>} : memref<2x7680xf32, #tpu.memory_space<vmem>>, vector<1x16xf32>,
        %add3A_1055 = arith.constant 32 : i32
        %add3A_1056 = arith.addi %squeeze3A_1014, %add3A_1055 : i32
        %get3A_1057 = arith.constant 1 : i32
        %get3A_1058 = arith.constant 0 : i32
        %get3A_1059 = tpu.memref_slice %arg8[%get3A_1057, %add3A_1018, %get3A_1058] : memref<2x128x120xf32, #tpu.memory_space<vmem>> -> memref<1x1x120xf32, #tpu.memory_space<vmem>>
        %get3A_1060 = tpu.memref_squeeze %get3A_1059 : memref<1x1x120xf32, #tpu.memory_space<vmem>> -> memref<120xf32, #tpu.memory_space<vmem>>
        %get3A_1061 = arith.index_cast %add3A_1056 : i32 to index
        %get3A_1062 = tpu.vector_load %get3A_1060[%get3A_1061] {strides = array<i32>} : memref<120xf32, #tpu.memory_space<vmem>>, vector<16xf32>,
        %get3A_1063 = vector.shape_cast %get3A_1062 : vector<16xf32> to vector<16xf32>
        %add3A_1064 = arith.constant 32 : i32
        %add3A_1065 = arith.addi %mul3A_1020, %add3A_1064 : i32
        %swap3A_1066 = arith.constant 1 : i32
        %swap3A_1067 = arith.index_cast %swap3A_1066 : i32 to index
        %swap3A_1068 = arith.index_cast %add3A_1065 : i32 to index
        %swap3A_1069 = tpu.vector_load %arg9[%swap3A_1067, %swap3A_1068] {strides = array<i32>} : memref<2x7680xf32, #tpu.memory_space<vmem>>, vector<1x16xf32>,
        %swap3A_1070 = vector.shape_cast %swap3A_1069 : vector<1x16xf32> to vector<16xf32>
        %swap3A_1071 = vector.shape_cast %get3A_1063 : vector<16xf32> to vector<1x16xf32>
        tpu.vector_store %arg9[%swap3A_1067, %swap3A_1068], %swap3A_1071 {strides = array<i32>} : memref<2x7680xf32, #tpu.memory_space<vmem>>, vector<1x16xf32>,
        %add3A_1072 = arith.constant 44 : i32
        %add3A_1073 = arith.addi %squeeze3A_1014, %add3A_1072 : i32
        %get3A_1074 = arith.constant 1 : i32
        %get3A_1075 = arith.constant 0 : i32
        %get3A_1076 = tpu.memref_slice %arg8[%get3A_1074, %add3A_1018, %get3A_1075] : memref<2x128x120xf32, #tpu.memory_space<vmem>> -> memref<1x1x120xf32, #tpu.memory_space<vmem>>
        %get3A_1077 = tpu.memref_squeeze %get3A_1076 : memref<1x1x120xf32, #tpu.memory_space<vmem>> -> memref<120xf32, #tpu.memory_space<vmem>>
        %get3A_1078 = arith.index_cast %add3A_1073 : i32 to index
        %get3A_1079 = tpu.vector_load %get3A_1077[%get3A_1078] {strides = array<i32>} : memref<120xf32, #tpu.memory_space<vmem>>, vector<16xf32>,
        %get3A_1080 = vector.shape_cast %get3A_1079 : vector<16xf32> to vector<16xf32>
        %add3A_1081 = arith.constant 44 : i32
        %add3A_1082 = arith.addi %mul3A_1020, %add3A_1081 : i32
        %swap3A_1083 = arith.constant 1 : i32
        %swap3A_1084 = arith.index_cast %swap3A_1083 : i32 to index
        %swap3A_1085 = arith.index_cast %add3A_1082 : i32 to index
        %swap3A_1086 = tpu.vector_load %arg9[%swap3A_1084, %swap3A_1085] {strides = array<i32>} : memref<2x7680xf32, #tpu.memory_space<vmem>>, vector<1x16xf32>,
        %swap3A_1087 = vector.shape_cast %swap3A_1086 : vector<1x16xf32> to vector<16xf32>
        %swap3A_1088 = vector.shape_cast %get3A_1080 : vector<16xf32> to vector<1x16xf32>
        tpu.vector_store %arg9[%swap3A_1084, %swap3A_1085], %swap3A_1088 {strides = array<i32>} : memref<2x7680xf32, #tpu.memory_space<vmem>>, vector<1x16xf32>,
        %slice3A_1089 = vector.extract_strided_slice %mul3A_179 {offsets = [12], sizes = [1], strides = [1]} : vector<16xi32> to vector<1xi32>
        %squeeze3A_1090 = vector.extract %slice3A_1089[0] : i32 from vector<1xi32>
        %mul3A_1091 = arith.constant 16 : i32
        %mul3A_1092 = arith.muli %scan3A_167, %mul3A_1091 : i32
        %add3A_1093 = arith.constant 12 : i32
        %add3A_1094 = arith.addi %mul3A_1092, %add3A_1093 : i32
        %mul3A_1095 = arith.constant 60 : i32
        %mul3A_1096 = arith.muli %mul3A_1095, %add3A_1094 : i32
        %add3A_1097 = arith.constant 0 : i32
        %add3A_1098 = arith.addi %squeeze3A_1090, %add3A_1097 : i32
        %get3A_1099 = arith.constant 1 : i32
        %get3A_1100 = arith.constant 0 : i32
        %get3A_1101 = tpu.memref_slice %arg8[%get3A_1099, %add3A_1094, %get3A_1100] : memref<2x128x120xf32, #tpu.memory_space<vmem>> -> memref<1x1x120xf32, #tpu.memory_space<vmem>>
        %get3A_1102 = tpu.memref_squeeze %get3A_1101 : memref<1x1x120xf32, #tpu.memory_space<vmem>> -> memref<120xf32, #tpu.memory_space<vmem>>
        %get3A_1103 = arith.index_cast %add3A_1098 : i32 to index
        %get3A_1104 = tpu.vector_load %get3A_1102[%get3A_1103] {strides = array<i32>} : memref<120xf32, #tpu.memory_space<vmem>>, vector<16xf32>,
        %get3A_1105 = vector.shape_cast %get3A_1104 : vector<16xf32> to vector<16xf32>
        %add3A_1106 = arith.constant 0 : i32
        %add3A_1107 = arith.addi %mul3A_1096, %add3A_1106 : i32
        %swap3A_1108 = arith.constant 1 : i32
        %swap3A_1109 = arith.index_cast %swap3A_1108 : i32 to index
        %swap3A_1110 = arith.index_cast %add3A_1107 : i32 to index
        %swap3A_1111 = tpu.vector_load %arg9[%swap3A_1109, %swap3A_1110] {strides = array<i32>} : memref<2x7680xf32, #tpu.memory_space<vmem>>, vector<1x16xf32>,
        %swap3A_1112 = vector.shape_cast %swap3A_1111 : vector<1x16xf32> to vector<16xf32>
        %swap3A_1113 = vector.shape_cast %get3A_1105 : vector<16xf32> to vector<1x16xf32>
        tpu.vector_store %arg9[%swap3A_1109, %swap3A_1110], %swap3A_1113 {strides = array<i32>} : memref<2x7680xf32, #tpu.memory_space<vmem>>, vector<1x16xf32>,
        %add3A_1114 = arith.constant 16 : i32
        %add3A_1115 = arith.addi %squeeze3A_1090, %add3A_1114 : i32
        %get3A_1116 = arith.constant 1 : i32
        %get3A_1117 = arith.constant 0 : i32
        %get3A_1118 = tpu.memref_slice %arg8[%get3A_1116, %add3A_1094, %get3A_1117] : memref<2x128x120xf32, #tpu.memory_space<vmem>> -> memref<1x1x120xf32, #tpu.memory_space<vmem>>
        %get3A_1119 = tpu.memref_squeeze %get3A_1118 : memref<1x1x120xf32, #tpu.memory_space<vmem>> -> memref<120xf32, #tpu.memory_space<vmem>>
        %get3A_1120 = arith.index_cast %add3A_1115 : i32 to index
        %get3A_1121 = tpu.vector_load %get3A_1119[%get3A_1120] {strides = array<i32>} : memref<120xf32, #tpu.memory_space<vmem>>, vector<16xf32>,
        %get3A_1122 = vector.shape_cast %get3A_1121 : vector<16xf32> to vector<16xf32>
        %add3A_1123 = arith.constant 16 : i32
        %add3A_1124 = arith.addi %mul3A_1096, %add3A_1123 : i32
        %swap3A_1125 = arith.constant 1 : i32
        %swap3A_1126 = arith.index_cast %swap3A_1125 : i32 to index
        %swap3A_1127 = arith.index_cast %add3A_1124 : i32 to index
        %swap3A_1128 = tpu.vector_load %arg9[%swap3A_1126, %swap3A_1127] {strides = array<i32>} : memref<2x7680xf32, #tpu.memory_space<vmem>>, vector<1x16xf32>,
        %swap3A_1129 = vector.shape_cast %swap3A_1128 : vector<1x16xf32> to vector<16xf32>
        %swap3A_1130 = vector.shape_cast %get3A_1122 : vector<16xf32> to vector<1x16xf32>
        tpu.vector_store %arg9[%swap3A_1126, %swap3A_1127], %swap3A_1130 {strides = array<i32>} : memref<2x7680xf32, #tpu.memory_space<vmem>>, vector<1x16xf32>,
        %add3A_1131 = arith.constant 32 : i32
        %add3A_1132 = arith.addi %squeeze3A_1090, %add3A_1131 : i32
        %get3A_1133 = arith.constant 1 : i32
        %get3A_1134 = arith.constant 0 : i32
        %get3A_1135 = tpu.memref_slice %arg8[%get3A_1133, %add3A_1094, %get3A_1134] : memref<2x128x120xf32, #tpu.memory_space<vmem>> -> memref<1x1x120xf32, #tpu.memory_space<vmem>>
        %get3A_1136 = tpu.memref_squeeze %get3A_1135 : memref<1x1x120xf32, #tpu.memory_space<vmem>> -> memref<120xf32, #tpu.memory_space<vmem>>
        %get3A_1137 = arith.index_cast %add3A_1132 : i32 to index
        %get3A_1138 = tpu.vector_load %get3A_1136[%get3A_1137] {strides = array<i32>} : memref<120xf32, #tpu.memory_space<vmem>>, vector<16xf32>,
        %get3A_1139 = vector.shape_cast %get3A_1138 : vector<16xf32> to vector<16xf32>
        %add3A_1140 = arith.constant 32 : i32
        %add3A_1141 = arith.addi %mul3A_1096, %add3A_1140 : i32
        %swap3A_1142 = arith.constant 1 : i32
        %swap3A_1143 = arith.index_cast %swap3A_1142 : i32 to index
        %swap3A_1144 = arith.index_cast %add3A_1141 : i32 to index
        %swap3A_1145 = tpu.vector_load %arg9[%swap3A_1143, %swap3A_1144] {strides = array<i32>} : memref<2x7680xf32, #tpu.memory_space<vmem>>, vector<1x16xf32>,
        %swap3A_1146 = vector.shape_cast %swap3A_1145 : vector<1x16xf32> to vector<16xf32>
        %swap3A_1147 = vector.shape_cast %get3A_1139 : vector<16xf32> to vector<1x16xf32>
        tpu.vector_store %arg9[%swap3A_1143, %swap3A_1144], %swap3A_1147 {strides = array<i32>} : memref<2x7680xf32, #tpu.memory_space<vmem>>, vector<1x16xf32>,
        %add3A_1148 = arith.constant 44 : i32
        %add3A_1149 = arith.addi %squeeze3A_1090, %add3A_1148 : i32
        %get3A_1150 = arith.constant 1 : i32
        %get3A_1151 = arith.constant 0 : i32
        %get3A_1152 = tpu.memref_slice %arg8[%get3A_1150, %add3A_1094, %get3A_1151] : memref<2x128x120xf32, #tpu.memory_space<vmem>> -> memref<1x1x120xf32, #tpu.memory_space<vmem>>
        %get3A_1153 = tpu.memref_squeeze %get3A_1152 : memref<1x1x120xf32, #tpu.memory_space<vmem>> -> memref<120xf32, #tpu.memory_space<vmem>>
        %get3A_1154 = arith.index_cast %add3A_1149 : i32 to index
        %get3A_1155 = tpu.vector_load %get3A_1153[%get3A_1154] {strides = array<i32>} : memref<120xf32, #tpu.memory_space<vmem>>, vector<16xf32>,
        %get3A_1156 = vector.shape_cast %get3A_1155 : vector<16xf32> to vector<16xf32>
        %add3A_1157 = arith.constant 44 : i32
        %add3A_1158 = arith.addi %mul3A_1096, %add3A_1157 : i32
        %swap3A_1159 = arith.constant 1 : i32
        %swap3A_1160 = arith.index_cast %swap3A_1159 : i32 to index
        %swap3A_1161 = arith.index_cast %add3A_1158 : i32 to index
        %swap3A_1162 = tpu.vector_load %arg9[%swap3A_1160, %swap3A_1161] {strides = array<i32>} : memref<2x7680xf32, #tpu.memory_space<vmem>>, vector<1x16xf32>,
        %swap3A_1163 = vector.shape_cast %swap3A_1162 : vector<1x16xf32> to vector<16xf32>
        %swap3A_1164 = vector.shape_cast %get3A_1156 : vector<16xf32> to vector<1x16xf32>
        tpu.vector_store %arg9[%swap3A_1160, %swap3A_1161], %swap3A_1164 {strides = array<i32>} : memref<2x7680xf32, #tpu.memory_space<vmem>>, vector<1x16xf32>,
        %slice3A_1165 = vector.extract_strided_slice %mul3A_179 {offsets = [13], sizes = [1], strides = [1]} : vector<16xi32> to vector<1xi32>
        %squeeze3A_1166 = vector.extract %slice3A_1165[0] : i32 from vector<1xi32>
        %mul3A_1167 = arith.constant 16 : i32
        %mul3A_1168 = arith.muli %scan3A_167, %mul3A_1167 : i32
        %add3A_1169 = arith.constant 13 : i32
        %add3A_1170 = arith.addi %mul3A_1168, %add3A_1169 : i32
        %mul3A_1171 = arith.constant 60 : i32
        %mul3A_1172 = arith.muli %mul3A_1171, %add3A_1170 : i32
        %add3A_1173 = arith.constant 0 : i32
        %add3A_1174 = arith.addi %squeeze3A_1166, %add3A_1173 : i32
        %get3A_1175 = arith.constant 1 : i32
        %get3A_1176 = arith.constant 0 : i32
        %get3A_1177 = tpu.memref_slice %arg8[%get3A_1175, %add3A_1170, %get3A_1176] : memref<2x128x120xf32, #tpu.memory_space<vmem>> -> memref<1x1x120xf32, #tpu.memory_space<vmem>>
        %get3A_1178 = tpu.memref_squeeze %get3A_1177 : memref<1x1x120xf32, #tpu.memory_space<vmem>> -> memref<120xf32, #tpu.memory_space<vmem>>
        %get3A_1179 = arith.index_cast %add3A_1174 : i32 to index
        %get3A_1180 = tpu.vector_load %get3A_1178[%get3A_1179] {strides = array<i32>} : memref<120xf32, #tpu.memory_space<vmem>>, vector<16xf32>,
        %get3A_1181 = vector.shape_cast %get3A_1180 : vector<16xf32> to vector<16xf32>
        %add3A_1182 = arith.constant 0 : i32
        %add3A_1183 = arith.addi %mul3A_1172, %add3A_1182 : i32
        %swap3A_1184 = arith.constant 1 : i32
        %swap3A_1185 = arith.index_cast %swap3A_1184 : i32 to index
        %swap3A_1186 = arith.index_cast %add3A_1183 : i32 to index
        %swap3A_1187 = tpu.vector_load %arg9[%swap3A_1185, %swap3A_1186] {strides = array<i32>} : memref<2x7680xf32, #tpu.memory_space<vmem>>, vector<1x16xf32>,
        %swap3A_1188 = vector.shape_cast %swap3A_1187 : vector<1x16xf32> to vector<16xf32>
        %swap3A_1189 = vector.shape_cast %get3A_1181 : vector<16xf32> to vector<1x16xf32>
        tpu.vector_store %arg9[%swap3A_1185, %swap3A_1186], %swap3A_1189 {strides = array<i32>} : memref<2x7680xf32, #tpu.memory_space<vmem>>, vector<1x16xf32>,
        %add3A_1190 = arith.constant 16 : i32
        %add3A_1191 = arith.addi %squeeze3A_1166, %add3A_1190 : i32
        %get3A_1192 = arith.constant 1 : i32
        %get3A_1193 = arith.constant 0 : i32
        %get3A_1194 = tpu.memref_slice %arg8[%get3A_1192, %add3A_1170, %get3A_1193] : memref<2x128x120xf32, #tpu.memory_space<vmem>> -> memref<1x1x120xf32, #tpu.memory_space<vmem>>
        %get3A_1195 = tpu.memref_squeeze %get3A_1194 : memref<1x1x120xf32, #tpu.memory_space<vmem>> -> memref<120xf32, #tpu.memory_space<vmem>>
        %get3A_1196 = arith.index_cast %add3A_1191 : i32 to index
        %get3A_1197 = tpu.vector_load %get3A_1195[%get3A_1196] {strides = array<i32>} : memref<120xf32, #tpu.memory_space<vmem>>, vector<16xf32>,
        %get3A_1198 = vector.shape_cast %get3A_1197 : vector<16xf32> to vector<16xf32>
        %add3A_1199 = arith.constant 16 : i32
        %add3A_1200 = arith.addi %mul3A_1172, %add3A_1199 : i32
        %swap3A_1201 = arith.constant 1 : i32
        %swap3A_1202 = arith.index_cast %swap3A_1201 : i32 to index
        %swap3A_1203 = arith.index_cast %add3A_1200 : i32 to index
        %swap3A_1204 = tpu.vector_load %arg9[%swap3A_1202, %swap3A_1203] {strides = array<i32>} : memref<2x7680xf32, #tpu.memory_space<vmem>>, vector<1x16xf32>,
        %swap3A_1205 = vector.shape_cast %swap3A_1204 : vector<1x16xf32> to vector<16xf32>
        %swap3A_1206 = vector.shape_cast %get3A_1198 : vector<16xf32> to vector<1x16xf32>
        tpu.vector_store %arg9[%swap3A_1202, %swap3A_1203], %swap3A_1206 {strides = array<i32>} : memref<2x7680xf32, #tpu.memory_space<vmem>>, vector<1x16xf32>,
        %add3A_1207 = arith.constant 32 : i32
        %add3A_1208 = arith.addi %squeeze3A_1166, %add3A_1207 : i32
        %get3A_1209 = arith.constant 1 : i32
        %get3A_1210 = arith.constant 0 : i32
        %get3A_1211 = tpu.memref_slice %arg8[%get3A_1209, %add3A_1170, %get3A_1210] : memref<2x128x120xf32, #tpu.memory_space<vmem>> -> memref<1x1x120xf32, #tpu.memory_space<vmem>>
        %get3A_1212 = tpu.memref_squeeze %get3A_1211 : memref<1x1x120xf32, #tpu.memory_space<vmem>> -> memref<120xf32, #tpu.memory_space<vmem>>
        %get3A_1213 = arith.index_cast %add3A_1208 : i32 to index
        %get3A_1214 = tpu.vector_load %get3A_1212[%get3A_1213] {strides = array<i32>} : memref<120xf32, #tpu.memory_space<vmem>>, vector<16xf32>,
        %get3A_1215 = vector.shape_cast %get3A_1214 : vector<16xf32> to vector<16xf32>
        %add3A_1216 = arith.constant 32 : i32
        %add3A_1217 = arith.addi %mul3A_1172, %add3A_1216 : i32
        %swap3A_1218 = arith.constant 1 : i32
        %swap3A_1219 = arith.index_cast %swap3A_1218 : i32 to index
        %swap3A_1220 = arith.index_cast %add3A_1217 : i32 to index
        %swap3A_1221 = tpu.vector_load %arg9[%swap3A_1219, %swap3A_1220] {strides = array<i32>} : memref<2x7680xf32, #tpu.memory_space<vmem>>, vector<1x16xf32>,
        %swap3A_1222 = vector.shape_cast %swap3A_1221 : vector<1x16xf32> to vector<16xf32>
        %swap3A_1223 = vector.shape_cast %get3A_1215 : vector<16xf32> to vector<1x16xf32>
        tpu.vector_store %arg9[%swap3A_1219, %swap3A_1220], %swap3A_1223 {strides = array<i32>} : memref<2x7680xf32, #tpu.memory_space<vmem>>, vector<1x16xf32>,
        %add3A_1224 = arith.constant 44 : i32
        %add3A_1225 = arith.addi %squeeze3A_1166, %add3A_1224 : i32
        %get3A_1226 = arith.constant 1 : i32
        %get3A_1227 = arith.constant 0 : i32
        %get3A_1228 = tpu.memref_slice %arg8[%get3A_1226, %add3A_1170, %get3A_1227] : memref<2x128x120xf32, #tpu.memory_space<vmem>> -> memref<1x1x120xf32, #tpu.memory_space<vmem>>
        %get3A_1229 = tpu.memref_squeeze %get3A_1228 : memref<1x1x120xf32, #tpu.memory_space<vmem>> -> memref<120xf32, #tpu.memory_space<vmem>>
        %get3A_1230 = arith.index_cast %add3A_1225 : i32 to index
        %get3A_1231 = tpu.vector_load %get3A_1229[%get3A_1230] {strides = array<i32>} : memref<120xf32, #tpu.memory_space<vmem>>, vector<16xf32>,
        %get3A_1232 = vector.shape_cast %get3A_1231 : vector<16xf32> to vector<16xf32>
        %add3A_1233 = arith.constant 44 : i32
        %add3A_1234 = arith.addi %mul3A_1172, %add3A_1233 : i32
        %swap3A_1235 = arith.constant 1 : i32
        %swap3A_1236 = arith.index_cast %swap3A_1235 : i32 to index
        %swap3A_1237 = arith.index_cast %add3A_1234 : i32 to index
        %swap3A_1238 = tpu.vector_load %arg9[%swap3A_1236, %swap3A_1237] {strides = array<i32>} : memref<2x7680xf32, #tpu.memory_space<vmem>>, vector<1x16xf32>,
        %swap3A_1239 = vector.shape_cast %swap3A_1238 : vector<1x16xf32> to vector<16xf32>
        %swap3A_1240 = vector.shape_cast %get3A_1232 : vector<16xf32> to vector<1x16xf32>
        tpu.vector_store %arg9[%swap3A_1236, %swap3A_1237], %swap3A_1240 {strides = array<i32>} : memref<2x7680xf32, #tpu.memory_space<vmem>>, vector<1x16xf32>,
        %slice3A_1241 = vector.extract_strided_slice %mul3A_179 {offsets = [14], sizes = [1], strides = [1]} : vector<16xi32> to vector<1xi32>
        %squeeze3A_1242 = vector.extract %slice3A_1241[0] : i32 from vector<1xi32>
        %mul3A_1243 = arith.constant 16 : i32
        %mul3A_1244 = arith.muli %scan3A_167, %mul3A_1243 : i32
        %add3A_1245 = arith.constant 14 : i32
        %add3A_1246 = arith.addi %mul3A_1244, %add3A_1245 : i32
        %mul3A_1247 = arith.constant 60 : i32
        %mul3A_1248 = arith.muli %mul3A_1247, %add3A_1246 : i32
        %add3A_1249 = arith.constant 0 : i32
        %add3A_1250 = arith.addi %squeeze3A_1242, %add3A_1249 : i32
        %get3A_1251 = arith.constant 1 : i32
        %get3A_1252 = arith.constant 0 : i32
        %get3A_1253 = tpu.memref_slice %arg8[%get3A_1251, %add3A_1246, %get3A_1252] : memref<2x128x120xf32, #tpu.memory_space<vmem>> -> memref<1x1x120xf32, #tpu.memory_space<vmem>>
        %get3A_1254 = tpu.memref_squeeze %get3A_1253 : memref<1x1x120xf32, #tpu.memory_space<vmem>> -> memref<120xf32, #tpu.memory_space<vmem>>
        %get3A_1255 = arith.index_cast %add3A_1250 : i32 to index
        %get3A_1256 = tpu.vector_load %get3A_1254[%get3A_1255] {strides = array<i32>} : memref<120xf32, #tpu.memory_space<vmem>>, vector<16xf32>,
        %get3A_1257 = vector.shape_cast %get3A_1256 : vector<16xf32> to vector<16xf32>
        %add3A_1258 = arith.constant 0 : i32
        %add3A_1259 = arith.addi %mul3A_1248, %add3A_1258 : i32
        %swap3A_1260 = arith.constant 1 : i32
        %swap3A_1261 = arith.index_cast %swap3A_1260 : i32 to index
        %swap3A_1262 = arith.index_cast %add3A_1259 : i32 to index
        %swap3A_1263 = tpu.vector_load %arg9[%swap3A_1261, %swap3A_1262] {strides = array<i32>} : memref<2x7680xf32, #tpu.memory_space<vmem>>, vector<1x16xf32>,
        %swap3A_1264 = vector.shape_cast %swap3A_1263 : vector<1x16xf32> to vector<16xf32>
        %swap3A_1265 = vector.shape_cast %get3A_1257 : vector<16xf32> to vector<1x16xf32>
        tpu.vector_store %arg9[%swap3A_1261, %swap3A_1262], %swap3A_1265 {strides = array<i32>} : memref<2x7680xf32, #tpu.memory_space<vmem>>, vector<1x16xf32>,
        %add3A_1266 = arith.constant 16 : i32
        %add3A_1267 = arith.addi %squeeze3A_1242, %add3A_1266 : i32
        %get3A_1268 = arith.constant 1 : i32
        %get3A_1269 = arith.constant 0 : i32
        %get3A_1270 = tpu.memref_slice %arg8[%get3A_1268, %add3A_1246, %get3A_1269] : memref<2x128x120xf32, #tpu.memory_space<vmem>> -> memref<1x1x120xf32, #tpu.memory_space<vmem>>
        %get3A_1271 = tpu.memref_squeeze %get3A_1270 : memref<1x1x120xf32, #tpu.memory_space<vmem>> -> memref<120xf32, #tpu.memory_space<vmem>>
        %get3A_1272 = arith.index_cast %add3A_1267 : i32 to index
        %get3A_1273 = tpu.vector_load %get3A_1271[%get3A_1272] {strides = array<i32>} : memref<120xf32, #tpu.memory_space<vmem>>, vector<16xf32>,
        %get3A_1274 = vector.shape_cast %get3A_1273 : vector<16xf32> to vector<16xf32>
        %add3A_1275 = arith.constant 16 : i32
        %add3A_1276 = arith.addi %mul3A_1248, %add3A_1275 : i32
        %swap3A_1277 = arith.constant 1 : i32
        %swap3A_1278 = arith.index_cast %swap3A_1277 : i32 to index
        %swap3A_1279 = arith.index_cast %add3A_1276 : i32 to index
        %swap3A_1280 = tpu.vector_load %arg9[%swap3A_1278, %swap3A_1279] {strides = array<i32>} : memref<2x7680xf32, #tpu.memory_space<vmem>>, vector<1x16xf32>,
        %swap3A_1281 = vector.shape_cast %swap3A_1280 : vector<1x16xf32> to vector<16xf32>
        %swap3A_1282 = vector.shape_cast %get3A_1274 : vector<16xf32> to vector<1x16xf32>
        tpu.vector_store %arg9[%swap3A_1278, %swap3A_1279], %swap3A_1282 {strides = array<i32>} : memref<2x7680xf32, #tpu.memory_space<vmem>>, vector<1x16xf32>,
        %add3A_1283 = arith.constant 32 : i32
        %add3A_1284 = arith.addi %squeeze3A_1242, %add3A_1283 : i32
        %get3A_1285 = arith.constant 1 : i32
        %get3A_1286 = arith.constant 0 : i32
        %get3A_1287 = tpu.memref_slice %arg8[%get3A_1285, %add3A_1246, %get3A_1286] : memref<2x128x120xf32, #tpu.memory_space<vmem>> -> memref<1x1x120xf32, #tpu.memory_space<vmem>>
        %get3A_1288 = tpu.memref_squeeze %get3A_1287 : memref<1x1x120xf32, #tpu.memory_space<vmem>> -> memref<120xf32, #tpu.memory_space<vmem>>
        %get3A_1289 = arith.index_cast %add3A_1284 : i32 to index
        %get3A_1290 = tpu.vector_load %get3A_1288[%get3A_1289] {strides = array<i32>} : memref<120xf32, #tpu.memory_space<vmem>>, vector<16xf32>,
        %get3A_1291 = vector.shape_cast %get3A_1290 : vector<16xf32> to vector<16xf32>
        %add3A_1292 = arith.constant 32 : i32
        %add3A_1293 = arith.addi %mul3A_1248, %add3A_1292 : i32
        %swap3A_1294 = arith.constant 1 : i32
        %swap3A_1295 = arith.index_cast %swap3A_1294 : i32 to index
        %swap3A_1296 = arith.index_cast %add3A_1293 : i32 to index
        %swap3A_1297 = tpu.vector_load %arg9[%swap3A_1295, %swap3A_1296] {strides = array<i32>} : memref<2x7680xf32, #tpu.memory_space<vmem>>, vector<1x16xf32>,
        %swap3A_1298 = vector.shape_cast %swap3A_1297 : vector<1x16xf32> to vector<16xf32>
        %swap3A_1299 = vector.shape_cast %get3A_1291 : vector<16xf32> to vector<1x16xf32>
        tpu.vector_store %arg9[%swap3A_1295, %swap3A_1296], %swap3A_1299 {strides = array<i32>} : memref<2x7680xf32, #tpu.memory_space<vmem>>, vector<1x16xf32>,
        %add3A_1300 = arith.constant 44 : i32
        %add3A_1301 = arith.addi %squeeze3A_1242, %add3A_1300 : i32
        %get3A_1302 = arith.constant 1 : i32
        %get3A_1303 = arith.constant 0 : i32
        %get3A_1304 = tpu.memref_slice %arg8[%get3A_1302, %add3A_1246, %get3A_1303] : memref<2x128x120xf32, #tpu.memory_space<vmem>> -> memref<1x1x120xf32, #tpu.memory_space<vmem>>
        %get3A_1305 = tpu.memref_squeeze %get3A_1304 : memref<1x1x120xf32, #tpu.memory_space<vmem>> -> memref<120xf32, #tpu.memory_space<vmem>>
        %get3A_1306 = arith.index_cast %add3A_1301 : i32 to index
        %get3A_1307 = tpu.vector_load %get3A_1305[%get3A_1306] {strides = array<i32>} : memref<120xf32, #tpu.memory_space<vmem>>, vector<16xf32>,
        %get3A_1308 = vector.shape_cast %get3A_1307 : vector<16xf32> to vector<16xf32>
        %add3A_1309 = arith.constant 44 : i32
        %add3A_1310 = arith.addi %mul3A_1248, %add3A_1309 : i32
        %swap3A_1311 = arith.constant 1 : i32
        %swap3A_1312 = arith.index_cast %swap3A_1311 : i32 to index
        %swap3A_1313 = arith.index_cast %add3A_1310 : i32 to index
        %swap3A_1314 = tpu.vector_load %arg9[%swap3A_1312, %swap3A_1313] {strides = array<i32>} : memref<2x7680xf32, #tpu.memory_space<vmem>>, vector<1x16xf32>,
        %swap3A_1315 = vector.shape_cast %swap3A_1314 : vector<1x16xf32> to vector<16xf32>
        %swap3A_1316 = vector.shape_cast %get3A_1308 : vector<16xf32> to vector<1x16xf32>
        tpu.vector_store %arg9[%swap3A_1312, %swap3A_1313], %swap3A_1316 {strides = array<i32>} : memref<2x7680xf32, #tpu.memory_space<vmem>>, vector<1x16xf32>,
        %slice3A_1317 = vector.extract_strided_slice %mul3A_179 {offsets = [15], sizes = [1], strides = [1]} : vector<16xi32> to vector<1xi32>
        %squeeze3A_1318 = vector.extract %slice3A_1317[0] : i32 from vector<1xi32>
        %mul3A_1319 = arith.constant 16 : i32
        %mul3A_1320 = arith.muli %scan3A_167, %mul3A_1319 : i32
        %add3A_1321 = arith.constant 15 : i32
        %add3A_1322 = arith.addi %mul3A_1320, %add3A_1321 : i32
        %mul3A_1323 = arith.constant 60 : i32
        %mul3A_1324 = arith.muli %mul3A_1323, %add3A_1322 : i32
        %add3A_1325 = arith.constant 0 : i32
        %add3A_1326 = arith.addi %squeeze3A_1318, %add3A_1325 : i32
        %get3A_1327 = arith.constant 1 : i32
        %get3A_1328 = arith.constant 0 : i32
        %get3A_1329 = tpu.memref_slice %arg8[%get3A_1327, %add3A_1322, %get3A_1328] : memref<2x128x120xf32, #tpu.memory_space<vmem>> -> memref<1x1x120xf32, #tpu.memory_space<vmem>>
        %get3A_1330 = tpu.memref_squeeze %get3A_1329 : memref<1x1x120xf32, #tpu.memory_space<vmem>> -> memref<120xf32, #tpu.memory_space<vmem>>
        %get3A_1331 = arith.index_cast %add3A_1326 : i32 to index
        %get3A_1332 = tpu.vector_load %get3A_1330[%get3A_1331] {strides = array<i32>} : memref<120xf32, #tpu.memory_space<vmem>>, vector<16xf32>,
        %get3A_1333 = vector.shape_cast %get3A_1332 : vector<16xf32> to vector<16xf32>
        %add3A_1334 = arith.constant 0 : i32
        %add3A_1335 = arith.addi %mul3A_1324, %add3A_1334 : i32
        %swap3A_1336 = arith.constant 1 : i32
        %swap3A_1337 = arith.index_cast %swap3A_1336 : i32 to index
        %swap3A_1338 = arith.index_cast %add3A_1335 : i32 to index
        %swap3A_1339 = tpu.vector_load %arg9[%swap3A_1337, %swap3A_1338] {strides = array<i32>} : memref<2x7680xf32, #tpu.memory_space<vmem>>, vector<1x16xf32>,
        %swap3A_1340 = vector.shape_cast %swap3A_1339 : vector<1x16xf32> to vector<16xf32>
        %swap3A_1341 = vector.shape_cast %get3A_1333 : vector<16xf32> to vector<1x16xf32>
        tpu.vector_store %arg9[%swap3A_1337, %swap3A_1338], %swap3A_1341 {strides = array<i32>} : memref<2x7680xf32, #tpu.memory_space<vmem>>, vector<1x16xf32>,
        %add3A_1342 = arith.constant 16 : i32
        %add3A_1343 = arith.addi %squeeze3A_1318, %add3A_1342 : i32
        %get3A_1344 = arith.constant 1 : i32
        %get3A_1345 = arith.constant 0 : i32
        %get3A_1346 = tpu.memref_slice %arg8[%get3A_1344, %add3A_1322, %get3A_1345] : memref<2x128x120xf32, #tpu.memory_space<vmem>> -> memref<1x1x120xf32, #tpu.memory_space<vmem>>
        %get3A_1347 = tpu.memref_squeeze %get3A_1346 : memref<1x1x120xf32, #tpu.memory_space<vmem>> -> memref<120xf32, #tpu.memory_space<vmem>>
        %get3A_1348 = arith.index_cast %add3A_1343 : i32 to index
        %get3A_1349 = tpu.vector_load %get3A_1347[%get3A_1348] {strides = array<i32>} : memref<120xf32, #tpu.memory_space<vmem>>, vector<16xf32>,
        %get3A_1350 = vector.shape_cast %get3A_1349 : vector<16xf32> to vector<16xf32>
        %add3A_1351 = arith.constant 16 : i32
        %add3A_1352 = arith.addi %mul3A_1324, %add3A_1351 : i32
        %swap3A_1353 = arith.constant 1 : i32
        %swap3A_1354 = arith.index_cast %swap3A_1353 : i32 to index
        %swap3A_1355 = arith.index_cast %add3A_1352 : i32 to index
        %swap3A_1356 = tpu.vector_load %arg9[%swap3A_1354, %swap3A_1355] {strides = array<i32>} : memref<2x7680xf32, #tpu.memory_space<vmem>>, vector<1x16xf32>,
        %swap3A_1357 = vector.shape_cast %swap3A_1356 : vector<1x16xf32> to vector<16xf32>
        %swap3A_1358 = vector.shape_cast %get3A_1350 : vector<16xf32> to vector<1x16xf32>
        tpu.vector_store %arg9[%swap3A_1354, %swap3A_1355], %swap3A_1358 {strides = array<i32>} : memref<2x7680xf32, #tpu.memory_space<vmem>>, vector<1x16xf32>,
        %add3A_1359 = arith.constant 32 : i32
        %add3A_1360 = arith.addi %squeeze3A_1318, %add3A_1359 : i32
        %get3A_1361 = arith.constant 1 : i32
        %get3A_1362 = arith.constant 0 : i32
        %get3A_1363 = tpu.memref_slice %arg8[%get3A_1361, %add3A_1322, %get3A_1362] : memref<2x128x120xf32, #tpu.memory_space<vmem>> -> memref<1x1x120xf32, #tpu.memory_space<vmem>>
        %get3A_1364 = tpu.memref_squeeze %get3A_1363 : memref<1x1x120xf32, #tpu.memory_space<vmem>> -> memref<120xf32, #tpu.memory_space<vmem>>
        %get3A_1365 = arith.index_cast %add3A_1360 : i32 to index
        %get3A_1366 = tpu.vector_load %get3A_1364[%get3A_1365] {strides = array<i32>} : memref<120xf32, #tpu.memory_space<vmem>>, vector<16xf32>,
        %get3A_1367 = vector.shape_cast %get3A_1366 : vector<16xf32> to vector<16xf32>
        %add3A_1368 = arith.constant 32 : i32
        %add3A_1369 = arith.addi %mul3A_1324, %add3A_1368 : i32
        %swap3A_1370 = arith.constant 1 : i32
        %swap3A_1371 = arith.index_cast %swap3A_1370 : i32 to index
        %swap3A_1372 = arith.index_cast %add3A_1369 : i32 to index
        %swap3A_1373 = tpu.vector_load %arg9[%swap3A_1371, %swap3A_1372] {strides = array<i32>} : memref<2x7680xf32, #tpu.memory_space<vmem>>, vector<1x16xf32>,
        %swap3A_1374 = vector.shape_cast %swap3A_1373 : vector<1x16xf32> to vector<16xf32>
        %swap3A_1375 = vector.shape_cast %get3A_1367 : vector<16xf32> to vector<1x16xf32>
        tpu.vector_store %arg9[%swap3A_1371, %swap3A_1372], %swap3A_1375 {strides = array<i32>} : memref<2x7680xf32, #tpu.memory_space<vmem>>, vector<1x16xf32>,
        %add3A_1376 = arith.constant 44 : i32
        %add3A_1377 = arith.addi %squeeze3A_1318, %add3A_1376 : i32
        %get3A_1378 = arith.constant 1 : i32
        %get3A_1379 = arith.constant 0 : i32
        %get3A_1380 = tpu.memref_slice %arg8[%get3A_1378, %add3A_1322, %get3A_1379] : memref<2x128x120xf32, #tpu.memory_space<vmem>> -> memref<1x1x120xf32, #tpu.memory_space<vmem>>
        %get3A_1381 = tpu.memref_squeeze %get3A_1380 : memref<1x1x120xf32, #tpu.memory_space<vmem>> -> memref<120xf32, #tpu.memory_space<vmem>>
        %get3A_1382 = arith.index_cast %add3A_1377 : i32 to index
        %get3A_1383 = tpu.vector_load %get3A_1381[%get3A_1382] {strides = array<i32>} : memref<120xf32, #tpu.memory_space<vmem>>, vector<16xf32>,
        %get3A_1384 = vector.shape_cast %get3A_1383 : vector<16xf32> to vector<16xf32>
        %add3A_1385 = arith.constant 44 : i32
        %add3A_1386 = arith.addi %mul3A_1324, %add3A_1385 : i32
        %swap3A_1387 = arith.constant 1 : i32
        %swap3A_1388 = arith.index_cast %swap3A_1387 : i32 to index
        %swap3A_1389 = arith.index_cast %add3A_1386 : i32 to index
        %swap3A_1390 = tpu.vector_load %arg9[%swap3A_1388, %swap3A_1389] {strides = array<i32>} : memref<2x7680xf32, #tpu.memory_space<vmem>>, vector<1x16xf32>,
        %swap3A_1391 = vector.shape_cast %swap3A_1390 : vector<1x16xf32> to vector<16xf32>
        %swap3A_1392 = vector.shape_cast %get3A_1384 : vector<16xf32> to vector<1x16xf32>
        tpu.vector_store %arg9[%swap3A_1388, %swap3A_1389], %swap3A_1392 {strides = array<i32>} : memref<2x7680xf32, #tpu.memory_space<vmem>>, vector<1x16xf32>,
      }
      %scan3A_144 = arith.constant 8 : i32
      %mul3A_145 = arith.constant 128 : i32
      %mul3A_146 = arith.muli %add3A_115, %mul3A_145 : i32
      %add3A_147 = arith.addi %mul3A_2, %mul3A_146 : i32
      %mul3A_148 = arith.constant 60 : i32
      %mul3A_149 = arith.muli %mul3A_148, %add3A_147 : i32
      %dma_start3A_150 = arith.constant 1 : i32
      %dma_start3A_151 = arith.constant 1 : i32
      %dma_start3A_152 = arith.constant 0 : i32
      %dma_start3A_153 = tpu.memref_slice %arg9[%dma_start3A_150, %dma_start3A_152] : memref<2x7680xf32, #tpu.memory_space<vmem>> -> memref<1x7680xf32, #tpu.memory_space<vmem>>
      %dma_start3A_154 = tpu.memref_squeeze %dma_start3A_153 : memref<1x7680xf32, #tpu.memory_space<vmem>> -> memref<7680xf32, #tpu.memory_space<vmem>>
      %dma_start3A_155 = tpu.memref_slice %arg5[%mul3A_149] : memref<49152000xf32, #tpu.memory_space<hbm>> -> memref<7680xf32, #tpu.memory_space<hbm>>
      %dma_start3A_156 = tpu.memref_slice %arg11[%dma_start3A_151] : memref<2x!tpu.dma_semaphore, #tpu.memory_space<semaphore_mem>> -> memref<1x!tpu.dma_semaphore, #tpu.memory_space<semaphore_mem>>
      %dma_start3A_157 = tpu.memref_squeeze %dma_start3A_156 : memref<1x!tpu.dma_semaphore, #tpu.memory_space<semaphore_mem>> -> memref<!tpu.dma_semaphore, #tpu.memory_space<semaphore_mem>>
      %dma_start3A_158 = tpu.memref_slice %arg5[%mul3A_149] : memref<49152000xf32, #tpu.memory_space<hbm>> -> memref<7680xf32, #tpu.memory_space<hbm>>
      %dma_start3A_159 = arith.constant 0 : i32
      %dma_start3A_160 = tpu.memref_slice %arg9[%dma_start3A_150, %dma_start3A_159] : memref<2x7680xf32, #tpu.memory_space<vmem>> -> memref<1x7680xf32, #tpu.memory_space<vmem>>
      %dma_start3A_161 = tpu.memref_squeeze %dma_start3A_160 : memref<1x7680xf32, #tpu.memory_space<vmem>> -> memref<7680xf32, #tpu.memory_space<vmem>>
      tpu.enqueue_dma source(%dma_start3A_161 : memref<7680xf32, #tpu.memory_space<vmem>>) target(%dma_start3A_158 : memref<7680xf32, #tpu.memory_space<hbm>>) target_semaphore(%dma_start3A_157 : memref<!tpu.dma_semaphore, #tpu.memory_space<semaphore_mem>>)
      %lt3A_162 = arith.constant 99 : i32
      %lt3A_163 = arith.cmpi slt, %scan3A_60, %lt3A_162 : i32
      %convert_element_type3A_164 = arith.extui %lt3A_163 : i1 to i32
      %cond3A_165 = arith.constant 0 : i32
      %cond3A_166 = arith.cmpi ne, %convert_element_type3A_164, %cond3A_165 : i32
      scf.if %cond3A_166 {
        %add3A_167 = arith.constant 2 : i32
        %add3A_168 = arith.addi %add3A_115, %add3A_167 : i32
        %mul3A_169 = arith.constant 128 : i32
        %mul3A_170 = arith.muli %add3A_168, %mul3A_169 : i32
        %dma_start3A_171 = arith.constant 1 : i32
        %dma_start3A_172 = arith.constant 1 : i32
        %dma_start3A_173 = arith.constant 0 : i32
        %dma_start3A_174 = arith.constant 0 : i32
        %dma_start3A_175 = tpu.memref_slice %arg8[%dma_start3A_171, %dma_start3A_173, %dma_start3A_174] : memref<2x128x120xf32, #tpu.memory_space<vmem>> -> memref<1x128x120xf32, #tpu.memory_space<vmem>>
        %dma_start3A_176 = tpu.memref_squeeze %dma_start3A_175 : memref<1x128x120xf32, #tpu.memory_space<vmem>> -> memref<128x120xf32, #tpu.memory_space<vmem>>
        %dma_start3A_177 = tpu.memref_slice %arg7[%mul3A_170] : memref<25600xi32, #tpu.memory_space<vmem>> -> memref<128xi32, #tpu.memory_space<vmem>>
        %dma_start3A_178 = arith.constant 0 : i32
        %dma_start3A_179 = arith.constant 0 : i32
        %dma_start3A_180 = tpu.memref_slice %arg4[%dma_start3A_178, %dma_start3A_179] : memref<500000x120xf32, #tpu.memory_space<hbm>> -> memref<500000x120xf32, #tpu.memory_space<hbm>>
        %dma_start3A_181 = tpu.memref_slice %arg10[%dma_start3A_172] : memref<2x!tpu.dma_semaphore, #tpu.memory_space<semaphore_mem>> -> memref<1x!tpu.dma_semaphore, #tpu.memory_space<semaphore_mem>>
        %dma_start3A_182 = tpu.memref_squeeze %dma_start3A_181 : memref<1x!tpu.dma_semaphore, #tpu.memory_space<semaphore_mem>> -> memref<!tpu.dma_semaphore, #tpu.memory_space<semaphore_mem>>
        tpu.enqueue_indirect_dma source(%dma_start3A_180 : memref<500000x120xf32, #tpu.memory_space<hbm>>) target(%dma_start3A_176 : memref<128x120xf32, #tpu.memory_space<vmem>>) offsets(%dma_start3A_177 : memref<128xi32, #tpu.memory_space<vmem>>) semaphore(%dma_start3A_182 : memref<!tpu.dma_semaphore, #tpu.memory_space<semaphore_mem>>)
      } else {
      }
    }
    %scan3A_32 = arith.constant 100 : i32
    %dma_wait3A = arith.constant 0 : i32
    %dma_wait3A_33 = arith.constant 0 : i32
    %dma_wait3A_34 = arith.constant 0 : i32
    %dma_wait3A_35 = tpu.memref_slice %arg9[%dma_wait3A, %dma_wait3A_34] : memref<2x7680xf32, #tpu.memory_space<vmem>> -> memref<1x7680xf32, #tpu.memory_space<vmem>>
    %dma_wait3A_36 = tpu.memref_squeeze %dma_wait3A_35 : memref<1x7680xf32, #tpu.memory_space<vmem>> -> memref<7680xf32, #tpu.memory_space<vmem>>
    %dma_wait3A_37 = arith.constant 0 : i32
    %dma_wait3A_38 = tpu.memref_slice %arg5[%dma_wait3A_37] : memref<49152000xf32, #tpu.memory_space<hbm>> -> memref<7680xf32, #tpu.memory_space<hbm>>
    %dma_wait3A_39 = tpu.memref_slice %arg11[%dma_wait3A_33] : memref<2x!tpu.dma_semaphore, #tpu.memory_space<semaphore_mem>> -> memref<1x!tpu.dma_semaphore, #tpu.memory_space<semaphore_mem>>
    %dma_wait3A_40 = tpu.memref_squeeze %dma_wait3A_39 : memref<1x!tpu.dma_semaphore, #tpu.memory_space<semaphore_mem>> -> memref<!tpu.dma_semaphore, #tpu.memory_space<semaphore_mem>>
    %dma_wait3A_41 = arith.constant 0 : i32
    %dma_wait3A_42 = tpu.memref_slice %arg5[%dma_wait3A_41] : memref<49152000xf32, #tpu.memory_space<hbm>> -> memref<7680xf32, #tpu.memory_space<hbm>>
    %dma_wait3A_43 = arith.constant 0 : i32
    %dma_wait3A_44 = tpu.memref_slice %arg9[%dma_wait3A, %dma_wait3A_43] : memref<2x7680xf32, #tpu.memory_space<vmem>> -> memref<1x7680xf32, #tpu.memory_space<vmem>>
    %dma_wait3A_45 = tpu.memref_squeeze %dma_wait3A_44 : memref<1x7680xf32, #tpu.memory_space<vmem>> -> memref<7680xf32, #tpu.memory_space<vmem>>
    tpu.wait_dma2 semaphore(%dma_wait3A_40 : memref<!tpu.dma_semaphore, #tpu.memory_space<semaphore_mem>>) src(%dma_wait3A_45 : memref<7680xf32, #tpu.memory_space<vmem>>) dst(%dma_wait3A_42 : memref<7680xf32, #tpu.memory_space<hbm>>)
    %dma_wait3A_46 = arith.constant 1 : i32
    %dma_wait3A_47 = arith.constant 1 : i32
    %dma_wait3A_48 = arith.constant 0 : i32
    %dma_wait3A_49 = tpu.memref_slice %arg9[%dma_wait3A_46, %dma_wait3A_48] : memref<2x7680xf32, #tpu.memory_space<vmem>> -> memref<1x7680xf32, #tpu.memory_space<vmem>>
    %dma_wait3A_50 = tpu.memref_squeeze %dma_wait3A_49 : memref<1x7680xf32, #tpu.memory_space<vmem>> -> memref<7680xf32, #tpu.memory_space<vmem>>
    %dma_wait3A_51 = arith.constant 0 : i32
    %dma_wait3A_52 = tpu.memref_slice %arg5[%dma_wait3A_51] : memref<49152000xf32, #tpu.memory_space<hbm>> -> memref<7680xf32, #tpu.memory_space<hbm>>
    %dma_wait3A_53 = tpu.memref_slice %arg11[%dma_wait3A_47] : memref<2x!tpu.dma_semaphore, #tpu.memory_space<semaphore_mem>> -> memref<1x!tpu.dma_semaphore, #tpu.memory_space<semaphore_mem>>
    %dma_wait3A_54 = tpu.memref_squeeze %dma_wait3A_53 : memref<1x!tpu.dma_semaphore, #tpu.memory_space<semaphore_mem>> -> memref<!tpu.dma_semaphore, #tpu.memory_space<semaphore_mem>>
    %dma_wait3A_55 = arith.constant 0 : i32
    %dma_wait3A_56 = tpu.memref_slice %arg5[%dma_wait3A_55] : memref<49152000xf32, #tpu.memory_space<hbm>> -> memref<7680xf32, #tpu.memory_space<hbm>>
    %dma_wait3A_57 = arith.constant 0 : i32
    %dma_wait3A_58 = tpu.memref_slice %arg9[%dma_wait3A_46, %dma_wait3A_57] : memref<2x7680xf32, #tpu.memory_space<vmem>> -> memref<1x7680xf32, #tpu.memory_space<vmem>>
    %dma_wait3A_59 = tpu.memref_squeeze %dma_wait3A_58 : memref<1x7680xf32, #tpu.memory_space<vmem>> -> memref<7680xf32, #tpu.memory_space<vmem>>
    tpu.wait_dma2 semaphore(%dma_wait3A_54 : memref<!tpu.dma_semaphore, #tpu.memory_space<semaphore_mem>>) src(%dma_wait3A_59 : memref<7680xf32, #tpu.memory_space<vmem>>) dst(%dma_wait3A_56 : memref<7680xf32, #tpu.memory_space<hbm>>)
    return
  }
}

</mosaic_0001>

<sc_bundles>
// kernel: _embedding_gather.3.cloned.1.call-start
scs
__scs_entry_jumppad:
0x0: {  	(pc) =	sbr.rel $0x88, $3  }
0x1: {  	(tag) =	ssettag $0x0;
	lr =	simm.s32 $0x1  }
0x2: {  	[smem:$0x3F9E] =	sst lr;
	_ =	strace $0xD0000000  }
0x3: {  	_ = 	snop  }
0x4: {  	_ = 	snop  }
0x5: {  	_ = 	snop  }
0x6: {  	_ = 	snop  }
0x7: {  	_ = 	snop  }
__scs_overlays_trampoline_lowered:
0x8: {  	[smem:$0x3FAD] =	sst s0  }
0x9: {  	[smem:$0x3FAE] =	sst s1  }
0xa: {  	[smem:$0x3FAF] =	sst s2  }
0xb: {  	[smem:$0x3FB0] =	sst s3  }
0xc: {  	[smem:$0x3FB1] =	sst s4  }
0xd: {  	[smem:$0x3FB2] =	sst s5  }
0xe: {  	[smem:$0x3FB3] =	sst s6  }
0xf: {  	[smem:$0x3FB4] =	sst s7  }
0x10: {  	[smem:$0x3FB5] =	sst s8  }
0x11: {  	[smem:$0x3FB6] =	sst s9;
	s0 =	simm.s32 @!p0 $0x0  }
0x12: {  	s1 =	sld [smem:$0x3F9C];
	s0 =	simm.s32 @p0 $0x1  }
0x13: {  	[smem:$0x3FB7] =	sst s0;
	s0 =	simm.s32 @!p1 $0x0  }
0x14: {  	s2 =	sld [smem:$0x3F9B];
	s0 =	simm.s32 @p1 $0x1  }
0x15: {  	[smem:$0x3FB8] =	sst s0;
	s0 =	simm.s32 @!p2 $0x0  }
0x16: {  	s3 =	sld [smem:$0x3FDB];
	s0 =	simm.s32 @p2 $0x1  }
0x17: {  	s4 =	simm.s32 $0x1BF5;
	[smem:$0x3FBA] =	sst s0  }
0x18: {  	s0 =	sld [smem:$0x3F9D];
	_ =	swait.ge [sflag:s4], $0x0  }
0x19: {  	s7 =	sld [smem:$0x3F9E]  }
0x1a: {  	s8 =	sadd.s32 $0xFFFFE003, lr  }
0x1b: {  	s9 =	sadd.s32 $0xFFFFFEF7, lr;
	s5 =	simm.s32 $0xFFFFFFFF;
	p2 =	slt.u32 s8, $0xFFFFF086  }
0x1c: {  	p1 =	slt.u32 s9, $0xF7A;
	s5 =	simm.s32 @!p2 $0x0  }
0x1d: {  	s5 =	simm.s32 @p1 $0x1;
	p0 =	seq.s32 s7, s2  }
0x1e: {  	s7 =	smul.u32 @!p0 $0xF7A, s2;
	p2 =	seq.s32 @!p0 s5, $0x0  }
0x1f: {  	s9 =	smul.u32 $0xF7A, s1;
	s8 =	simm.s32 @!p0 $0x1BF5;
	p2 =	por !p2, p0  }
0x20: {  	[sflag:s8] =	ssyncset.s32 @!p0 $0xFFFFF086;
	s6 =	sadd.s32 @!p0 s3, s7;
	s7 =	simm.s32 @!p0 $0x108  }
0x21: {  	s3 =	sadd.s32 s3, s9;
	s6 =	sadd.s32 @!p0 $0x88, s6;
	s7 =	simm.s32 @p2 $0x1082  }
0x22: {  	[simem:s7], [sflag:s8] =	dma.local @!p0 [hbm:s6], $0xF7A  }
0x23: {  	s9 =	sor.u32 $0xD0000000, s2;
	s6 =	simm.s32 $0x108;
	_ =	swait.ge @!p0 [sflag:s8], $0x0  }
0x24: {  	s3 =	sadd.s32 $0x88, s3;
	s6 =	simm.s32 @!p1 $0x1082;
	[sflag:s4] =	ssyncset.s32 $0xFFFFF086  }
0x25: {  	[simem:s6], [sflag:s4] =	dma.local [hbm:s3], $0xF7A  }
0x26: {  	[smem:$0x3F9E] =	sst s1;
	(tag) =	ssettag s2;
	_ =	strace s9  }
0x27: {  	s1 =	sld [smem:$0x3FAE]  }
0x28: {  	s2 =	sld [smem:$0x3FAF]  }
0x29: {  	s4 =	sld [smem:$0x3FB1]  }
0x2a: {  	p0 =	seq.s32 s5, $0x0;
	s5 =	sld [smem:$0x3FB2]  }
0x2b: {  	s6 =	sld [smem:$0x3FB3]  }
0x2c: {  	s7 =	sld [smem:$0x3FB4]  }
0x2d: {  	s3 =	simm.s32 $0x108;
	s8 =	sld [smem:$0x3FB5]  }
0x2e: {  	s3 =	simm.s32 @!p0 $0x1082;
	s9 =	sld [smem:$0x3FB6]  }
0x2f: {  	lr =	sadd.s32 s0, s3;
	s0 =	sld [smem:$0x3FAD]  }
0x30: {  	s3 =	sld [smem:$0x3FB0]  }
0x31: {  	[smem:$0x3FB9] =	sst s10  }
0x32: {  	s10 =	sld [smem:$0x3FB7];
	_ =	sdelay $0x3  }
0x33: {  	p0 =	seq.s32 s10, $0x1;
	s10 =	sld [smem:$0x3FB9];
	_ =	sdelay $0x3  }
0x34: {  	[smem:$0x3FB9] =	sst s10  }
0x35: {  	s10 =	sld [smem:$0x3FB8];
	_ =	sdelay $0x3  }
0x36: {  	p1 =	seq.s32 s10, $0x1;
	s10 =	sld [smem:$0x3FB9];
	_ =	sdelay $0x3  }
0x37: {  	[smem:$0x3FB9] =	sst s10  }
0x38: {  	s10 =	sld [smem:$0x3FBA]  }
0x39: {  	_ = 	snop;
	(pc) =	sbr.ind lr, $3  }
0x3a: {  	_ = 	snop  }
0x3b: {  	_ = 	snop  }
0x3c: {  	p2 =	seq.s32 s10, $0x1;
	s10 =	sld [smem:$0x3FB9]  }
0x3d: {  	_ =	shalt  }
0x3e: {  	_ =	shalt  }
0x3f: {  	_ =	shalt  }
0x40: {  	_ =	shalt  }
0x41: {  	_ =	shalt  }
0x42: {  	_ =	shalt  }
0x43: {  	_ =	shalt  }
0x44: {  	_ =	shalt  }
0x45: {  	_ =	shalt  }
0x46: {  	_ =	shalt  }
0x47: {  	_ =	shalt  }
0x48: {  	_ =	shalt  }
0x49: {  	_ =	shalt  }
0x4a: {  	_ =	shalt  }
0x4b: {  	_ =	shalt  }
0x4c: {  	_ =	shalt  }
0x4d: {  	_ =	shalt  }
0x4e: {  	_ =	shalt  }
0x4f: {  	_ =	shalt  }
0x50: {  	_ =	shalt  }
0x51: {  	_ =	shalt  }
0x52: {  	_ =	shalt  }
0x53: {  	_ =	shalt  }
0x54: {  	_ =	shalt  }
0x55: {  	_ =	shalt  }
0x56: {  	_ =	shalt  }
0x57: {  	_ =	shalt  }
0x58: {  	_ =	shalt  }
0x59: {  	_ =	shalt  }
0x5a: {  	_ =	shalt  }
0x5b: {  	_ =	shalt  }
0x5c: {  	_ =	shalt  }
0x5d: {  	_ =	shalt  }
0x5e: {  	_ =	shalt  }
0x5f: {  	_ =	shalt  }
0x60: {  	_ =	shalt  }
0x61: {  	_ =	shalt  }
0x62: {  	_ =	shalt  }
0x63: {  	_ =	shalt  }
0x64: {  	_ =	shalt  }
0x65: {  	_ =	shalt  }
0x66: {  	_ =	shalt  }
0x67: {  	_ =	shalt  }
0x68: {  	_ =	shalt  }
0x69: {  	_ =	shalt  }
0x6a: {  	_ =	shalt  }
0x6b: {  	_ =	shalt  }
0x6c: {  	_ =	shalt  }
0x6d: {  	_ =	shalt  }
0x6e: {  	_ =	shalt  }
0x6f: {  	_ =	shalt  }
0x70: {  	_ =	shalt  }
0x71: {  	_ =	shalt  }
0x72: {  	_ =	shalt  }
0x73: {  	_ =	shalt  }
0x74: {  	_ =	shalt  }
0x75: {  	_ =	shalt  }
0x76: {  	_ =	shalt  }
0x77: {  	_ =	shalt  }
0x78: {  	_ =	shalt  }
0x79: {  	_ =	shalt  }
0x7a: {  	_ =	shalt  }
0x7b: {  	_ =	shalt  }
0x7c: {  	_ =	shalt  }
0x7d: {  	_ =	shalt  }
0x7e: {  	_ =	shalt  }
0x7f: {  	_ =	shalt  }
0x80: {  	_ =	shalt  }
0x81: {  	_ =	shalt  }
0x82: {  	_ =	shalt  }
0x83: {  	_ =	shalt  }
0x84: {  	_ =	shalt  }
0x85: {  	_ =	shalt  }
0x86: {  	_ =	shalt  }
0x87: {  	_ =	shalt  }
.Lfunc_end0:
.L_simem_size_0:
called_computation_lowered:
.L_overlay_start_0:
0x88: {  	s2 =	sld [smem:$0x3FD9]  }
0x89: {  	s3 =	sld [smem:$0x3FFE];
	_ =	sdelay $0x1  }
0x8a: {  	s1 =	srdreg.scid  }
0x8b: {  	s0 =	sand.u32 $0x1, s1  }
0x8c: {  	s17 =	sshll.u32 s0, $0xA;
	s2 =	sadd.s32 s3, s2  }
0x8d: {  	s2 =	sadd.s32 s2, s17  }
0x8e: {  	[smem:$0x3FC5] =	sst s2  }
0x8f: {  	_ = 	snop  }
0x90: {  	s2 =	sld [smem:$0x3FC9]  }
0x91: {  	s18 =	sld [smem:$0x3FC8]  }
0x92: {  	s4 =	sld [smem:$0x3FD0];
	(tm) =	ssettm $0x1  }
0x93: {  	s5 =	sld [smem:$0x3FFB];
	_ =	sdelay $0x3  }
0x94: {  	_ =	strace s5  }
0x95: {  	s5 =	sld [smem:$0x3FFC];
	_ =	sdelay $0x3  }
0x96: {  	_ =	strace s5  }
0x97: {  	s5 =	sld [smem:$0x3FFD];
	_ =	sdelay $0x3  }
0x98: {  	_ =	strace s5  }
0x99: {  	_ =	strace $0x8FFFFFFF  }
0x9a: {  	s19 =	sld [smem:$0x3FDB];
	_ =	sdelay $0x1  }
0x9b: {  	s6 =	simm.s32 $_scs_section_size  }
0x9c: {  	s7 =	simm.s32 $_size__tile_overlayer_lowered;
	s8 =	simm.s32 $_tile_overlayer_lowered  }
0x9d: {  	s22 =	simm.s32 $0x1BFF;
	s21 =	sshll.u32 s8, $0x1;
	s5 =	sadd.s32 s6, s19  }
0x9e: {  	s9 =	simm.s32 $0x0;
	s20 =	sshll.u32 s7, $0x1;
	s7 =	sadd.s32 s21, s5  }
0x9f: {  	[timem:s9], [sflag:s22] =	dma.local [hbm:s7], s20  }
0xa0: {  	_ =	swait.ge [sflag:s22], s20  }
0xa1: {  	s6 =	ssub.s32 $0x0, s20;
	[sflag:s22] =	ssyncset.done $0x0  }
0xa2: {  	[sflag:s22] =	ssyncadd.s32 s6;
	_ =	sdelay $0x1  }
0xa3: {  	s23 =	simm.s32 $0x1B8B  }
0xa4: {  	_ =	swait.ge [sflag:s23], $0x1  }
0xa5: {  	[sflag:s23] =	ssyncset.done $0x0  }
0xa6: {  	s25 =	simm.s32 $0x1B8E;
	s24 =	sld [smem:$0x3FFE];
	[sflag:s23] =	ssyncadd.s32 $0xFFFFFFFF  }
0xa7: {  	s26 =	simm.s32 $execute0_lowered;
	[smem:$0x3FD2] =	sst s25  }
0xa8: {  	s7 =	sshll.u32 s26, $0x1;
	_ =	strace $0x80000046;
	[dreg:$0x1] =	wrdreg $0xFFFFFFFF  }
0xa9: {  	s28 =	simm.s32 $_size_execute0_lowered;
	s5 =	sadd.s32 s5, s7;
	[dreg:$0x0] =	wrdreg $0x0  }
0xaa: {  	s7 =	sshll.u32 s28, $0x1;
	[dreg:$0x2] =	wrdreg s5  }
0xab: {  	[dreg:$0x3] =	wrdreg s7  }
0xac: {  	[dreg:$0x4] =	wrdreg $0xC0  }
0xad: {  	_ =	task [dreg:s9], $0x5FFFF  }
0xae: {  	[dreg:$0x1] =	wrdreg $0xFFFFFFFF  }
0xaf: {  	[dreg:$0x0] =	wrdreg $0x60  }
0xb0: {  	[dreg:$0x2] =	wrdreg s2  }
0xb1: {  	[dreg:$0x3] =	wrdreg s18  }
0xb2: {  	[dreg:$0x4] =	wrdreg s24  }
0xb3: {  	[dreg:$0x5] =	wrdreg s4  }
0xb4: {  	[dreg:$0x6] =	wrdreg $0x9  }
0xb5: {  	_ =	task.clear_ibuf [dreg:s9], $0x7FFFF;
	_ =	strace $0x90000046  }
0xb6: {  	s29 =	simm.s32 $0x9;
	_ =	strace $0x80000048  }
0xb7: {  	_ =	swait.ge [sflag:s29], $0x1  }
0xb8: {  	[sflag:s29] =	ssyncadd.s32 $0xFFFFFFFF  }
0xb9: {  	_ =	strace $0x90000048  }
0xba: {  	_ =	sfence  }
0xbb: {  	s30 =	sld [smem:$0x0];
	_ =	sdelay $0x2  }
0xbc: {  	s31 =	sshll.u32 s1, $0xD;
	s1 =	sshrl.u32 s1, $0x2  }
0xbd: {  	s3 =	sand.u32 $0x4000, s31;
	s1 =	sadd.s32 s1, s30  }
0xbe: {  	s0 =	sor.u32 s3, s0;
	s1 =	sshll.u32 s1, $0x11  }
0xbf: {  	s0 =	sor.u32 s1, s0  }
0xc0: {  	s0 =	sadd.s32 $0x8F2B, s0  }
0xc1: {  	[sflag:s0] =	ssyncadd.remote.s32 $0x1  }
0xc2: {  	_ =	sfence.sel $0xFFFF  }
0xc3: {  	[dreg:$0x0] =	wrdreg $0xFFFFFFFF;
	(pc) =	sbr.abs _section_cstart, $3  }
0xc4: {  	[dreg:$0x1] =	wrdreg $0xFFFFFFFF  }
0xc5: {  	_ =	task.clear_ibuf [dreg:s9], $0x2FFFF;
	_ =	strace $0x9FFFFFFF  }
0xc6: {  	(tm) =	ssettm $0x7FFFFFFF  }
0xc7: {  	_ =	shalt  }
tec
execute0_lowered:
.L_overlay_start_1:
0x0: {  	(tag) =	ssettag $0x1  }
0x1: {  	s0 =	rddreg [dreg:$0x0]  }
0x2: {  	s2 =	srdreg.scid;
	s3 =	stileid.u32  }
0x3: {  	s1 =	rddreg [dreg:$0x1];
	s6 =	sand.u32 $0x1, s2;
	s3 =	sshll.u32 s3, $0x1  }
0x4: {  	s5 =	rddreg [dreg:$0x2];
	s4 =	sor.u32 s6, s3;
	s6 =	ssub.s32 $0x2, s6  }
0x5: {  	s2 =	rddreg [dreg:$0x3];
	s4 =	smul.u32 $0x6400, s4;
	s7 =	sshrl.u32 s6, $0x1  }
.Ltmp0:
0x6: {  	s3 =	simm.s32 $0x0;
	s6 =	ssub.s32 s6, s7;
	(pc) =	sbr.rel .LBB2_1-.Ltmp0, $4  }
0x7: {  	[smem:$0x7FF] =	sst s3;
	s8 =	sshrl.u32 s4, $0x3;
	s31 =	smax.u32 s6, $0x1  }
0x8: {  	_ =	strace $0x80000047;
	s0 =	sadd.s32 s0, s8;
	[dreg:$0x7] =	wrdreg s31  }
0x9: {  	s30 =	sadd.s32 s1, s8;
	[dreg:$0x5] =	wrdreg s0  }
0xa: {  	v0 =	vimm.s32 $0x0;
	s5 =	sadd.s32 $0x7A1600, s5;
	s6 =	simm.s32 $0x0;
	[dreg:$0x6] =	wrdreg s30  }
.LBB2_8:
0xb: {  	s0 =	simm.s32 $0x3  }
0xc: {  	_ =	swait.ge [sflag:s0], $0x1E00  }
0xd: {  	[sflag:s0] =	ssyncset.done $0x0  }
0xe: {  	s1 =	simm.s32 $0x4;
	[sflag:s0] =	ssyncadd.s32 $0xFFFFE200  }
0xf: {  	_ =	swait.ge [sflag:s1], $0x1E00  }
0x10: {  	s6 =	rddreg [dreg:$0x8]  }
0x11: {  	s31 =	rddreg [dreg:$0x7];
	s6 =	sadd.s32 $0x1, s6  }
0x12: {  	p0 =	sne.s32 s6, s31  }
.Ltmp1:
0x13: {  	_ = 	snop;
	(pc) =	sbr.rel @!p0 .LBB2_9-.Ltmp1, $3  }
0x14: {  	_ =	sdelay $0x1  }
0x15: {  	[sflag:s1] =	ssyncset.done $0x0  }
0x16: {  	[sflag:s1] =	ssyncadd.s32 $0xFFFFE200  }
.LBB2_1:
0x17: {  	[dreg:$0x8] =	wrdreg s6  }
0x18: {  	s0 =	rddreg [dreg:$0x5];
	s1 =	simm.s32 $0x5  }
0x19: {  	[tilespmem:s3], [sflag:$0x5] =	stream.linear.gather [hbm4b:s0+s3], $0x6400, $0x38;
	[tilespmem:$0x17C00] =	vst v63  }
0x1a: {  	_ =	swait.ge [sflag:s1], $0x6400  }
0x1b: {  	[sflag:s1] =	ssyncset.done $0x0  }
0x1c: {  	s28 =	simm.s32 $0x6400;
	s26 =	rddreg [dreg:$0x6];
	[sflag:s1] =	ssyncadd.s32 $0xFFFF9C00  }
0x1d: {  	[tilespmem:s28], [sflag:$0x5] =	stream.linear.gather [hbm4b:s26+s3], $0x6400, $0x38;
	[tilespmem:$0x17C00] =	vst v63  }
0x1e: {  	_ =	swait.ge [sflag:s1], $0x6400  }
0x1f: {  	s29 =	simm.s32 $0xC800;
	s7 =	simm.s32 $0x80;
	[sflag:s1] =	ssyncset.done $0x0  }
0x20: {  	s30 =	simm.s32 $0x6480;
	s31 =	simm.s32 $0x10400;
	[sflag:s1] =	ssyncadd.s32 $0xFFFF9C00  }
0x21: {  	[tilespmem:s29], [sflag:$0x1] =	stream.indirect.gather [hbm4b:s5+s7], $0x78, s28, s7, $0xb8;
	[tilespmem:$0x17C00] =	vst v63  }
0x22: {  	s22 =	simm.s32 $0x80;
	s23 =	simm.s32 $0x0;
	s24 =	simm.s32 $0x0  }
0x23: {  	[tilespmem:s31], [sflag:$0x2] =	stream.indirect.gather [hbm4b:s5+s7], $0x78, s30, s7, $0xb8;
	[tilespmem:$0x17C00] =	vst v63  }
.LBB2_2:
0x24: {  	s0 =	simm.s32 $0x1  }
0x25: {  	_ =	swait.ge [sflag:s0], $0x3C00  }
0x26: {  	p1 =	seq.s32 s24, $0x0;
	[sflag:s0] =	ssyncset.done $0x0  }
0x27: {  	[sflag:s0] =	ssyncadd.s32 $0xFFFFC400;
	s0 =	simm.s32 @!p1 $0x3  }
0x28: {  	s28 =	sshll.u32 s24, $0x1;
	s25 =	sshll.u32 s24, $0xA;
	_ =	swait.ge @!p1 [sflag:s0], $0x1E00  }
0x29: {  	s1 =	simm.s32 $0x384;
	s6 =	simm.s32 $0x141E0;
	[sflag:s0] =	ssyncset.done @!p1 $0x0  }
0x2a: {  	s7 =	smov.u32 s23;
	[sflag:s0] =	ssyncadd.s32 @!p1 $0xFFFFE200;
	s0 =	simm.s32 $0x0  }
.LBB2_3:
0x2b: {  	v1 =	vld [tilespmem:s7+$0x0];
	_ =	sdelay $0x4  }
0x2c: {  	v1 =	vand.u32 $0x1, v1  }
0x2d: {  	vm0 =	veq.s32 v1, $0x1  }
0x2e: {  	v1 =	vsel vm0, $0x3C, v0  }
0x2f: {  	(v2sf) =	vpush v1, $0x0;
	_ =	sdelay $0xe  }
0x30: {  	s8 =	sshra.s32 s0, $0x2;
	s9 =	spop (v2sf)  }
0x31: {  	s10 =	sadd.s32 s8, s9  }
0x32: {  	s9 =	sshll.u32 s9, $0x2;
	v2 =	vld [tilespmem:s10+$0xC800]  }
0x33: {  	s11 =	sadd.s32 $0x40, s9  }
0x34: {  	s12 =	sand.u32 $0x10, s9;
	s11 =	sand.u32 $0x1E0, s11  }
0x35: {  	s11 =	sor.u32 s12, s11  }
0x36: {  	s11 =	sshrl.u32 s11, $0x2  }
0x37: {  	s11 =	sadd.s32 s8, s11;
	[tilespmem:s6+$0xFFFFFE20] =	vst v2  }
0x38: {  	v2 =	vld [tilespmem:s11+$0xC800]  }
0x39: {  	(v2sf) =	vpush v1, $0x1;
	s9 =	sadd.s32 $0x80, s9  }
0x3a: {  	s9 =	sand.u32 $0x1E0, s9  }
0x3b: {  	s9 =	sor.u32 s12, s9  }
0x3c: {  	s9 =	sshrl.u32 s9, $0x2  }
0x3d: {  	s9 =	sadd.s32 s8, s9;
	[tilespmem:s6+$0xFFFFFE30] =	vst v2  }
0x3e: {  	v2 =	vld [tilespmem:s9+$0xC800];
	_ =	sdelay $0x4  }
0x3f: {  	[tilespmem:s6+$0xFFFFFE40] =	vst v2  }
0x40: {  	v2 =	vld [tilespmem:s10+$0xC82C];
	_ =	sdelay $0x3  }
0x41: {  	s30 =	spop (v2sf)  }
0x42: {  	s31 =	sadd.s32 s8, s30;
	[tilespmem:s6+$0xFFFFFE4C] =	vst v2  }
0x43: {  	s9 =	sshll.u32 s30, $0x2;
	v2 =	vld [tilespmem:s31+$0xC878]  }
0x44: {  	s12 =	sadd.s32 $0x40, s9  }
0x45: {  	s13 =	sand.u32 $0x10, s9;
	s11 =	sand.u32 $0x1E0, s12  }
0x46: {  	s11 =	sor.u32 s13, s11  }
0x47: {  	s11 =	sshrl.u32 s11, $0x2  }
0x48: {  	s11 =	sadd.s32 s8, s11;
	[tilespmem:s6+$0xFFFFFE5C] =	vst v2  }
0x49: {  	v2 =	vld [tilespmem:s11+$0xC878]  }
0x4a: {  	(v2sf) =	vpush v1, $0x2;
	s9 =	sadd.s32 $0x80, s9  }
0x4b: {  	s9 =	sand.u32 $0x1E0, s9  }
0x4c: {  	s9 =	sor.u32 s13, s9  }
0x4d: {  	s9 =	sshrl.u32 s9, $0x2  }
0x4e: {  	s9 =	sadd.s32 s8, s9;
	[tilespmem:s6+$0xFFFFFE6C] =	vst v2  }
0x4f: {  	v2 =	vld [tilespmem:s9+$0xC878];
	_ =	sdelay $0x4  }
0x50: {  	[tilespmem:s6+$0xFFFFFE7C] =	vst v2  }
0x51: {  	v2 =	vld [tilespmem:s31+$0xC8A4];
	_ =	sdelay $0x3  }
0x52: {  	s14 =	spop (v2sf)  }
0x53: {  	s15 =	sadd.s32 s8, s14;
	[tilespmem:s6+$0xFFFFFE88] =	vst v2  }
0x54: {  	s9 =	sshll.u32 s14, $0x2;
	v2 =	vld [tilespmem:s15+$0xC8F0]  }
0x55: {  	s16 =	sadd.s32 $0x40, s9  }
0x56: {  	s17 =	sand.u32 $0x10, s9;
	s11 =	sand.u32 $0x1E0, s16  }
0x57: {  	s11 =	sor.u32 s17, s11  }
0x58: {  	s11 =	sshrl.u32 s11, $0x2  }
0x59: {  	s11 =	sadd.s32 s8, s11;
	[tilespmem:s6+$0xFFFFFE98] =	vst v2  }
0x5a: {  	v2 =	vld [tilespmem:s11+$0xC8F0]  }
0x5b: {  	(v2sf) =	vpush v1, $0x3;
	s9 =	sadd.s32 $0x80, s9  }
0x5c: {  	s9 =	sand.u32 $0x1E0, s9  }
0x5d: {  	s9 =	sor.u32 s17, s9  }
0x5e: {  	s9 =	sshrl.u32 s9, $0x2  }
0x5f: {  	s9 =	sadd.s32 s8, s9;
	[tilespmem:s6+$0xFFFFFEA8] =	vst v2  }
0x60: {  	v2 =	vld [tilespmem:s9+$0xC8F0];
	_ =	sdelay $0x4  }
0x61: {  	[tilespmem:s6+$0xFFFFFEB8] =	vst v2  }
0x62: {  	v2 =	vld [tilespmem:s15+$0xC91C];
	_ =	sdelay $0x3  }
0x63: {  	s18 =	spop (v2sf)  }
0x64: {  	s19 =	sadd.s32 s8, s18;
	[tilespmem:s6+$0xFFFFFEC4] =	vst v2  }
0x65: {  	s9 =	sshll.u32 s18, $0x2;
	v2 =	vld [tilespmem:s19+$0xC968]  }
0x66: {  	s20 =	sadd.s32 $0x40, s9  }
0x67: {  	s21 =	sand.u32 $0x10, s9;
	s11 =	sand.u32 $0x1E0, s20  }
0x68: {  	s11 =	sor.u32 s21, s11  }
0x69: {  	s11 =	sshrl.u32 s11, $0x2  }
0x6a: {  	s11 =	sadd.s32 s8, s11;
	[tilespmem:s6+$0xFFFFFED4] =	vst v2  }
0x6b: {  	v2 =	vld [tilespmem:s11+$0xC968]  }
0x6c: {  	(v2sf) =	vpush v1, $0x4;
	s9 =	sadd.s32 $0x80, s9  }
0x6d: {  	s9 =	sand.u32 $0x1E0, s9  }
0x6e: {  	s9 =	sor.u32 s21, s9  }
0x6f: {  	s9 =	sshrl.u32 s9, $0x2  }
0x70: {  	s9 =	sadd.s32 s8, s9;
	[tilespmem:s6+$0xFFFFFEE4] =	vst v2  }
0x71: {  	v2 =	vld [tilespmem:s9+$0xC968];
	_ =	sdelay $0x4  }
0x72: {  	[tilespmem:s6+$0xFFFFFEF4] =	vst v2  }
0x73: {  	v2 =	vld [tilespmem:s19+$0xC994];
	_ =	sdelay $0x3  }
0x74: {  	s26 =	spop (v2sf)  }
0x75: {  	s29 =	sadd.s32 s8, s26;
	[tilespmem:s6+$0xFFFFFF00] =	vst v2  }
0x76: {  	s9 =	sshll.u32 s26, $0x2;
	v2 =	vld [tilespmem:s29+$0xC9E0]  }
0x77: {  	s30 =	sadd.s32 $0x40, s9  }
0x78: {  	s31 =	sand.u32 $0x10, s9;
	s11 =	sand.u32 $0x1E0, s30  }
0x79: {  	s11 =	sor.u32 s31, s11  }
0x7a: {  	s11 =	sshrl.u32 s11, $0x2  }
0x7b: {  	s11 =	sadd.s32 s8, s11;
	[tilespmem:s6+$0xFFFFFF10] =	vst v2  }
0x7c: {  	v2 =	vld [tilespmem:s11+$0xC9E0]  }
0x7d: {  	(v2sf) =	vpush v1, $0x5;
	s9 =	sadd.s32 $0x80, s9  }
0x7e: {  	s9 =	sand.u32 $0x1E0, s9  }
0x7f: {  	s9 =	sor.u32 s31, s9  }
0x80: {  	s9 =	sshrl.u32 s9, $0x2  }
0x81: {  	s9 =	sadd.s32 s8, s9;
	[tilespmem:s6+$0xFFFFFF20] =	vst v2  }
0x82: {  	v2 =	vld [tilespmem:s9+$0xC9E0];
	_ =	sdelay $0x4  }
0x83: {  	[tilespmem:s6+$0xFFFFFF30] =	vst v2  }
0x84: {  	v2 =	vld [tilespmem:s29+$0xCA0C];
	_ =	sdelay $0x3  }
0x85: {  	s12 =	spop (v2sf)  }
0x86: {  	s13 =	sadd.s32 s8, s12;
	[tilespmem:s6+$0xFFFFFF3C] =	vst v2  }
0x87: {  	s9 =	sshll.u32 s12, $0x2;
	v2 =	vld [tilespmem:s13+$0xCA58]  }
0x88: {  	s14 =	sadd.s32 $0x40, s9  }
0x89: {  	s15 =	sand.u32 $0x10, s9;
	s11 =	sand.u32 $0x1E0, s14  }
0x8a: {  	s11 =	sor.u32 s15, s11  }
0x8b: {  	s11 =	sshrl.u32 s11, $0x2  }
0x8c: {  	s11 =	sadd.s32 s8, s11;
	[tilespmem:s6+$0xFFFFFF4C] =	vst v2  }
0x8d: {  	v2 =	vld [tilespmem:s11+$0xCA58]  }
0x8e: {  	(v2sf) =	vpush v1, $0x6;
	s9 =	sadd.s32 $0x80, s9  }
0x8f: {  	s9 =	sand.u32 $0x1E0, s9  }
0x90: {  	s16 =	sadd.s32 $0xFFFFFDA8, s1;
	s9 =	sor.u32 s15, s9  }
0x91: {  	s9 =	sshrl.u32 s9, $0x2;
	s11 =	sor.u32 $0x14, s16  }
0x92: {  	s9 =	sadd.s32 s8, s9;
	[tilespmem:s11+$0x14000] =	vst v2  }
0x93: {  	v2 =	vld [tilespmem:s9+$0xCA58];
	_ =	sdelay $0x4  }
0x94: {  	[tilespmem:s6+$0xFFFFFF6C] =	vst v2  }
0x95: {  	v2 =	vld [tilespmem:s13+$0xCA84];
	_ =	sdelay $0x3  }
0x96: {  	s17 =	spop (v2sf)  }
0x97: {  	s18 =	sadd.s32 s8, s17;
	[tilespmem:s6+$0xFFFFFF78] =	vst v2  }
0x98: {  	s9 =	sshll.u32 s17, $0x2;
	v2 =	vld [tilespmem:s18+$0xCAD0]  }
0x99: {  	s19 =	sadd.s32 $0x40, s9  }
0x9a: {  	s20 =	sand.u32 $0x10, s9;
	s11 =	sand.u32 $0x1E0, s19  }
0x9b: {  	s11 =	sor.u32 s20, s11  }
0x9c: {  	s11 =	sshrl.u32 s11, $0x2  }
0x9d: {  	s11 =	sadd.s32 s8, s11;
	[tilespmem:s6+$0xFFFFFF88] =	vst v2  }
0x9e: {  	v2 =	vld [tilespmem:s11+$0xCAD0]  }
0x9f: {  	(v2sf) =	vpush v1, $0x7;
	s9 =	sadd.s32 $0x80, s9  }
0xa0: {  	s9 =	sand.u32 $0x1E0, s9  }
0xa1: {  	s9 =	sor.u32 s20, s9  }
0xa2: {  	s9 =	sshrl.u32 s9, $0x2  }
0xa3: {  	s9 =	sadd.s32 s8, s9;
	[tilespmem:s6+$0xFFFFFF98] =	vst v2  }
0xa4: {  	v2 =	vld [tilespmem:s9+$0xCAD0];
	_ =	sdelay $0x4  }
0xa5: {  	[tilespmem:s6+$0xFFFFFFA8] =	vst v2  }
0xa6: {  	v2 =	vld [tilespmem:s18+$0xCAFC];
	_ =	sdelay $0x3  }
0xa7: {  	s21 =	spop (v2sf)  }
0xa8: {  	s26 =	sadd.s32 s8, s21;
	[tilespmem:s6+$0xFFFFFFB4] =	vst v2  }
0xa9: {  	s9 =	sshll.u32 s21, $0x2;
	v2 =	vld [tilespmem:s26+$0xCB48]  }
0xaa: {  	s29 =	sadd.s32 $0x40, s9  }
0xab: {  	s30 =	sand.u32 $0x10, s9;
	s11 =	sand.u32 $0x1E0, s29  }
0xac: {  	s11 =	sor.u32 s30, s11  }
0xad: {  	s11 =	sshrl.u32 s11, $0x2  }
0xae: {  	s11 =	sadd.s32 s8, s11;
	[tilespmem:s6+$0xFFFFFFC4] =	vst v2  }
0xaf: {  	v2 =	vld [tilespmem:s11+$0xCB48]  }
0xb0: {  	(v2sf) =	vpush v1, $0x8;
	s9 =	sadd.s32 $0x80, s9  }
0xb1: {  	s9 =	sand.u32 $0x1E0, s9  }
0xb2: {  	s31 =	sadd.s32 $0xFFFFFE20, s1;
	s9 =	sor.u32 s30, s9  }
0xb3: {  	s9 =	sshrl.u32 s9, $0x2;
	s11 =	sor.u32 $0x14, s31  }
0xb4: {  	s9 =	sadd.s32 s8, s9;
	[tilespmem:s11+$0x14000] =	vst v2  }
0xb5: {  	v2 =	vld [tilespmem:s9+$0xCB48];
	_ =	sdelay $0x4  }
0xb6: {  	[tilespmem:s6+$0xFFFFFFE4] =	vst v2  }
0xb7: {  	v2 =	vld [tilespmem:s26+$0xCB74];
	_ =	sdelay $0x3  }
0xb8: {  	s13 =	spop (v2sf)  }
0xb9: {  	s14 =	sadd.s32 s8, s13;
	[tilespmem:s6+$0xFFFFFFF0] =	vst v2  }
0xba: {  	s9 =	sshll.u32 s13, $0x2;
	v2 =	vld [tilespmem:s14+$0xCBC0]  }
0xbb: {  	s15 =	sadd.s32 $0x40, s9  }
0xbc: {  	s16 =	sand.u32 $0x10, s9;
	s11 =	sand.u32 $0x1E0, s15  }
0xbd: {  	s11 =	sor.u32 s16, s11  }
0xbe: {  	s11 =	sshrl.u32 s11, $0x2  }
0xbf: {  	s11 =	sadd.s32 s8, s11;
	[tilespmem:s6+$0x0] =	vst v2  }
0xc0: {  	v2 =	vld [tilespmem:s11+$0xCBC0]  }
0xc1: {  	(v2sf) =	vpush v1, $0x9;
	s9 =	sadd.s32 $0x80, s9  }
0xc2: {  	s9 =	sand.u32 $0x1E0, s9  }
0xc3: {  	s9 =	sor.u32 s16, s9  }
0xc4: {  	s9 =	sshrl.u32 s9, $0x2  }
0xc5: {  	s9 =	sadd.s32 s8, s9;
	[tilespmem:s6+$0x10] =	vst v2  }
0xc6: {  	v2 =	vld [tilespmem:s9+$0xCBC0];
	_ =	sdelay $0x4  }
0xc7: {  	[tilespmem:s6+$0x20] =	vst v2  }
0xc8: {  	v2 =	vld [tilespmem:s14+$0xCBEC];
	_ =	sdelay $0x3  }
0xc9: {  	s17 =	spop (v2sf)  }
0xca: {  	s18 =	sadd.s32 s8, s17;
	[tilespmem:s6+$0x2C] =	vst v2  }
0xcb: {  	s9 =	sshll.u32 s17, $0x2;
	v2 =	vld [tilespmem:s18+$0xCC38]  }
0xcc: {  	s19 =	sadd.s32 $0x40, s9  }
0xcd: {  	s20 =	sand.u32 $0x10, s9;
	s11 =	sand.u32 $0x1E0, s19  }
0xce: {  	s11 =	sor.u32 s20, s11  }
0xcf: {  	s11 =	sshrl.u32 s11, $0x2  }
0xd0: {  	s11 =	sadd.s32 s8, s11;
	[tilespmem:s6+$0x3C] =	vst v2  }
0xd1: {  	v2 =	vld [tilespmem:s11+$0xCC38]  }
0xd2: {  	(v2sf) =	vpush v1, $0xA;
	s9 =	sadd.s32 $0x80, s9  }
0xd3: {  	s9 =	sand.u32 $0x1E0, s9  }
0xd4: {  	s9 =	sor.u32 s20, s9  }
0xd5: {  	s9 =	sshrl.u32 s9, $0x2  }
0xd6: {  	s9 =	sadd.s32 s8, s9;
	[tilespmem:s6+$0x4C] =	vst v2  }
0xd7: {  	v2 =	vld [tilespmem:s9+$0xCC38];
	_ =	sdelay $0x2  }
0xd8: {  	s21 =	sadd.s32 $0xFFFFFE98, s1  }
0xd9: {  	s9 =	sor.u32 $0x24, s21  }
0xda: {  	[tilespmem:s9+$0x14000] =	vst v2  }
0xdb: {  	v2 =	vld [tilespmem:s18+$0xCC64];
	_ =	sdelay $0x3  }
0xdc: {  	s26 =	spop (v2sf)  }
0xdd: {  	s29 =	sadd.s32 s8, s26;
	[tilespmem:s6+$0x68] =	vst v2  }
0xde: {  	s9 =	sshll.u32 s26, $0x2;
	v2 =	vld [tilespmem:s29+$0xCCB0]  }
0xdf: {  	s30 =	sadd.s32 $0x40, s9  }
0xe0: {  	s31 =	sand.u32 $0x10, s9;
	s11 =	sand.u32 $0x1E0, s30  }
0xe1: {  	s11 =	sor.u32 s31, s11  }
0xe2: {  	s11 =	sshrl.u32 s11, $0x2  }
0xe3: {  	s11 =	sadd.s32 s8, s11;
	[tilespmem:s6+$0x78] =	vst v2  }
0xe4: {  	v2 =	vld [tilespmem:s11+$0xCCB0]  }
0xe5: {  	(v2sf) =	vpush v1, $0xB;
	s9 =	sadd.s32 $0x80, s9  }
0xe6: {  	s9 =	sand.u32 $0x1E0, s9  }
0xe7: {  	s9 =	sor.u32 s31, s9  }
0xe8: {  	s9 =	sshrl.u32 s9, $0x2  }
0xe9: {  	s9 =	sadd.s32 s8, s9;
	[tilespmem:s6+$0x88] =	vst v2  }
0xea: {  	v2 =	vld [tilespmem:s9+$0xCCB0];
	_ =	sdelay $0x4  }
0xeb: {  	[tilespmem:s6+$0x98] =	vst v2  }
0xec: {  	v2 =	vld [tilespmem:s29+$0xCCDC];
	_ =	sdelay $0x3  }
0xed: {  	s13 =	spop (v2sf)  }
0xee: {  	s14 =	sadd.s32 s8, s13;
	[tilespmem:s6+$0xA4] =	vst v2  }
0xef: {  	s9 =	sshll.u32 s13, $0x2;
	v2 =	vld [tilespmem:s14+$0xCD28]  }
0xf0: {  	s15 =	sadd.s32 $0x40, s9  }
0xf1: {  	s16 =	sand.u32 $0x10, s9;
	s11 =	sand.u32 $0x1E0, s15  }
0xf2: {  	s11 =	sor.u32 s16, s11  }
0xf3: {  	s11 =	sshrl.u32 s11, $0x2  }
0xf4: {  	s11 =	sadd.s32 s8, s11;
	[tilespmem:s6+$0xB4] =	vst v2  }
0xf5: {  	v2 =	vld [tilespmem:s11+$0xCD28]  }
0xf6: {  	(v2sf) =	vpush v1, $0xC;
	s9 =	sadd.s32 $0x80, s9  }
0xf7: {  	s9 =	sand.u32 $0x1E0, s9  }
0xf8: {  	s9 =	sor.u32 s16, s9  }
0xf9: {  	s9 =	sshrl.u32 s9, $0x2  }
0xfa: {  	s9 =	sadd.s32 s8, s9;
	[tilespmem:s6+$0xC4] =	vst v2  }
0xfb: {  	v2 =	vld [tilespmem:s9+$0xCD28];
	_ =	sdelay $0x2  }
0xfc: {  	s17 =	sadd.s32 $0xFFFFFF10, s1  }
0xfd: {  	s9 =	sor.u32 $0x24, s17  }
0xfe: {  	[tilespmem:s9+$0x14000] =	vst v2  }
0xff: {  	v2 =	vld [tilespmem:s14+$0xCD54];
	_ =	sdelay $0x3  }
0x100: {  	s18 =	spop (v2sf)  }
0x101: {  	s19 =	sadd.s32 s8, s18;
	[tilespmem:s6+$0xE0] =	vst v2  }
0x102: {  	s9 =	sshll.u32 s18, $0x2;
	v2 =	vld [tilespmem:s19+$0xCDA0]  }
0x103: {  	s20 =	sadd.s32 $0x40, s9  }
0x104: {  	s21 =	sand.u32 $0x10, s9;
	s11 =	sand.u32 $0x1E0, s20  }
0x105: {  	s11 =	sor.u32 s21, s11  }
0x106: {  	s11 =	sshrl.u32 s11, $0x2  }
0x107: {  	s11 =	sadd.s32 s8, s11;
	[tilespmem:s6+$0xF0] =	vst v2  }
0x108: {  	v2 =	vld [tilespmem:s11+$0xCDA0]  }
0x109: {  	(v2sf) =	vpush v1, $0xD;
	s9 =	sadd.s32 $0x80, s9  }
0x10a: {  	s9 =	sand.u32 $0x1E0, s9  }
0x10b: {  	s9 =	sor.u32 s21, s9  }
0x10c: {  	s9 =	sshrl.u32 s9, $0x2  }
0x10d: {  	s9 =	sadd.s32 s8, s9;
	[tilespmem:s6+$0x100] =	vst v2  }
0x10e: {  	v2 =	vld [tilespmem:s9+$0xCDA0];
	_ =	sdelay $0x4  }
0x10f: {  	[tilespmem:s6+$0x110] =	vst v2  }
0x110: {  	v2 =	vld [tilespmem:s19+$0xCDCC];
	_ =	sdelay $0x3  }
0x111: {  	s26 =	spop (v2sf)  }
0x112: {  	s29 =	sadd.s32 s8, s26;
	[tilespmem:s6+$0x11C] =	vst v2  }
0x113: {  	s9 =	sshll.u32 s26, $0x2;
	v2 =	vld [tilespmem:s29+$0xCE18]  }
0x114: {  	s30 =	sadd.s32 $0x40, s9  }
0x115: {  	s31 =	sand.u32 $0x10, s9;
	s11 =	sand.u32 $0x1E0, s30  }
0x116: {  	s11 =	sor.u32 s31, s11  }
0x117: {  	s11 =	sshrl.u32 s11, $0x2  }
0x118: {  	s11 =	sadd.s32 s8, s11;
	[tilespmem:s6+$0x12C] =	vst v2  }
0x119: {  	v2 =	vld [tilespmem:s11+$0xCE18]  }
0x11a: {  	(v2sf) =	vpush v1, $0xE;
	s9 =	sadd.s32 $0x80, s9  }
0x11b: {  	s9 =	sand.u32 $0x1E0, s9  }
0x11c: {  	s13 =	sadd.s32 $0xFFFFFF88, s1;
	s9 =	sor.u32 s31, s9  }
0x11d: {  	s14 =	sor.u32 $0x14, s13;
	s9 =	sshrl.u32 s9, $0x2  }
0x11e: {  	s9 =	sadd.s32 s8, s9;
	[tilespmem:s14+$0x14000] =	vst v2  }
0x11f: {  	v2 =	vld [tilespmem:s9+$0xCE18];
	_ =	sdelay $0x3  }
0x120: {  	s15 =	sor.u32 $0x24, s13  }
0x121: {  	[tilespmem:s15+$0x14000] =	vst v2  }
0x122: {  	v2 =	vld [tilespmem:s29+$0xCE44];
	_ =	sdelay $0x3  }
0x123: {  	s16 =	spop (v2sf)  }
0x124: {  	s17 =	sadd.s32 s8, s16;
	[tilespmem:s6+$0x158] =	vst v2  }
0x125: {  	s9 =	sshll.u32 s16, $0x2;
	v2 =	vld [tilespmem:s17+$0xCE90]  }
0x126: {  	s18 =	sadd.s32 $0x40, s9  }
0x127: {  	s19 =	sand.u32 $0x10, s9;
	s11 =	sand.u32 $0x1E0, s18  }
0x128: {  	s11 =	sor.u32 s19, s11  }
0x129: {  	s11 =	sshrl.u32 s11, $0x2  }
0x12a: {  	s11 =	sadd.s32 s8, s11;
	[tilespmem:s6+$0x168] =	vst v2  }
0x12b: {  	v2 =	vld [tilespmem:s11+$0xCE90]  }
0x12c: {  	(v2sf) =	vpush v1, $0xF;
	s9 =	sadd.s32 $0x80, s9  }
0x12d: {  	s9 =	sand.u32 $0x1E0, s9  }
0x12e: {  	s9 =	sor.u32 s19, s9  }
0x12f: {  	s9 =	sshrl.u32 s9, $0x2  }
0x130: {  	s9 =	sadd.s32 s8, s9;
	[tilespmem:s6+$0x178] =	vst v2  }
0x131: {  	v1 =	vld [tilespmem:s9+$0xCE90];
	_ =	sdelay $0x4  }
0x132: {  	[tilespmem:s6+$0x188] =	vst v1  }
0x133: {  	v1 =	vld [tilespmem:s17+$0xCEBC];
	_ =	sdelay $0x3  }
0x134: {  	s20 =	spop (v2sf)  }
0x135: {  	s21 =	sadd.s32 s8, s20;
	[tilespmem:s6+$0x194] =	vst v1  }
0x136: {  	s9 =	sshll.u32 s20, $0x2;
	v1 =	vld [tilespmem:s21+$0xCF08]  }
0x137: {  	s26 =	sadd.s32 $0x40, s9  }
0x138: {  	s29 =	sand.u32 $0x10, s9;
	s11 =	sand.u32 $0x1E0, s26  }
0x139: {  	s11 =	sor.u32 s29, s11  }
0x13a: {  	s11 =	sshrl.u32 s11, $0x2  }
0x13b: {  	s11 =	sadd.s32 s8, s11;
	[tilespmem:s6+$0x1A4] =	vst v1  }
0x13c: {  	v1 =	vld [tilespmem:s11+$0xCF08]  }
0x13d: {  	s9 =	sadd.s32 $0x80, s9  }
0x13e: {  	s9 =	sand.u32 $0x1E0, s9  }
0x13f: {  	s9 =	sor.u32 s29, s9  }
0x140: {  	s30 =	sor.u32 $0x14, s1;
	s9 =	sshrl.u32 s9, $0x2  }
0x141: {  	s8 =	sadd.s32 s8, s9;
	[tilespmem:s30+$0x14000] =	vst v1  }
0x142: {  	v1 =	vld [tilespmem:s8+$0xCF08];
	_ =	sdelay $0x3  }
0x143: {  	s31 =	sor.u32 $0x24, s1  }
0x144: {  	[tilespmem:s31+$0x14000] =	vst v1  }
0x145: {  	p0 =	sne.s32 s0, $0xD200;
	v1 =	vld [tilespmem:s21+$0xCF34]  }
.Ltmp2:
0x146: {  	_ = 	snop;
	(pc) =	sbr.rel @p0 .LBB2_3-.Ltmp2, $3  }
0x147: {  	_ =	sdelay $0x1  }
0x148: {  	s7 =	sadd.s32 $0x10, s7  }
0x149: {  	s0 =	sadd.s32 $0x1E00, s0;
	s1 =	sadd.s32 $0x3C0, s1;
	[tilespmem:s6+$0x1D0] =	vst v1;
	s6 =	sadd.s32 $0x3C0, s6  }
0x14a: {  	s0 =	sshll.u32 s24, $0x8  }
0x14b: {  	s0 =	sadd.s32 s4, s0  }
0x14c: {  	s0 =	smul.u32 $0x3C, s0;
	_ =	sdelay $0x1  }
0x14d: {  	s0 =	sshrl.u32 s0, $0x3  }
0x14e: {  	s1 =	simm.s32 $0x14000;
	p0 =	seq.s32 s24, $0x63;
	s0 =	sadd.s32 s2, s0  }
0x14f: {  	[hbm4b:s0+s3] =	stream.linear.scatter [tilespmem:s1], [sflag:$0x3], $0x1E00, $0x38;
	[tilespmem:$0x17C00] =	vst v63  }
0x150: {  	s7 =	simm.s32 $0x2;
	s0 =	sshrl.u32 @!p0 s25, $0x2  }
0x151: {  	s6 =	simm.s32 @!p0 $0xC800;
	s1 =	simm.s32 @!p0 $0x80;
	s0 =	sadd.s32 @!p0 $0x6500, s0  }
0x152: {  	[tilespmem:s6], [sflag:$0x1] =	stream.indirect.gather @!p0 [hbm4b:s5+s1], $0x78, s0, s1, $0xb8;
	[tilespmem:$0x17C00] =	vst v63  }
0x153: {  	_ =	swait.ge [sflag:s7], $0x3C00  }
0x154: {  	[sflag:s7] =	ssyncset.done $0x0  }
0x155: {  	s0 =	simm.s32 @!p1 $0x4;
	[sflag:s7] =	ssyncadd.s32 $0xFFFFC400  }
0x156: {  	_ =	swait.ge @!p1 [sflag:s0], $0x1E00  }
0x157: {  	[sflag:s0] =	ssyncset.done @!p1 $0x0  }
0x158: {  	[sflag:s0] =	ssyncadd.s32 @!p1 $0xFFFFE200  }
0x159: {  	v1 =	vld [tilespmem:s22+$0x0];
	_ =	sdelay $0x4  }
0x15a: {  	v1 =	vand.u32 $0x1, v1  }
0x15b: {  	vm0 =	veq.s32 v1, $0x1  }
0x15c: {  	v1 =	vsel vm0, $0x3C, v0  }
0x15d: {  	(v2sf) =	vpush v1, $0x0;
	_ =	sdelay $0xe  }
0x15e: {  	s8 =	spop (v2sf)  }
0x15f: {  	s9 =	sadd.s32 $0x0, s8  }
0x160: {  	s1 =	sadd.s32 $0xC800, s9  }
0x161: {  	s0 =	sshll.u32 s8, $0x2;
	v2 =	vld [tilespmem:s1+$0x3C00]  }
0x162: {  	s10 =	sadd.s32 $0x40, s0  }
0x163: {  	s7 =	sand.u32 $0x10, s0;
	s6 =	sand.u32 $0x1E0, s10  }
0x164: {  	s6 =	sor.u32 s7, s6  }
0x165: {  	s26 =	simm.s32 $0x161B0;
	s6 =	sshrl.u32 s6, $0x2  }
0x166: {  	s6 =	sadd.s32 $0x0, s6;
	[tilespmem:s26+$0xFFFFFC50] =	vst v2  }
0x167: {  	(v2sf) =	vpush v1, $0x1;
	v2 =	vld [tilespmem:s6+$0x10400]  }
0x168: {  	s0 =	sadd.s32 $0x80, s0  }
0x169: {  	s0 =	sand.u32 $0x1E0, s0  }
0x16a: {  	s0 =	sor.u32 s7, s0  }
0x16b: {  	s0 =	sshrl.u32 s0, $0x2  }
0x16c: {  	s0 =	sadd.s32 $0x0, s0;
	[tilespmem:s26+$0xFFFFFC60] =	vst v2  }
0x16d: {  	v2 =	vld [tilespmem:s0+$0x10400];
	_ =	sdelay $0x4  }
0x16e: {  	[tilespmem:s26+$0xFFFFFC70] =	vst v2  }
0x16f: {  	v2 =	vld [tilespmem:s1+$0x3C2C];
	_ =	sdelay $0x2  }
0x170: {  	s11 =	spop (v2sf)  }
0x171: {  	s12 =	sadd.s32 $0x0, s11  }
0x172: {  	s1 =	sadd.s32 $0xC800, s12;
	[tilespmem:s26+$0xFFFFFC7C] =	vst v2  }
0x173: {  	s0 =	sshll.u32 s11, $0x2;
	v2 =	vld [tilespmem:s1+$0x3C78]  }
0x174: {  	s13 =	sadd.s32 $0x40, s0  }
0x175: {  	s14 =	sand.u32 $0x10, s0;
	s6 =	sand.u32 $0x1E0, s13  }
0x176: {  	s6 =	sor.u32 s14, s6  }
0x177: {  	s6 =	sshrl.u32 s6, $0x2  }
0x178: {  	s6 =	sadd.s32 $0x0, s6;
	[tilespmem:s26+$0xFFFFFC8C] =	vst v2  }
0x179: {  	(v2sf) =	vpush v1, $0x2;
	v2 =	vld [tilespmem:s6+$0x10478]  }
0x17a: {  	s0 =	sadd.s32 $0x80, s0  }
0x17b: {  	s0 =	sand.u32 $0x1E0, s0  }
0x17c: {  	s0 =	sor.u32 s14, s0  }
0x17d: {  	s0 =	sshrl.u32 s0, $0x2  }
0x17e: {  	s0 =	sadd.s32 $0x0, s0;
	[tilespmem:s26+$0xFFFFFC9C] =	vst v2  }
0x17f: {  	v2 =	vld [tilespmem:s0+$0x10478];
	_ =	sdelay $0x4  }
0x180: {  	[tilespmem:s26+$0xFFFFFCAC] =	vst v2  }
0x181: {  	v2 =	vld [tilespmem:s1+$0x3CA4];
	_ =	sdelay $0x2  }
0x182: {  	s15 =	spop (v2sf)  }
0x183: {  	s17 =	sadd.s32 $0x0, s15  }
0x184: {  	s1 =	sadd.s32 $0xC800, s17;
	[tilespmem:s26+$0xFFFFFCB8] =	vst v2  }
0x185: {  	s0 =	sshll.u32 s15, $0x2;
	v2 =	vld [tilespmem:s1+$0x3CF0]  }
0x186: {  	s18 =	sadd.s32 $0x40, s0  }
0x187: {  	s19 =	sand.u32 $0x10, s0;
	s6 =	sand.u32 $0x1E0, s18  }
0x188: {  	s6 =	sor.u32 s19, s6  }
0x189: {  	s6 =	sshrl.u32 s6, $0x2  }
0x18a: {  	s6 =	sadd.s32 $0x0, s6;
	[tilespmem:s26+$0xFFFFFCC8] =	vst v2  }
0x18b: {  	(v2sf) =	vpush v1, $0x3;
	v2 =	vld [tilespmem:s6+$0x104F0]  }
0x18c: {  	s0 =	sadd.s32 $0x80, s0  }
0x18d: {  	s0 =	sand.u32 $0x1E0, s0  }
0x18e: {  	s0 =	sor.u32 s19, s0  }
0x18f: {  	s0 =	sshrl.u32 s0, $0x2  }
0x190: {  	s0 =	sadd.s32 $0x0, s0;
	[tilespmem:s26+$0xFFFFFCD8] =	vst v2  }
0x191: {  	v2 =	vld [tilespmem:s0+$0x104F0];
	_ =	sdelay $0x4  }
0x192: {  	[tilespmem:s26+$0xFFFFFCE8] =	vst v2  }
0x193: {  	v2 =	vld [tilespmem:s1+$0x3D1C];
	_ =	sdelay $0x2  }
0x194: {  	s20 =	spop (v2sf)  }
0x195: {  	s21 =	sadd.s32 $0x0, s20  }
0x196: {  	s1 =	sadd.s32 $0xC800, s21;
	[tilespmem:s26+$0xFFFFFCF4] =	vst v2  }
0x197: {  	s0 =	sshll.u32 s20, $0x2;
	v2 =	vld [tilespmem:s1+$0x3D68]  }
0x198: {  	s16 =	smov.u32 s2;
	s2 =	sadd.s32 $0x40, s0  }
0x199: {  	s3 =	sand.u32 $0x10, s0;
	s6 =	sand.u32 $0x1E0, s2  }
0x19a: {  	s6 =	sor.u32 s3, s6  }
0x19b: {  	s6 =	sshrl.u32 s6, $0x2  }
0x19c: {  	s6 =	sadd.s32 $0x0, s6;
	[tilespmem:s26+$0xFFFFFD04] =	vst v2  }
0x19d: {  	(v2sf) =	vpush v1, $0x4;
	v2 =	vld [tilespmem:s6+$0x10568]  }
0x19e: {  	s0 =	sadd.s32 $0x80, s0  }
0x19f: {  	s0 =	sand.u32 $0x1E0, s0  }
0x1a0: {  	s0 =	sor.u32 s3, s0  }
0x1a1: {  	s0 =	sshrl.u32 s0, $0x2  }
0x1a2: {  	s0 =	sadd.s32 $0x0, s0;
	[tilespmem:s26+$0xFFFFFD14] =	vst v2  }
0x1a3: {  	v2 =	vld [tilespmem:s0+$0x10568];
	_ =	sdelay $0x4  }
0x1a4: {  	[tilespmem:s26+$0xFFFFFD24] =	vst v2  }
0x1a5: {  	v2 =	vld [tilespmem:s1+$0x3D94];
	_ =	sdelay $0x2  }
0x1a6: {  	s7 =	spop (v2sf)  }
0x1a7: {  	s8 =	sadd.s32 $0x0, s7  }
0x1a8: {  	s1 =	sadd.s32 $0xC800, s8;
	[tilespmem:s26+$0xFFFFFD30] =	vst v2  }
0x1a9: {  	s0 =	sshll.u32 s7, $0x2;
	v2 =	vld [tilespmem:s1+$0x3DE0]  }
0x1aa: {  	s9 =	sadd.s32 $0x40, s0  }
0x1ab: {  	s10 =	sand.u32 $0x10, s0;
	s6 =	sand.u32 $0x1E0, s9  }
0x1ac: {  	s6 =	sor.u32 s10, s6  }
0x1ad: {  	s6 =	sshrl.u32 s6, $0x2  }
0x1ae: {  	s6 =	sadd.s32 $0x0, s6;
	[tilespmem:s26+$0xFFFFFD40] =	vst v2  }
0x1af: {  	(v2sf) =	vpush v1, $0x5;
	v2 =	vld [tilespmem:s6+$0x105E0]  }
0x1b0: {  	s0 =	sadd.s32 $0x80, s0  }
0x1b1: {  	s0 =	sand.u32 $0x1E0, s0  }
0x1b2: {  	s0 =	sor.u32 s10, s0  }
0x1b3: {  	s0 =	sshrl.u32 s0, $0x2  }
0x1b4: {  	s0 =	sadd.s32 $0x0, s0;
	[tilespmem:s26+$0xFFFFFD50] =	vst v2  }
0x1b5: {  	v2 =	vld [tilespmem:s0+$0x105E0];
	_ =	sdelay $0x4  }
0x1b6: {  	[tilespmem:s26+$0xFFFFFD60] =	vst v2  }
0x1b7: {  	v2 =	vld [tilespmem:s1+$0x3E0C];
	_ =	sdelay $0x2  }
0x1b8: {  	s11 =	spop (v2sf)  }
0x1b9: {  	s12 =	sadd.s32 $0x0, s11  }
0x1ba: {  	s1 =	sadd.s32 $0xC800, s12;
	[tilespmem:s26+$0xFFFFFD6C] =	vst v2  }
0x1bb: {  	s0 =	sshll.u32 s11, $0x2;
	v2 =	vld [tilespmem:s1+$0x3E58]  }
0x1bc: {  	s13 =	sadd.s32 $0x40, s0  }
0x1bd: {  	s14 =	sand.u32 $0x10, s0;
	s6 =	sand.u32 $0x1E0, s13  }
0x1be: {  	s6 =	sor.u32 s14, s6  }
0x1bf: {  	s6 =	sshrl.u32 s6, $0x2  }
0x1c0: {  	s6 =	sadd.s32 $0x0, s6;
	[tilespmem:s26+$0xFFFFFD7C] =	vst v2  }
0x1c1: {  	(v2sf) =	vpush v1, $0x6;
	v2 =	vld [tilespmem:s6+$0x10658]  }
0x1c2: {  	s0 =	sadd.s32 $0x80, s0  }
0x1c3: {  	s0 =	sand.u32 $0x1E0, s0  }
0x1c4: {  	s0 =	sor.u32 s14, s0  }
0x1c5: {  	s0 =	sshrl.u32 s0, $0x2  }
0x1c6: {  	s0 =	sadd.s32 $0x0, s0;
	[tilespmem:s26+$0xFFFFFD8C] =	vst v2  }
0x1c7: {  	v2 =	vld [tilespmem:s0+$0x10658];
	_ =	sdelay $0x4  }
0x1c8: {  	[tilespmem:s26+$0xFFFFFD9C] =	vst v2  }
0x1c9: {  	v2 =	vld [tilespmem:s1+$0x3E84];
	_ =	sdelay $0x2  }
0x1ca: {  	s15 =	spop (v2sf)  }
0x1cb: {  	s17 =	sadd.s32 $0x0, s15  }
0x1cc: {  	s1 =	sadd.s32 $0xC800, s17;
	[tilespmem:s26+$0xFFFFFDA8] =	vst v2  }
0x1cd: {  	s0 =	sshll.u32 s15, $0x2;
	v2 =	vld [tilespmem:s1+$0x3ED0]  }
0x1ce: {  	s18 =	sadd.s32 $0x40, s0  }
0x1cf: {  	s19 =	sand.u32 $0x10, s0;
	s6 =	sand.u32 $0x1E0, s18  }
0x1d0: {  	s6 =	sor.u32 s19, s6  }
0x1d1: {  	s6 =	sshrl.u32 s6, $0x2  }
0x1d2: {  	s6 =	sadd.s32 $0x0, s6;
	[tilespmem:s26+$0xFFFFFDB8] =	vst v2  }
0x1d3: {  	(v2sf) =	vpush v1, $0x7;
	v2 =	vld [tilespmem:s6+$0x106D0]  }
0x1d4: {  	s0 =	sadd.s32 $0x80, s0  }
0x1d5: {  	s0 =	sand.u32 $0x1E0, s0  }
0x1d6: {  	s0 =	sor.u32 s19, s0  }
0x1d7: {  	s0 =	sshrl.u32 s0, $0x2  }
0x1d8: {  	s0 =	sadd.s32 $0x0, s0;
	[tilespmem:s26+$0xFFFFFDC8] =	vst v2  }
0x1d9: {  	v2 =	vld [tilespmem:s0+$0x106D0];
	_ =	sdelay $0x4  }
0x1da: {  	[tilespmem:s26+$0xFFFFFDD8] =	vst v2  }
0x1db: {  	v2 =	vld [tilespmem:s1+$0x3EFC];
	_ =	sdelay $0x2  }
0x1dc: {  	s20 =	spop (v2sf)  }
0x1dd: {  	s21 =	sadd.s32 $0x0, s20  }
0x1de: {  	s1 =	sadd.s32 $0xC800, s21;
	[tilespmem:s26+$0xFFFFFDE4] =	vst v2  }
0x1df: {  	s0 =	sshll.u32 s20, $0x2;
	v2 =	vld [tilespmem:s1+$0x3F48]  }
0x1e0: {  	s2 =	sadd.s32 $0x40, s0  }
0x1e1: {  	s3 =	sand.u32 $0x10, s0;
	s6 =	sand.u32 $0x1E0, s2  }
0x1e2: {  	s6 =	sor.u32 s3, s6  }
0x1e3: {  	s6 =	sshrl.u32 s6, $0x2  }
0x1e4: {  	s6 =	sadd.s32 $0x0, s6;
	[tilespmem:s26+$0xFFFFFDF4] =	vst v2  }
0x1e5: {  	(v2sf) =	vpush v1, $0x8;
	v2 =	vld [tilespmem:s6+$0x10748]  }
0x1e6: {  	s0 =	sadd.s32 $0x80, s0  }
0x1e7: {  	s0 =	sand.u32 $0x1E0, s0  }
0x1e8: {  	s0 =	sor.u32 s3, s0  }
0x1e9: {  	s0 =	sshrl.u32 s0, $0x2  }
0x1ea: {  	s0 =	sadd.s32 $0x0, s0;
	[tilespmem:s26+$0xFFFFFE04] =	vst v2  }
0x1eb: {  	v2 =	vld [tilespmem:s0+$0x10748];
	_ =	sdelay $0x4  }
0x1ec: {  	[tilespmem:s26+$0xFFFFFE14] =	vst v2  }
0x1ed: {  	v2 =	vld [tilespmem:s1+$0x3F74];
	_ =	sdelay $0x2  }
0x1ee: {  	s6 =	spop (v2sf)  }
0x1ef: {  	s7 =	sadd.s32 $0x0, s6  }
0x1f0: {  	s1 =	sadd.s32 $0xC800, s7;
	[tilespmem:s26+$0xFFFFFE20] =	vst v2  }
0x1f1: {  	s0 =	sshll.u32 s6, $0x2;
	v2 =	vld [tilespmem:s1+$0x3FC0]  }
0x1f2: {  	s8 =	sadd.s32 $0x40, s0  }
0x1f3: {  	s9 =	sand.u32 $0x10, s0;
	s6 =	sand.u32 $0x1E0, s8  }
0x1f4: {  	s6 =	sor.u32 s9, s6  }
0x1f5: {  	s6 =	sshrl.u32 s6, $0x2  }
0x1f6: {  	s6 =	sadd.s32 $0x0, s6;
	[tilespmem:s26+$0xFFFFFE30] =	vst v2  }
0x1f7: {  	(v2sf) =	vpush v1, $0x9;
	v2 =	vld [tilespmem:s6+$0x107C0]  }
0x1f8: {  	s0 =	sadd.s32 $0x80, s0  }
0x1f9: {  	s0 =	sand.u32 $0x1E0, s0  }
0x1fa: {  	s0 =	sor.u32 s9, s0  }
0x1fb: {  	s0 =	sshrl.u32 s0, $0x2  }
0x1fc: {  	s0 =	sadd.s32 $0x0, s0;
	[tilespmem:s26+$0xFFFFFE40] =	vst v2  }
0x1fd: {  	v2 =	vld [tilespmem:s0+$0x107C0];
	_ =	sdelay $0x4  }
0x1fe: {  	[tilespmem:s26+$0xFFFFFE50] =	vst v2  }
0x1ff: {  	v2 =	vld [tilespmem:s1+$0x3FEC];
	_ =	sdelay $0x2  }
0x200: {  	s10 =	spop (v2sf)  }
0x201: {  	s11 =	sadd.s32 $0x0, s10  }
0x202: {  	s1 =	sadd.s32 $0xC800, s11;
	[tilespmem:s26+$0xFFFFFE5C] =	vst v2  }
0x203: {  	s0 =	sshll.u32 s10, $0x2;
	v2 =	vld [tilespmem:s1+$0x4038]  }
0x204: {  	s12 =	sadd.s32 $0x40, s0  }
0x205: {  	s13 =	sand.u32 $0x10, s0;
	s6 =	sand.u32 $0x1E0, s12  }
0x206: {  	s6 =	sor.u32 s13, s6  }
0x207: {  	s6 =	sshrl.u32 s6, $0x2  }
0x208: {  	s6 =	sadd.s32 $0x0, s6;
	[tilespmem:s26+$0xFFFFFE6C] =	vst v2  }
0x209: {  	(v2sf) =	vpush v1, $0xA;
	v2 =	vld [tilespmem:s6+$0x10838]  }
0x20a: {  	s0 =	sadd.s32 $0x80, s0  }
0x20b: {  	s0 =	sand.u32 $0x1E0, s0  }
0x20c: {  	s0 =	sor.u32 s13, s0  }
0x20d: {  	s0 =	sshrl.u32 s0, $0x2  }
0x20e: {  	s0 =	sadd.s32 $0x0, s0;
	[tilespmem:s26+$0xFFFFFE7C] =	vst v2  }
0x20f: {  	v2 =	vld [tilespmem:s0+$0x10838];
	_ =	sdelay $0x4  }
0x210: {  	[tilespmem:s26+$0xFFFFFE8C] =	vst v2  }
0x211: {  	v2 =	vld [tilespmem:s1+$0x4064];
	_ =	sdelay $0x2  }
0x212: {  	s14 =	spop (v2sf)  }
0x213: {  	s15 =	sadd.s32 $0x0, s14  }
0x214: {  	s1 =	sadd.s32 $0xC800, s15;
	[tilespmem:s26+$0xFFFFFE98] =	vst v2  }
0x215: {  	s0 =	sshll.u32 s14, $0x2;
	v2 =	vld [tilespmem:s1+$0x40B0]  }
0x216: {  	s17 =	sadd.s32 $0x40, s0  }
0x217: {  	s18 =	sand.u32 $0x10, s0;
	s6 =	sand.u32 $0x1E0, s17  }
0x218: {  	s6 =	sor.u32 s18, s6  }
0x219: {  	s6 =	sshrl.u32 s6, $0x2  }
0x21a: {  	s6 =	sadd.s32 $0x0, s6;
	[tilespmem:s26+$0xFFFFFEA8] =	vst v2  }
0x21b: {  	(v2sf) =	vpush v1, $0xB;
	v2 =	vld [tilespmem:s6+$0x108B0]  }
0x21c: {  	s0 =	sadd.s32 $0x80, s0  }
0x21d: {  	s0 =	sand.u32 $0x1E0, s0  }
0x21e: {  	s0 =	sor.u32 s18, s0  }
0x21f: {  	s0 =	sshrl.u32 s0, $0x2  }
0x220: {  	s0 =	sadd.s32 $0x0, s0;
	[tilespmem:s26+$0xFFFFFEB8] =	vst v2  }
0x221: {  	v2 =	vld [tilespmem:s0+$0x108B0];
	_ =	sdelay $0x4  }
0x222: {  	[tilespmem:s26+$0xFFFFFEC8] =	vst v2  }
0x223: {  	v2 =	vld [tilespmem:s1+$0x40DC];
	_ =	sdelay $0x2  }
0x224: {  	s19 =	spop (v2sf)  }
0x225: {  	s20 =	sadd.s32 $0x0, s19  }
0x226: {  	s1 =	sadd.s32 $0xC800, s20;
	[tilespmem:s26+$0xFFFFFED4] =	vst v2  }
0x227: {  	s0 =	sshll.u32 s19, $0x2;
	v2 =	vld [tilespmem:s1+$0x4128]  }
0x228: {  	s21 =	sadd.s32 $0x40, s0  }
0x229: {  	s2 =	sand.u32 $0x10, s0;
	s6 =	sand.u32 $0x1E0, s21  }
0x22a: {  	s6 =	sor.u32 s2, s6  }
0x22b: {  	s6 =	sshrl.u32 s6, $0x2  }
0x22c: {  	s6 =	sadd.s32 $0x0, s6;
	[tilespmem:s26+$0xFFFFFEE4] =	vst v2  }
0x22d: {  	(v2sf) =	vpush v1, $0xC;
	v2 =	vld [tilespmem:s6+$0x10928]  }
0x22e: {  	s0 =	sadd.s32 $0x80, s0  }
0x22f: {  	s0 =	sand.u32 $0x1E0, s0  }
0x230: {  	s0 =	sor.u32 s2, s0  }
0x231: {  	s0 =	sshrl.u32 s0, $0x2  }
0x232: {  	s0 =	sadd.s32 $0x0, s0;
	[tilespmem:s26+$0xFFFFFEF4] =	vst v2  }
0x233: {  	v2 =	vld [tilespmem:s0+$0x10928];
	_ =	sdelay $0x4  }
0x234: {  	[tilespmem:s26+$0xFFFFFF04] =	vst v2  }
0x235: {  	v2 =	vld [tilespmem:s1+$0x4154];
	_ =	sdelay $0x2  }
0x236: {  	s3 =	spop (v2sf)  }
0x237: {  	s6 =	sadd.s32 $0x0, s3  }
0x238: {  	s1 =	sadd.s32 $0xC800, s6;
	[tilespmem:s26+$0xFFFFFF10] =	vst v2  }
0x239: {  	s0 =	sshll.u32 s3, $0x2;
	v2 =	vld [tilespmem:s1+$0x41A0]  }
0x23a: {  	s7 =	sadd.s32 $0x40, s0  }
0x23b: {  	s8 =	sand.u32 $0x10, s0;
	s6 =	sand.u32 $0x1E0, s7  }
0x23c: {  	s6 =	sor.u32 s8, s6  }
0x23d: {  	s6 =	sshrl.u32 s6, $0x2  }
0x23e: {  	s6 =	sadd.s32 $0x0, s6;
	[tilespmem:s26+$0xFFFFFF20] =	vst v2  }
0x23f: {  	(v2sf) =	vpush v1, $0xD;
	v2 =	vld [tilespmem:s6+$0x109A0]  }
0x240: {  	s0 =	sadd.s32 $0x80, s0  }
0x241: {  	s0 =	sand.u32 $0x1E0, s0  }
0x242: {  	s0 =	sor.u32 s8, s0  }
0x243: {  	s0 =	sshrl.u32 s0, $0x2  }
0x244: {  	s0 =	sadd.s32 $0x0, s0;
	[tilespmem:s26+$0xFFFFFF30] =	vst v2  }
0x245: {  	v2 =	vld [tilespmem:s0+$0x109A0];
	_ =	sdelay $0x4  }
0x246: {  	[tilespmem:s26+$0xFFFFFF40] =	vst v2  }
0x247: {  	v2 =	vld [tilespmem:s1+$0x41CC];
	_ =	sdelay $0x2  }
0x248: {  	s9 =	spop (v2sf)  }
0x249: {  	s10 =	sadd.s32 $0x0, s9  }
0x24a: {  	s1 =	sadd.s32 $0xC800, s10;
	[tilespmem:s26+$0xFFFFFF4C] =	vst v2  }
0x24b: {  	s0 =	sshll.u32 s9, $0x2;
	v2 =	vld [tilespmem:s1+$0x4218]  }
0x24c: {  	s11 =	sadd.s32 $0x40, s0  }
0x24d: {  	s12 =	sand.u32 $0x10, s0;
	s6 =	sand.u32 $0x1E0, s11  }
0x24e: {  	s6 =	sor.u32 s12, s6  }
0x24f: {  	s6 =	sshrl.u32 s6, $0x2  }
0x250: {  	s6 =	sadd.s32 $0x0, s6;
	[tilespmem:s26+$0xFFFFFF5C] =	vst v2  }
0x251: {  	(v2sf) =	vpush v1, $0xE;
	v2 =	vld [tilespmem:s6+$0x10A18]  }
0x252: {  	s0 =	sadd.s32 $0x80, s0  }
0x253: {  	s0 =	sand.u32 $0x1E0, s0  }
0x254: {  	s0 =	sor.u32 s12, s0  }
0x255: {  	s0 =	sshrl.u32 s0, $0x2  }
0x256: {  	s0 =	sadd.s32 $0x0, s0;
	[tilespmem:s26+$0xFFFFFF6C] =	vst v2  }
0x257: {  	v2 =	vld [tilespmem:s0+$0x10A18];
	_ =	sdelay $0x4  }
0x258: {  	[tilespmem:s26+$0xFFFFFF7C] =	vst v2  }
0x259: {  	v2 =	vld [tilespmem:s1+$0x4244];
	_ =	sdelay $0x2  }
0x25a: {  	s13 =	spop (v2sf)  }
0x25b: {  	s14 =	sadd.s32 $0x0, s13  }
0x25c: {  	s1 =	sadd.s32 $0xC800, s14;
	[tilespmem:s26+$0xFFFFFF88] =	vst v2  }
0x25d: {  	s0 =	sshll.u32 s13, $0x2;
	v2 =	vld [tilespmem:s1+$0x4290]  }
0x25e: {  	s15 =	sadd.s32 $0x40, s0  }
0x25f: {  	s17 =	sand.u32 $0x10, s0;
	s6 =	sand.u32 $0x1E0, s15  }
0x260: {  	s6 =	sor.u32 s17, s6  }
0x261: {  	s6 =	sshrl.u32 s6, $0x2  }
0x262: {  	s6 =	sadd.s32 $0x0, s6;
	[tilespmem:s26+$0xFFFFFF98] =	vst v2  }
0x263: {  	(v2sf) =	vpush v1, $0xF;
	v1 =	vld [tilespmem:s6+$0x10A90]  }
0x264: {  	s0 =	sadd.s32 $0x80, s0  }
0x265: {  	s0 =	sand.u32 $0x1E0, s0  }
0x266: {  	s0 =	sor.u32 s17, s0  }
0x267: {  	s0 =	sshrl.u32 s0, $0x2  }
0x268: {  	s0 =	sadd.s32 $0x0, s0;
	[tilespmem:s26+$0xFFFFFFA8] =	vst v1  }
0x269: {  	v1 =	vld [tilespmem:s0+$0x10A90];
	_ =	sdelay $0x4  }
0x26a: {  	[tilespmem:s26+$0xFFFFFFB8] =	vst v1  }
0x26b: {  	v1 =	vld [tilespmem:s1+$0x42BC];
	_ =	sdelay $0x2  }
0x26c: {  	s18 =	spop (v2sf)  }
0x26d: {  	s19 =	sadd.s32 $0x0, s18  }
0x26e: {  	s1 =	sadd.s32 $0xC800, s19;
	[tilespmem:s26+$0xFFFFFFC4] =	vst v1  }
0x26f: {  	s0 =	sshll.u32 s18, $0x2;
	v1 =	vld [tilespmem:s1+$0x4308]  }
0x270: {  	s20 =	sadd.s32 $0x40, s0  }
0x271: {  	s21 =	sand.u32 $0x10, s0;
	s6 =	sand.u32 $0x1E0, s20  }
0x272: {  	s6 =	sor.u32 s21, s6  }
0x273: {  	s6 =	sshrl.u32 s6, $0x2  }
0x274: {  	s6 =	sadd.s32 $0x0, s6;
	[tilespmem:s26+$0xFFFFFFD4] =	vst v1  }
0x275: {  	v1 =	vld [tilespmem:s6+$0x10B08]  }
0x276: {  	s0 =	sadd.s32 $0x80, s0  }
0x277: {  	s0 =	sand.u32 $0x1E0, s0  }
0x278: {  	s0 =	sor.u32 s21, s0  }
0x279: {  	s0 =	sshrl.u32 s0, $0x2  }
0x27a: {  	s0 =	sadd.s32 $0x0, s0;
	[tilespmem:s26+$0xFFFFFFE4] =	vst v1  }
0x27b: {  	v1 =	vld [tilespmem:s0+$0x10B08];
	_ =	sdelay $0x4  }
0x27c: {  	[tilespmem:s26+$0xFFFFFFF4] =	vst v1  }
0x27d: {  	v1 =	vld [tilespmem:s1+$0x4334];
	_ =	sdelay $0x4  }
0x27e: {  	s30 =	sadd.s32 $0x10, s22;
	[tilespmem:s26+$0x0] =	vst v1  }
0x27f: {  	s28 =	sor.u32 $0x1, s28;
	s29 =	simm.s32 $0x1E00;
	s31 =	simm.s32 $0x3C00;
	v1 =	vld [tilespmem:s30+$0x0]  }
.LBB2_5:
0x280: {  	p1 =	sne.s32 s31, $0xD200;
	_ =	sdelay $0x3  }
0x281: {  	v1 =	vand.u32 $0x1, v1  }
0x282: {  	vm0 =	veq.s32 v1, $0x1  }
0x283: {  	v1 =	vsel vm0, $0x3C, v0  }
0x284: {  	(v2sf) =	vpush v1, $0x0  }
0x285: {  	(v2sf) =	vpush v1, $0x1  }
0x286: {  	(v2sf) =	vpush v1, $0x2  }
0x287: {  	(v2sf) =	vpush v1, $0x3  }
0x288: {  	(v2sf) =	vpush v1, $0x4  }
0x289: {  	(v2sf) =	vpush v1, $0x5  }
0x28a: {  	(v2sf) =	vpush v1, $0x6  }
0x28b: {  	(v2sf) =	vpush v1, $0x7  }
0x28c: {  	(v2sf) =	vpush v1, $0x8  }
0x28d: {  	(v2sf) =	vpush v1, $0x9  }
0x28e: {  	(v2sf) =	vpush v1, $0xA  }
0x28f: {  	(v2sf) =	vpush v1, $0xB  }
0x290: {  	(v2sf) =	vpush v1, $0xC  }
0x291: {  	(v2sf) =	vpush v1, $0xD  }
0x292: {  	(v2sf) =	vpush v1, $0xE  }
0x293: {  	s1 =	sshra.s32 s29, $0x2;
	s29 =	smov.u32 s31;
	s0 =	spop (v2sf);
	(v2sf) =	vpush v1, $0xF  }
0x294: {  	s6 =	sadd.s32 s1, s0;
	s0 =	sshll.u32 s0, $0x2;
	s20 =	spop (v2sf)  }
0x295: {  	s2 =	sadd.s32 $0xC800, s6;
	s17 =	spop (v2sf)  }
0x296: {  	v1 =	vld [tilespmem:s2+$0x3C00];
	s15 =	spop (v2sf)  }
0x297: {  	s6 =	sadd.s32 $0x40, s0;
	s13 =	spop (v2sf)  }
0x298: {  	s10 =	sand.u32 $0x10, s0;
	s6 =	sand.u32 $0x1E0, s6;
	s21 =	spop (v2sf)  }
0x299: {  	s6 =	sor.u32 s10, s6;
	s9 =	spop (v2sf)  }
0x29a: {  	s26 =	sadd.s32 $0x3C0, s26;
	s6 =	sshrl.u32 s6, $0x2;
	s19 =	spop (v2sf)  }
0x29b: {  	s6 =	sadd.s32 s1, s6;
	[tilespmem:s26+$0xFFFFFC50] =	vst v1;
	s18 =	spop (v2sf)  }
0x29c: {  	v1 =	vld [tilespmem:s6+$0x10400];
	s8 =	spop (v2sf)  }
0x29d: {  	s0 =	sadd.s32 $0x80, s0;
	s7 =	spop (v2sf)  }
0x29e: {  	s0 =	sand.u32 $0x1E0, s0;
	s6 =	spop (v2sf)  }
0x29f: {  	s0 =	sor.u32 s10, s0;
	s10 =	spop (v2sf)  }
0x2a0: {  	s0 =	sshrl.u32 s0, $0x2;
	s12 =	spop (v2sf)  }
0x2a1: {  	s0 =	sadd.s32 s1, s0;
	[tilespmem:s26+$0xFFFFFC60] =	vst v1;
	s11 =	spop (v2sf)  }
0x2a2: {  	v1 =	vld [tilespmem:s0+$0x10400];
	s0 =	spop (v2sf);
	_ =	sdelay $0x4  }
0x2a3: {  	[tilespmem:s26+$0xFFFFFC70] =	vst v1  }
0x2a4: {  	v1 =	vld [tilespmem:s2+$0x3C2C];
	_ =	sdelay $0x3  }
0x2a5: {  	s2 =	sadd.s32 s1, s20  }
0x2a6: {  	s2 =	sadd.s32 $0xC800, s2;
	[tilespmem:s26+$0xFFFFFC7C] =	vst v1  }
0x2a7: {  	s20 =	sshll.u32 s20, $0x2;
	v1 =	vld [tilespmem:s2+$0x3C78]  }
0x2a8: {  	s3 =	sadd.s32 $0x40, s20  }
0x2a9: {  	s14 =	sand.u32 $0x10, s20;
	s3 =	sand.u32 $0x1E0, s3  }
0x2aa: {  	s3 =	sor.u32 s14, s3  }
0x2ab: {  	s3 =	sshrl.u32 s3, $0x2  }
0x2ac: {  	s3 =	sadd.s32 s1, s3;
	[tilespmem:s26+$0xFFFFFC8C] =	vst v1  }
0x2ad: {  	v1 =	vld [tilespmem:s3+$0x10478]  }
0x2ae: {  	s3 =	sadd.s32 $0x80, s20  }
0x2af: {  	s3 =	sand.u32 $0x1E0, s3  }
0x2b0: {  	s3 =	sor.u32 s14, s3  }
0x2b1: {  	s3 =	sshrl.u32 s3, $0x2  }
0x2b2: {  	s3 =	sadd.s32 s1, s3;
	[tilespmem:s26+$0xFFFFFC9C] =	vst v1  }
0x2b3: {  	v1 =	vld [tilespmem:s3+$0x10478];
	_ =	sdelay $0x4  }
0x2b4: {  	[tilespmem:s26+$0xFFFFFCAC] =	vst v1  }
0x2b5: {  	v1 =	vld [tilespmem:s2+$0x3CA4];
	_ =	sdelay $0x3  }
0x2b6: {  	s2 =	sadd.s32 s1, s17  }
0x2b7: {  	s2 =	sadd.s32 $0xC800, s2;
	[tilespmem:s26+$0xFFFFFCB8] =	vst v1  }
0x2b8: {  	s3 =	sshll.u32 s17, $0x2;
	v1 =	vld [tilespmem:s2+$0x3CF0]  }
0x2b9: {  	s14 =	sadd.s32 $0x40, s3  }
0x2ba: {  	s14 =	sand.u32 $0x1E0, s14;
	s17 =	sand.u32 $0x10, s3  }
0x2bb: {  	s14 =	sor.u32 s17, s14  }
0x2bc: {  	s14 =	sshrl.u32 s14, $0x2  }
0x2bd: {  	s14 =	sadd.s32 s1, s14;
	[tilespmem:s26+$0xFFFFFCC8] =	vst v1  }
0x2be: {  	v1 =	vld [tilespmem:s14+$0x104F0]  }
0x2bf: {  	s3 =	sadd.s32 $0x80, s3  }
0x2c0: {  	s3 =	sand.u32 $0x1E0, s3  }
0x2c1: {  	s3 =	sor.u32 s17, s3  }
0x2c2: {  	s3 =	sshrl.u32 s3, $0x2  }
0x2c3: {  	s3 =	sadd.s32 s1, s3;
	[tilespmem:s26+$0xFFFFFCD8] =	vst v1  }
0x2c4: {  	v1 =	vld [tilespmem:s3+$0x104F0];
	_ =	sdelay $0x4  }
0x2c5: {  	[tilespmem:s26+$0xFFFFFCE8] =	vst v1  }
0x2c6: {  	v1 =	vld [tilespmem:s2+$0x3D1C];
	_ =	sdelay $0x3  }
0x2c7: {  	s2 =	sadd.s32 s1, s15  }
0x2c8: {  	s2 =	sadd.s32 $0xC800, s2;
	[tilespmem:s26+$0xFFFFFCF4] =	vst v1  }
0x2c9: {  	s3 =	sshll.u32 s15, $0x2;
	v1 =	vld [tilespmem:s2+$0x3D68]  }
0x2ca: {  	s14 =	sadd.s32 $0x40, s3  }
0x2cb: {  	s14 =	sand.u32 $0x1E0, s14;
	s15 =	sand.u32 $0x10, s3  }
0x2cc: {  	s14 =	sor.u32 s15, s14  }
0x2cd: {  	s14 =	sshrl.u32 s14, $0x2  }
0x2ce: {  	s14 =	sadd.s32 s1, s14;
	[tilespmem:s26+$0xFFFFFD04] =	vst v1  }
0x2cf: {  	v1 =	vld [tilespmem:s14+$0x10568]  }
0x2d0: {  	s3 =	sadd.s32 $0x80, s3  }
0x2d1: {  	s3 =	sand.u32 $0x1E0, s3  }
0x2d2: {  	s3 =	sor.u32 s15, s3  }
0x2d3: {  	s3 =	sshrl.u32 s3, $0x2  }
0x2d4: {  	s3 =	sadd.s32 s1, s3;
	[tilespmem:s26+$0xFFFFFD14] =	vst v1  }
0x2d5: {  	v1 =	vld [tilespmem:s3+$0x10568];
	_ =	sdelay $0x4  }
0x2d6: {  	[tilespmem:s26+$0xFFFFFD24] =	vst v1  }
0x2d7: {  	v1 =	vld [tilespmem:s2+$0x3D94];
	_ =	sdelay $0x3  }
0x2d8: {  	s2 =	sadd.s32 s1, s13  }
0x2d9: {  	s2 =	sadd.s32 $0xC800, s2;
	[tilespmem:s26+$0xFFFFFD30] =	vst v1  }
0x2da: {  	s3 =	sshll.u32 s13, $0x2;
	v1 =	vld [tilespmem:s2+$0x3DE0]  }
0x2db: {  	s13 =	sadd.s32 $0x40, s3  }
0x2dc: {  	s14 =	sand.u32 $0x10, s3;
	s13 =	sand.u32 $0x1E0, s13  }
0x2dd: {  	s13 =	sor.u32 s14, s13  }
0x2de: {  	s13 =	sshrl.u32 s13, $0x2  }
0x2df: {  	s13 =	sadd.s32 s1, s13;
	[tilespmem:s26+$0xFFFFFD40] =	vst v1  }
0x2e0: {  	v1 =	vld [tilespmem:s13+$0x105E0]  }
0x2e1: {  	s3 =	sadd.s32 $0x80, s3  }
0x2e2: {  	s3 =	sand.u32 $0x1E0, s3  }
0x2e3: {  	s3 =	sor.u32 s14, s3  }
0x2e4: {  	s3 =	sshrl.u32 s3, $0x2  }
0x2e5: {  	s3 =	sadd.s32 s1, s3;
	[tilespmem:s26+$0xFFFFFD50] =	vst v1  }
0x2e6: {  	v1 =	vld [tilespmem:s3+$0x105E0];
	_ =	sdelay $0x4  }
0x2e7: {  	[tilespmem:s26+$0xFFFFFD60] =	vst v1  }
0x2e8: {  	v1 =	vld [tilespmem:s2+$0x3E0C];
	_ =	sdelay $0x3  }
0x2e9: {  	s2 =	sadd.s32 s1, s21  }
0x2ea: {  	s2 =	sadd.s32 $0xC800, s2;
	[tilespmem:s26+$0xFFFFFD6C] =	vst v1  }
0x2eb: {  	s3 =	sshll.u32 s21, $0x2;
	v1 =	vld [tilespmem:s2+$0x3E58]  }
0x2ec: {  	s13 =	sadd.s32 $0x40, s3  }
0x2ed: {  	s14 =	sand.u32 $0x10, s3;
	s13 =	sand.u32 $0x1E0, s13  }
0x2ee: {  	s13 =	sor.u32 s14, s13  }
0x2ef: {  	s13 =	sshrl.u32 s13, $0x2  }
0x2f0: {  	s13 =	sadd.s32 s1, s13;
	[tilespmem:s26+$0xFFFFFD7C] =	vst v1  }
0x2f1: {  	v1 =	vld [tilespmem:s13+$0x10658]  }
0x2f2: {  	s3 =	sadd.s32 $0x80, s3  }
0x2f3: {  	s3 =	sand.u32 $0x1E0, s3  }
0x2f4: {  	s3 =	sor.u32 s14, s3  }
0x2f5: {  	s3 =	sshrl.u32 s3, $0x2  }
0x2f6: {  	s3 =	sadd.s32 s1, s3;
	[tilespmem:s26+$0xFFFFFD8C] =	vst v1  }
0x2f7: {  	v1 =	vld [tilespmem:s3+$0x10658];
	_ =	sdelay $0x4  }
0x2f8: {  	[tilespmem:s26+$0xFFFFFD9C] =	vst v1  }
0x2f9: {  	v1 =	vld [tilespmem:s2+$0x3E84];
	_ =	sdelay $0x3  }
0x2fa: {  	s2 =	sadd.s32 s1, s9  }
0x2fb: {  	s2 =	sadd.s32 $0xC800, s2;
	[tilespmem:s26+$0xFFFFFDA8] =	vst v1  }
0x2fc: {  	s3 =	sshll.u32 s9, $0x2;
	v1 =	vld [tilespmem:s2+$0x3ED0]  }
0x2fd: {  	s9 =	sadd.s32 $0x40, s3  }
0x2fe: {  	s13 =	sand.u32 $0x10, s3;
	s9 =	sand.u32 $0x1E0, s9  }
0x2ff: {  	s9 =	sor.u32 s13, s9  }
0x300: {  	s9 =	sshrl.u32 s9, $0x2  }
0x301: {  	s9 =	sadd.s32 s1, s9;
	[tilespmem:s26+$0xFFFFFDB8] =	vst v1  }
0x302: {  	v1 =	vld [tilespmem:s9+$0x106D0]  }
0x303: {  	s3 =	sadd.s32 $0x80, s3  }
0x304: {  	s3 =	sand.u32 $0x1E0, s3  }
0x305: {  	s3 =	sor.u32 s13, s3  }
0x306: {  	s3 =	sshrl.u32 s3, $0x2  }
0x307: {  	s3 =	sadd.s32 s1, s3;
	[tilespmem:s26+$0xFFFFFDC8] =	vst v1  }
0x308: {  	v1 =	vld [tilespmem:s3+$0x106D0];
	_ =	sdelay $0x4  }
0x309: {  	[tilespmem:s26+$0xFFFFFDD8] =	vst v1  }
0x30a: {  	v1 =	vld [tilespmem:s2+$0x3EFC];
	_ =	sdelay $0x3  }
0x30b: {  	s2 =	sadd.s32 s1, s19  }
0x30c: {  	s2 =	sadd.s32 $0xC800, s2;
	[tilespmem:s26+$0xFFFFFDE4] =	vst v1  }
0x30d: {  	s3 =	sshll.u32 s19, $0x2;
	v1 =	vld [tilespmem:s2+$0x3F48]  }
0x30e: {  	s9 =	sadd.s32 $0x40, s3  }
0x30f: {  	s13 =	sand.u32 $0x10, s3;
	s9 =	sand.u32 $0x1E0, s9  }
0x310: {  	s9 =	sor.u32 s13, s9  }
0x311: {  	s9 =	sshrl.u32 s9, $0x2  }
0x312: {  	s9 =	sadd.s32 s1, s9;
	[tilespmem:s26+$0xFFFFFDF4] =	vst v1  }
0x313: {  	v1 =	vld [tilespmem:s9+$0x10748]  }
0x314: {  	s3 =	sadd.s32 $0x80, s3  }
0x315: {  	s3 =	sand.u32 $0x1E0, s3  }
0x316: {  	s3 =	sor.u32 s13, s3  }
0x317: {  	s3 =	sshrl.u32 s3, $0x2  }
0x318: {  	s3 =	sadd.s32 s1, s3;
	[tilespmem:s26+$0xFFFFFE04] =	vst v1  }
0x319: {  	v1 =	vld [tilespmem:s3+$0x10748];
	_ =	sdelay $0x4  }
0x31a: {  	[tilespmem:s26+$0xFFFFFE14] =	vst v1  }
0x31b: {  	v1 =	vld [tilespmem:s2+$0x3F74];
	_ =	sdelay $0x3  }
0x31c: {  	s2 =	sadd.s32 s1, s18  }
0x31d: {  	s2 =	sadd.s32 $0xC800, s2;
	[tilespmem:s26+$0xFFFFFE20] =	vst v1  }
0x31e: {  	s3 =	sshll.u32 s18, $0x2;
	v1 =	vld [tilespmem:s2+$0x3FC0]  }
0x31f: {  	s9 =	sadd.s32 $0x40, s3  }
0x320: {  	s13 =	sand.u32 $0x10, s3;
	s9 =	sand.u32 $0x1E0, s9  }
0x321: {  	s9 =	sor.u32 s13, s9  }
0x322: {  	s9 =	sshrl.u32 s9, $0x2  }
0x323: {  	s9 =	sadd.s32 s1, s9;
	[tilespmem:s26+$0xFFFFFE30] =	vst v1  }
0x324: {  	v1 =	vld [tilespmem:s9+$0x107C0]  }
0x325: {  	s3 =	sadd.s32 $0x80, s3  }
0x326: {  	s3 =	sand.u32 $0x1E0, s3  }
0x327: {  	s3 =	sor.u32 s13, s3  }
0x328: {  	s3 =	sshrl.u32 s3, $0x2  }
0x329: {  	s3 =	sadd.s32 s1, s3;
	[tilespmem:s26+$0xFFFFFE40] =	vst v1  }
0x32a: {  	v1 =	vld [tilespmem:s3+$0x107C0];
	_ =	sdelay $0x4  }
0x32b: {  	[tilespmem:s26+$0xFFFFFE50] =	vst v1  }
0x32c: {  	v1 =	vld [tilespmem:s2+$0x3FEC];
	_ =	sdelay $0x3  }
0x32d: {  	s2 =	sadd.s32 s1, s8  }
0x32e: {  	s2 =	sadd.s32 $0xC800, s2;
	[tilespmem:s26+$0xFFFFFE5C] =	vst v1  }
0x32f: {  	s3 =	sshll.u32 s8, $0x2;
	v1 =	vld [tilespmem:s2+$0x4038]  }
0x330: {  	s8 =	sadd.s32 $0x40, s3  }
0x331: {  	s9 =	sand.u32 $0x10, s3;
	s8 =	sand.u32 $0x1E0, s8  }
0x332: {  	s8 =	sor.u32 s9, s8  }
0x333: {  	s8 =	sshrl.u32 s8, $0x2  }
0x334: {  	s8 =	sadd.s32 s1, s8;
	[tilespmem:s26+$0xFFFFFE6C] =	vst v1  }
0x335: {  	v1 =	vld [tilespmem:s8+$0x10838]  }
0x336: {  	s3 =	sadd.s32 $0x80, s3  }
0x337: {  	s3 =	sand.u32 $0x1E0, s3  }
0x338: {  	s3 =	sor.u32 s9, s3  }
0x339: {  	s3 =	sshrl.u32 s3, $0x2  }
0x33a: {  	s3 =	sadd.s32 s1, s3;
	[tilespmem:s26+$0xFFFFFE7C] =	vst v1  }
0x33b: {  	v1 =	vld [tilespmem:s3+$0x10838];
	_ =	sdelay $0x4  }
0x33c: {  	[tilespmem:s26+$0xFFFFFE8C] =	vst v1  }
0x33d: {  	v1 =	vld [tilespmem:s2+$0x4064];
	_ =	sdelay $0x3  }
0x33e: {  	s2 =	sadd.s32 s1, s7  }
0x33f: {  	s2 =	sadd.s32 $0xC800, s2;
	[tilespmem:s26+$0xFFFFFE98] =	vst v1  }
0x340: {  	s3 =	sshll.u32 s7, $0x2;
	v1 =	vld [tilespmem:s2+$0x40B0]  }
0x341: {  	s7 =	sadd.s32 $0x40, s3  }
0x342: {  	s8 =	sand.u32 $0x10, s3;
	s7 =	sand.u32 $0x1E0, s7  }
0x343: {  	s7 =	sor.u32 s8, s7  }
0x344: {  	s7 =	sshrl.u32 s7, $0x2  }
0x345: {  	s7 =	sadd.s32 s1, s7;
	[tilespmem:s26+$0xFFFFFEA8] =	vst v1  }
0x346: {  	v1 =	vld [tilespmem:s7+$0x108B0]  }
0x347: {  	s3 =	sadd.s32 $0x80, s3  }
0x348: {  	s3 =	sand.u32 $0x1E0, s3  }
0x349: {  	s3 =	sor.u32 s8, s3  }
0x34a: {  	s3 =	sshrl.u32 s3, $0x2  }
0x34b: {  	s3 =	sadd.s32 s1, s3;
	[tilespmem:s26+$0xFFFFFEB8] =	vst v1  }
0x34c: {  	v1 =	vld [tilespmem:s3+$0x108B0];
	_ =	sdelay $0x4  }
0x34d: {  	[tilespmem:s26+$0xFFFFFEC8] =	vst v1  }
0x34e: {  	v1 =	vld [tilespmem:s2+$0x40DC];
	_ =	sdelay $0x3  }
0x34f: {  	s2 =	sadd.s32 s1, s6  }
0x350: {  	s2 =	sadd.s32 $0xC800, s2;
	[tilespmem:s26+$0xFFFFFED4] =	vst v1  }
0x351: {  	s3 =	sshll.u32 s6, $0x2;
	v1 =	vld [tilespmem:s2+$0x4128]  }
0x352: {  	s6 =	sadd.s32 $0x40, s3  }
0x353: {  	s7 =	sand.u32 $0x10, s3;
	s6 =	sand.u32 $0x1E0, s6  }
0x354: {  	s6 =	sor.u32 s7, s6  }
0x355: {  	s6 =	sshrl.u32 s6, $0x2  }
0x356: {  	s6 =	sadd.s32 s1, s6;
	[tilespmem:s26+$0xFFFFFEE4] =	vst v1  }
0x357: {  	v1 =	vld [tilespmem:s6+$0x10928]  }
0x358: {  	s3 =	sadd.s32 $0x80, s3  }
0x359: {  	s3 =	sand.u32 $0x1E0, s3  }
0x35a: {  	s3 =	sor.u32 s7, s3  }
0x35b: {  	s3 =	sshrl.u32 s3, $0x2  }
0x35c: {  	s3 =	sadd.s32 s1, s3;
	[tilespmem:s26+$0xFFFFFEF4] =	vst v1  }
0x35d: {  	v1 =	vld [tilespmem:s3+$0x10928];
	_ =	sdelay $0x4  }
0x35e: {  	[tilespmem:s26+$0xFFFFFF04] =	vst v1  }
0x35f: {  	v1 =	vld [tilespmem:s2+$0x4154];
	_ =	sdelay $0x3  }
0x360: {  	s2 =	sadd.s32 s1, s10  }
0x361: {  	s2 =	sadd.s32 $0xC800, s2;
	[tilespmem:s26+$0xFFFFFF10] =	vst v1  }
0x362: {  	s3 =	sshll.u32 s10, $0x2;
	v1 =	vld [tilespmem:s2+$0x41A0]  }
0x363: {  	s6 =	sadd.s32 $0x40, s3  }
0x364: {  	s7 =	sand.u32 $0x10, s3;
	s6 =	sand.u32 $0x1E0, s6  }
0x365: {  	s6 =	sor.u32 s7, s6  }
0x366: {  	s6 =	sshrl.u32 s6, $0x2  }
0x367: {  	s6 =	sadd.s32 s1, s6;
	[tilespmem:s26+$0xFFFFFF20] =	vst v1  }
0x368: {  	v1 =	vld [tilespmem:s6+$0x109A0]  }
0x369: {  	s3 =	sadd.s32 $0x80, s3  }
0x36a: {  	s3 =	sand.u32 $0x1E0, s3  }
0x36b: {  	s3 =	sor.u32 s7, s3  }
0x36c: {  	s3 =	sshrl.u32 s3, $0x2  }
0x36d: {  	s3 =	sadd.s32 s1, s3;
	[tilespmem:s26+$0xFFFFFF30] =	vst v1  }
0x36e: {  	v1 =	vld [tilespmem:s3+$0x109A0];
	_ =	sdelay $0x4  }
0x36f: {  	[tilespmem:s26+$0xFFFFFF40] =	vst v1  }
0x370: {  	v1 =	vld [tilespmem:s2+$0x41CC];
	_ =	sdelay $0x3  }
0x371: {  	s2 =	sadd.s32 s1, s12  }
0x372: {  	s2 =	sadd.s32 $0xC800, s2;
	[tilespmem:s26+$0xFFFFFF4C] =	vst v1  }
0x373: {  	s3 =	sshll.u32 s12, $0x2;
	v1 =	vld [tilespmem:s2+$0x4218]  }
0x374: {  	s6 =	sadd.s32 $0x40, s3  }
0x375: {  	s7 =	sand.u32 $0x10, s3;
	s6 =	sand.u32 $0x1E0, s6  }
0x376: {  	s6 =	sor.u32 s7, s6  }
0x377: {  	s6 =	sshrl.u32 s6, $0x2  }
0x378: {  	s6 =	sadd.s32 s1, s6;
	[tilespmem:s26+$0xFFFFFF5C] =	vst v1  }
0x379: {  	v1 =	vld [tilespmem:s6+$0x10A18]  }
0x37a: {  	s3 =	sadd.s32 $0x80, s3  }
0x37b: {  	s3 =	sand.u32 $0x1E0, s3  }
0x37c: {  	s3 =	sor.u32 s7, s3  }
0x37d: {  	s3 =	sshrl.u32 s3, $0x2  }
0x37e: {  	s3 =	sadd.s32 s1, s3;
	[tilespmem:s26+$0xFFFFFF6C] =	vst v1  }
0x37f: {  	v1 =	vld [tilespmem:s3+$0x10A18];
	_ =	sdelay $0x4  }
0x380: {  	[tilespmem:s26+$0xFFFFFF7C] =	vst v1  }
0x381: {  	v1 =	vld [tilespmem:s2+$0x4244];
	_ =	sdelay $0x3  }
0x382: {  	s2 =	sadd.s32 s1, s11  }
0x383: {  	s2 =	sadd.s32 $0xC800, s2;
	[tilespmem:s26+$0xFFFFFF88] =	vst v1  }
0x384: {  	s3 =	sshll.u32 s11, $0x2;
	v1 =	vld [tilespmem:s2+$0x4290]  }
0x385: {  	s6 =	sadd.s32 $0x40, s3  }
0x386: {  	s7 =	sand.u32 $0x10, s3;
	s6 =	sand.u32 $0x1E0, s6  }
0x387: {  	s6 =	sor.u32 s7, s6  }
0x388: {  	s6 =	sshrl.u32 s6, $0x2  }
0x389: {  	s6 =	sadd.s32 s1, s6;
	[tilespmem:s26+$0xFFFFFF98] =	vst v1  }
0x38a: {  	v1 =	vld [tilespmem:s6+$0x10A90]  }
0x38b: {  	s3 =	sadd.s32 $0x80, s3  }
0x38c: {  	s3 =	sand.u32 $0x1E0, s3  }
0x38d: {  	s3 =	sor.u32 s7, s3  }
0x38e: {  	s3 =	sshrl.u32 s3, $0x2  }
0x38f: {  	s3 =	sadd.s32 s1, s3;
	[tilespmem:s26+$0xFFFFFFA8] =	vst v1  }
0x390: {  	v1 =	vld [tilespmem:s3+$0x10A90];
	_ =	sdelay $0x4  }
0x391: {  	[tilespmem:s26+$0xFFFFFFB8] =	vst v1  }
0x392: {  	v1 =	vld [tilespmem:s2+$0x42BC];
	_ =	sdelay $0x3  }
0x393: {  	s2 =	sadd.s32 s1, s0  }
0x394: {  	s2 =	sadd.s32 $0xC800, s2;
	[tilespmem:s26+$0xFFFFFFC4] =	vst v1  }
0x395: {  	s0 =	sshll.u32 s0, $0x2;
	v1 =	vld [tilespmem:s2+$0x4308]  }
0x396: {  	s3 =	sadd.s32 $0x40, s0  }
0x397: {  	s6 =	sand.u32 $0x10, s0;
	s3 =	sand.u32 $0x1E0, s3  }
0x398: {  	s3 =	sor.u32 s6, s3  }
0x399: {  	s3 =	sshrl.u32 s3, $0x2  }
0x39a: {  	s3 =	sadd.s32 s1, s3;
	[tilespmem:s26+$0xFFFFFFD4] =	vst v1  }
0x39b: {  	v1 =	vld [tilespmem:s3+$0x10B08]  }
0x39c: {  	s0 =	sadd.s32 $0x80, s0  }
0x39d: {  	s0 =	sand.u32 $0x1E0, s0  }
0x39e: {  	s0 =	sor.u32 s6, s0  }
0x39f: {  	s0 =	sshrl.u32 s0, $0x2  }
0x3a0: {  	s0 =	sadd.s32 s1, s0;
	[tilespmem:s26+$0xFFFFFFE4] =	vst v1  }
0x3a1: {  	v1 =	vld [tilespmem:s0+$0x10B08];
	_ =	sdelay $0x4  }
0x3a2: {  	[tilespmem:s26+$0xFFFFFFF4] =	vst v1  }
0x3a3: {  	v1 =	vld [tilespmem:s2+$0x4334];
	_ =	sdelay $0x1  }
.Ltmp3:
0x3a4: {  	(pc) =	sbr.rel @p1 .LBB2_5-.Ltmp3, $3  }
0x3a5: {  	_ =	sdelay $0x1  }
0x3a6: {  	s30 =	sadd.s32 $0x10, s30;
	[tilespmem:s26+$0x0] =	vst v1  }
0x3a7: {  	s31 =	sadd.s32 $0x1E00, s31;
	v1 =	vld [tilespmem:s30+$0x0]  }
0x3a8: {  	_ =	sdelay $0x3  }
0x3a9: {  	v1 =	vand.u32 $0x1, v1  }
0x3aa: {  	vm0 =	veq.s32 v1, $0x1  }
0x3ab: {  	v1 =	vsel vm0, $0x3C, v0  }
0x3ac: {  	(v2sf) =	vpush v1, $0x0;
	_ =	sdelay $0xe  }
0x3ad: {  	s0 =	sshra.s32 s29, $0x2;
	s1 =	spop (v2sf)  }
0x3ae: {  	s2 =	sadd.s32 s0, s1  }
0x3af: {  	s2 =	sadd.s32 $0xC800, s2  }
0x3b0: {  	s3 =	sshll.u32 s1, $0x2;
	v2 =	vld [tilespmem:s2+$0x3C00]  }
0x3b1: {  	s1 =	sadd.s32 $0x40, s3  }
0x3b2: {  	s6 =	sand.u32 $0x10, s3;
	s1 =	sand.u32 $0x1E0, s1  }
0x3b3: {  	s1 =	sor.u32 s6, s1  }
0x3b4: {  	s7 =	sshrl.u32 s1, $0x2;
	s1 =	sadd.s32 $0x3C0, s26  }
0x3b5: {  	s7 =	sadd.s32 s0, s7;
	[tilespmem:s1+$0xFFFFFC50] =	vst v2  }
0x3b6: {  	(v2sf) =	vpush v1, $0x1;
	v2 =	vld [tilespmem:s7+$0x10400]  }
0x3b7: {  	s3 =	sadd.s32 $0x80, s3  }
0x3b8: {  	s3 =	sand.u32 $0x1E0, s3  }
0x3b9: {  	s3 =	sor.u32 s6, s3  }
0x3ba: {  	s3 =	sshrl.u32 s3, $0x2  }
0x3bb: {  	s3 =	sadd.s32 s0, s3;
	[tilespmem:s1+$0xFFFFFC60] =	vst v2  }
0x3bc: {  	v2 =	vld [tilespmem:s3+$0x10400];
	_ =	sdelay $0x4  }
0x3bd: {  	[tilespmem:s1+$0xFFFFFC70] =	vst v2  }
0x3be: {  	v2 =	vld [tilespmem:s2+$0x3C2C];
	_ =	sdelay $0x2  }
0x3bf: {  	s18 =	spop (v2sf)  }
0x3c0: {  	s19 =	sadd.s32 s0, s18  }
0x3c1: {  	s3 =	sadd.s32 $0xC800, s19;
	[tilespmem:s1+$0xFFFFFC7C] =	vst v2  }
0x3c2: {  	s2 =	sshll.u32 s18, $0x2;
	v2 =	vld [tilespmem:s3+$0x3C78]  }
0x3c3: {  	s20 =	sadd.s32 $0x40, s2  }
0x3c4: {  	s21 =	sand.u32 $0x10, s2;
	s6 =	sand.u32 $0x1E0, s20  }
0x3c5: {  	s6 =	sor.u32 s21, s6  }
0x3c6: {  	s6 =	sshrl.u32 s6, $0x2  }
0x3c7: {  	s6 =	sadd.s32 s0, s6;
	[tilespmem:s1+$0xFFFFFC8C] =	vst v2  }
0x3c8: {  	(v2sf) =	vpush v1, $0x2;
	v2 =	vld [tilespmem:s6+$0x10478]  }
0x3c9: {  	s2 =	sadd.s32 $0x80, s2  }
0x3ca: {  	s2 =	sand.u32 $0x1E0, s2  }
0x3cb: {  	s2 =	sor.u32 s21, s2  }
0x3cc: {  	s2 =	sshrl.u32 s2, $0x2  }
0x3cd: {  	s2 =	sadd.s32 s0, s2;
	[tilespmem:s1+$0xFFFFFC9C] =	vst v2  }
0x3ce: {  	v2 =	vld [tilespmem:s2+$0x10478];
	_ =	sdelay $0x4  }
0x3cf: {  	[tilespmem:s1+$0xFFFFFCAC] =	vst v2  }
0x3d0: {  	v2 =	vld [tilespmem:s3+$0x3CA4];
	_ =	sdelay $0x2  }
0x3d1: {  	s26 =	spop (v2sf)  }
0x3d2: {  	s29 =	sadd.s32 s0, s26  }
0x3d3: {  	s3 =	sadd.s32 $0xC800, s29;
	[tilespmem:s1+$0xFFFFFCB8] =	vst v2  }
0x3d4: {  	s2 =	sshll.u32 s26, $0x2;
	v2 =	vld [tilespmem:s3+$0x3CF0]  }
0x3d5: {  	s30 =	sadd.s32 $0x40, s2  }
0x3d6: {  	s31 =	sand.u32 $0x10, s2;
	s6 =	sand.u32 $0x1E0, s30  }
0x3d7: {  	s6 =	sor.u32 s31, s6  }
0x3d8: {  	s6 =	sshrl.u32 s6, $0x2  }
0x3d9: {  	s6 =	sadd.s32 s0, s6;
	[tilespmem:s1+$0xFFFFFCC8] =	vst v2  }
0x3da: {  	(v2sf) =	vpush v1, $0x3;
	v2 =	vld [tilespmem:s6+$0x104F0]  }
0x3db: {  	s2 =	sadd.s32 $0x80, s2  }
0x3dc: {  	s2 =	sand.u32 $0x1E0, s2  }
0x3dd: {  	s2 =	sor.u32 s31, s2  }
0x3de: {  	s2 =	sshrl.u32 s2, $0x2  }
0x3df: {  	s2 =	sadd.s32 s0, s2;
	[tilespmem:s1+$0xFFFFFCD8] =	vst v2  }
0x3e0: {  	v2 =	vld [tilespmem:s2+$0x104F0];
	_ =	sdelay $0x4  }
0x3e1: {  	[tilespmem:s1+$0xFFFFFCE8] =	vst v2  }
0x3e2: {  	v2 =	vld [tilespmem:s3+$0x3D1C];
	_ =	sdelay $0x2  }
0x3e3: {  	s8 =	spop (v2sf)  }
0x3e4: {  	s9 =	sadd.s32 s0, s8  }
0x3e5: {  	s3 =	sadd.s32 $0xC800, s9;
	[tilespmem:s1+$0xFFFFFCF4] =	vst v2  }
0x3e6: {  	s2 =	sshll.u32 s8, $0x2;
	v2 =	vld [tilespmem:s3+$0x3D68]  }
0x3e7: {  	s10 =	sadd.s32 $0x40, s2  }
0x3e8: {  	s11 =	sand.u32 $0x10, s2;
	s6 =	sand.u32 $0x1E0, s10  }
0x3e9: {  	s6 =	sor.u32 s11, s6  }
0x3ea: {  	s6 =	sshrl.u32 s6, $0x2  }
0x3eb: {  	s6 =	sadd.s32 s0, s6;
	[tilespmem:s1+$0xFFFFFD04] =	vst v2  }
0x3ec: {  	(v2sf) =	vpush v1, $0x4;
	v2 =	vld [tilespmem:s6+$0x10568]  }
0x3ed: {  	s2 =	sadd.s32 $0x80, s2  }
0x3ee: {  	s2 =	sand.u32 $0x1E0, s2  }
0x3ef: {  	s2 =	sor.u32 s11, s2  }
0x3f0: {  	s2 =	sshrl.u32 s2, $0x2  }
0x3f1: {  	s2 =	sadd.s32 s0, s2;
	[tilespmem:s1+$0xFFFFFD14] =	vst v2  }
0x3f2: {  	v2 =	vld [tilespmem:s2+$0x10568];
	_ =	sdelay $0x4  }
0x3f3: {  	[tilespmem:s1+$0xFFFFFD24] =	vst v2  }
0x3f4: {  	v2 =	vld [tilespmem:s3+$0x3D94];
	_ =	sdelay $0x2  }
0x3f5: {  	s12 =	spop (v2sf)  }
0x3f6: {  	s13 =	sadd.s32 s0, s12  }
0x3f7: {  	s3 =	sadd.s32 $0xC800, s13;
	[tilespmem:s1+$0xFFFFFD30] =	vst v2  }
0x3f8: {  	s2 =	sshll.u32 s12, $0x2;
	v2 =	vld [tilespmem:s3+$0x3DE0]  }
0x3f9: {  	s14 =	sadd.s32 $0x40, s2  }
0x3fa: {  	s15 =	sand.u32 $0x10, s2;
	s6 =	sand.u32 $0x1E0, s14  }
0x3fb: {  	s6 =	sor.u32 s15, s6  }
0x3fc: {  	s6 =	sshrl.u32 s6, $0x2  }
0x3fd: {  	s6 =	sadd.s32 s0, s6;
	[tilespmem:s1+$0xFFFFFD40] =	vst v2  }
0x3fe: {  	(v2sf) =	vpush v1, $0x5;
	v2 =	vld [tilespmem:s6+$0x105E0]  }
0x3ff: {  	s2 =	sadd.s32 $0x80, s2  }
0x400: {  	s2 =	sand.u32 $0x1E0, s2  }
0x401: {  	s2 =	sor.u32 s15, s2  }
0x402: {  	s2 =	sshrl.u32 s2, $0x2  }
0x403: {  	s2 =	sadd.s32 s0, s2;
	[tilespmem:s1+$0xFFFFFD50] =	vst v2  }
0x404: {  	v2 =	vld [tilespmem:s2+$0x105E0];
	_ =	sdelay $0x4  }
0x405: {  	[tilespmem:s1+$0xFFFFFD60] =	vst v2  }
0x406: {  	v2 =	vld [tilespmem:s3+$0x3E0C];
	_ =	sdelay $0x2  }
0x407: {  	s17 =	spop (v2sf)  }
0x408: {  	s18 =	sadd.s32 s0, s17  }
0x409: {  	s3 =	sadd.s32 $0xC800, s18;
	[tilespmem:s1+$0xFFFFFD6C] =	vst v2  }
0x40a: {  	s2 =	sshll.u32 s17, $0x2;
	v2 =	vld [tilespmem:s3+$0x3E58]  }
0x40b: {  	s19 =	sadd.s32 $0x40, s2  }
0x40c: {  	s20 =	sand.u32 $0x10, s2;
	s6 =	sand.u32 $0x1E0, s19  }
0x40d: {  	s6 =	sor.u32 s20, s6  }
0x40e: {  	s6 =	sshrl.u32 s6, $0x2  }
0x40f: {  	s6 =	sadd.s32 s0, s6;
	[tilespmem:s1+$0xFFFFFD7C] =	vst v2  }
0x410: {  	(v2sf) =	vpush v1, $0x6;
	v2 =	vld [tilespmem:s6+$0x10658]  }
0x411: {  	s2 =	sadd.s32 $0x80, s2  }
0x412: {  	s2 =	sand.u32 $0x1E0, s2  }
0x413: {  	s2 =	sor.u32 s20, s2  }
0x414: {  	s2 =	sshrl.u32 s2, $0x2  }
0x415: {  	s2 =	sadd.s32 s0, s2;
	[tilespmem:s1+$0xFFFFFD8C] =	vst v2  }
0x416: {  	v2 =	vld [tilespmem:s2+$0x10658];
	_ =	sdelay $0x4  }
0x417: {  	[tilespmem:s1+$0xFFFFFD9C] =	vst v2  }
0x418: {  	v2 =	vld [tilespmem:s3+$0x3E84];
	_ =	sdelay $0x2  }
0x419: {  	s21 =	spop (v2sf)  }
0x41a: {  	s26 =	sadd.s32 s0, s21  }
0x41b: {  	s3 =	sadd.s32 $0xC800, s26;
	[tilespmem:s1+$0xFFFFFDA8] =	vst v2  }
0x41c: {  	s2 =	sshll.u32 s21, $0x2;
	v2 =	vld [tilespmem:s3+$0x3ED0]  }
0x41d: {  	s29 =	sadd.s32 $0x40, s2  }
0x41e: {  	s30 =	sand.u32 $0x10, s2;
	s6 =	sand.u32 $0x1E0, s29  }
0x41f: {  	s6 =	sor.u32 s30, s6  }
0x420: {  	s6 =	sshrl.u32 s6, $0x2  }
0x421: {  	s6 =	sadd.s32 s0, s6;
	[tilespmem:s1+$0xFFFFFDB8] =	vst v2  }
0x422: {  	(v2sf) =	vpush v1, $0x7;
	v2 =	vld [tilespmem:s6+$0x106D0]  }
0x423: {  	s2 =	sadd.s32 $0x80, s2  }
0x424: {  	s2 =	sand.u32 $0x1E0, s2  }
0x425: {  	s2 =	sor.u32 s30, s2  }
0x426: {  	s2 =	sshrl.u32 s2, $0x2  }
0x427: {  	s2 =	sadd.s32 s0, s2;
	[tilespmem:s1+$0xFFFFFDC8] =	vst v2  }
0x428: {  	v2 =	vld [tilespmem:s2+$0x106D0];
	_ =	sdelay $0x4  }
0x429: {  	[tilespmem:s1+$0xFFFFFDD8] =	vst v2  }
0x42a: {  	v2 =	vld [tilespmem:s3+$0x3EFC];
	_ =	sdelay $0x2  }
0x42b: {  	s31 =	spop (v2sf)  }
0x42c: {  	s6 =	sadd.s32 s0, s31  }
0x42d: {  	s3 =	sadd.s32 $0xC800, s6;
	[tilespmem:s1+$0xFFFFFDE4] =	vst v2  }
0x42e: {  	s2 =	sshll.u32 s31, $0x2;
	v2 =	vld [tilespmem:s3+$0x3F48]  }
0x42f: {  	s7 =	sadd.s32 $0x40, s2  }
0x430: {  	s8 =	sand.u32 $0x10, s2;
	s6 =	sand.u32 $0x1E0, s7  }
0x431: {  	s6 =	sor.u32 s8, s6  }
0x432: {  	s6 =	sshrl.u32 s6, $0x2  }
0x433: {  	s6 =	sadd.s32 s0, s6;
	[tilespmem:s1+$0xFFFFFDF4] =	vst v2  }
0x434: {  	(v2sf) =	vpush v1, $0x8;
	v2 =	vld [tilespmem:s6+$0x10748]  }
0x435: {  	s2 =	sadd.s32 $0x80, s2  }
0x436: {  	s2 =	sand.u32 $0x1E0, s2  }
0x437: {  	s2 =	sor.u32 s8, s2  }
0x438: {  	s2 =	sshrl.u32 s2, $0x2  }
0x439: {  	s2 =	sadd.s32 s0, s2;
	[tilespmem:s1+$0xFFFFFE04] =	vst v2  }
0x43a: {  	v2 =	vld [tilespmem:s2+$0x10748];
	_ =	sdelay $0x4  }
0x43b: {  	[tilespmem:s1+$0xFFFFFE14] =	vst v2  }
0x43c: {  	v2 =	vld [tilespmem:s3+$0x3F74];
	_ =	sdelay $0x2  }
0x43d: {  	s9 =	spop (v2sf)  }
0x43e: {  	s10 =	sadd.s32 s0, s9  }
0x43f: {  	s3 =	sadd.s32 $0xC800, s10;
	[tilespmem:s1+$0xFFFFFE20] =	vst v2  }
0x440: {  	s2 =	sshll.u32 s9, $0x2;
	v2 =	vld [tilespmem:s3+$0x3FC0]  }
0x441: {  	s11 =	sadd.s32 $0x40, s2  }
0x442: {  	s12 =	sand.u32 $0x10, s2;
	s6 =	sand.u32 $0x1E0, s11  }
0x443: {  	s6 =	sor.u32 s12, s6  }
0x444: {  	s6 =	sshrl.u32 s6, $0x2  }
0x445: {  	s6 =	sadd.s32 s0, s6;
	[tilespmem:s1+$0xFFFFFE30] =	vst v2  }
0x446: {  	(v2sf) =	vpush v1, $0x9;
	v2 =	vld [tilespmem:s6+$0x107C0]  }
0x447: {  	s2 =	sadd.s32 $0x80, s2  }
0x448: {  	s2 =	sand.u32 $0x1E0, s2  }
0x449: {  	s2 =	sor.u32 s12, s2  }
0x44a: {  	s2 =	sshrl.u32 s2, $0x2  }
0x44b: {  	s2 =	sadd.s32 s0, s2;
	[tilespmem:s1+$0xFFFFFE40] =	vst v2  }
0x44c: {  	v2 =	vld [tilespmem:s2+$0x107C0];
	_ =	sdelay $0x4  }
0x44d: {  	[tilespmem:s1+$0xFFFFFE50] =	vst v2  }
0x44e: {  	v2 =	vld [tilespmem:s3+$0x3FEC];
	_ =	sdelay $0x2  }
0x44f: {  	s13 =	spop (v2sf)  }
0x450: {  	s14 =	sadd.s32 s0, s13  }
0x451: {  	s3 =	sadd.s32 $0xC800, s14;
	[tilespmem:s1+$0xFFFFFE5C] =	vst v2  }
0x452: {  	s2 =	sshll.u32 s13, $0x2;
	v2 =	vld [tilespmem:s3+$0x4038]  }
0x453: {  	s15 =	sadd.s32 $0x40, s2  }
0x454: {  	s17 =	sand.u32 $0x10, s2;
	s6 =	sand.u32 $0x1E0, s15  }
0x455: {  	s6 =	sor.u32 s17, s6  }
0x456: {  	s6 =	sshrl.u32 s6, $0x2  }
0x457: {  	s6 =	sadd.s32 s0, s6;
	[tilespmem:s1+$0xFFFFFE6C] =	vst v2  }
0x458: {  	(v2sf) =	vpush v1, $0xA;
	v2 =	vld [tilespmem:s6+$0x10838]  }
0x459: {  	s2 =	sadd.s32 $0x80, s2  }
0x45a: {  	s2 =	sand.u32 $0x1E0, s2  }
0x45b: {  	s2 =	sor.u32 s17, s2  }
0x45c: {  	s2 =	sshrl.u32 s2, $0x2  }
0x45d: {  	s2 =	sadd.s32 s0, s2;
	[tilespmem:s1+$0xFFFFFE7C] =	vst v2  }
0x45e: {  	v2 =	vld [tilespmem:s2+$0x10838];
	_ =	sdelay $0x4  }
0x45f: {  	[tilespmem:s1+$0xFFFFFE8C] =	vst v2  }
0x460: {  	v2 =	vld [tilespmem:s3+$0x4064];
	_ =	sdelay $0x2  }
0x461: {  	s18 =	spop (v2sf)  }
0x462: {  	s19 =	sadd.s32 s0, s18  }
0x463: {  	s3 =	sadd.s32 $0xC800, s19;
	[tilespmem:s1+$0xFFFFFE98] =	vst v2  }
0x464: {  	s2 =	sshll.u32 s18, $0x2;
	v2 =	vld [tilespmem:s3+$0x40B0]  }
0x465: {  	s20 =	sadd.s32 $0x40, s2  }
0x466: {  	s21 =	sand.u32 $0x10, s2;
	s6 =	sand.u32 $0x1E0, s20  }
0x467: {  	s6 =	sor.u32 s21, s6  }
0x468: {  	s6 =	sshrl.u32 s6, $0x2  }
0x469: {  	s6 =	sadd.s32 s0, s6;
	[tilespmem:s1+$0xFFFFFEA8] =	vst v2  }
0x46a: {  	(v2sf) =	vpush v1, $0xB;
	v2 =	vld [tilespmem:s6+$0x108B0]  }
0x46b: {  	s2 =	sadd.s32 $0x80, s2  }
0x46c: {  	s2 =	sand.u32 $0x1E0, s2  }
0x46d: {  	s2 =	sor.u32 s21, s2  }
0x46e: {  	s2 =	sshrl.u32 s2, $0x2  }
0x46f: {  	s2 =	sadd.s32 s0, s2;
	[tilespmem:s1+$0xFFFFFEB8] =	vst v2  }
0x470: {  	v2 =	vld [tilespmem:s2+$0x108B0];
	_ =	sdelay $0x4  }
0x471: {  	[tilespmem:s1+$0xFFFFFEC8] =	vst v2  }
0x472: {  	v2 =	vld [tilespmem:s3+$0x40DC];
	_ =	sdelay $0x2  }
0x473: {  	s26 =	spop (v2sf)  }
0x474: {  	s29 =	sadd.s32 s0, s26  }
0x475: {  	s3 =	sadd.s32 $0xC800, s29;
	[tilespmem:s1+$0xFFFFFED4] =	vst v2  }
0x476: {  	s2 =	sshll.u32 s26, $0x2;
	v2 =	vld [tilespmem:s3+$0x4128]  }
0x477: {  	s30 =	sadd.s32 $0x40, s2  }
0x478: {  	s31 =	sand.u32 $0x10, s2;
	s6 =	sand.u32 $0x1E0, s30  }
0x479: {  	s6 =	sor.u32 s31, s6  }
0x47a: {  	s6 =	sshrl.u32 s6, $0x2  }
0x47b: {  	s6 =	sadd.s32 s0, s6;
	[tilespmem:s1+$0xFFFFFEE4] =	vst v2  }
0x47c: {  	(v2sf) =	vpush v1, $0xC;
	v2 =	vld [tilespmem:s6+$0x10928]  }
0x47d: {  	s2 =	sadd.s32 $0x80, s2  }
0x47e: {  	s2 =	sand.u32 $0x1E0, s2  }
0x47f: {  	s2 =	sor.u32 s31, s2  }
0x480: {  	s2 =	sshrl.u32 s2, $0x2  }
0x481: {  	s2 =	sadd.s32 s0, s2;
	[tilespmem:s1+$0xFFFFFEF4] =	vst v2  }
0x482: {  	v2 =	vld [tilespmem:s2+$0x10928];
	_ =	sdelay $0x4  }
0x483: {  	[tilespmem:s1+$0xFFFFFF04] =	vst v2  }
0x484: {  	v2 =	vld [tilespmem:s3+$0x4154];
	_ =	sdelay $0x2  }
0x485: {  	s7 =	spop (v2sf)  }
0x486: {  	s8 =	sadd.s32 s0, s7  }
0x487: {  	s3 =	sadd.s32 $0xC800, s8;
	[tilespmem:s1+$0xFFFFFF10] =	vst v2  }
0x488: {  	s2 =	sshll.u32 s7, $0x2;
	v2 =	vld [tilespmem:s3+$0x41A0]  }
0x489: {  	s9 =	sadd.s32 $0x40, s2  }
0x48a: {  	s10 =	sand.u32 $0x10, s2;
	s6 =	sand.u32 $0x1E0, s9  }
0x48b: {  	s6 =	sor.u32 s10, s6  }
0x48c: {  	s6 =	sshrl.u32 s6, $0x2  }
0x48d: {  	s6 =	sadd.s32 s0, s6;
	[tilespmem:s1+$0xFFFFFF20] =	vst v2  }
0x48e: {  	(v2sf) =	vpush v1, $0xD;
	v2 =	vld [tilespmem:s6+$0x109A0]  }
0x48f: {  	s2 =	sadd.s32 $0x80, s2  }
0x490: {  	s2 =	sand.u32 $0x1E0, s2  }
0x491: {  	s2 =	sor.u32 s10, s2  }
0x492: {  	s2 =	sshrl.u32 s2, $0x2  }
0x493: {  	s2 =	sadd.s32 s0, s2;
	[tilespmem:s1+$0xFFFFFF30] =	vst v2  }
0x494: {  	v2 =	vld [tilespmem:s2+$0x109A0];
	_ =	sdelay $0x4  }
0x495: {  	[tilespmem:s1+$0xFFFFFF40] =	vst v2  }
0x496: {  	v2 =	vld [tilespmem:s3+$0x41CC];
	_ =	sdelay $0x2  }
0x497: {  	s11 =	spop (v2sf)  }
0x498: {  	s12 =	sadd.s32 s0, s11  }
0x499: {  	s3 =	sadd.s32 $0xC800, s12;
	[tilespmem:s1+$0xFFFFFF4C] =	vst v2  }
0x49a: {  	s2 =	sshll.u32 s11, $0x2;
	v2 =	vld [tilespmem:s3+$0x4218]  }
0x49b: {  	s13 =	sadd.s32 $0x40, s2  }
0x49c: {  	s14 =	sand.u32 $0x10, s2;
	s6 =	sand.u32 $0x1E0, s13  }
0x49d: {  	s6 =	sor.u32 s14, s6  }
0x49e: {  	s6 =	sshrl.u32 s6, $0x2  }
0x49f: {  	s6 =	sadd.s32 s0, s6;
	[tilespmem:s1+$0xFFFFFF5C] =	vst v2  }
0x4a0: {  	(v2sf) =	vpush v1, $0xE;
	v2 =	vld [tilespmem:s6+$0x10A18]  }
0x4a1: {  	s2 =	sadd.s32 $0x80, s2  }
0x4a2: {  	s2 =	sand.u32 $0x1E0, s2  }
0x4a3: {  	s2 =	sor.u32 s14, s2  }
0x4a4: {  	s2 =	sshrl.u32 s2, $0x2  }
0x4a5: {  	s2 =	sadd.s32 s0, s2;
	[tilespmem:s1+$0xFFFFFF6C] =	vst v2  }
0x4a6: {  	v2 =	vld [tilespmem:s2+$0x10A18];
	_ =	sdelay $0x4  }
0x4a7: {  	[tilespmem:s1+$0xFFFFFF7C] =	vst v2  }
0x4a8: {  	v2 =	vld [tilespmem:s3+$0x4244];
	_ =	sdelay $0x2  }
0x4a9: {  	s15 =	spop (v2sf)  }
0x4aa: {  	s17 =	sadd.s32 s0, s15  }
0x4ab: {  	s3 =	sadd.s32 $0xC800, s17;
	[tilespmem:s1+$0xFFFFFF88] =	vst v2  }
0x4ac: {  	s2 =	sshll.u32 s15, $0x2;
	v2 =	vld [tilespmem:s3+$0x4290]  }
0x4ad: {  	s18 =	sadd.s32 $0x40, s2  }
0x4ae: {  	s19 =	sand.u32 $0x10, s2;
	s6 =	sand.u32 $0x1E0, s18  }
0x4af: {  	s6 =	sor.u32 s19, s6  }
0x4b0: {  	s6 =	sshrl.u32 s6, $0x2  }
0x4b1: {  	s6 =	sadd.s32 s0, s6;
	[tilespmem:s1+$0xFFFFFF98] =	vst v2  }
0x4b2: {  	(v2sf) =	vpush v1, $0xF;
	v1 =	vld [tilespmem:s6+$0x10A90]  }
0x4b3: {  	s2 =	sadd.s32 $0x80, s2  }
0x4b4: {  	s2 =	sand.u32 $0x1E0, s2  }
0x4b5: {  	s2 =	sor.u32 s19, s2  }
0x4b6: {  	s2 =	sshrl.u32 s2, $0x2  }
0x4b7: {  	s2 =	sadd.s32 s0, s2;
	[tilespmem:s1+$0xFFFFFFA8] =	vst v1  }
0x4b8: {  	v1 =	vld [tilespmem:s2+$0x10A90];
	_ =	sdelay $0x4  }
0x4b9: {  	[tilespmem:s1+$0xFFFFFFB8] =	vst v1  }
0x4ba: {  	v1 =	vld [tilespmem:s3+$0x42BC];
	_ =	sdelay $0x2  }
0x4bb: {  	s20 =	spop (v2sf)  }
0x4bc: {  	s21 =	sadd.s32 s0, s20  }
0x4bd: {  	s3 =	sadd.s32 $0xC800, s21;
	[tilespmem:s1+$0xFFFFFFC4] =	vst v1  }
0x4be: {  	s2 =	sshll.u32 s20, $0x2;
	v1 =	vld [tilespmem:s3+$0x4308]  }
0x4bf: {  	s26 =	sadd.s32 $0x40, s2  }
0x4c0: {  	s29 =	sand.u32 $0x10, s2;
	s6 =	sand.u32 $0x1E0, s26  }
0x4c1: {  	s6 =	sor.u32 s29, s6  }
0x4c2: {  	s6 =	sshrl.u32 s6, $0x2  }
0x4c3: {  	s6 =	sadd.s32 s0, s6;
	[tilespmem:s1+$0xFFFFFFD4] =	vst v1  }
0x4c4: {  	v1 =	vld [tilespmem:s6+$0x10B08]  }
0x4c5: {  	s2 =	sadd.s32 $0x80, s2  }
0x4c6: {  	s2 =	sand.u32 $0x1E0, s2  }
0x4c7: {  	s2 =	sor.u32 s29, s2  }
0x4c8: {  	s2 =	sshrl.u32 s2, $0x2  }
0x4c9: {  	s0 =	sadd.s32 s0, s2;
	[tilespmem:s1+$0xFFFFFFE4] =	vst v1  }
0x4ca: {  	v1 =	vld [tilespmem:s0+$0x10B08];
	_ =	sdelay $0x4  }
0x4cb: {  	s30 =	sshll.u32 s28, $0x7;
	[tilespmem:s1+$0xFFFFFFF4] =	vst v1  }
0x4cc: {  	s0 =	sadd.s32 s4, s30;
	v1 =	vld [tilespmem:s3+$0x4334]  }
0x4cd: {  	s0 =	smul.u32 $0x3C, s0  }
.Ltmp4:
0x4ce: {  	_ = 	snop;
	(pc) =	sbr.rel @p0 .LBB2_8-.Ltmp4, $4  }
0x4cf: {  	_ = 	snop  }
0x4d0: {  	s31 =	simm.s32 $0x15E00;
	s0 =	sshrl.u32 s0, $0x3  }
0x4d1: {  	s2 =	smov.u32 s16;
	s0 =	sadd.s32 s16, s0;
	s3 =	simm.s32 $0x0;
	[tilespmem:s1+$0x0] =	vst v1  }
0x4d2: {  	[hbm4b:s0+s3] =	stream.linear.scatter [tilespmem:s31], [sflag:$0x4], $0x1E00, $0x38;
	[tilespmem:$0x17C00] =	vst v63  }
.Ltmp5:
0x4d3: {  	(pc) =	sbr.rel .LBB2_2-.Ltmp5, $4  }
0x4d4: {  	s0 =	sshrl.u32 s25, $0x2  }
0x4d5: {  	s1 =	simm.s32 $0x10400;
	s6 =	simm.s32 $0x80;
	s24 =	sadd.s32 $0x1, s24  }
0x4d6: {  	s23 =	sadd.s32 $0x100, s23;
	s22 =	sadd.s32 $0x100, s22;
	s0 =	sadd.s32 $0x6580, s0  }
0x4d7: {  	[tilespmem:s1], [sflag:$0x2] =	stream.indirect.gather [hbm4b:s5+s6], $0x78, s0, s6, $0xb8;
	[tilespmem:$0x17C00] =	vst v63  }
.LBB2_9:
0x4d8: {  	_ =	sfence.sel $0x180000  }
0x4d9: {  	[bflag:$0x0] =	sbarrier.arrive $0xFFFF  }
0x4da: {  	_ =	strace $0x90000047  }
0x4db: {  	s0 =	stileid.u32;
	[bflag:$0x2] =	sbarrier.arrive $0xFFFF  }
0x4dc: {  	p0 =	sne.s32 s0, $0x0;
	s0 =	rddreg [dreg:$0x4]  }
0x4dd: {  	s0 =	sadd.s32 @!p0 $0x100000, s0  }
0x4de: {  	[sflag:s0] =	ssyncadd.tile.s32 @!p0 $0x1;
	_ =	shalt  }
.Lfunc_end2:
_tile_overlayer_lowered:
.L_overlay_start_2:
0x4df: {  	(tag) =	ssettag $0x2  }
0x4e0: {  	s0 =	rddreg [dreg:$0x0];
	s2 =	stileid.u32  }
0x4e1: {  	s1 =	rddreg [dreg:$0x1];
	p0 =	sne.s32 s2, $0x0  }
0x4e2: {  	s3 =	rddreg [dreg:$0x2];
	[bflag:$0x3] =	sbarrier.arrive $0xFFFF;
	s2 =	simm.s32 @!p0 $0x1C05  }
0x4e3: {  	[timem:s3], [sflag:s2] =	dma.local @!p0 [hbm:s0], s1  }
0x4e4: {  	s0 =	simm.s32 @!p0 $0x5  }
0x4e5: {  	_ =	swait.ge @!p0 [sflag:s0], s1  }
0x4e6: {  	s1 =	ssub.s32 @!p0 $0x0, s1;
	[sflag:s0] =	ssyncset.done @!p0 $0x0  }
0x4e7: {  	[sflag:s0] =	ssyncadd.s32 @!p0 s1  }
0x4e8: {  	[bflag:$0x3] =	sbarrier.arrive $0xFFFF  }
0x4e9: {  	_ =	shalt  }

</sc_bundles>
